<compile_context>
chip_gen: v7x
topology: tpu7x:2x2x1
jax: 0.10.2.dev20260603
libtpu: 0.0.44.dev20260713+nightly
codegen_flags: <defaults>
</compile_context>

<pallas_src>
import functools

import jax
import jax.numpy as jnp
from jax import lax
from jax.experimental import pallas as pl
from jax.experimental.pallas import tpu as pltpu
from jax.experimental.pallas import tpu_sc as plsc

N_NODES = 50000
N_EDGES = 1600000
N_GRAPHS = 256
N_ELEM = 100

NUM_CORES = 2
NUM_SUBCORES = 16
NW = NUM_CORES * NUM_SUBCORES
LANES = 16
E_PER_W = N_EDGES // NW
CHUNK = 10000
N_CHUNKS = E_PER_W // CHUNK
VPC = CHUNK // LANES
UNROLL = 5

_mesh = plsc.VectorSubcoreMesh(core_axis_name="c", subcore_axis_name="s")


@functools.partial(
    pl.kernel,
    out_type=jax.ShapeDtypeStruct((NW, N_GRAPHS), jnp.float32),
    mesh=_mesh,
    compiler_params=pltpu.CompilerParams(needs_layout_passes=False),
    scratch_types=[
        pltpu.VMEM((N_NODES,), jnp.int32),
        pltpu.VMEM((N_ELEM, N_ELEM), jnp.float32),
        pltpu.VMEM((CHUNK,), jnp.int32),
        pltpu.VMEM((CHUNK,), jnp.int32),
        pltpu.VMEM((CHUNK,), jnp.float32),
        pltpu.VMEM((CHUNK,), jnp.int32),
        pltpu.VMEM((CHUNK,), jnp.int32),
        pltpu.VMEM((CHUNK,), jnp.float32),
        pltpu.VMEM((LANES * N_GRAPHS,), jnp.float32),
        pltpu.VMEM((N_GRAPHS,), jnp.float32),
        pltpu.SemaphoreType.DMA,
        pltpu.SemaphoreType.DMA,
        pltpu.SemaphoreType.DMA,
    ],
)
def _lj_kernel(edge_hbm, w_hbm, packed_hbm, lj_hbm, out_hbm,
               packed_v, lj_v, src_a, dst_a, w_a, src_b, dst_b, w_b,
               acc_v, part_v, sem_a, sem_b, sem_t):
    wid = lax.axis_index("s") * NUM_CORES + lax.axis_index("c")

    lane = lax.iota(jnp.int32, LANES)
    ebase = wid * E_PER_W
    slot_a = (src_a, dst_a, w_a, sem_a)
    slot_b = (src_b, dst_b, w_b, sem_b)

    def fire(c, slot):
        sv, dv, wv, sem = slot
        base = pl.multiple_of(ebase + c * CHUNK, 8)
        pltpu.async_copy(edge_hbm.at[pl.ds(base, CHUNK)], sv, sem)
        pltpu.async_copy(edge_hbm.at[pl.ds(N_EDGES + base, CHUNK)], dv, sem)
        pltpu.async_copy(w_hbm.at[pl.ds(base, CHUNK)], wv, sem)

    def drain(slot):
        sv, dv, wv, sem = slot
        pltpu.make_async_copy(edge_hbm.at[pl.ds(0, CHUNK)], sv, sem).wait()
        pltpu.make_async_copy(edge_hbm.at[pl.ds(0, CHUNK)], dv, sem).wait()
        pltpu.make_async_copy(w_hbm.at[pl.ds(0, CHUNK)], wv, sem).wait()

    def compute_chunk(slot, carry):
        sv, dv, wv, _ = slot

        @plsc.parallel_loop(0, VPC, unroll=UNROLL)
        def _edge_body(i):
            off = i * LANES
            s = sv[pl.ds(off, LANES)]
            d = dv[pl.ds(off, LANES)]
            w = wv[pl.ds(off, LANES)]
            vs = plsc.load_gather(packed_v, [s])
            vd = plsc.load_gather(packed_v, [d])
            zi = jnp.bitwise_and(vs, 127)
            g = lax.shift_right_logical(vs, 7)
            zj = jnp.bitwise_and(vd, 127)
            rmin = plsc.load_gather(lj_v, [zi, zj])
            x = rmin / w
            x2 = x * x
            x4 = x2 * x2
            x6 = x4 * x2
            x12 = x6 * x6
            val = jnp.maximum(x12, 1.0) - 1.0
            plsc.addupdate_scatter(acc_v, [g * LANES + lane], val)

        return carry

    fire(0, slot_a)
    pltpu.async_copy(packed_hbm, packed_v, sem_t)
    pltpu.async_copy(lj_hbm, lj_v, sem_t)

    zeros16 = jnp.zeros((LANES,), jnp.float32)

    @plsc.parallel_loop(0, LANES * N_GRAPHS // LANES, unroll=8)
    def _zero_body(i):
        acc_v[pl.ds(i * LANES, LANES)] = zeros16

    pltpu.make_async_copy(packed_hbm, packed_v, sem_t).wait()
    pltpu.make_async_copy(lj_hbm, lj_v, sem_t).wait()

    def pair_body(k, carry):
        c0 = k * 2
        fire(c0 + 1, slot_b)
        drain(slot_a)
        carry = compute_chunk(slot_a, carry)
        fire(c0 + 2, slot_a)
        drain(slot_b)
        carry = compute_chunk(slot_b, carry)
        return carry

    carry = lax.fori_loop(0, (N_CHUNKS - 1) // 2, pair_body, 0)
    drain(slot_a)
    compute_chunk(slot_a, carry)

    for j in range(N_GRAPHS // LANES):
        tot = jnp.zeros((LANES,), jnp.float32)
        for k in range(LANES):
            v = acc_v[pl.ds((j * LANES + k) * LANES, LANES)]
            tot = jnp.where(lane == k, jnp.sum(v), tot)
        part_v[pl.ds(j * LANES, LANES)] = tot

    pltpu.sync_copy(part_v, out_hbm.at[wid])


def kernel(potential_energy, potential_energy_uncertainty, z, edge_index,
           edge_weight, batch_ids, lj_rmins):
    packed = (batch_ids.astype(jnp.int32) * 128
              + (z.astype(jnp.int32) - 1))
    edge_flat = edge_index.astype(jnp.int32).reshape(-1)
    partials = _lj_kernel(edge_flat, edge_weight, packed,
                          lj_rmins.astype(jnp.float32))
    ljr = jnp.sum(partials, axis=0)[:, None]
    combined = (potential_energy
                - 0.5 * potential_energy_uncertainty
                + ljr)
    return (combined, potential_energy, -potential_energy_uncertainty, ljr)

# --- scband reference (transcript-rebuilt; emitter-appended) ---
"""Pipeline reference for scband-energy-and-uncertainty-86500641341735 (READ-ONLY COPY).

The authoritative reference and input builder live on the scoring server;
editing this copy changes nothing except your own understanding.
"""

import jax, jax.numpy as jnp
import numpy as np

N_NODES = 50000
N_EDGES = 1600000
N_GRAPHS = 256
N_ELEM = 100
LJR_POWER = 12
ENERGY_RATIO = 1.0
UNCERTAINTY_RATIO = 0.5
LJR_RATIO = 1.0
LJR_SCALE = 0.8


def setup_inputs(seed: int = 0) -> dict:
    key = jax.random.key(seed)
    ks = jax.random.split(key, 8)
    potential_energy = jax.random.normal(ks[0], (N_GRAPHS, 1), dtype=jnp.float32)
    potential_energy_uncertainty = jax.random.normal(ks[1], (N_GRAPHS, 1), dtype=jnp.float32)
    # atomic numbers in [1, 94] so z-1 indexes the 100x100 rmin table in-range
    z = jax.random.randint(ks[2], (N_NODES,), 0, 94, dtype=jnp.int64) + 1
    edge_index = jax.random.randint(ks[3], (2, N_EDGES), 0, N_NODES, dtype=jnp.int64)
    # interatomic distances roughly in (0.5, 3.0) Angstrom
    edge_weight = jax.random.uniform(ks[4], (N_EDGES,), dtype=jnp.float32) * 2.5 + 0.5
    batch_ids = jnp.sort(jax.random.randint(ks[5], (N_NODES,), 0, N_GRAPHS, dtype=jnp.int64))
    rm = jax.random.uniform(ks[6], (N_ELEM, N_ELEM), dtype=jnp.float32) * 2.5 + 0.5
    lj_rmins = ((rm + rm.T) * 0.5) * LJR_SCALE  # symmetric pairwise rmin table, pre-scaled like __init__
    return {
        "potential_energy": potential_energy,
        "potential_energy_uncertainty": potential_energy_uncertainty,
        "z": z,
        "edge_index": edge_index,
        "edge_weight": edge_weight,
        "batch_ids": batch_ids,
        "lj_rmins": lj_rmins,
    }


def reference(potential_energy, potential_energy_uncertainty, z, edge_index, edge_weight, batch_ids, lj_rmins):
    # normalize=False -> skip the per-graph offset loop
    src = edge_index[0]
    dst = edge_index[1]
    # lj_repulsion
    rmins = lj_rmins[z[src] - 1, z[dst] - 1]
    repulsions = jnp.where(rmins <= edge_weight, 1.0, jnp.power(rmins / edge_weight, LJR_POWER))
    edge_idx_to_graph = batch_ids[src]
    lennard_jones_out = jax.ops.segment_sum(repulsions - 1.0, edge_idx_to_graph, num_segments=N_GRAPHS)
    ljr = lennard_jones_out[:, None]
    combined = (ENERGY_RATIO * potential_energy
                - UNCERTAINTY_RATIO * potential_energy_uncertainty
                + LJR_RATIO * ljr)
    return (combined, potential_energy, -potential_energy_uncertainty, ljr)

if __name__ == "__main__":
    import jax
    _d = setup_inputs()
    print(jax.jit(kernel)(*tuple(_d.values())))

</pallas_src>

<mosaic_0001>
#map = affine_map<(d0, d1) -> (0)>
#map1 = affine_map<(d0, d1) -> (0, 0)>
module attributes {stable_mosaic.version = 14 : i64} {
  func.func @_lj_kernel(%arg0: i32, %arg1: i32, %arg2: memref<3200000xi32, #tpu.memory_space<hbm>>, %arg3: memref<1600000xf32, #tpu.memory_space<hbm>>, %arg4: memref<50000xi32, #tpu.memory_space<hbm>>, %arg5: memref<100x100xf32, #tpu.memory_space<hbm>>, %arg6: memref<32x256xf32, #tpu.memory_space<hbm>>, %arg7: memref<50000xi32, #tpu.memory_space<vmem>>, %arg8: memref<100x100xf32, #tpu.memory_space<vmem>>, %arg9: memref<10000xi32, #tpu.memory_space<vmem>>, %arg10: memref<10000xi32, #tpu.memory_space<vmem>>, %arg11: memref<10000xf32, #tpu.memory_space<vmem>>, %arg12: memref<10000xi32, #tpu.memory_space<vmem>>, %arg13: memref<10000xi32, #tpu.memory_space<vmem>>, %arg14: memref<10000xf32, #tpu.memory_space<vmem>>, %arg15: memref<4096xf32, #tpu.memory_space<vmem>>, %arg16: memref<256xf32, #tpu.memory_space<vmem>>, %arg17: memref<!tpu.dma_semaphore, #tpu.memory_space<semaphore_mem>>, %arg18: memref<!tpu.dma_semaphore, #tpu.memory_space<semaphore_mem>>, %arg19: memref<!tpu.dma_semaphore, #tpu.memory_space<semaphore_mem>>) attributes {dimension_semantics = [#tpu.dimension_semantics<core_parallel>, #tpu.dimension_semantics<subcore_parallel>], iteration_bounds = array<i64: 2, 16>, scalar_prefetch = 0 : i64, scratch_operands = 13 : i64, tpu.core_type = #tpu.core_type<sc_vector_subcore>, window_params = [{transform_indices = #map}, {transform_indices = #map}, {transform_indices = #map}, {transform_indices = #map1}, {transform_indices = #map1}]} {
    %mul3A = arith.constant 2 : i32
    %mul3A_0 = arith.muli %arg1, %mul3A : i32
    %add3A = arith.addi %mul3A_0, %arg0 : i32
    %iota3A = tpu.iota {dimensions = array<i32: 0>} : vector<16xi32>
    %mul3A_1 = arith.constant 50000 : i32
    %mul3A_2 = arith.muli %add3A, %mul3A_1 : i32
    %add3A_3 = arith.constant 0 : i32
    %add3A_4 = arith.addi %mul3A_2, %add3A_3 : i32
    %multiple_of3A = tpu.assume_multiple %add3A_4, 8 : i32
    %dma_start3A = tpu.memref_slice %arg2[%multiple_of3A] : memref<3200000xi32, #tpu.memory_space<hbm>> -> memref<10000xi32, #tpu.memory_space<hbm>>
    %dma_start3A_5 = tpu.memref_slice %arg2[%multiple_of3A] : memref<3200000xi32, #tpu.memory_space<hbm>> -> memref<10000xi32, #tpu.memory_space<hbm>>
    tpu.enqueue_dma source(%dma_start3A_5 : memref<10000xi32, #tpu.memory_space<hbm>>) target(%arg9 : memref<10000xi32, #tpu.memory_space<vmem>>) target_semaphore(%arg17 : memref<!tpu.dma_semaphore, #tpu.memory_space<semaphore_mem>>)
    %add3A_6 = arith.constant 1600000 : i32
    %add3A_7 = arith.addi %add3A_6, %multiple_of3A : i32
    %dma_start3A_8 = tpu.memref_slice %arg2[%add3A_7] : memref<3200000xi32, #tpu.memory_space<hbm>> -> memref<10000xi32, #tpu.memory_space<hbm>>
    %dma_start3A_9 = tpu.memref_slice %arg2[%add3A_7] : memref<3200000xi32, #tpu.memory_space<hbm>> -> memref<10000xi32, #tpu.memory_space<hbm>>
    tpu.enqueue_dma source(%dma_start3A_9 : memref<10000xi32, #tpu.memory_space<hbm>>) target(%arg10 : memref<10000xi32, #tpu.memory_space<vmem>>) target_semaphore(%arg17 : memref<!tpu.dma_semaphore, #tpu.memory_space<semaphore_mem>>)
    %dma_start3A_10 = tpu.memref_slice %arg3[%multiple_of3A] : memref<1600000xf32, #tpu.memory_space<hbm>> -> memref<10000xf32, #tpu.memory_space<hbm>>
    %dma_start3A_11 = tpu.memref_slice %arg3[%multiple_of3A] : memref<1600000xf32, #tpu.memory_space<hbm>> -> memref<10000xf32, #tpu.memory_space<hbm>>
    tpu.enqueue_dma source(%dma_start3A_11 : memref<10000xf32, #tpu.memory_space<hbm>>) target(%arg11 : memref<10000xf32, #tpu.memory_space<vmem>>) target_semaphore(%arg17 : memref<!tpu.dma_semaphore, #tpu.memory_space<semaphore_mem>>)
    tpu.enqueue_dma source(%arg4 : memref<50000xi32, #tpu.memory_space<hbm>>) target(%arg7 : memref<50000xi32, #tpu.memory_space<vmem>>) target_semaphore(%arg19 : memref<!tpu.dma_semaphore, #tpu.memory_space<semaphore_mem>>)
    tpu.enqueue_dma source(%arg5 : memref<100x100xf32, #tpu.memory_space<hbm>>) target(%arg8 : memref<100x100xf32, #tpu.memory_space<vmem>>) target_semaphore(%arg19 : memref<!tpu.dma_semaphore, #tpu.memory_space<semaphore_mem>>)
    %broadcast_in_dim3A = arith.constant 0.000000e+00 : f32
    %broadcast_in_dim3A_12 = vector.broadcast %broadcast_in_dim3A : f32 to vector<16xf32>
    %parallel_loop3A = arith.constant 0 : i32
    %parallel_loop3A_13 = arith.constant 256 : i32
    %parallel_loop3A_14 = arith.constant 1 : i32
    scf.for %parallel_loop3A_2909 = %parallel_loop3A to %parallel_loop3A_13 step %parallel_loop3A_14  : i32 {
      %parallel_loop3A_2910 = arith.constant 16 : i32
      %parallel_loop3A_2911 = arith.muli %parallel_loop3A_2909, %parallel_loop3A_2910 : i32
      %parallel_loop3A_2912 = arith.index_cast %parallel_loop3A_2911 : i32 to index
      %parallel_loop3A_2913 = tpu.vector_load %arg15[%parallel_loop3A_2912] {strides = array<i32>} : memref<4096xf32, #tpu.memory_space<vmem>>, vector<16xf32>,
      tpu.vector_store %arg15[%parallel_loop3A_2912], %broadcast_in_dim3A_12 {strides = array<i32>} : memref<4096xf32, #tpu.memory_space<vmem>>, vector<16xf32>,
    } {sc.loop_unroll_factor = 8 : i64, sc.parallel_access}
    tpu.wait_dma2 semaphore(%arg19 : memref<!tpu.dma_semaphore, #tpu.memory_space<semaphore_mem>>) src(%arg4 : memref<50000xi32, #tpu.memory_space<hbm>>) dst(%arg7 : memref<50000xi32, #tpu.memory_space<vmem>>)
    tpu.wait_dma2 semaphore(%arg19 : memref<!tpu.dma_semaphore, #tpu.memory_space<semaphore_mem>>) src(%arg5 : memref<100x100xf32, #tpu.memory_space<hbm>>) dst(%arg8 : memref<100x100xf32, #tpu.memory_space<vmem>>)
    %scan3A = arith.constant 0 : i32
    %scan3A_15 = arith.constant 0 : i32
    %scan3A_16 = arith.constant 2 : i32
    %scan3A_17 = arith.addi %scan3A_15, %scan3A_16 : i32
    %scan3A_18 = arith.constant 1 : i32
    scf.for %scan3A_2909 = %scan3A_15 to %scan3A_17 step %scan3A_18  : i32 {
      %mul3A_2910 = arith.constant 2 : i32
      %mul3A_2911 = arith.muli %scan3A_2909, %mul3A_2910 : i32
      %add3A_2912 = arith.constant 1 : i32
      %add3A_2913 = arith.addi %mul3A_2911, %add3A_2912 : i32
      %mul3A_2914 = arith.constant 10000 : i32
      %mul3A_2915 = arith.muli %add3A_2913, %mul3A_2914 : i32
      %add3A_2916 = arith.addi %mul3A_2, %mul3A_2915 : i32
      %multiple_of3A_2917 = tpu.assume_multiple %add3A_2916, 8 : i32
      %dma_start3A_2918 = tpu.memref_slice %arg2[%multiple_of3A_2917] : memref<3200000xi32, #tpu.memory_space<hbm>> -> memref<10000xi32, #tpu.memory_space<hbm>>
      %dma_start3A_2919 = tpu.memref_slice %arg2[%multiple_of3A_2917] : memref<3200000xi32, #tpu.memory_space<hbm>> -> memref<10000xi32, #tpu.memory_space<hbm>>
      tpu.enqueue_dma source(%dma_start3A_2919 : memref<10000xi32, #tpu.memory_space<hbm>>) target(%arg12 : memref<10000xi32, #tpu.memory_space<vmem>>) target_semaphore(%arg18 : memref<!tpu.dma_semaphore, #tpu.memory_space<semaphore_mem>>)
      %add3A_2920 = arith.constant 1600000 : i32
      %add3A_2921 = arith.addi %add3A_2920, %multiple_of3A_2917 : i32
      %dma_start3A_2922 = tpu.memref_slice %arg2[%add3A_2921] : memref<3200000xi32, #tpu.memory_space<hbm>> -> memref<10000xi32, #tpu.memory_space<hbm>>
      %dma_start3A_2923 = tpu.memref_slice %arg2[%add3A_2921] : memref<3200000xi32, #tpu.memory_space<hbm>> -> memref<10000xi32, #tpu.memory_space<hbm>>
      tpu.enqueue_dma source(%dma_start3A_2923 : memref<10000xi32, #tpu.memory_space<hbm>>) target(%arg13 : memref<10000xi32, #tpu.memory_space<vmem>>) target_semaphore(%arg18 : memref<!tpu.dma_semaphore, #tpu.memory_space<semaphore_mem>>)
      %dma_start3A_2924 = tpu.memref_slice %arg3[%multiple_of3A_2917] : memref<1600000xf32, #tpu.memory_space<hbm>> -> memref<10000xf32, #tpu.memory_space<hbm>>
      %dma_start3A_2925 = tpu.memref_slice %arg3[%multiple_of3A_2917] : memref<1600000xf32, #tpu.memory_space<hbm>> -> memref<10000xf32, #tpu.memory_space<hbm>>
      tpu.enqueue_dma source(%dma_start3A_2925 : memref<10000xf32, #tpu.memory_space<hbm>>) target(%arg14 : memref<10000xf32, #tpu.memory_space<vmem>>) target_semaphore(%arg18 : memref<!tpu.dma_semaphore, #tpu.memory_space<semaphore_mem>>)
      %dma_wait3A_2926 = arith.constant 0 : i32
      %dma_wait3A_2927 = tpu.memref_slice %arg2[%dma_wait3A_2926] : memref<3200000xi32, #tpu.memory_space<hbm>> -> memref<10000xi32, #tpu.memory_space<hbm>>
      %dma_wait3A_2928 = arith.constant 0 : i32
      %dma_wait3A_2929 = tpu.memref_slice %arg2[%dma_wait3A_2928] : memref<3200000xi32, #tpu.memory_space<hbm>> -> memref<10000xi32, #tpu.memory_space<hbm>>
      tpu.wait_dma2 semaphore(%arg17 : memref<!tpu.dma_semaphore, #tpu.memory_space<semaphore_mem>>) src(%dma_wait3A_2929 : memref<10000xi32, #tpu.memory_space<hbm>>) dst(%arg9 : memref<10000xi32, #tpu.memory_space<vmem>>)
      %dma_wait3A_2930 = arith.constant 0 : i32
      %dma_wait3A_2931 = tpu.memref_slice %arg2[%dma_wait3A_2930] : memref<3200000xi32, #tpu.memory_space<hbm>> -> memref<10000xi32, #tpu.memory_space<hbm>>
      %dma_wait3A_2932 = arith.constant 0 : i32
      %dma_wait3A_2933 = tpu.memref_slice %arg2[%dma_wait3A_2932] : memref<3200000xi32, #tpu.memory_space<hbm>> -> memref<10000xi32, #tpu.memory_space<hbm>>
      tpu.wait_dma2 semaphore(%arg17 : memref<!tpu.dma_semaphore, #tpu.memory_space<semaphore_mem>>) src(%dma_wait3A_2933 : memref<10000xi32, #tpu.memory_space<hbm>>) dst(%arg10 : memref<10000xi32, #tpu.memory_space<vmem>>)
      %dma_wait3A_2934 = arith.constant 0 : i32
      %dma_wait3A_2935 = tpu.memref_slice %arg3[%dma_wait3A_2934] : memref<1600000xf32, #tpu.memory_space<hbm>> -> memref<10000xf32, #tpu.memory_space<hbm>>
      %dma_wait3A_2936 = arith.constant 0 : i32
      %dma_wait3A_2937 = tpu.memref_slice %arg3[%dma_wait3A_2936] : memref<1600000xf32, #tpu.memory_space<hbm>> -> memref<10000xf32, #tpu.memory_space<hbm>>
      tpu.wait_dma2 semaphore(%arg17 : memref<!tpu.dma_semaphore, #tpu.memory_space<semaphore_mem>>) src(%dma_wait3A_2937 : memref<10000xf32, #tpu.memory_space<hbm>>) dst(%arg11 : memref<10000xf32, #tpu.memory_space<vmem>>)
      %parallel_loop3A_2938 = arith.constant 0 : i32
      %parallel_loop3A_2939 = arith.constant 625 : i32
      %parallel_loop3A_2940 = arith.constant 1 : i32
      scf.for %parallel_loop3A_2970 = %parallel_loop3A_2938 to %parallel_loop3A_2939 step %parallel_loop3A_2940  : i32 {
        %parallel_loop3A_2971 = arith.constant 16 : i32
        %parallel_loop3A_2972 = arith.muli %parallel_loop3A_2970, %parallel_loop3A_2971 : i32
        %parallel_loop3A_2973 = arith.index_cast %parallel_loop3A_2972 : i32 to index
        %parallel_loop3A_2974 = tpu.vector_load %arg9[%parallel_loop3A_2973] {strides = array<i32>} : memref<10000xi32, #tpu.memory_space<vmem>>, vector<16xi32>,
        %parallel_loop3A_2975 = arith.index_cast %parallel_loop3A_2972 : i32 to index
        %parallel_loop3A_2976 = tpu.vector_load %arg10[%parallel_loop3A_2975] {strides = array<i32>} : memref<10000xi32, #tpu.memory_space<vmem>>, vector<16xi32>,
        %parallel_loop3A_2977 = arith.index_cast %parallel_loop3A_2972 : i32 to index
        %parallel_loop3A_2978 = tpu.vector_load %arg11[%parallel_loop3A_2977] {strides = array<i32>} : memref<10000xf32, #tpu.memory_space<vmem>>, vector<16xf32>,
        %parallel_loop3A_2979 = tpu.vector_load_idx %arg7[%parallel_loop3A_2974] : memref<50000xi32, #tpu.memory_space<vmem>>[vector<16xi32>], vector<16xi32>,
        %parallel_loop3A_2980 = tpu.vector_load_idx %arg7[%parallel_loop3A_2976] : memref<50000xi32, #tpu.memory_space<vmem>>[vector<16xi32>], vector<16xi32>,
        %parallel_loop3A_2981 = arith.constant 127 : i32
        %parallel_loop3A_2982 = vector.broadcast %parallel_loop3A_2981 : i32 to vector<16xi32>
        %parallel_loop3A_2983 = arith.andi %parallel_loop3A_2979, %parallel_loop3A_2982 : vector<16xi32>
        %parallel_loop3A_2984 = arith.constant 7 : i32
        %parallel_loop3A_2985 = vector.broadcast %parallel_loop3A_2984 : i32 to vector<16xi32>
        %parallel_loop3A_2986 = arith.shrui %parallel_loop3A_2979, %parallel_loop3A_2985 : vector<16xi32>
        %parallel_loop3A_2987 = arith.constant 127 : i32
        %parallel_loop3A_2988 = vector.broadcast %parallel_loop3A_2987 : i32 to vector<16xi32>
        %parallel_loop3A_2989 = arith.andi %parallel_loop3A_2980, %parallel_loop3A_2988 : vector<16xi32>
        %parallel_loop3A_2990 = tpu.vector_load_idx %arg8[%parallel_loop3A_2983, %parallel_loop3A_2989] : memref<100x100xf32, #tpu.memory_space<vmem>>[vector<16xi32>, vector<16xi32>], vector<16xf32>,
        %parallel_loop3A_2991 = arith.divf %parallel_loop3A_2990, %parallel_loop3A_2978 : vector<16xf32>
        %parallel_loop3A_2992 = arith.mulf %parallel_loop3A_2991, %parallel_loop3A_2991 : vector<16xf32>
        %parallel_loop3A_2993 = arith.mulf %parallel_loop3A_2992, %parallel_loop3A_2992 : vector<16xf32>
        %parallel_loop3A_2994 = arith.mulf %parallel_loop3A_2993, %parallel_loop3A_2992 : vector<16xf32>
        %parallel_loop3A_2995 = arith.mulf %parallel_loop3A_2994, %parallel_loop3A_2994 : vector<16xf32>
        %parallel_loop3A_2996 = arith.constant 1.000000e+00 : f32
        %parallel_loop3A_2997 = vector.broadcast %parallel_loop3A_2996 : f32 to vector<16xf32>
        %parallel_loop3A_2998 = arith.maximumf %parallel_loop3A_2995, %parallel_loop3A_2997 : vector<16xf32>
        %parallel_loop3A_2999 = arith.constant 1.000000e+00 : f32
        %parallel_loop3A_3000 = vector.broadcast %parallel_loop3A_2999 : f32 to vector<16xf32>
        %parallel_loop3A_3001 = arith.subf %parallel_loop3A_2998, %parallel_loop3A_3000 : vector<16xf32>
        %parallel_loop3A_3002 = arith.constant 16 : i32
        %parallel_loop3A_3003 = vector.broadcast %parallel_loop3A_3002 : i32 to vector<16xi32>
        %parallel_loop3A_3004 = arith.muli %parallel_loop3A_2986, %parallel_loop3A_3003 : vector<16xi32>
        %parallel_loop3A_3005 = arith.addi %parallel_loop3A_3004, %iota3A : vector<16xi32>
        tpu.vector_store_idx %arg15[%parallel_loop3A_3005], %parallel_loop3A_3001 {add = true} : memref<4096xf32, #tpu.memory_space<vmem>>[vector<16xi32>], vector<16xf32>,
      } {sc.loop_unroll_factor = 5 : i64, sc.parallel_access}
      %add3A_2941 = arith.constant 2 : i32
      %add3A_2942 = arith.addi %mul3A_2911, %add3A_2941 : i32
      %mul3A_2943 = arith.constant 10000 : i32
      %mul3A_2944 = arith.muli %add3A_2942, %mul3A_2943 : i32
      %add3A_2945 = arith.addi %mul3A_2, %mul3A_2944 : i32
      %multiple_of3A_2946 = tpu.assume_multiple %add3A_2945, 8 : i32
      %dma_start3A_2947 = tpu.memref_slice %arg2[%multiple_of3A_2946] : memref<3200000xi32, #tpu.memory_space<hbm>> -> memref<10000xi32, #tpu.memory_space<hbm>>
      %dma_start3A_2948 = tpu.memref_slice %arg2[%multiple_of3A_2946] : memref<3200000xi32, #tpu.memory_space<hbm>> -> memref<10000xi32, #tpu.memory_space<hbm>>
      tpu.enqueue_dma source(%dma_start3A_2948 : memref<10000xi32, #tpu.memory_space<hbm>>) target(%arg9 : memref<10000xi32, #tpu.memory_space<vmem>>) target_semaphore(%arg17 : memref<!tpu.dma_semaphore, #tpu.memory_space<semaphore_mem>>)
      %add3A_2949 = arith.constant 1600000 : i32
      %add3A_2950 = arith.addi %add3A_2949, %multiple_of3A_2946 : i32
      %dma_start3A_2951 = tpu.memref_slice %arg2[%add3A_2950] : memref<3200000xi32, #tpu.memory_space<hbm>> -> memref<10000xi32, #tpu.memory_space<hbm>>
      %dma_start3A_2952 = tpu.memref_slice %arg2[%add3A_2950] : memref<3200000xi32, #tpu.memory_space<hbm>> -> memref<10000xi32, #tpu.memory_space<hbm>>
      tpu.enqueue_dma source(%dma_start3A_2952 : memref<10000xi32, #tpu.memory_space<hbm>>) target(%arg10 : memref<10000xi32, #tpu.memory_space<vmem>>) target_semaphore(%arg17 : memref<!tpu.dma_semaphore, #tpu.memory_space<semaphore_mem>>)
      %dma_start3A_2953 = tpu.memref_slice %arg3[%multiple_of3A_2946] : memref<1600000xf32, #tpu.memory_space<hbm>> -> memref<10000xf32, #tpu.memory_space<hbm>>
      %dma_start3A_2954 = tpu.memref_slice %arg3[%multiple_of3A_2946] : memref<1600000xf32, #tpu.memory_space<hbm>> -> memref<10000xf32, #tpu.memory_space<hbm>>
      tpu.enqueue_dma source(%dma_start3A_2954 : memref<10000xf32, #tpu.memory_space<hbm>>) target(%arg11 : memref<10000xf32, #tpu.memory_space<vmem>>) target_semaphore(%arg17 : memref<!tpu.dma_semaphore, #tpu.memory_space<semaphore_mem>>)
      %dma_wait3A_2955 = arith.constant 0 : i32
      %dma_wait3A_2956 = tpu.memref_slice %arg2[%dma_wait3A_2955] : memref<3200000xi32, #tpu.memory_space<hbm>> -> memref<10000xi32, #tpu.memory_space<hbm>>
      %dma_wait3A_2957 = arith.constant 0 : i32
      %dma_wait3A_2958 = tpu.memref_slice %arg2[%dma_wait3A_2957] : memref<3200000xi32, #tpu.memory_space<hbm>> -> memref<10000xi32, #tpu.memory_space<hbm>>
      tpu.wait_dma2 semaphore(%arg18 : memref<!tpu.dma_semaphore, #tpu.memory_space<semaphore_mem>>) src(%dma_wait3A_2958 : memref<10000xi32, #tpu.memory_space<hbm>>) dst(%arg12 : memref<10000xi32, #tpu.memory_space<vmem>>)
      %dma_wait3A_2959 = arith.constant 0 : i32
      %dma_wait3A_2960 = tpu.memref_slice %arg2[%dma_wait3A_2959] : memref<3200000xi32, #tpu.memory_space<hbm>> -> memref<10000xi32, #tpu.memory_space<hbm>>
      %dma_wait3A_2961 = arith.constant 0 : i32
      %dma_wait3A_2962 = tpu.memref_slice %arg2[%dma_wait3A_2961] : memref<3200000xi32, #tpu.memory_space<hbm>> -> memref<10000xi32, #tpu.memory_space<hbm>>
      tpu.wait_dma2 semaphore(%arg18 : memref<!tpu.dma_semaphore, #tpu.memory_space<semaphore_mem>>) src(%dma_wait3A_2962 : memref<10000xi32, #tpu.memory_space<hbm>>) dst(%arg13 : memref<10000xi32, #tpu.memory_space<vmem>>)
      %dma_wait3A_2963 = arith.constant 0 : i32
      %dma_wait3A_2964 = tpu.memref_slice %arg3[%dma_wait3A_2963] : memref<1600000xf32, #tpu.memory_space<hbm>> -> memref<10000xf32, #tpu.memory_space<hbm>>
      %dma_wait3A_2965 = arith.constant 0 : i32
      %dma_wait3A_2966 = tpu.memref_slice %arg3[%dma_wait3A_2965] : memref<1600000xf32, #tpu.memory_space<hbm>> -> memref<10000xf32, #tpu.memory_space<hbm>>
      tpu.wait_dma2 semaphore(%arg18 : memref<!tpu.dma_semaphore, #tpu.memory_space<semaphore_mem>>) src(%dma_wait3A_2966 : memref<10000xf32, #tpu.memory_space<hbm>>) dst(%arg14 : memref<10000xf32, #tpu.memory_space<vmem>>)
      %parallel_loop3A_2967 = arith.constant 0 : i32
      %parallel_loop3A_2968 = arith.constant 625 : i32
      %parallel_loop3A_2969 = arith.constant 1 : i32
      scf.for %parallel_loop3A_2970 = %parallel_loop3A_2967 to %parallel_loop3A_2968 step %parallel_loop3A_2969  : i32 {
        %parallel_loop3A_2971 = arith.constant 16 : i32
        %parallel_loop3A_2972 = arith.muli %parallel_loop3A_2970, %parallel_loop3A_2971 : i32
        %parallel_loop3A_2973 = arith.index_cast %parallel_loop3A_2972 : i32 to index
        %parallel_loop3A_2974 = tpu.vector_load %arg12[%parallel_loop3A_2973] {strides = array<i32>} : memref<10000xi32, #tpu.memory_space<vmem>>, vector<16xi32>,
        %parallel_loop3A_2975 = arith.index_cast %parallel_loop3A_2972 : i32 to index
        %parallel_loop3A_2976 = tpu.vector_load %arg13[%parallel_loop3A_2975] {strides = array<i32>} : memref<10000xi32, #tpu.memory_space<vmem>>, vector<16xi32>,
        %parallel_loop3A_2977 = arith.index_cast %parallel_loop3A_2972 : i32 to index
        %parallel_loop3A_2978 = tpu.vector_load %arg14[%parallel_loop3A_2977] {strides = array<i32>} : memref<10000xf32, #tpu.memory_space<vmem>>, vector<16xf32>,
        %parallel_loop3A_2979 = tpu.vector_load_idx %arg7[%parallel_loop3A_2974] : memref<50000xi32, #tpu.memory_space<vmem>>[vector<16xi32>], vector<16xi32>,
        %parallel_loop3A_2980 = tpu.vector_load_idx %arg7[%parallel_loop3A_2976] : memref<50000xi32, #tpu.memory_space<vmem>>[vector<16xi32>], vector<16xi32>,
        %parallel_loop3A_2981 = arith.constant 127 : i32
        %parallel_loop3A_2982 = vector.broadcast %parallel_loop3A_2981 : i32 to vector<16xi32>
        %parallel_loop3A_2983 = arith.andi %parallel_loop3A_2979, %parallel_loop3A_2982 : vector<16xi32>
        %parallel_loop3A_2984 = arith.constant 7 : i32
        %parallel_loop3A_2985 = vector.broadcast %parallel_loop3A_2984 : i32 to vector<16xi32>
        %parallel_loop3A_2986 = arith.shrui %parallel_loop3A_2979, %parallel_loop3A_2985 : vector<16xi32>
        %parallel_loop3A_2987 = arith.constant 127 : i32
        %parallel_loop3A_2988 = vector.broadcast %parallel_loop3A_2987 : i32 to vector<16xi32>
        %parallel_loop3A_2989 = arith.andi %parallel_loop3A_2980, %parallel_loop3A_2988 : vector<16xi32>
        %parallel_loop3A_2990 = tpu.vector_load_idx %arg8[%parallel_loop3A_2983, %parallel_loop3A_2989] : memref<100x100xf32, #tpu.memory_space<vmem>>[vector<16xi32>, vector<16xi32>], vector<16xf32>,
        %parallel_loop3A_2991 = arith.divf %parallel_loop3A_2990, %parallel_loop3A_2978 : vector<16xf32>
        %parallel_loop3A_2992 = arith.mulf %parallel_loop3A_2991, %parallel_loop3A_2991 : vector<16xf32>
        %parallel_loop3A_2993 = arith.mulf %parallel_loop3A_2992, %parallel_loop3A_2992 : vector<16xf32>
        %parallel_loop3A_2994 = arith.mulf %parallel_loop3A_2993, %parallel_loop3A_2992 : vector<16xf32>
        %parallel_loop3A_2995 = arith.mulf %parallel_loop3A_2994, %parallel_loop3A_2994 : vector<16xf32>
        %parallel_loop3A_2996 = arith.constant 1.000000e+00 : f32
        %parallel_loop3A_2997 = vector.broadcast %parallel_loop3A_2996 : f32 to vector<16xf32>
        %parallel_loop3A_2998 = arith.maximumf %parallel_loop3A_2995, %parallel_loop3A_2997 : vector<16xf32>
        %parallel_loop3A_2999 = arith.constant 1.000000e+00 : f32
        %parallel_loop3A_3000 = vector.broadcast %parallel_loop3A_2999 : f32 to vector<16xf32>
        %parallel_loop3A_3001 = arith.subf %parallel_loop3A_2998, %parallel_loop3A_3000 : vector<16xf32>
        %parallel_loop3A_3002 = arith.constant 16 : i32
        %parallel_loop3A_3003 = vector.broadcast %parallel_loop3A_3002 : i32 to vector<16xi32>
        %parallel_loop3A_3004 = arith.muli %parallel_loop3A_2986, %parallel_loop3A_3003 : vector<16xi32>
        %parallel_loop3A_3005 = arith.addi %parallel_loop3A_3004, %iota3A : vector<16xi32>
        tpu.vector_store_idx %arg15[%parallel_loop3A_3005], %parallel_loop3A_3001 {add = true} : memref<4096xf32, #tpu.memory_space<vmem>>[vector<16xi32>], vector<16xf32>,
      } {sc.loop_unroll_factor = 5 : i64, sc.parallel_access}
    }
    %scan3A_19 = arith.constant 2 : i32
    %dma_wait3A = arith.constant 0 : i32
    %dma_wait3A_20 = tpu.memref_slice %arg2[%dma_wait3A] : memref<3200000xi32, #tpu.memory_space<hbm>> -> memref<10000xi32, #tpu.memory_space<hbm>>
    %dma_wait3A_21 = arith.constant 0 : i32
    %dma_wait3A_22 = tpu.memref_slice %arg2[%dma_wait3A_21] : memref<3200000xi32, #tpu.memory_space<hbm>> -> memref<10000xi32, #tpu.memory_space<hbm>>
    tpu.wait_dma2 semaphore(%arg17 : memref<!tpu.dma_semaphore, #tpu.memory_space<semaphore_mem>>) src(%dma_wait3A_22 : memref<10000xi32, #tpu.memory_space<hbm>>) dst(%arg9 : memref<10000xi32, #tpu.memory_space<vmem>>)
    %dma_wait3A_23 = arith.constant 0 : i32
    %dma_wait3A_24 = tpu.memref_slice %arg2[%dma_wait3A_23] : memref<3200000xi32, #tpu.memory_space<hbm>> -> memref<10000xi32, #tpu.memory_space<hbm>>
    %dma_wait3A_25 = arith.constant 0 : i32
    %dma_wait3A_26 = tpu.memref_slice %arg2[%dma_wait3A_25] : memref<3200000xi32, #tpu.memory_space<hbm>> -> memref<10000xi32, #tpu.memory_space<hbm>>
    tpu.wait_dma2 semaphore(%arg17 : memref<!tpu.dma_semaphore, #tpu.memory_space<semaphore_mem>>) src(%dma_wait3A_26 : memref<10000xi32, #tpu.memory_space<hbm>>) dst(%arg10 : memref<10000xi32, #tpu.memory_space<vmem>>)
    %dma_wait3A_27 = arith.constant 0 : i32
    %dma_wait3A_28 = tpu.memref_slice %arg3[%dma_wait3A_27] : memref<1600000xf32, #tpu.memory_space<hbm>> -> memref<10000xf32, #tpu.memory_space<hbm>>
    %dma_wait3A_29 = arith.constant 0 : i32
    %dma_wait3A_30 = tpu.memref_slice %arg3[%dma_wait3A_29] : memref<1600000xf32, #tpu.memory_space<hbm>> -> memref<10000xf32, #tpu.memory_space<hbm>>
    tpu.wait_dma2 semaphore(%arg17 : memref<!tpu.dma_semaphore, #tpu.memory_space<semaphore_mem>>) src(%dma_wait3A_30 : memref<10000xf32, #tpu.memory_space<hbm>>) dst(%arg11 : memref<10000xf32, #tpu.memory_space<vmem>>)
    %parallel_loop3A_31 = arith.constant 0 : i32
    %parallel_loop3A_32 = arith.constant 625 : i32
    %parallel_loop3A_33 = arith.constant 1 : i32
    scf.for %parallel_loop3A_2909 = %parallel_loop3A_31 to %parallel_loop3A_32 step %parallel_loop3A_33  : i32 {
      %parallel_loop3A_2910 = arith.constant 16 : i32
      %parallel_loop3A_2911 = arith.muli %parallel_loop3A_2909, %parallel_loop3A_2910 : i32
      %parallel_loop3A_2912 = arith.index_cast %parallel_loop3A_2911 : i32 to index
      %parallel_loop3A_2913 = tpu.vector_load %arg9[%parallel_loop3A_2912] {strides = array<i32>} : memref<10000xi32, #tpu.memory_space<vmem>>, vector<16xi32>,
      %parallel_loop3A_2914 = arith.index_cast %parallel_loop3A_2911 : i32 to index
      %parallel_loop3A_2915 = tpu.vector_load %arg10[%parallel_loop3A_2914] {strides = array<i32>} : memref<10000xi32, #tpu.memory_space<vmem>>, vector<16xi32>,
      %parallel_loop3A_2916 = arith.index_cast %parallel_loop3A_2911 : i32 to index
      %parallel_loop3A_2917 = tpu.vector_load %arg11[%parallel_loop3A_2916] {strides = array<i32>} : memref<10000xf32, #tpu.memory_space<vmem>>, vector<16xf32>,
      %parallel_loop3A_2918 = tpu.vector_load_idx %arg7[%parallel_loop3A_2913] : memref<50000xi32, #tpu.memory_space<vmem>>[vector<16xi32>], vector<16xi32>,
      %parallel_loop3A_2919 = tpu.vector_load_idx %arg7[%parallel_loop3A_2915] : memref<50000xi32, #tpu.memory_space<vmem>>[vector<16xi32>], vector<16xi32>,
      %parallel_loop3A_2920 = arith.constant 127 : i32
      %parallel_loop3A_2921 = vector.broadcast %parallel_loop3A_2920 : i32 to vector<16xi32>
      %parallel_loop3A_2922 = arith.andi %parallel_loop3A_2918, %parallel_loop3A_2921 : vector<16xi32>
      %parallel_loop3A_2923 = arith.constant 7 : i32
      %parallel_loop3A_2924 = vector.broadcast %parallel_loop3A_2923 : i32 to vector<16xi32>
      %parallel_loop3A_2925 = arith.shrui %parallel_loop3A_2918, %parallel_loop3A_2924 : vector<16xi32>
      %parallel_loop3A_2926 = arith.constant 127 : i32
      %parallel_loop3A_2927 = vector.broadcast %parallel_loop3A_2926 : i32 to vector<16xi32>
      %parallel_loop3A_2928 = arith.andi %parallel_loop3A_2919, %parallel_loop3A_2927 : vector<16xi32>
      %parallel_loop3A_2929 = tpu.vector_load_idx %arg8[%parallel_loop3A_2922, %parallel_loop3A_2928] : memref<100x100xf32, #tpu.memory_space<vmem>>[vector<16xi32>, vector<16xi32>], vector<16xf32>,
      %parallel_loop3A_2930 = arith.divf %parallel_loop3A_2929, %parallel_loop3A_2917 : vector<16xf32>
      %parallel_loop3A_2931 = arith.mulf %parallel_loop3A_2930, %parallel_loop3A_2930 : vector<16xf32>
      %parallel_loop3A_2932 = arith.mulf %parallel_loop3A_2931, %parallel_loop3A_2931 : vector<16xf32>
      %parallel_loop3A_2933 = arith.mulf %parallel_loop3A_2932, %parallel_loop3A_2931 : vector<16xf32>
      %parallel_loop3A_2934 = arith.mulf %parallel_loop3A_2933, %parallel_loop3A_2933 : vector<16xf32>
      %parallel_loop3A_2935 = arith.constant 1.000000e+00 : f32
      %parallel_loop3A_2936 = vector.broadcast %parallel_loop3A_2935 : f32 to vector<16xf32>
      %parallel_loop3A_2937 = arith.maximumf %parallel_loop3A_2934, %parallel_loop3A_2936 : vector<16xf32>
      %parallel_loop3A_2938 = arith.constant 1.000000e+00 : f32
      %parallel_loop3A_2939 = vector.broadcast %parallel_loop3A_2938 : f32 to vector<16xf32>
      %parallel_loop3A_2940 = arith.subf %parallel_loop3A_2937, %parallel_loop3A_2939 : vector<16xf32>
      %parallel_loop3A_2941 = arith.constant 16 : i32
      %parallel_loop3A_2942 = vector.broadcast %parallel_loop3A_2941 : i32 to vector<16xi32>
      %parallel_loop3A_2943 = arith.muli %parallel_loop3A_2925, %parallel_loop3A_2942 : vector<16xi32>
      %parallel_loop3A_2944 = arith.addi %parallel_loop3A_2943, %iota3A : vector<16xi32>
      tpu.vector_store_idx %arg15[%parallel_loop3A_2944], %parallel_loop3A_2940 {add = true} : memref<4096xf32, #tpu.memory_space<vmem>>[vector<16xi32>], vector<16xf32>,
    } {sc.loop_unroll_factor = 5 : i64, sc.parallel_access}
    %broadcast_in_dim3A_34 = arith.constant 0.000000e+00 : f32
    %broadcast_in_dim3A_35 = vector.broadcast %broadcast_in_dim3A_34 : f32 to vector<16xf32>
    %get3A = arith.constant 0 : index
    %get3A_36 = tpu.vector_load %arg15[%get3A] {strides = array<i32>} : memref<4096xf32, #tpu.memory_space<vmem>>, vector<16xf32>,
    %eq3A = arith.constant 0 : i32
    %eq3A_37 = vector.broadcast %eq3A : i32 to vector<16xi32>
    %eq3A_38 = arith.cmpi eq, %iota3A, %eq3A_37 : vector<16xi32>
    %reduce_sum3A = arith.constant true
    %reduce_sum3A_39 = vector.broadcast %reduce_sum3A : i1 to vector<16xi1>
    %reduce_sum3A_40 = tpu.scan <sum>, %get3A_36 masked %reduce_sum3A_39 : vector<16xf32>, vector<16xi1> -> vector<16xf32>
    %reduce_sum3A_41 = vector.extract %reduce_sum3A_40[15] : f32 from vector<16xf32>
    %broadcast_in_dim3A_42 = vector.broadcast %reduce_sum3A_41 : f32 to vector<16xf32>
    %select_n3A = arith.select %eq3A_38, %broadcast_in_dim3A_42, %broadcast_in_dim3A_35 : vector<16xi1>, vector<16xf32>
    %get3A_43 = arith.constant 16 : index
    %get3A_44 = tpu.vector_load %arg15[%get3A_43] {strides = array<i32>} : memref<4096xf32, #tpu.memory_space<vmem>>, vector<16xf32>,
    %eq3A_45 = arith.constant 1 : i32
    %eq3A_46 = vector.broadcast %eq3A_45 : i32 to vector<16xi32>
    %eq3A_47 = arith.cmpi eq, %iota3A, %eq3A_46 : vector<16xi32>
    %reduce_sum3A_48 = arith.constant true
    %reduce_sum3A_49 = vector.broadcast %reduce_sum3A_48 : i1 to vector<16xi1>
    %reduce_sum3A_50 = tpu.scan <sum>, %get3A_44 masked %reduce_sum3A_49 : vector<16xf32>, vector<16xi1> -> vector<16xf32>
    %reduce_sum3A_51 = vector.extract %reduce_sum3A_50[15] : f32 from vector<16xf32>
    %broadcast_in_dim3A_52 = vector.broadcast %reduce_sum3A_51 : f32 to vector<16xf32>
    %select_n3A_53 = arith.select %eq3A_47, %broadcast_in_dim3A_52, %select_n3A : vector<16xi1>, vector<16xf32>
    %get3A_54 = arith.constant 32 : index
    %get3A_55 = tpu.vector_load %arg15[%get3A_54] {strides = array<i32>} : memref<4096xf32, #tpu.memory_space<vmem>>, vector<16xf32>,
    %eq3A_56 = arith.constant 2 : i32
    %eq3A_57 = vector.broadcast %eq3A_56 : i32 to vector<16xi32>
    %eq3A_58 = arith.cmpi eq, %iota3A, %eq3A_57 : vector<16xi32>
    %reduce_sum3A_59 = arith.constant true
    %reduce_sum3A_60 = vector.broadcast %reduce_sum3A_59 : i1 to vector<16xi1>
    %reduce_sum3A_61 = tpu.scan <sum>, %get3A_55 masked %reduce_sum3A_60 : vector<16xf32>, vector<16xi1> -> vector<16xf32>
    %reduce_sum3A_62 = vector.extract %reduce_sum3A_61[15] : f32 from vector<16xf32>
    %broadcast_in_dim3A_63 = vector.broadcast %reduce_sum3A_62 : f32 to vector<16xf32>
    %select_n3A_64 = arith.select %eq3A_58, %broadcast_in_dim3A_63, %select_n3A_53 : vector<16xi1>, vector<16xf32>
    %get3A_65 = arith.constant 48 : index
    %get3A_66 = tpu.vector_load %arg15[%get3A_65] {strides = array<i32>} : memref<4096xf32, #tpu.memory_space<vmem>>, vector<16xf32>,
    %eq3A_67 = arith.constant 3 : i32
    %eq3A_68 = vector.broadcast %eq3A_67 : i32 to vector<16xi32>
    %eq3A_69 = arith.cmpi eq, %iota3A, %eq3A_68 : vector<16xi32>
    %reduce_sum3A_70 = arith.constant true
    %reduce_sum3A_71 = vector.broadcast %reduce_sum3A_70 : i1 to vector<16xi1>
    %reduce_sum3A_72 = tpu.scan <sum>, %get3A_66 masked %reduce_sum3A_71 : vector<16xf32>, vector<16xi1> -> vector<16xf32>
    %reduce_sum3A_73 = vector.extract %reduce_sum3A_72[15] : f32 from vector<16xf32>
    %broadcast_in_dim3A_74 = vector.broadcast %reduce_sum3A_73 : f32 to vector<16xf32>
    %select_n3A_75 = arith.select %eq3A_69, %broadcast_in_dim3A_74, %select_n3A_64 : vector<16xi1>, vector<16xf32>
    %get3A_76 = arith.constant 64 : index
    %get3A_77 = tpu.vector_load %arg15[%get3A_76] {strides = array<i32>} : memref<4096xf32, #tpu.memory_space<vmem>>, vector<16xf32>,
    %eq3A_78 = arith.constant 4 : i32
    %eq3A_79 = vector.broadcast %eq3A_78 : i32 to vector<16xi32>
    %eq3A_80 = arith.cmpi eq, %iota3A, %eq3A_79 : vector<16xi32>
    %reduce_sum3A_81 = arith.constant true
    %reduce_sum3A_82 = vector.broadcast %reduce_sum3A_81 : i1 to vector<16xi1>
    %reduce_sum3A_83 = tpu.scan <sum>, %get3A_77 masked %reduce_sum3A_82 : vector<16xf32>, vector<16xi1> -> vector<16xf32>
    %reduce_sum3A_84 = vector.extract %reduce_sum3A_83[15] : f32 from vector<16xf32>
    %broadcast_in_dim3A_85 = vector.broadcast %reduce_sum3A_84 : f32 to vector<16xf32>
    %select_n3A_86 = arith.select %eq3A_80, %broadcast_in_dim3A_85, %select_n3A_75 : vector<16xi1>, vector<16xf32>
    %get3A_87 = arith.constant 80 : index
    %get3A_88 = tpu.vector_load %arg15[%get3A_87] {strides = array<i32>} : memref<4096xf32, #tpu.memory_space<vmem>>, vector<16xf32>,
    %eq3A_89 = arith.constant 5 : i32
    %eq3A_90 = vector.broadcast %eq3A_89 : i32 to vector<16xi32>
    %eq3A_91 = arith.cmpi eq, %iota3A, %eq3A_90 : vector<16xi32>
    %reduce_sum3A_92 = arith.constant true
    %reduce_sum3A_93 = vector.broadcast %reduce_sum3A_92 : i1 to vector<16xi1>
    %reduce_sum3A_94 = tpu.scan <sum>, %get3A_88 masked %reduce_sum3A_93 : vector<16xf32>, vector<16xi1> -> vector<16xf32>
    %reduce_sum3A_95 = vector.extract %reduce_sum3A_94[15] : f32 from vector<16xf32>
    %broadcast_in_dim3A_96 = vector.broadcast %reduce_sum3A_95 : f32 to vector<16xf32>
    %select_n3A_97 = arith.select %eq3A_91, %broadcast_in_dim3A_96, %select_n3A_86 : vector<16xi1>, vector<16xf32>
    %get3A_98 = arith.constant 96 : index
    %get3A_99 = tpu.vector_load %arg15[%get3A_98] {strides = array<i32>} : memref<4096xf32, #tpu.memory_space<vmem>>, vector<16xf32>,
    %eq3A_100 = arith.constant 6 : i32
    %eq3A_101 = vector.broadcast %eq3A_100 : i32 to vector<16xi32>
    %eq3A_102 = arith.cmpi eq, %iota3A, %eq3A_101 : vector<16xi32>
    %reduce_sum3A_103 = arith.constant true
    %reduce_sum3A_104 = vector.broadcast %reduce_sum3A_103 : i1 to vector<16xi1>
    %reduce_sum3A_105 = tpu.scan <sum>, %get3A_99 masked %reduce_sum3A_104 : vector<16xf32>, vector<16xi1> -> vector<16xf32>
    %reduce_sum3A_106 = vector.extract %reduce_sum3A_105[15] : f32 from vector<16xf32>
    %broadcast_in_dim3A_107 = vector.broadcast %reduce_sum3A_106 : f32 to vector<16xf32>
    %select_n3A_108 = arith.select %eq3A_102, %broadcast_in_dim3A_107, %select_n3A_97 : vector<16xi1>, vector<16xf32>
    %get3A_109 = arith.constant 112 : index
    %get3A_110 = tpu.vector_load %arg15[%get3A_109] {strides = array<i32>} : memref<4096xf32, #tpu.memory_space<vmem>>, vector<16xf32>,
    %eq3A_111 = arith.constant 7 : i32
    %eq3A_112 = vector.broadcast %eq3A_111 : i32 to vector<16xi32>
    %eq3A_113 = arith.cmpi eq, %iota3A, %eq3A_112 : vector<16xi32>
    %reduce_sum3A_114 = arith.constant true
    %reduce_sum3A_115 = vector.broadcast %reduce_sum3A_114 : i1 to vector<16xi1>
    %reduce_sum3A_116 = tpu.scan <sum>, %get3A_110 masked %reduce_sum3A_115 : vector<16xf32>, vector<16xi1> -> vector<16xf32>
    %reduce_sum3A_117 = vector.extract %reduce_sum3A_116[15] : f32 from vector<16xf32>
    %broadcast_in_dim3A_118 = vector.broadcast %reduce_sum3A_117 : f32 to vector<16xf32>
    %select_n3A_119 = arith.select %eq3A_113, %broadcast_in_dim3A_118, %select_n3A_108 : vector<16xi1>, vector<16xf32>
    %get3A_120 = arith.constant 128 : index
    %get3A_121 = tpu.vector_load %arg15[%get3A_120] {strides = array<i32>} : memref<4096xf32, #tpu.memory_space<vmem>>, vector<16xf32>,
    %eq3A_122 = arith.constant 8 : i32
    %eq3A_123 = vector.broadcast %eq3A_122 : i32 to vector<16xi32>
    %eq3A_124 = arith.cmpi eq, %iota3A, %eq3A_123 : vector<16xi32>
    %reduce_sum3A_125 = arith.constant true
    %reduce_sum3A_126 = vector.broadcast %reduce_sum3A_125 : i1 to vector<16xi1>
    %reduce_sum3A_127 = tpu.scan <sum>, %get3A_121 masked %reduce_sum3A_126 : vector<16xf32>, vector<16xi1> -> vector<16xf32>
    %reduce_sum3A_128 = vector.extract %reduce_sum3A_127[15] : f32 from vector<16xf32>
    %broadcast_in_dim3A_129 = vector.broadcast %reduce_sum3A_128 : f32 to vector<16xf32>
    %select_n3A_130 = arith.select %eq3A_124, %broadcast_in_dim3A_129, %select_n3A_119 : vector<16xi1>, vector<16xf32>
    %get3A_131 = arith.constant 144 : index
    %get3A_132 = tpu.vector_load %arg15[%get3A_131] {strides = array<i32>} : memref<4096xf32, #tpu.memory_space<vmem>>, vector<16xf32>,
    %eq3A_133 = arith.constant 9 : i32
    %eq3A_134 = vector.broadcast %eq3A_133 : i32 to vector<16xi32>
    %eq3A_135 = arith.cmpi eq, %iota3A, %eq3A_134 : vector<16xi32>
    %reduce_sum3A_136 = arith.constant true
    %reduce_sum3A_137 = vector.broadcast %reduce_sum3A_136 : i1 to vector<16xi1>
    %reduce_sum3A_138 = tpu.scan <sum>, %get3A_132 masked %reduce_sum3A_137 : vector<16xf32>, vector<16xi1> -> vector<16xf32>
    %reduce_sum3A_139 = vector.extract %reduce_sum3A_138[15] : f32 from vector<16xf32>
    %broadcast_in_dim3A_140 = vector.broadcast %reduce_sum3A_139 : f32 to vector<16xf32>
    %select_n3A_141 = arith.select %eq3A_135, %broadcast_in_dim3A_140, %select_n3A_130 : vector<16xi1>, vector<16xf32>
    %get3A_142 = arith.constant 160 : index
    %get3A_143 = tpu.vector_load %arg15[%get3A_142] {strides = array<i32>} : memref<4096xf32, #tpu.memory_space<vmem>>, vector<16xf32>,
    %eq3A_144 = arith.constant 10 : i32
    %eq3A_145 = vector.broadcast %eq3A_144 : i32 to vector<16xi32>
    %eq3A_146 = arith.cmpi eq, %iota3A, %eq3A_145 : vector<16xi32>
    %reduce_sum3A_147 = arith.constant true
    %reduce_sum3A_148 = vector.broadcast %reduce_sum3A_147 : i1 to vector<16xi1>
    %reduce_sum3A_149 = tpu.scan <sum>, %get3A_143 masked %reduce_sum3A_148 : vector<16xf32>, vector<16xi1> -> vector<16xf32>
    %reduce_sum3A_150 = vector.extract %reduce_sum3A_149[15] : f32 from vector<16xf32>
    %broadcast_in_dim3A_151 = vector.broadcast %reduce_sum3A_150 : f32 to vector<16xf32>
    %select_n3A_152 = arith.select %eq3A_146, %broadcast_in_dim3A_151, %select_n3A_141 : vector<16xi1>, vector<16xf32>
    %get3A_153 = arith.constant 176 : index
    %get3A_154 = tpu.vector_load %arg15[%get3A_153] {strides = array<i32>} : memref<4096xf32, #tpu.memory_space<vmem>>, vector<16xf32>,
    %eq3A_155 = arith.constant 11 : i32
    %eq3A_156 = vector.broadcast %eq3A_155 : i32 to vector<16xi32>
    %eq3A_157 = arith.cmpi eq, %iota3A, %eq3A_156 : vector<16xi32>
    %reduce_sum3A_158 = arith.constant true
    %reduce_sum3A_159 = vector.broadcast %reduce_sum3A_158 : i1 to vector<16xi1>
    %reduce_sum3A_160 = tpu.scan <sum>, %get3A_154 masked %reduce_sum3A_159 : vector<16xf32>, vector<16xi1> -> vector<16xf32>
    %reduce_sum3A_161 = vector.extract %reduce_sum3A_160[15] : f32 from vector<16xf32>
    %broadcast_in_dim3A_162 = vector.broadcast %reduce_sum3A_161 : f32 to vector<16xf32>
    %select_n3A_163 = arith.select %eq3A_157, %broadcast_in_dim3A_162, %select_n3A_152 : vector<16xi1>, vector<16xf32>
    %get3A_164 = arith.constant 192 : index
    %get3A_165 = tpu.vector_load %arg15[%get3A_164] {strides = array<i32>} : memref<4096xf32, #tpu.memory_space<vmem>>, vector<16xf32>,
    %eq3A_166 = arith.constant 12 : i32
    %eq3A_167 = vector.broadcast %eq3A_166 : i32 to vector<16xi32>
    %eq3A_168 = arith.cmpi eq, %iota3A, %eq3A_167 : vector<16xi32>
    %reduce_sum3A_169 = arith.constant true
    %reduce_sum3A_170 = vector.broadcast %reduce_sum3A_169 : i1 to vector<16xi1>
    %reduce_sum3A_171 = tpu.scan <sum>, %get3A_165 masked %reduce_sum3A_170 : vector<16xf32>, vector<16xi1> -> vector<16xf32>
    %reduce_sum3A_172 = vector.extract %reduce_sum3A_171[15] : f32 from vector<16xf32>
    %broadcast_in_dim3A_173 = vector.broadcast %reduce_sum3A_172 : f32 to vector<16xf32>
    %select_n3A_174 = arith.select %eq3A_168, %broadcast_in_dim3A_173, %select_n3A_163 : vector<16xi1>, vector<16xf32>
    %get3A_175 = arith.constant 208 : index
    %get3A_176 = tpu.vector_load %arg15[%get3A_175] {strides = array<i32>} : memref<4096xf32, #tpu.memory_space<vmem>>, vector<16xf32>,
    %eq3A_177 = arith.constant 13 : i32
    %eq3A_178 = vector.broadcast %eq3A_177 : i32 to vector<16xi32>
    %eq3A_179 = arith.cmpi eq, %iota3A, %eq3A_178 : vector<16xi32>
    %reduce_sum3A_180 = arith.constant true
    %reduce_sum3A_181 = vector.broadcast %reduce_sum3A_180 : i1 to vector<16xi1>
    %reduce_sum3A_182 = tpu.scan <sum>, %get3A_176 masked %reduce_sum3A_181 : vector<16xf32>, vector<16xi1> -> vector<16xf32>
    %reduce_sum3A_183 = vector.extract %reduce_sum3A_182[15] : f32 from vector<16xf32>
    %broadcast_in_dim3A_184 = vector.broadcast %reduce_sum3A_183 : f32 to vector<16xf32>
    %select_n3A_185 = arith.select %eq3A_179, %broadcast_in_dim3A_184, %select_n3A_174 : vector<16xi1>, vector<16xf32>
    %get3A_186 = arith.constant 224 : index
    %get3A_187 = tpu.vector_load %arg15[%get3A_186] {strides = array<i32>} : memref<4096xf32, #tpu.memory_space<vmem>>, vector<16xf32>,
    %eq3A_188 = arith.constant 14 : i32
    %eq3A_189 = vector.broadcast %eq3A_188 : i32 to vector<16xi32>
    %eq3A_190 = arith.cmpi eq, %iota3A, %eq3A_189 : vector<16xi32>
    %reduce_sum3A_191 = arith.constant true
    %reduce_sum3A_192 = vector.broadcast %reduce_sum3A_191 : i1 to vector<16xi1>
    %reduce_sum3A_193 = tpu.scan <sum>, %get3A_187 masked %reduce_sum3A_192 : vector<16xf32>, vector<16xi1> -> vector<16xf32>
    %reduce_sum3A_194 = vector.extract %reduce_sum3A_193[15] : f32 from vector<16xf32>
    %broadcast_in_dim3A_195 = vector.broadcast %reduce_sum3A_194 : f32 to vector<16xf32>
    %select_n3A_196 = arith.select %eq3A_190, %broadcast_in_dim3A_195, %select_n3A_185 : vector<16xi1>, vector<16xf32>
    %get3A_197 = arith.constant 240 : index
    %get3A_198 = tpu.vector_load %arg15[%get3A_197] {strides = array<i32>} : memref<4096xf32, #tpu.memory_space<vmem>>, vector<16xf32>,
    %eq3A_199 = arith.constant 15 : i32
    %eq3A_200 = vector.broadcast %eq3A_199 : i32 to vector<16xi32>
    %eq3A_201 = arith.cmpi eq, %iota3A, %eq3A_200 : vector<16xi32>
    %reduce_sum3A_202 = arith.constant true
    %reduce_sum3A_203 = vector.broadcast %reduce_sum3A_202 : i1 to vector<16xi1>
    %reduce_sum3A_204 = tpu.scan <sum>, %get3A_198 masked %reduce_sum3A_203 : vector<16xf32>, vector<16xi1> -> vector<16xf32>
    %reduce_sum3A_205 = vector.extract %reduce_sum3A_204[15] : f32 from vector<16xf32>
    %broadcast_in_dim3A_206 = vector.broadcast %reduce_sum3A_205 : f32 to vector<16xf32>
    %select_n3A_207 = arith.select %eq3A_201, %broadcast_in_dim3A_206, %select_n3A_196 : vector<16xi1>, vector<16xf32>
    %swap3A = arith.constant 0 : index
    %swap3A_208 = tpu.vector_load %arg16[%swap3A] {strides = array<i32>} : memref<256xf32, #tpu.memory_space<vmem>>, vector<16xf32>,
    tpu.vector_store %arg16[%swap3A], %select_n3A_207 {strides = array<i32>} : memref<256xf32, #tpu.memory_space<vmem>>, vector<16xf32>,
    %broadcast_in_dim3A_209 = arith.constant 0.000000e+00 : f32
    %broadcast_in_dim3A_210 = vector.broadcast %broadcast_in_dim3A_209 : f32 to vector<16xf32>
    %get3A_211 = arith.constant 256 : index
    %get3A_212 = tpu.vector_load %arg15[%get3A_211] {strides = array<i32>} : memref<4096xf32, #tpu.memory_space<vmem>>, vector<16xf32>,
    %eq3A_213 = arith.constant 0 : i32
    %eq3A_214 = vector.broadcast %eq3A_213 : i32 to vector<16xi32>
    %eq3A_215 = arith.cmpi eq, %iota3A, %eq3A_214 : vector<16xi32>
    %reduce_sum3A_216 = arith.constant true
    %reduce_sum3A_217 = vector.broadcast %reduce_sum3A_216 : i1 to vector<16xi1>
    %reduce_sum3A_218 = tpu.scan <sum>, %get3A_212 masked %reduce_sum3A_217 : vector<16xf32>, vector<16xi1> -> vector<16xf32>
    %reduce_sum3A_219 = vector.extract %reduce_sum3A_218[15] : f32 from vector<16xf32>
    %broadcast_in_dim3A_220 = vector.broadcast %reduce_sum3A_219 : f32 to vector<16xf32>
    %select_n3A_221 = arith.select %eq3A_215, %broadcast_in_dim3A_220, %broadcast_in_dim3A_210 : vector<16xi1>, vector<16xf32>
    %get3A_222 = arith.constant 272 : index
    %get3A_223 = tpu.vector_load %arg15[%get3A_222] {strides = array<i32>} : memref<4096xf32, #tpu.memory_space<vmem>>, vector<16xf32>,
    %eq3A_224 = arith.constant 1 : i32
    %eq3A_225 = vector.broadcast %eq3A_224 : i32 to vector<16xi32>
    %eq3A_226 = arith.cmpi eq, %iota3A, %eq3A_225 : vector<16xi32>
    %reduce_sum3A_227 = arith.constant true
    %reduce_sum3A_228 = vector.broadcast %reduce_sum3A_227 : i1 to vector<16xi1>
    %reduce_sum3A_229 = tpu.scan <sum>, %get3A_223 masked %reduce_sum3A_228 : vector<16xf32>, vector<16xi1> -> vector<16xf32>
    %reduce_sum3A_230 = vector.extract %reduce_sum3A_229[15] : f32 from vector<16xf32>
    %broadcast_in_dim3A_231 = vector.broadcast %reduce_sum3A_230 : f32 to vector<16xf32>
    %select_n3A_232 = arith.select %eq3A_226, %broadcast_in_dim3A_231, %select_n3A_221 : vector<16xi1>, vector<16xf32>
    %get3A_233 = arith.constant 288 : index
    %get3A_234 = tpu.vector_load %arg15[%get3A_233] {strides = array<i32>} : memref<4096xf32, #tpu.memory_space<vmem>>, vector<16xf32>,
    %eq3A_235 = arith.constant 2 : i32
    %eq3A_236 = vector.broadcast %eq3A_235 : i32 to vector<16xi32>
    %eq3A_237 = arith.cmpi eq, %iota3A, %eq3A_236 : vector<16xi32>
    %reduce_sum3A_238 = arith.constant true
    %reduce_sum3A_239 = vector.broadcast %reduce_sum3A_238 : i1 to vector<16xi1>
    %reduce_sum3A_240 = tpu.scan <sum>, %get3A_234 masked %reduce_sum3A_239 : vector<16xf32>, vector<16xi1> -> vector<16xf32>
    %reduce_sum3A_241 = vector.extract %reduce_sum3A_240[15] : f32 from vector<16xf32>
    %broadcast_in_dim3A_242 = vector.broadcast %reduce_sum3A_241 : f32 to vector<16xf32>
    %select_n3A_243 = arith.select %eq3A_237, %broadcast_in_dim3A_242, %select_n3A_232 : vector<16xi1>, vector<16xf32>
    %get3A_244 = arith.constant 304 : index
    %get3A_245 = tpu.vector_load %arg15[%get3A_244] {strides = array<i32>} : memref<4096xf32, #tpu.memory_space<vmem>>, vector<16xf32>,
    %eq3A_246 = arith.constant 3 : i32
    %eq3A_247 = vector.broadcast %eq3A_246 : i32 to vector<16xi32>
    %eq3A_248 = arith.cmpi eq, %iota3A, %eq3A_247 : vector<16xi32>
    %reduce_sum3A_249 = arith.constant true
    %reduce_sum3A_250 = vector.broadcast %reduce_sum3A_249 : i1 to vector<16xi1>
    %reduce_sum3A_251 = tpu.scan <sum>, %get3A_245 masked %reduce_sum3A_250 : vector<16xf32>, vector<16xi1> -> vector<16xf32>
    %reduce_sum3A_252 = vector.extract %reduce_sum3A_251[15] : f32 from vector<16xf32>
    %broadcast_in_dim3A_253 = vector.broadcast %reduce_sum3A_252 : f32 to vector<16xf32>
    %select_n3A_254 = arith.select %eq3A_248, %broadcast_in_dim3A_253, %select_n3A_243 : vector<16xi1>, vector<16xf32>
    %get3A_255 = arith.constant 320 : index
    %get3A_256 = tpu.vector_load %arg15[%get3A_255] {strides = array<i32>} : memref<4096xf32, #tpu.memory_space<vmem>>, vector<16xf32>,
    %eq3A_257 = arith.constant 4 : i32
    %eq3A_258 = vector.broadcast %eq3A_257 : i32 to vector<16xi32>
    %eq3A_259 = arith.cmpi eq, %iota3A, %eq3A_258 : vector<16xi32>
    %reduce_sum3A_260 = arith.constant true
    %reduce_sum3A_261 = vector.broadcast %reduce_sum3A_260 : i1 to vector<16xi1>
    %reduce_sum3A_262 = tpu.scan <sum>, %get3A_256 masked %reduce_sum3A_261 : vector<16xf32>, vector<16xi1> -> vector<16xf32>
    %reduce_sum3A_263 = vector.extract %reduce_sum3A_262[15] : f32 from vector<16xf32>
    %broadcast_in_dim3A_264 = vector.broadcast %reduce_sum3A_263 : f32 to vector<16xf32>
    %select_n3A_265 = arith.select %eq3A_259, %broadcast_in_dim3A_264, %select_n3A_254 : vector<16xi1>, vector<16xf32>
    %get3A_266 = arith.constant 336 : index
    %get3A_267 = tpu.vector_load %arg15[%get3A_266] {strides = array<i32>} : memref<4096xf32, #tpu.memory_space<vmem>>, vector<16xf32>,
    %eq3A_268 = arith.constant 5 : i32
    %eq3A_269 = vector.broadcast %eq3A_268 : i32 to vector<16xi32>
    %eq3A_270 = arith.cmpi eq, %iota3A, %eq3A_269 : vector<16xi32>
    %reduce_sum3A_271 = arith.constant true
    %reduce_sum3A_272 = vector.broadcast %reduce_sum3A_271 : i1 to vector<16xi1>
    %reduce_sum3A_273 = tpu.scan <sum>, %get3A_267 masked %reduce_sum3A_272 : vector<16xf32>, vector<16xi1> -> vector<16xf32>
    %reduce_sum3A_274 = vector.extract %reduce_sum3A_273[15] : f32 from vector<16xf32>
    %broadcast_in_dim3A_275 = vector.broadcast %reduce_sum3A_274 : f32 to vector<16xf32>
    %select_n3A_276 = arith.select %eq3A_270, %broadcast_in_dim3A_275, %select_n3A_265 : vector<16xi1>, vector<16xf32>
    %get3A_277 = arith.constant 352 : index
    %get3A_278 = tpu.vector_load %arg15[%get3A_277] {strides = array<i32>} : memref<4096xf32, #tpu.memory_space<vmem>>, vector<16xf32>,
    %eq3A_279 = arith.constant 6 : i32
    %eq3A_280 = vector.broadcast %eq3A_279 : i32 to vector<16xi32>
    %eq3A_281 = arith.cmpi eq, %iota3A, %eq3A_280 : vector<16xi32>
    %reduce_sum3A_282 = arith.constant true
    %reduce_sum3A_283 = vector.broadcast %reduce_sum3A_282 : i1 to vector<16xi1>
    %reduce_sum3A_284 = tpu.scan <sum>, %get3A_278 masked %reduce_sum3A_283 : vector<16xf32>, vector<16xi1> -> vector<16xf32>
    %reduce_sum3A_285 = vector.extract %reduce_sum3A_284[15] : f32 from vector<16xf32>
    %broadcast_in_dim3A_286 = vector.broadcast %reduce_sum3A_285 : f32 to vector<16xf32>
    %select_n3A_287 = arith.select %eq3A_281, %broadcast_in_dim3A_286, %select_n3A_276 : vector<16xi1>, vector<16xf32>
    %get3A_288 = arith.constant 368 : index
    %get3A_289 = tpu.vector_load %arg15[%get3A_288] {strides = array<i32>} : memref<4096xf32, #tpu.memory_space<vmem>>, vector<16xf32>,
    %eq3A_290 = arith.constant 7 : i32
    %eq3A_291 = vector.broadcast %eq3A_290 : i32 to vector<16xi32>
    %eq3A_292 = arith.cmpi eq, %iota3A, %eq3A_291 : vector<16xi32>
    %reduce_sum3A_293 = arith.constant true
    %reduce_sum3A_294 = vector.broadcast %reduce_sum3A_293 : i1 to vector<16xi1>
    %reduce_sum3A_295 = tpu.scan <sum>, %get3A_289 masked %reduce_sum3A_294 : vector<16xf32>, vector<16xi1> -> vector<16xf32>
    %reduce_sum3A_296 = vector.extract %reduce_sum3A_295[15] : f32 from vector<16xf32>
    %broadcast_in_dim3A_297 = vector.broadcast %reduce_sum3A_296 : f32 to vector<16xf32>
    %select_n3A_298 = arith.select %eq3A_292, %broadcast_in_dim3A_297, %select_n3A_287 : vector<16xi1>, vector<16xf32>
    %get3A_299 = arith.constant 384 : index
    %get3A_300 = tpu.vector_load %arg15[%get3A_299] {strides = array<i32>} : memref<4096xf32, #tpu.memory_space<vmem>>, vector<16xf32>,
    %eq3A_301 = arith.constant 8 : i32
    %eq3A_302 = vector.broadcast %eq3A_301 : i32 to vector<16xi32>
    %eq3A_303 = arith.cmpi eq, %iota3A, %eq3A_302 : vector<16xi32>
    %reduce_sum3A_304 = arith.constant true
    %reduce_sum3A_305 = vector.broadcast %reduce_sum3A_304 : i1 to vector<16xi1>
    %reduce_sum3A_306 = tpu.scan <sum>, %get3A_300 masked %reduce_sum3A_305 : vector<16xf32>, vector<16xi1> -> vector<16xf32>
    %reduce_sum3A_307 = vector.extract %reduce_sum3A_306[15] : f32 from vector<16xf32>
    %broadcast_in_dim3A_308 = vector.broadcast %reduce_sum3A_307 : f32 to vector<16xf32>
    %select_n3A_309 = arith.select %eq3A_303, %broadcast_in_dim3A_308, %select_n3A_298 : vector<16xi1>, vector<16xf32>
    %get3A_310 = arith.constant 400 : index
    %get3A_311 = tpu.vector_load %arg15[%get3A_310] {strides = array<i32>} : memref<4096xf32, #tpu.memory_space<vmem>>, vector<16xf32>,
    %eq3A_312 = arith.constant 9 : i32
    %eq3A_313 = vector.broadcast %eq3A_312 : i32 to vector<16xi32>
    %eq3A_314 = arith.cmpi eq, %iota3A, %eq3A_313 : vector<16xi32>
    %reduce_sum3A_315 = arith.constant true
    %reduce_sum3A_316 = vector.broadcast %reduce_sum3A_315 : i1 to vector<16xi1>
    %reduce_sum3A_317 = tpu.scan <sum>, %get3A_311 masked %reduce_sum3A_316 : vector<16xf32>, vector<16xi1> -> vector<16xf32>
    %reduce_sum3A_318 = vector.extract %reduce_sum3A_317[15] : f32 from vector<16xf32>
    %broadcast_in_dim3A_319 = vector.broadcast %reduce_sum3A_318 : f32 to vector<16xf32>
    %select_n3A_320 = arith.select %eq3A_314, %broadcast_in_dim3A_319, %select_n3A_309 : vector<16xi1>, vector<16xf32>
    %get3A_321 = arith.constant 416 : index
    %get3A_322 = tpu.vector_load %arg15[%get3A_321] {strides = array<i32>} : memref<4096xf32, #tpu.memory_space<vmem>>, vector<16xf32>,
    %eq3A_323 = arith.constant 10 : i32
    %eq3A_324 = vector.broadcast %eq3A_323 : i32 to vector<16xi32>
    %eq3A_325 = arith.cmpi eq, %iota3A, %eq3A_324 : vector<16xi32>
    %reduce_sum3A_326 = arith.constant true
    %reduce_sum3A_327 = vector.broadcast %reduce_sum3A_326 : i1 to vector<16xi1>
    %reduce_sum3A_328 = tpu.scan <sum>, %get3A_322 masked %reduce_sum3A_327 : vector<16xf32>, vector<16xi1> -> vector<16xf32>
    %reduce_sum3A_329 = vector.extract %reduce_sum3A_328[15] : f32 from vector<16xf32>
    %broadcast_in_dim3A_330 = vector.broadcast %reduce_sum3A_329 : f32 to vector<16xf32>
    %select_n3A_331 = arith.select %eq3A_325, %broadcast_in_dim3A_330, %select_n3A_320 : vector<16xi1>, vector<16xf32>
    %get3A_332 = arith.constant 432 : index
    %get3A_333 = tpu.vector_load %arg15[%get3A_332] {strides = array<i32>} : memref<4096xf32, #tpu.memory_space<vmem>>, vector<16xf32>,
    %eq3A_334 = arith.constant 11 : i32
    %eq3A_335 = vector.broadcast %eq3A_334 : i32 to vector<16xi32>
    %eq3A_336 = arith.cmpi eq, %iota3A, %eq3A_335 : vector<16xi32>
    %reduce_sum3A_337 = arith.constant true
    %reduce_sum3A_338 = vector.broadcast %reduce_sum3A_337 : i1 to vector<16xi1>
    %reduce_sum3A_339 = tpu.scan <sum>, %get3A_333 masked %reduce_sum3A_338 : vector<16xf32>, vector<16xi1> -> vector<16xf32>
    %reduce_sum3A_340 = vector.extract %reduce_sum3A_339[15] : f32 from vector<16xf32>
    %broadcast_in_dim3A_341 = vector.broadcast %reduce_sum3A_340 : f32 to vector<16xf32>
    %select_n3A_342 = arith.select %eq3A_336, %broadcast_in_dim3A_341, %select_n3A_331 : vector<16xi1>, vector<16xf32>
    %get3A_343 = arith.constant 448 : index
    %get3A_344 = tpu.vector_load %arg15[%get3A_343] {strides = array<i32>} : memref<4096xf32, #tpu.memory_space<vmem>>, vector<16xf32>,
    %eq3A_345 = arith.constant 12 : i32
    %eq3A_346 = vector.broadcast %eq3A_345 : i32 to vector<16xi32>
    %eq3A_347 = arith.cmpi eq, %iota3A, %eq3A_346 : vector<16xi32>
    %reduce_sum3A_348 = arith.constant true
    %reduce_sum3A_349 = vector.broadcast %reduce_sum3A_348 : i1 to vector<16xi1>
    %reduce_sum3A_350 = tpu.scan <sum>, %get3A_344 masked %reduce_sum3A_349 : vector<16xf32>, vector<16xi1> -> vector<16xf32>
    %reduce_sum3A_351 = vector.extract %reduce_sum3A_350[15] : f32 from vector<16xf32>
    %broadcast_in_dim3A_352 = vector.broadcast %reduce_sum3A_351 : f32 to vector<16xf32>
    %select_n3A_353 = arith.select %eq3A_347, %broadcast_in_dim3A_352, %select_n3A_342 : vector<16xi1>, vector<16xf32>
    %get3A_354 = arith.constant 464 : index
    %get3A_355 = tpu.vector_load %arg15[%get3A_354] {strides = array<i32>} : memref<4096xf32, #tpu.memory_space<vmem>>, vector<16xf32>,
    %eq3A_356 = arith.constant 13 : i32
    %eq3A_357 = vector.broadcast %eq3A_356 : i32 to vector<16xi32>
    %eq3A_358 = arith.cmpi eq, %iota3A, %eq3A_357 : vector<16xi32>
    %reduce_sum3A_359 = arith.constant true
    %reduce_sum3A_360 = vector.broadcast %reduce_sum3A_359 : i1 to vector<16xi1>
    %reduce_sum3A_361 = tpu.scan <sum>, %get3A_355 masked %reduce_sum3A_360 : vector<16xf32>, vector<16xi1> -> vector<16xf32>
    %reduce_sum3A_362 = vector.extract %reduce_sum3A_361[15] : f32 from vector<16xf32>
    %broadcast_in_dim3A_363 = vector.broadcast %reduce_sum3A_362 : f32 to vector<16xf32>
    %select_n3A_364 = arith.select %eq3A_358, %broadcast_in_dim3A_363, %select_n3A_353 : vector<16xi1>, vector<16xf32>
    %get3A_365 = arith.constant 480 : index
    %get3A_366 = tpu.vector_load %arg15[%get3A_365] {strides = array<i32>} : memref<4096xf32, #tpu.memory_space<vmem>>, vector<16xf32>,
    %eq3A_367 = arith.constant 14 : i32
    %eq3A_368 = vector.broadcast %eq3A_367 : i32 to vector<16xi32>
    %eq3A_369 = arith.cmpi eq, %iota3A, %eq3A_368 : vector<16xi32>
    %reduce_sum3A_370 = arith.constant true
    %reduce_sum3A_371 = vector.broadcast %reduce_sum3A_370 : i1 to vector<16xi1>
    %reduce_sum3A_372 = tpu.scan <sum>, %get3A_366 masked %reduce_sum3A_371 : vector<16xf32>, vector<16xi1> -> vector<16xf32>
    %reduce_sum3A_373 = vector.extract %reduce_sum3A_372[15] : f32 from vector<16xf32>
    %broadcast_in_dim3A_374 = vector.broadcast %reduce_sum3A_373 : f32 to vector<16xf32>
    %select_n3A_375 = arith.select %eq3A_369, %broadcast_in_dim3A_374, %select_n3A_364 : vector<16xi1>, vector<16xf32>
    %get3A_376 = arith.constant 496 : index
    %get3A_377 = tpu.vector_load %arg15[%get3A_376] {strides = array<i32>} : memref<4096xf32, #tpu.memory_space<vmem>>, vector<16xf32>,
    %eq3A_378 = arith.constant 15 : i32
    %eq3A_379 = vector.broadcast %eq3A_378 : i32 to vector<16xi32>
    %eq3A_380 = arith.cmpi eq, %iota3A, %eq3A_379 : vector<16xi32>
    %reduce_sum3A_381 = arith.constant true
    %reduce_sum3A_382 = vector.broadcast %reduce_sum3A_381 : i1 to vector<16xi1>
    %reduce_sum3A_383 = tpu.scan <sum>, %get3A_377 masked %reduce_sum3A_382 : vector<16xf32>, vector<16xi1> -> vector<16xf32>
    %reduce_sum3A_384 = vector.extract %reduce_sum3A_383[15] : f32 from vector<16xf32>
    %broadcast_in_dim3A_385 = vector.broadcast %reduce_sum3A_384 : f32 to vector<16xf32>
    %select_n3A_386 = arith.select %eq3A_380, %broadcast_in_dim3A_385, %select_n3A_375 : vector<16xi1>, vector<16xf32>
    %swap3A_387 = arith.constant 16 : index
    %swap3A_388 = tpu.vector_load %arg16[%swap3A_387] {strides = array<i32>} : memref<256xf32, #tpu.memory_space<vmem>>, vector<16xf32>,
    tpu.vector_store %arg16[%swap3A_387], %select_n3A_386 {strides = array<i32>} : memref<256xf32, #tpu.memory_space<vmem>>, vector<16xf32>,
    %broadcast_in_dim3A_389 = arith.constant 0.000000e+00 : f32
    %broadcast_in_dim3A_390 = vector.broadcast %broadcast_in_dim3A_389 : f32 to vector<16xf32>
    %get3A_391 = arith.constant 512 : index
    %get3A_392 = tpu.vector_load %arg15[%get3A_391] {strides = array<i32>} : memref<4096xf32, #tpu.memory_space<vmem>>, vector<16xf32>,
    %eq3A_393 = arith.constant 0 : i32
    %eq3A_394 = vector.broadcast %eq3A_393 : i32 to vector<16xi32>
    %eq3A_395 = arith.cmpi eq, %iota3A, %eq3A_394 : vector<16xi32>
    %reduce_sum3A_396 = arith.constant true
    %reduce_sum3A_397 = vector.broadcast %reduce_sum3A_396 : i1 to vector<16xi1>
    %reduce_sum3A_398 = tpu.scan <sum>, %get3A_392 masked %reduce_sum3A_397 : vector<16xf32>, vector<16xi1> -> vector<16xf32>
    %reduce_sum3A_399 = vector.extract %reduce_sum3A_398[15] : f32 from vector<16xf32>
    %broadcast_in_dim3A_400 = vector.broadcast %reduce_sum3A_399 : f32 to vector<16xf32>
    %select_n3A_401 = arith.select %eq3A_395, %broadcast_in_dim3A_400, %broadcast_in_dim3A_390 : vector<16xi1>, vector<16xf32>
    %get3A_402 = arith.constant 528 : index
    %get3A_403 = tpu.vector_load %arg15[%get3A_402] {strides = array<i32>} : memref<4096xf32, #tpu.memory_space<vmem>>, vector<16xf32>,
    %eq3A_404 = arith.constant 1 : i32
    %eq3A_405 = vector.broadcast %eq3A_404 : i32 to vector<16xi32>
    %eq3A_406 = arith.cmpi eq, %iota3A, %eq3A_405 : vector<16xi32>
    %reduce_sum3A_407 = arith.constant true
    %reduce_sum3A_408 = vector.broadcast %reduce_sum3A_407 : i1 to vector<16xi1>
    %reduce_sum3A_409 = tpu.scan <sum>, %get3A_403 masked %reduce_sum3A_408 : vector<16xf32>, vector<16xi1> -> vector<16xf32>
    %reduce_sum3A_410 = vector.extract %reduce_sum3A_409[15] : f32 from vector<16xf32>
    %broadcast_in_dim3A_411 = vector.broadcast %reduce_sum3A_410 : f32 to vector<16xf32>
    %select_n3A_412 = arith.select %eq3A_406, %broadcast_in_dim3A_411, %select_n3A_401 : vector<16xi1>, vector<16xf32>
    %get3A_413 = arith.constant 544 : index
    %get3A_414 = tpu.vector_load %arg15[%get3A_413] {strides = array<i32>} : memref<4096xf32, #tpu.memory_space<vmem>>, vector<16xf32>,
    %eq3A_415 = arith.constant 2 : i32
    %eq3A_416 = vector.broadcast %eq3A_415 : i32 to vector<16xi32>
    %eq3A_417 = arith.cmpi eq, %iota3A, %eq3A_416 : vector<16xi32>
    %reduce_sum3A_418 = arith.constant true
    %reduce_sum3A_419 = vector.broadcast %reduce_sum3A_418 : i1 to vector<16xi1>
    %reduce_sum3A_420 = tpu.scan <sum>, %get3A_414 masked %reduce_sum3A_419 : vector<16xf32>, vector<16xi1> -> vector<16xf32>
    %reduce_sum3A_421 = vector.extract %reduce_sum3A_420[15] : f32 from vector<16xf32>
    %broadcast_in_dim3A_422 = vector.broadcast %reduce_sum3A_421 : f32 to vector<16xf32>
    %select_n3A_423 = arith.select %eq3A_417, %broadcast_in_dim3A_422, %select_n3A_412 : vector<16xi1>, vector<16xf32>
    %get3A_424 = arith.constant 560 : index
    %get3A_425 = tpu.vector_load %arg15[%get3A_424] {strides = array<i32>} : memref<4096xf32, #tpu.memory_space<vmem>>, vector<16xf32>,
    %eq3A_426 = arith.constant 3 : i32
    %eq3A_427 = vector.broadcast %eq3A_426 : i32 to vector<16xi32>
    %eq3A_428 = arith.cmpi eq, %iota3A, %eq3A_427 : vector<16xi32>
    %reduce_sum3A_429 = arith.constant true
    %reduce_sum3A_430 = vector.broadcast %reduce_sum3A_429 : i1 to vector<16xi1>
    %reduce_sum3A_431 = tpu.scan <sum>, %get3A_425 masked %reduce_sum3A_430 : vector<16xf32>, vector<16xi1> -> vector<16xf32>
    %reduce_sum3A_432 = vector.extract %reduce_sum3A_431[15] : f32 from vector<16xf32>
    %broadcast_in_dim3A_433 = vector.broadcast %reduce_sum3A_432 : f32 to vector<16xf32>
    %select_n3A_434 = arith.select %eq3A_428, %broadcast_in_dim3A_433, %select_n3A_423 : vector<16xi1>, vector<16xf32>
    %get3A_435 = arith.constant 576 : index
    %get3A_436 = tpu.vector_load %arg15[%get3A_435] {strides = array<i32>} : memref<4096xf32, #tpu.memory_space<vmem>>, vector<16xf32>,
    %eq3A_437 = arith.constant 4 : i32
    %eq3A_438 = vector.broadcast %eq3A_437 : i32 to vector<16xi32>
    %eq3A_439 = arith.cmpi eq, %iota3A, %eq3A_438 : vector<16xi32>
    %reduce_sum3A_440 = arith.constant true
    %reduce_sum3A_441 = vector.broadcast %reduce_sum3A_440 : i1 to vector<16xi1>
    %reduce_sum3A_442 = tpu.scan <sum>, %get3A_436 masked %reduce_sum3A_441 : vector<16xf32>, vector<16xi1> -> vector<16xf32>
    %reduce_sum3A_443 = vector.extract %reduce_sum3A_442[15] : f32 from vector<16xf32>
    %broadcast_in_dim3A_444 = vector.broadcast %reduce_sum3A_443 : f32 to vector<16xf32>
    %select_n3A_445 = arith.select %eq3A_439, %broadcast_in_dim3A_444, %select_n3A_434 : vector<16xi1>, vector<16xf32>
    %get3A_446 = arith.constant 592 : index
    %get3A_447 = tpu.vector_load %arg15[%get3A_446] {strides = array<i32>} : memref<4096xf32, #tpu.memory_space<vmem>>, vector<16xf32>,
    %eq3A_448 = arith.constant 5 : i32
    %eq3A_449 = vector.broadcast %eq3A_448 : i32 to vector<16xi32>
    %eq3A_450 = arith.cmpi eq, %iota3A, %eq3A_449 : vector<16xi32>
    %reduce_sum3A_451 = arith.constant true
    %reduce_sum3A_452 = vector.broadcast %reduce_sum3A_451 : i1 to vector<16xi1>
    %reduce_sum3A_453 = tpu.scan <sum>, %get3A_447 masked %reduce_sum3A_452 : vector<16xf32>, vector<16xi1> -> vector<16xf32>
    %reduce_sum3A_454 = vector.extract %reduce_sum3A_453[15] : f32 from vector<16xf32>
    %broadcast_in_dim3A_455 = vector.broadcast %reduce_sum3A_454 : f32 to vector<16xf32>
    %select_n3A_456 = arith.select %eq3A_450, %broadcast_in_dim3A_455, %select_n3A_445 : vector<16xi1>, vector<16xf32>
    %get3A_457 = arith.constant 608 : index
    %get3A_458 = tpu.vector_load %arg15[%get3A_457] {strides = array<i32>} : memref<4096xf32, #tpu.memory_space<vmem>>, vector<16xf32>,
    %eq3A_459 = arith.constant 6 : i32
    %eq3A_460 = vector.broadcast %eq3A_459 : i32 to vector<16xi32>
    %eq3A_461 = arith.cmpi eq, %iota3A, %eq3A_460 : vector<16xi32>
    %reduce_sum3A_462 = arith.constant true
    %reduce_sum3A_463 = vector.broadcast %reduce_sum3A_462 : i1 to vector<16xi1>
    %reduce_sum3A_464 = tpu.scan <sum>, %get3A_458 masked %reduce_sum3A_463 : vector<16xf32>, vector<16xi1> -> vector<16xf32>
    %reduce_sum3A_465 = vector.extract %reduce_sum3A_464[15] : f32 from vector<16xf32>
    %broadcast_in_dim3A_466 = vector.broadcast %reduce_sum3A_465 : f32 to vector<16xf32>
    %select_n3A_467 = arith.select %eq3A_461, %broadcast_in_dim3A_466, %select_n3A_456 : vector<16xi1>, vector<16xf32>
    %get3A_468 = arith.constant 624 : index
    %get3A_469 = tpu.vector_load %arg15[%get3A_468] {strides = array<i32>} : memref<4096xf32, #tpu.memory_space<vmem>>, vector<16xf32>,
    %eq3A_470 = arith.constant 7 : i32
    %eq3A_471 = vector.broadcast %eq3A_470 : i32 to vector<16xi32>
    %eq3A_472 = arith.cmpi eq, %iota3A, %eq3A_471 : vector<16xi32>
    %reduce_sum3A_473 = arith.constant true
    %reduce_sum3A_474 = vector.broadcast %reduce_sum3A_473 : i1 to vector<16xi1>
    %reduce_sum3A_475 = tpu.scan <sum>, %get3A_469 masked %reduce_sum3A_474 : vector<16xf32>, vector<16xi1> -> vector<16xf32>
    %reduce_sum3A_476 = vector.extract %reduce_sum3A_475[15] : f32 from vector<16xf32>
    %broadcast_in_dim3A_477 = vector.broadcast %reduce_sum3A_476 : f32 to vector<16xf32>
    %select_n3A_478 = arith.select %eq3A_472, %broadcast_in_dim3A_477, %select_n3A_467 : vector<16xi1>, vector<16xf32>
    %get3A_479 = arith.constant 640 : index
    %get3A_480 = tpu.vector_load %arg15[%get3A_479] {strides = array<i32>} : memref<4096xf32, #tpu.memory_space<vmem>>, vector<16xf32>,
    %eq3A_481 = arith.constant 8 : i32
    %eq3A_482 = vector.broadcast %eq3A_481 : i32 to vector<16xi32>
    %eq3A_483 = arith.cmpi eq, %iota3A, %eq3A_482 : vector<16xi32>
    %reduce_sum3A_484 = arith.constant true
    %reduce_sum3A_485 = vector.broadcast %reduce_sum3A_484 : i1 to vector<16xi1>
    %reduce_sum3A_486 = tpu.scan <sum>, %get3A_480 masked %reduce_sum3A_485 : vector<16xf32>, vector<16xi1> -> vector<16xf32>
    %reduce_sum3A_487 = vector.extract %reduce_sum3A_486[15] : f32 from vector<16xf32>
    %broadcast_in_dim3A_488 = vector.broadcast %reduce_sum3A_487 : f32 to vector<16xf32>
    %select_n3A_489 = arith.select %eq3A_483, %broadcast_in_dim3A_488, %select_n3A_478 : vector<16xi1>, vector<16xf32>
    %get3A_490 = arith.constant 656 : index
    %get3A_491 = tpu.vector_load %arg15[%get3A_490] {strides = array<i32>} : memref<4096xf32, #tpu.memory_space<vmem>>, vector<16xf32>,
    %eq3A_492 = arith.constant 9 : i32
    %eq3A_493 = vector.broadcast %eq3A_492 : i32 to vector<16xi32>
    %eq3A_494 = arith.cmpi eq, %iota3A, %eq3A_493 : vector<16xi32>
    %reduce_sum3A_495 = arith.constant true
    %reduce_sum3A_496 = vector.broadcast %reduce_sum3A_495 : i1 to vector<16xi1>
    %reduce_sum3A_497 = tpu.scan <sum>, %get3A_491 masked %reduce_sum3A_496 : vector<16xf32>, vector<16xi1> -> vector<16xf32>
    %reduce_sum3A_498 = vector.extract %reduce_sum3A_497[15] : f32 from vector<16xf32>
    %broadcast_in_dim3A_499 = vector.broadcast %reduce_sum3A_498 : f32 to vector<16xf32>
    %select_n3A_500 = arith.select %eq3A_494, %broadcast_in_dim3A_499, %select_n3A_489 : vector<16xi1>, vector<16xf32>
    %get3A_501 = arith.constant 672 : index
    %get3A_502 = tpu.vector_load %arg15[%get3A_501] {strides = array<i32>} : memref<4096xf32, #tpu.memory_space<vmem>>, vector<16xf32>,
    %eq3A_503 = arith.constant 10 : i32
    %eq3A_504 = vector.broadcast %eq3A_503 : i32 to vector<16xi32>
    %eq3A_505 = arith.cmpi eq, %iota3A, %eq3A_504 : vector<16xi32>
    %reduce_sum3A_506 = arith.constant true
    %reduce_sum3A_507 = vector.broadcast %reduce_sum3A_506 : i1 to vector<16xi1>
    %reduce_sum3A_508 = tpu.scan <sum>, %get3A_502 masked %reduce_sum3A_507 : vector<16xf32>, vector<16xi1> -> vector<16xf32>
    %reduce_sum3A_509 = vector.extract %reduce_sum3A_508[15] : f32 from vector<16xf32>
    %broadcast_in_dim3A_510 = vector.broadcast %reduce_sum3A_509 : f32 to vector<16xf32>
    %select_n3A_511 = arith.select %eq3A_505, %broadcast_in_dim3A_510, %select_n3A_500 : vector<16xi1>, vector<16xf32>
    %get3A_512 = arith.constant 688 : index
    %get3A_513 = tpu.vector_load %arg15[%get3A_512] {strides = array<i32>} : memref<4096xf32, #tpu.memory_space<vmem>>, vector<16xf32>,
    %eq3A_514 = arith.constant 11 : i32
    %eq3A_515 = vector.broadcast %eq3A_514 : i32 to vector<16xi32>
    %eq3A_516 = arith.cmpi eq, %iota3A, %eq3A_515 : vector<16xi32>
    %reduce_sum3A_517 = arith.constant true
    %reduce_sum3A_518 = vector.broadcast %reduce_sum3A_517 : i1 to vector<16xi1>
    %reduce_sum3A_519 = tpu.scan <sum>, %get3A_513 masked %reduce_sum3A_518 : vector<16xf32>, vector<16xi1> -> vector<16xf32>
    %reduce_sum3A_520 = vector.extract %reduce_sum3A_519[15] : f32 from vector<16xf32>
    %broadcast_in_dim3A_521 = vector.broadcast %reduce_sum3A_520 : f32 to vector<16xf32>
    %select_n3A_522 = arith.select %eq3A_516, %broadcast_in_dim3A_521, %select_n3A_511 : vector<16xi1>, vector<16xf32>
    %get3A_523 = arith.constant 704 : index
    %get3A_524 = tpu.vector_load %arg15[%get3A_523] {strides = array<i32>} : memref<4096xf32, #tpu.memory_space<vmem>>, vector<16xf32>,
    %eq3A_525 = arith.constant 12 : i32
    %eq3A_526 = vector.broadcast %eq3A_525 : i32 to vector<16xi32>
    %eq3A_527 = arith.cmpi eq, %iota3A, %eq3A_526 : vector<16xi32>
    %reduce_sum3A_528 = arith.constant true
    %reduce_sum3A_529 = vector.broadcast %reduce_sum3A_528 : i1 to vector<16xi1>
    %reduce_sum3A_530 = tpu.scan <sum>, %get3A_524 masked %reduce_sum3A_529 : vector<16xf32>, vector<16xi1> -> vector<16xf32>
    %reduce_sum3A_531 = vector.extract %reduce_sum3A_530[15] : f32 from vector<16xf32>
    %broadcast_in_dim3A_532 = vector.broadcast %reduce_sum3A_531 : f32 to vector<16xf32>
    %select_n3A_533 = arith.select %eq3A_527, %broadcast_in_dim3A_532, %select_n3A_522 : vector<16xi1>, vector<16xf32>
    %get3A_534 = arith.constant 720 : index
    %get3A_535 = tpu.vector_load %arg15[%get3A_534] {strides = array<i32>} : memref<4096xf32, #tpu.memory_space<vmem>>, vector<16xf32>,
    %eq3A_536 = arith.constant 13 : i32
    %eq3A_537 = vector.broadcast %eq3A_536 : i32 to vector<16xi32>
    %eq3A_538 = arith.cmpi eq, %iota3A, %eq3A_537 : vector<16xi32>
    %reduce_sum3A_539 = arith.constant true
    %reduce_sum3A_540 = vector.broadcast %reduce_sum3A_539 : i1 to vector<16xi1>
    %reduce_sum3A_541 = tpu.scan <sum>, %get3A_535 masked %reduce_sum3A_540 : vector<16xf32>, vector<16xi1> -> vector<16xf32>
    %reduce_sum3A_542 = vector.extract %reduce_sum3A_541[15] : f32 from vector<16xf32>
    %broadcast_in_dim3A_543 = vector.broadcast %reduce_sum3A_542 : f32 to vector<16xf32>
    %select_n3A_544 = arith.select %eq3A_538, %broadcast_in_dim3A_543, %select_n3A_533 : vector<16xi1>, vector<16xf32>
    %get3A_545 = arith.constant 736 : index
    %get3A_546 = tpu.vector_load %arg15[%get3A_545] {strides = array<i32>} : memref<4096xf32, #tpu.memory_space<vmem>>, vector<16xf32>,
    %eq3A_547 = arith.constant 14 : i32
    %eq3A_548 = vector.broadcast %eq3A_547 : i32 to vector<16xi32>
    %eq3A_549 = arith.cmpi eq, %iota3A, %eq3A_548 : vector<16xi32>
    %reduce_sum3A_550 = arith.constant true
    %reduce_sum3A_551 = vector.broadcast %reduce_sum3A_550 : i1 to vector<16xi1>
    %reduce_sum3A_552 = tpu.scan <sum>, %get3A_546 masked %reduce_sum3A_551 : vector<16xf32>, vector<16xi1> -> vector<16xf32>
    %reduce_sum3A_553 = vector.extract %reduce_sum3A_552[15] : f32 from vector<16xf32>
    %broadcast_in_dim3A_554 = vector.broadcast %reduce_sum3A_553 : f32 to vector<16xf32>
    %select_n3A_555 = arith.select %eq3A_549, %broadcast_in_dim3A_554, %select_n3A_544 : vector<16xi1>, vector<16xf32>
    %get3A_556 = arith.constant 752 : index
    %get3A_557 = tpu.vector_load %arg15[%get3A_556] {strides = array<i32>} : memref<4096xf32, #tpu.memory_space<vmem>>, vector<16xf32>,
    %eq3A_558 = arith.constant 15 : i32
    %eq3A_559 = vector.broadcast %eq3A_558 : i32 to vector<16xi32>
    %eq3A_560 = arith.cmpi eq, %iota3A, %eq3A_559 : vector<16xi32>
    %reduce_sum3A_561 = arith.constant true
    %reduce_sum3A_562 = vector.broadcast %reduce_sum3A_561 : i1 to vector<16xi1>
    %reduce_sum3A_563 = tpu.scan <sum>, %get3A_557 masked %reduce_sum3A_562 : vector<16xf32>, vector<16xi1> -> vector<16xf32>
    %reduce_sum3A_564 = vector.extract %reduce_sum3A_563[15] : f32 from vector<16xf32>
    %broadcast_in_dim3A_565 = vector.broadcast %reduce_sum3A_564 : f32 to vector<16xf32>
    %select_n3A_566 = arith.select %eq3A_560, %broadcast_in_dim3A_565, %select_n3A_555 : vector<16xi1>, vector<16xf32>
    %swap3A_567 = arith.constant 32 : index
    %swap3A_568 = tpu.vector_load %arg16[%swap3A_567] {strides = array<i32>} : memref<256xf32, #tpu.memory_space<vmem>>, vector<16xf32>,
    tpu.vector_store %arg16[%swap3A_567], %select_n3A_566 {strides = array<i32>} : memref<256xf32, #tpu.memory_space<vmem>>, vector<16xf32>,
    %broadcast_in_dim3A_569 = arith.constant 0.000000e+00 : f32
    %broadcast_in_dim3A_570 = vector.broadcast %broadcast_in_dim3A_569 : f32 to vector<16xf32>
    %get3A_571 = arith.constant 768 : index
    %get3A_572 = tpu.vector_load %arg15[%get3A_571] {strides = array<i32>} : memref<4096xf32, #tpu.memory_space<vmem>>, vector<16xf32>,
    %eq3A_573 = arith.constant 0 : i32
    %eq3A_574 = vector.broadcast %eq3A_573 : i32 to vector<16xi32>
    %eq3A_575 = arith.cmpi eq, %iota3A, %eq3A_574 : vector<16xi32>
    %reduce_sum3A_576 = arith.constant true
    %reduce_sum3A_577 = vector.broadcast %reduce_sum3A_576 : i1 to vector<16xi1>
    %reduce_sum3A_578 = tpu.scan <sum>, %get3A_572 masked %reduce_sum3A_577 : vector<16xf32>, vector<16xi1> -> vector<16xf32>
    %reduce_sum3A_579 = vector.extract %reduce_sum3A_578[15] : f32 from vector<16xf32>
    %broadcast_in_dim3A_580 = vector.broadcast %reduce_sum3A_579 : f32 to vector<16xf32>
    %select_n3A_581 = arith.select %eq3A_575, %broadcast_in_dim3A_580, %broadcast_in_dim3A_570 : vector<16xi1>, vector<16xf32>
    %get3A_582 = arith.constant 784 : index
    %get3A_583 = tpu.vector_load %arg15[%get3A_582] {strides = array<i32>} : memref<4096xf32, #tpu.memory_space<vmem>>, vector<16xf32>,
    %eq3A_584 = arith.constant 1 : i32
    %eq3A_585 = vector.broadcast %eq3A_584 : i32 to vector<16xi32>
    %eq3A_586 = arith.cmpi eq, %iota3A, %eq3A_585 : vector<16xi32>
    %reduce_sum3A_587 = arith.constant true
    %reduce_sum3A_588 = vector.broadcast %reduce_sum3A_587 : i1 to vector<16xi1>
    %reduce_sum3A_589 = tpu.scan <sum>, %get3A_583 masked %reduce_sum3A_588 : vector<16xf32>, vector<16xi1> -> vector<16xf32>
    %reduce_sum3A_590 = vector.extract %reduce_sum3A_589[15] : f32 from vector<16xf32>
    %broadcast_in_dim3A_591 = vector.broadcast %reduce_sum3A_590 : f32 to vector<16xf32>
    %select_n3A_592 = arith.select %eq3A_586, %broadcast_in_dim3A_591, %select_n3A_581 : vector<16xi1>, vector<16xf32>
    %get3A_593 = arith.constant 800 : index
    %get3A_594 = tpu.vector_load %arg15[%get3A_593] {strides = array<i32>} : memref<4096xf32, #tpu.memory_space<vmem>>, vector<16xf32>,
    %eq3A_595 = arith.constant 2 : i32
    %eq3A_596 = vector.broadcast %eq3A_595 : i32 to vector<16xi32>
    %eq3A_597 = arith.cmpi eq, %iota3A, %eq3A_596 : vector<16xi32>
    %reduce_sum3A_598 = arith.constant true
    %reduce_sum3A_599 = vector.broadcast %reduce_sum3A_598 : i1 to vector<16xi1>
    %reduce_sum3A_600 = tpu.scan <sum>, %get3A_594 masked %reduce_sum3A_599 : vector<16xf32>, vector<16xi1> -> vector<16xf32>
    %reduce_sum3A_601 = vector.extract %reduce_sum3A_600[15] : f32 from vector<16xf32>
    %broadcast_in_dim3A_602 = vector.broadcast %reduce_sum3A_601 : f32 to vector<16xf32>
    %select_n3A_603 = arith.select %eq3A_597, %broadcast_in_dim3A_602, %select_n3A_592 : vector<16xi1>, vector<16xf32>
    %get3A_604 = arith.constant 816 : index
    %get3A_605 = tpu.vector_load %arg15[%get3A_604] {strides = array<i32>} : memref<4096xf32, #tpu.memory_space<vmem>>, vector<16xf32>,
    %eq3A_606 = arith.constant 3 : i32
    %eq3A_607 = vector.broadcast %eq3A_606 : i32 to vector<16xi32>
    %eq3A_608 = arith.cmpi eq, %iota3A, %eq3A_607 : vector<16xi32>
    %reduce_sum3A_609 = arith.constant true
    %reduce_sum3A_610 = vector.broadcast %reduce_sum3A_609 : i1 to vector<16xi1>
    %reduce_sum3A_611 = tpu.scan <sum>, %get3A_605 masked %reduce_sum3A_610 : vector<16xf32>, vector<16xi1> -> vector<16xf32>
    %reduce_sum3A_612 = vector.extract %reduce_sum3A_611[15] : f32 from vector<16xf32>
    %broadcast_in_dim3A_613 = vector.broadcast %reduce_sum3A_612 : f32 to vector<16xf32>
    %select_n3A_614 = arith.select %eq3A_608, %broadcast_in_dim3A_613, %select_n3A_603 : vector<16xi1>, vector<16xf32>
    %get3A_615 = arith.constant 832 : index
    %get3A_616 = tpu.vector_load %arg15[%get3A_615] {strides = array<i32>} : memref<4096xf32, #tpu.memory_space<vmem>>, vector<16xf32>,
    %eq3A_617 = arith.constant 4 : i32
    %eq3A_618 = vector.broadcast %eq3A_617 : i32 to vector<16xi32>
    %eq3A_619 = arith.cmpi eq, %iota3A, %eq3A_618 : vector<16xi32>
    %reduce_sum3A_620 = arith.constant true
    %reduce_sum3A_621 = vector.broadcast %reduce_sum3A_620 : i1 to vector<16xi1>
    %reduce_sum3A_622 = tpu.scan <sum>, %get3A_616 masked %reduce_sum3A_621 : vector<16xf32>, vector<16xi1> -> vector<16xf32>
    %reduce_sum3A_623 = vector.extract %reduce_sum3A_622[15] : f32 from vector<16xf32>
    %broadcast_in_dim3A_624 = vector.broadcast %reduce_sum3A_623 : f32 to vector<16xf32>
    %select_n3A_625 = arith.select %eq3A_619, %broadcast_in_dim3A_624, %select_n3A_614 : vector<16xi1>, vector<16xf32>
    %get3A_626 = arith.constant 848 : index
    %get3A_627 = tpu.vector_load %arg15[%get3A_626] {strides = array<i32>} : memref<4096xf32, #tpu.memory_space<vmem>>, vector<16xf32>,
    %eq3A_628 = arith.constant 5 : i32
    %eq3A_629 = vector.broadcast %eq3A_628 : i32 to vector<16xi32>
    %eq3A_630 = arith.cmpi eq, %iota3A, %eq3A_629 : vector<16xi32>
    %reduce_sum3A_631 = arith.constant true
    %reduce_sum3A_632 = vector.broadcast %reduce_sum3A_631 : i1 to vector<16xi1>
    %reduce_sum3A_633 = tpu.scan <sum>, %get3A_627 masked %reduce_sum3A_632 : vector<16xf32>, vector<16xi1> -> vector<16xf32>
    %reduce_sum3A_634 = vector.extract %reduce_sum3A_633[15] : f32 from vector<16xf32>
    %broadcast_in_dim3A_635 = vector.broadcast %reduce_sum3A_634 : f32 to vector<16xf32>
    %select_n3A_636 = arith.select %eq3A_630, %broadcast_in_dim3A_635, %select_n3A_625 : vector<16xi1>, vector<16xf32>
    %get3A_637 = arith.constant 864 : index
    %get3A_638 = tpu.vector_load %arg15[%get3A_637] {strides = array<i32>} : memref<4096xf32, #tpu.memory_space<vmem>>, vector<16xf32>,
    %eq3A_639 = arith.constant 6 : i32
    %eq3A_640 = vector.broadcast %eq3A_639 : i32 to vector<16xi32>
    %eq3A_641 = arith.cmpi eq, %iota3A, %eq3A_640 : vector<16xi32>
    %reduce_sum3A_642 = arith.constant true
    %reduce_sum3A_643 = vector.broadcast %reduce_sum3A_642 : i1 to vector<16xi1>
    %reduce_sum3A_644 = tpu.scan <sum>, %get3A_638 masked %reduce_sum3A_643 : vector<16xf32>, vector<16xi1> -> vector<16xf32>
    %reduce_sum3A_645 = vector.extract %reduce_sum3A_644[15] : f32 from vector<16xf32>
    %broadcast_in_dim3A_646 = vector.broadcast %reduce_sum3A_645 : f32 to vector<16xf32>
    %select_n3A_647 = arith.select %eq3A_641, %broadcast_in_dim3A_646, %select_n3A_636 : vector<16xi1>, vector<16xf32>
    %get3A_648 = arith.constant 880 : index
    %get3A_649 = tpu.vector_load %arg15[%get3A_648] {strides = array<i32>} : memref<4096xf32, #tpu.memory_space<vmem>>, vector<16xf32>,
    %eq3A_650 = arith.constant 7 : i32
    %eq3A_651 = vector.broadcast %eq3A_650 : i32 to vector<16xi32>
    %eq3A_652 = arith.cmpi eq, %iota3A, %eq3A_651 : vector<16xi32>
    %reduce_sum3A_653 = arith.constant true
    %reduce_sum3A_654 = vector.broadcast %reduce_sum3A_653 : i1 to vector<16xi1>
    %reduce_sum3A_655 = tpu.scan <sum>, %get3A_649 masked %reduce_sum3A_654 : vector<16xf32>, vector<16xi1> -> vector<16xf32>
    %reduce_sum3A_656 = vector.extract %reduce_sum3A_655[15] : f32 from vector<16xf32>
    %broadcast_in_dim3A_657 = vector.broadcast %reduce_sum3A_656 : f32 to vector<16xf32>
    %select_n3A_658 = arith.select %eq3A_652, %broadcast_in_dim3A_657, %select_n3A_647 : vector<16xi1>, vector<16xf32>
    %get3A_659 = arith.constant 896 : index
    %get3A_660 = tpu.vector_load %arg15[%get3A_659] {strides = array<i32>} : memref<4096xf32, #tpu.memory_space<vmem>>, vector<16xf32>,
    %eq3A_661 = arith.constant 8 : i32
    %eq3A_662 = vector.broadcast %eq3A_661 : i32 to vector<16xi32>
    %eq3A_663 = arith.cmpi eq, %iota3A, %eq3A_662 : vector<16xi32>
    %reduce_sum3A_664 = arith.constant true
    %reduce_sum3A_665 = vector.broadcast %reduce_sum3A_664 : i1 to vector<16xi1>
    %reduce_sum3A_666 = tpu.scan <sum>, %get3A_660 masked %reduce_sum3A_665 : vector<16xf32>, vector<16xi1> -> vector<16xf32>
    %reduce_sum3A_667 = vector.extract %reduce_sum3A_666[15] : f32 from vector<16xf32>
    %broadcast_in_dim3A_668 = vector.broadcast %reduce_sum3A_667 : f32 to vector<16xf32>
    %select_n3A_669 = arith.select %eq3A_663, %broadcast_in_dim3A_668, %select_n3A_658 : vector<16xi1>, vector<16xf32>
    %get3A_670 = arith.constant 912 : index
    %get3A_671 = tpu.vector_load %arg15[%get3A_670] {strides = array<i32>} : memref<4096xf32, #tpu.memory_space<vmem>>, vector<16xf32>,
    %eq3A_672 = arith.constant 9 : i32
    %eq3A_673 = vector.broadcast %eq3A_672 : i32 to vector<16xi32>
    %eq3A_674 = arith.cmpi eq, %iota3A, %eq3A_673 : vector<16xi32>
    %reduce_sum3A_675 = arith.constant true
    %reduce_sum3A_676 = vector.broadcast %reduce_sum3A_675 : i1 to vector<16xi1>
    %reduce_sum3A_677 = tpu.scan <sum>, %get3A_671 masked %reduce_sum3A_676 : vector<16xf32>, vector<16xi1> -> vector<16xf32>
    %reduce_sum3A_678 = vector.extract %reduce_sum3A_677[15] : f32 from vector<16xf32>
    %broadcast_in_dim3A_679 = vector.broadcast %reduce_sum3A_678 : f32 to vector<16xf32>
    %select_n3A_680 = arith.select %eq3A_674, %broadcast_in_dim3A_679, %select_n3A_669 : vector<16xi1>, vector<16xf32>
    %get3A_681 = arith.constant 928 : index
    %get3A_682 = tpu.vector_load %arg15[%get3A_681] {strides = array<i32>} : memref<4096xf32, #tpu.memory_space<vmem>>, vector<16xf32>,
    %eq3A_683 = arith.constant 10 : i32
    %eq3A_684 = vector.broadcast %eq3A_683 : i32 to vector<16xi32>
    %eq3A_685 = arith.cmpi eq, %iota3A, %eq3A_684 : vector<16xi32>
    %reduce_sum3A_686 = arith.constant true
    %reduce_sum3A_687 = vector.broadcast %reduce_sum3A_686 : i1 to vector<16xi1>
    %reduce_sum3A_688 = tpu.scan <sum>, %get3A_682 masked %reduce_sum3A_687 : vector<16xf32>, vector<16xi1> -> vector<16xf32>
    %reduce_sum3A_689 = vector.extract %reduce_sum3A_688[15] : f32 from vector<16xf32>
    %broadcast_in_dim3A_690 = vector.broadcast %reduce_sum3A_689 : f32 to vector<16xf32>
    %select_n3A_691 = arith.select %eq3A_685, %broadcast_in_dim3A_690, %select_n3A_680 : vector<16xi1>, vector<16xf32>
    %get3A_692 = arith.constant 944 : index
    %get3A_693 = tpu.vector_load %arg15[%get3A_692] {strides = array<i32>} : memref<4096xf32, #tpu.memory_space<vmem>>, vector<16xf32>,
    %eq3A_694 = arith.constant 11 : i32
    %eq3A_695 = vector.broadcast %eq3A_694 : i32 to vector<16xi32>
    %eq3A_696 = arith.cmpi eq, %iota3A, %eq3A_695 : vector<16xi32>
    %reduce_sum3A_697 = arith.constant true
    %reduce_sum3A_698 = vector.broadcast %reduce_sum3A_697 : i1 to vector<16xi1>
    %reduce_sum3A_699 = tpu.scan <sum>, %get3A_693 masked %reduce_sum3A_698 : vector<16xf32>, vector<16xi1> -> vector<16xf32>
    %reduce_sum3A_700 = vector.extract %reduce_sum3A_699[15] : f32 from vector<16xf32>
    %broadcast_in_dim3A_701 = vector.broadcast %reduce_sum3A_700 : f32 to vector<16xf32>
    %select_n3A_702 = arith.select %eq3A_696, %broadcast_in_dim3A_701, %select_n3A_691 : vector<16xi1>, vector<16xf32>
    %get3A_703 = arith.constant 960 : index
    %get3A_704 = tpu.vector_load %arg15[%get3A_703] {strides = array<i32>} : memref<4096xf32, #tpu.memory_space<vmem>>, vector<16xf32>,
    %eq3A_705 = arith.constant 12 : i32
    %eq3A_706 = vector.broadcast %eq3A_705 : i32 to vector<16xi32>
    %eq3A_707 = arith.cmpi eq, %iota3A, %eq3A_706 : vector<16xi32>
    %reduce_sum3A_708 = arith.constant true
    %reduce_sum3A_709 = vector.broadcast %reduce_sum3A_708 : i1 to vector<16xi1>
    %reduce_sum3A_710 = tpu.scan <sum>, %get3A_704 masked %reduce_sum3A_709 : vector<16xf32>, vector<16xi1> -> vector<16xf32>
    %reduce_sum3A_711 = vector.extract %reduce_sum3A_710[15] : f32 from vector<16xf32>
    %broadcast_in_dim3A_712 = vector.broadcast %reduce_sum3A_711 : f32 to vector<16xf32>
    %select_n3A_713 = arith.select %eq3A_707, %broadcast_in_dim3A_712, %select_n3A_702 : vector<16xi1>, vector<16xf32>
    %get3A_714 = arith.constant 976 : index
    %get3A_715 = tpu.vector_load %arg15[%get3A_714] {strides = array<i32>} : memref<4096xf32, #tpu.memory_space<vmem>>, vector<16xf32>,
    %eq3A_716 = arith.constant 13 : i32
    %eq3A_717 = vector.broadcast %eq3A_716 : i32 to vector<16xi32>
    %eq3A_718 = arith.cmpi eq, %iota3A, %eq3A_717 : vector<16xi32>
    %reduce_sum3A_719 = arith.constant true
    %reduce_sum3A_720 = vector.broadcast %reduce_sum3A_719 : i1 to vector<16xi1>
    %reduce_sum3A_721 = tpu.scan <sum>, %get3A_715 masked %reduce_sum3A_720 : vector<16xf32>, vector<16xi1> -> vector<16xf32>
    %reduce_sum3A_722 = vector.extract %reduce_sum3A_721[15] : f32 from vector<16xf32>
    %broadcast_in_dim3A_723 = vector.broadcast %reduce_sum3A_722 : f32 to vector<16xf32>
    %select_n3A_724 = arith.select %eq3A_718, %broadcast_in_dim3A_723, %select_n3A_713 : vector<16xi1>, vector<16xf32>
    %get3A_725 = arith.constant 992 : index
    %get3A_726 = tpu.vector_load %arg15[%get3A_725] {strides = array<i32>} : memref<4096xf32, #tpu.memory_space<vmem>>, vector<16xf32>,
    %eq3A_727 = arith.constant 14 : i32
    %eq3A_728 = vector.broadcast %eq3A_727 : i32 to vector<16xi32>
    %eq3A_729 = arith.cmpi eq, %iota3A, %eq3A_728 : vector<16xi32>
    %reduce_sum3A_730 = arith.constant true
    %reduce_sum3A_731 = vector.broadcast %reduce_sum3A_730 : i1 to vector<16xi1>
    %reduce_sum3A_732 = tpu.scan <sum>, %get3A_726 masked %reduce_sum3A_731 : vector<16xf32>, vector<16xi1> -> vector<16xf32>
    %reduce_sum3A_733 = vector.extract %reduce_sum3A_732[15] : f32 from vector<16xf32>
    %broadcast_in_dim3A_734 = vector.broadcast %reduce_sum3A_733 : f32 to vector<16xf32>
    %select_n3A_735 = arith.select %eq3A_729, %broadcast_in_dim3A_734, %select_n3A_724 : vector<16xi1>, vector<16xf32>
    %get3A_736 = arith.constant 1008 : index
    %get3A_737 = tpu.vector_load %arg15[%get3A_736] {strides = array<i32>} : memref<4096xf32, #tpu.memory_space<vmem>>, vector<16xf32>,
    %eq3A_738 = arith.constant 15 : i32
    %eq3A_739 = vector.broadcast %eq3A_738 : i32 to vector<16xi32>
    %eq3A_740 = arith.cmpi eq, %iota3A, %eq3A_739 : vector<16xi32>
    %reduce_sum3A_741 = arith.constant true
    %reduce_sum3A_742 = vector.broadcast %reduce_sum3A_741 : i1 to vector<16xi1>
    %reduce_sum3A_743 = tpu.scan <sum>, %get3A_737 masked %reduce_sum3A_742 : vector<16xf32>, vector<16xi1> -> vector<16xf32>
    %reduce_sum3A_744 = vector.extract %reduce_sum3A_743[15] : f32 from vector<16xf32>
    %broadcast_in_dim3A_745 = vector.broadcast %reduce_sum3A_744 : f32 to vector<16xf32>
    %select_n3A_746 = arith.select %eq3A_740, %broadcast_in_dim3A_745, %select_n3A_735 : vector<16xi1>, vector<16xf32>
    %swap3A_747 = arith.constant 48 : index
    %swap3A_748 = tpu.vector_load %arg16[%swap3A_747] {strides = array<i32>} : memref<256xf32, #tpu.memory_space<vmem>>, vector<16xf32>,
    tpu.vector_store %arg16[%swap3A_747], %select_n3A_746 {strides = array<i32>} : memref<256xf32, #tpu.memory_space<vmem>>, vector<16xf32>,
    %broadcast_in_dim3A_749 = arith.constant 0.000000e+00 : f32
    %broadcast_in_dim3A_750 = vector.broadcast %broadcast_in_dim3A_749 : f32 to vector<16xf32>
    %get3A_751 = arith.constant 1024 : index
    %get3A_752 = tpu.vector_load %arg15[%get3A_751] {strides = array<i32>} : memref<4096xf32, #tpu.memory_space<vmem>>, vector<16xf32>,
    %eq3A_753 = arith.constant 0 : i32
    %eq3A_754 = vector.broadcast %eq3A_753 : i32 to vector<16xi32>
    %eq3A_755 = arith.cmpi eq, %iota3A, %eq3A_754 : vector<16xi32>
    %reduce_sum3A_756 = arith.constant true
    %reduce_sum3A_757 = vector.broadcast %reduce_sum3A_756 : i1 to vector<16xi1>
    %reduce_sum3A_758 = tpu.scan <sum>, %get3A_752 masked %reduce_sum3A_757 : vector<16xf32>, vector<16xi1> -> vector<16xf32>
    %reduce_sum3A_759 = vector.extract %reduce_sum3A_758[15] : f32 from vector<16xf32>
    %broadcast_in_dim3A_760 = vector.broadcast %reduce_sum3A_759 : f32 to vector<16xf32>
    %select_n3A_761 = arith.select %eq3A_755, %broadcast_in_dim3A_760, %broadcast_in_dim3A_750 : vector<16xi1>, vector<16xf32>
    %get3A_762 = arith.constant 1040 : index
    %get3A_763 = tpu.vector_load %arg15[%get3A_762] {strides = array<i32>} : memref<4096xf32, #tpu.memory_space<vmem>>, vector<16xf32>,
    %eq3A_764 = arith.constant 1 : i32
    %eq3A_765 = vector.broadcast %eq3A_764 : i32 to vector<16xi32>
    %eq3A_766 = arith.cmpi eq, %iota3A, %eq3A_765 : vector<16xi32>
    %reduce_sum3A_767 = arith.constant true
    %reduce_sum3A_768 = vector.broadcast %reduce_sum3A_767 : i1 to vector<16xi1>
    %reduce_sum3A_769 = tpu.scan <sum>, %get3A_763 masked %reduce_sum3A_768 : vector<16xf32>, vector<16xi1> -> vector<16xf32>
    %reduce_sum3A_770 = vector.extract %reduce_sum3A_769[15] : f32 from vector<16xf32>
    %broadcast_in_dim3A_771 = vector.broadcast %reduce_sum3A_770 : f32 to vector<16xf32>
    %select_n3A_772 = arith.select %eq3A_766, %broadcast_in_dim3A_771, %select_n3A_761 : vector<16xi1>, vector<16xf32>
    %get3A_773 = arith.constant 1056 : index
    %get3A_774 = tpu.vector_load %arg15[%get3A_773] {strides = array<i32>} : memref<4096xf32, #tpu.memory_space<vmem>>, vector<16xf32>,
    %eq3A_775 = arith.constant 2 : i32
    %eq3A_776 = vector.broadcast %eq3A_775 : i32 to vector<16xi32>
    %eq3A_777 = arith.cmpi eq, %iota3A, %eq3A_776 : vector<16xi32>
    %reduce_sum3A_778 = arith.constant true
    %reduce_sum3A_779 = vector.broadcast %reduce_sum3A_778 : i1 to vector<16xi1>
    %reduce_sum3A_780 = tpu.scan <sum>, %get3A_774 masked %reduce_sum3A_779 : vector<16xf32>, vector<16xi1> -> vector<16xf32>
    %reduce_sum3A_781 = vector.extract %reduce_sum3A_780[15] : f32 from vector<16xf32>
    %broadcast_in_dim3A_782 = vector.broadcast %reduce_sum3A_781 : f32 to vector<16xf32>
    %select_n3A_783 = arith.select %eq3A_777, %broadcast_in_dim3A_782, %select_n3A_772 : vector<16xi1>, vector<16xf32>
    %get3A_784 = arith.constant 1072 : index
    %get3A_785 = tpu.vector_load %arg15[%get3A_784] {strides = array<i32>} : memref<4096xf32, #tpu.memory_space<vmem>>, vector<16xf32>,
    %eq3A_786 = arith.constant 3 : i32
    %eq3A_787 = vector.broadcast %eq3A_786 : i32 to vector<16xi32>
    %eq3A_788 = arith.cmpi eq, %iota3A, %eq3A_787 : vector<16xi32>
    %reduce_sum3A_789 = arith.constant true
    %reduce_sum3A_790 = vector.broadcast %reduce_sum3A_789 : i1 to vector<16xi1>
    %reduce_sum3A_791 = tpu.scan <sum>, %get3A_785 masked %reduce_sum3A_790 : vector<16xf32>, vector<16xi1> -> vector<16xf32>
    %reduce_sum3A_792 = vector.extract %reduce_sum3A_791[15] : f32 from vector<16xf32>
    %broadcast_in_dim3A_793 = vector.broadcast %reduce_sum3A_792 : f32 to vector<16xf32>
    %select_n3A_794 = arith.select %eq3A_788, %broadcast_in_dim3A_793, %select_n3A_783 : vector<16xi1>, vector<16xf32>
    %get3A_795 = arith.constant 1088 : index
    %get3A_796 = tpu.vector_load %arg15[%get3A_795] {strides = array<i32>} : memref<4096xf32, #tpu.memory_space<vmem>>, vector<16xf32>,
    %eq3A_797 = arith.constant 4 : i32
    %eq3A_798 = vector.broadcast %eq3A_797 : i32 to vector<16xi32>
    %eq3A_799 = arith.cmpi eq, %iota3A, %eq3A_798 : vector<16xi32>
    %reduce_sum3A_800 = arith.constant true
    %reduce_sum3A_801 = vector.broadcast %reduce_sum3A_800 : i1 to vector<16xi1>
    %reduce_sum3A_802 = tpu.scan <sum>, %get3A_796 masked %reduce_sum3A_801 : vector<16xf32>, vector<16xi1> -> vector<16xf32>
    %reduce_sum3A_803 = vector.extract %reduce_sum3A_802[15] : f32 from vector<16xf32>
    %broadcast_in_dim3A_804 = vector.broadcast %reduce_sum3A_803 : f32 to vector<16xf32>
    %select_n3A_805 = arith.select %eq3A_799, %broadcast_in_dim3A_804, %select_n3A_794 : vector<16xi1>, vector<16xf32>
    %get3A_806 = arith.constant 1104 : index
    %get3A_807 = tpu.vector_load %arg15[%get3A_806] {strides = array<i32>} : memref<4096xf32, #tpu.memory_space<vmem>>, vector<16xf32>,
    %eq3A_808 = arith.constant 5 : i32
    %eq3A_809 = vector.broadcast %eq3A_808 : i32 to vector<16xi32>
    %eq3A_810 = arith.cmpi eq, %iota3A, %eq3A_809 : vector<16xi32>
    %reduce_sum3A_811 = arith.constant true
    %reduce_sum3A_812 = vector.broadcast %reduce_sum3A_811 : i1 to vector<16xi1>
    %reduce_sum3A_813 = tpu.scan <sum>, %get3A_807 masked %reduce_sum3A_812 : vector<16xf32>, vector<16xi1> -> vector<16xf32>
    %reduce_sum3A_814 = vector.extract %reduce_sum3A_813[15] : f32 from vector<16xf32>
    %broadcast_in_dim3A_815 = vector.broadcast %reduce_sum3A_814 : f32 to vector<16xf32>
    %select_n3A_816 = arith.select %eq3A_810, %broadcast_in_dim3A_815, %select_n3A_805 : vector<16xi1>, vector<16xf32>
    %get3A_817 = arith.constant 1120 : index
    %get3A_818 = tpu.vector_load %arg15[%get3A_817] {strides = array<i32>} : memref<4096xf32, #tpu.memory_space<vmem>>, vector<16xf32>,
    %eq3A_819 = arith.constant 6 : i32
    %eq3A_820 = vector.broadcast %eq3A_819 : i32 to vector<16xi32>
    %eq3A_821 = arith.cmpi eq, %iota3A, %eq3A_820 : vector<16xi32>
    %reduce_sum3A_822 = arith.constant true
    %reduce_sum3A_823 = vector.broadcast %reduce_sum3A_822 : i1 to vector<16xi1>
    %reduce_sum3A_824 = tpu.scan <sum>, %get3A_818 masked %reduce_sum3A_823 : vector<16xf32>, vector<16xi1> -> vector<16xf32>
    %reduce_sum3A_825 = vector.extract %reduce_sum3A_824[15] : f32 from vector<16xf32>
    %broadcast_in_dim3A_826 = vector.broadcast %reduce_sum3A_825 : f32 to vector<16xf32>
    %select_n3A_827 = arith.select %eq3A_821, %broadcast_in_dim3A_826, %select_n3A_816 : vector<16xi1>, vector<16xf32>
    %get3A_828 = arith.constant 1136 : index
    %get3A_829 = tpu.vector_load %arg15[%get3A_828] {strides = array<i32>} : memref<4096xf32, #tpu.memory_space<vmem>>, vector<16xf32>,
    %eq3A_830 = arith.constant 7 : i32
    %eq3A_831 = vector.broadcast %eq3A_830 : i32 to vector<16xi32>
    %eq3A_832 = arith.cmpi eq, %iota3A, %eq3A_831 : vector<16xi32>
    %reduce_sum3A_833 = arith.constant true
    %reduce_sum3A_834 = vector.broadcast %reduce_sum3A_833 : i1 to vector<16xi1>
    %reduce_sum3A_835 = tpu.scan <sum>, %get3A_829 masked %reduce_sum3A_834 : vector<16xf32>, vector<16xi1> -> vector<16xf32>
    %reduce_sum3A_836 = vector.extract %reduce_sum3A_835[15] : f32 from vector<16xf32>
    %broadcast_in_dim3A_837 = vector.broadcast %reduce_sum3A_836 : f32 to vector<16xf32>
    %select_n3A_838 = arith.select %eq3A_832, %broadcast_in_dim3A_837, %select_n3A_827 : vector<16xi1>, vector<16xf32>
    %get3A_839 = arith.constant 1152 : index
    %get3A_840 = tpu.vector_load %arg15[%get3A_839] {strides = array<i32>} : memref<4096xf32, #tpu.memory_space<vmem>>, vector<16xf32>,
    %eq3A_841 = arith.constant 8 : i32
    %eq3A_842 = vector.broadcast %eq3A_841 : i32 to vector<16xi32>
    %eq3A_843 = arith.cmpi eq, %iota3A, %eq3A_842 : vector<16xi32>
    %reduce_sum3A_844 = arith.constant true
    %reduce_sum3A_845 = vector.broadcast %reduce_sum3A_844 : i1 to vector<16xi1>
    %reduce_sum3A_846 = tpu.scan <sum>, %get3A_840 masked %reduce_sum3A_845 : vector<16xf32>, vector<16xi1> -> vector<16xf32>
    %reduce_sum3A_847 = vector.extract %reduce_sum3A_846[15] : f32 from vector<16xf32>
    %broadcast_in_dim3A_848 = vector.broadcast %reduce_sum3A_847 : f32 to vector<16xf32>
    %select_n3A_849 = arith.select %eq3A_843, %broadcast_in_dim3A_848, %select_n3A_838 : vector<16xi1>, vector<16xf32>
    %get3A_850 = arith.constant 1168 : index
    %get3A_851 = tpu.vector_load %arg15[%get3A_850] {strides = array<i32>} : memref<4096xf32, #tpu.memory_space<vmem>>, vector<16xf32>,
    %eq3A_852 = arith.constant 9 : i32
    %eq3A_853 = vector.broadcast %eq3A_852 : i32 to vector<16xi32>
    %eq3A_854 = arith.cmpi eq, %iota3A, %eq3A_853 : vector<16xi32>
    %reduce_sum3A_855 = arith.constant true
    %reduce_sum3A_856 = vector.broadcast %reduce_sum3A_855 : i1 to vector<16xi1>
    %reduce_sum3A_857 = tpu.scan <sum>, %get3A_851 masked %reduce_sum3A_856 : vector<16xf32>, vector<16xi1> -> vector<16xf32>
    %reduce_sum3A_858 = vector.extract %reduce_sum3A_857[15] : f32 from vector<16xf32>
    %broadcast_in_dim3A_859 = vector.broadcast %reduce_sum3A_858 : f32 to vector<16xf32>
    %select_n3A_860 = arith.select %eq3A_854, %broadcast_in_dim3A_859, %select_n3A_849 : vector<16xi1>, vector<16xf32>
    %get3A_861 = arith.constant 1184 : index
    %get3A_862 = tpu.vector_load %arg15[%get3A_861] {strides = array<i32>} : memref<4096xf32, #tpu.memory_space<vmem>>, vector<16xf32>,
    %eq3A_863 = arith.constant 10 : i32
    %eq3A_864 = vector.broadcast %eq3A_863 : i32 to vector<16xi32>
    %eq3A_865 = arith.cmpi eq, %iota3A, %eq3A_864 : vector<16xi32>
    %reduce_sum3A_866 = arith.constant true
    %reduce_sum3A_867 = vector.broadcast %reduce_sum3A_866 : i1 to vector<16xi1>
    %reduce_sum3A_868 = tpu.scan <sum>, %get3A_862 masked %reduce_sum3A_867 : vector<16xf32>, vector<16xi1> -> vector<16xf32>
    %reduce_sum3A_869 = vector.extract %reduce_sum3A_868[15] : f32 from vector<16xf32>
    %broadcast_in_dim3A_870 = vector.broadcast %reduce_sum3A_869 : f32 to vector<16xf32>
    %select_n3A_871 = arith.select %eq3A_865, %broadcast_in_dim3A_870, %select_n3A_860 : vector<16xi1>, vector<16xf32>
    %get3A_872 = arith.constant 1200 : index
    %get3A_873 = tpu.vector_load %arg15[%get3A_872] {strides = array<i32>} : memref<4096xf32, #tpu.memory_space<vmem>>, vector<16xf32>,
    %eq3A_874 = arith.constant 11 : i32
    %eq3A_875 = vector.broadcast %eq3A_874 : i32 to vector<16xi32>
    %eq3A_876 = arith.cmpi eq, %iota3A, %eq3A_875 : vector<16xi32>
    %reduce_sum3A_877 = arith.constant true
    %reduce_sum3A_878 = vector.broadcast %reduce_sum3A_877 : i1 to vector<16xi1>
    %reduce_sum3A_879 = tpu.scan <sum>, %get3A_873 masked %reduce_sum3A_878 : vector<16xf32>, vector<16xi1> -> vector<16xf32>
    %reduce_sum3A_880 = vector.extract %reduce_sum3A_879[15] : f32 from vector<16xf32>
    %broadcast_in_dim3A_881 = vector.broadcast %reduce_sum3A_880 : f32 to vector<16xf32>
    %select_n3A_882 = arith.select %eq3A_876, %broadcast_in_dim3A_881, %select_n3A_871 : vector<16xi1>, vector<16xf32>
    %get3A_883 = arith.constant 1216 : index
    %get3A_884 = tpu.vector_load %arg15[%get3A_883] {strides = array<i32>} : memref<4096xf32, #tpu.memory_space<vmem>>, vector<16xf32>,
    %eq3A_885 = arith.constant 12 : i32
    %eq3A_886 = vector.broadcast %eq3A_885 : i32 to vector<16xi32>
    %eq3A_887 = arith.cmpi eq, %iota3A, %eq3A_886 : vector<16xi32>
    %reduce_sum3A_888 = arith.constant true
    %reduce_sum3A_889 = vector.broadcast %reduce_sum3A_888 : i1 to vector<16xi1>
    %reduce_sum3A_890 = tpu.scan <sum>, %get3A_884 masked %reduce_sum3A_889 : vector<16xf32>, vector<16xi1> -> vector<16xf32>
    %reduce_sum3A_891 = vector.extract %reduce_sum3A_890[15] : f32 from vector<16xf32>
    %broadcast_in_dim3A_892 = vector.broadcast %reduce_sum3A_891 : f32 to vector<16xf32>
    %select_n3A_893 = arith.select %eq3A_887, %broadcast_in_dim3A_892, %select_n3A_882 : vector<16xi1>, vector<16xf32>
    %get3A_894 = arith.constant 1232 : index
    %get3A_895 = tpu.vector_load %arg15[%get3A_894] {strides = array<i32>} : memref<4096xf32, #tpu.memory_space<vmem>>, vector<16xf32>,
    %eq3A_896 = arith.constant 13 : i32
    %eq3A_897 = vector.broadcast %eq3A_896 : i32 to vector<16xi32>
    %eq3A_898 = arith.cmpi eq, %iota3A, %eq3A_897 : vector<16xi32>
    %reduce_sum3A_899 = arith.constant true
    %reduce_sum3A_900 = vector.broadcast %reduce_sum3A_899 : i1 to vector<16xi1>
    %reduce_sum3A_901 = tpu.scan <sum>, %get3A_895 masked %reduce_sum3A_900 : vector<16xf32>, vector<16xi1> -> vector<16xf32>
    %reduce_sum3A_902 = vector.extract %reduce_sum3A_901[15] : f32 from vector<16xf32>
    %broadcast_in_dim3A_903 = vector.broadcast %reduce_sum3A_902 : f32 to vector<16xf32>
    %select_n3A_904 = arith.select %eq3A_898, %broadcast_in_dim3A_903, %select_n3A_893 : vector<16xi1>, vector<16xf32>
    %get3A_905 = arith.constant 1248 : index
    %get3A_906 = tpu.vector_load %arg15[%get3A_905] {strides = array<i32>} : memref<4096xf32, #tpu.memory_space<vmem>>, vector<16xf32>,
    %eq3A_907 = arith.constant 14 : i32
    %eq3A_908 = vector.broadcast %eq3A_907 : i32 to vector<16xi32>
    %eq3A_909 = arith.cmpi eq, %iota3A, %eq3A_908 : vector<16xi32>
    %reduce_sum3A_910 = arith.constant true
    %reduce_sum3A_911 = vector.broadcast %reduce_sum3A_910 : i1 to vector<16xi1>
    %reduce_sum3A_912 = tpu.scan <sum>, %get3A_906 masked %reduce_sum3A_911 : vector<16xf32>, vector<16xi1> -> vector<16xf32>
    %reduce_sum3A_913 = vector.extract %reduce_sum3A_912[15] : f32 from vector<16xf32>
    %broadcast_in_dim3A_914 = vector.broadcast %reduce_sum3A_913 : f32 to vector<16xf32>
    %select_n3A_915 = arith.select %eq3A_909, %broadcast_in_dim3A_914, %select_n3A_904 : vector<16xi1>, vector<16xf32>
    %get3A_916 = arith.constant 1264 : index
    %get3A_917 = tpu.vector_load %arg15[%get3A_916] {strides = array<i32>} : memref<4096xf32, #tpu.memory_space<vmem>>, vector<16xf32>,
    %eq3A_918 = arith.constant 15 : i32
    %eq3A_919 = vector.broadcast %eq3A_918 : i32 to vector<16xi32>
    %eq3A_920 = arith.cmpi eq, %iota3A, %eq3A_919 : vector<16xi32>
    %reduce_sum3A_921 = arith.constant true
    %reduce_sum3A_922 = vector.broadcast %reduce_sum3A_921 : i1 to vector<16xi1>
    %reduce_sum3A_923 = tpu.scan <sum>, %get3A_917 masked %reduce_sum3A_922 : vector<16xf32>, vector<16xi1> -> vector<16xf32>
    %reduce_sum3A_924 = vector.extract %reduce_sum3A_923[15] : f32 from vector<16xf32>
    %broadcast_in_dim3A_925 = vector.broadcast %reduce_sum3A_924 : f32 to vector<16xf32>
    %select_n3A_926 = arith.select %eq3A_920, %broadcast_in_dim3A_925, %select_n3A_915 : vector<16xi1>, vector<16xf32>
    %swap3A_927 = arith.constant 64 : index
    %swap3A_928 = tpu.vector_load %arg16[%swap3A_927] {strides = array<i32>} : memref<256xf32, #tpu.memory_space<vmem>>, vector<16xf32>,
    tpu.vector_store %arg16[%swap3A_927], %select_n3A_926 {strides = array<i32>} : memref<256xf32, #tpu.memory_space<vmem>>, vector<16xf32>,
    %broadcast_in_dim3A_929 = arith.constant 0.000000e+00 : f32
    %broadcast_in_dim3A_930 = vector.broadcast %broadcast_in_dim3A_929 : f32 to vector<16xf32>
    %get3A_931 = arith.constant 1280 : index
    %get3A_932 = tpu.vector_load %arg15[%get3A_931] {strides = array<i32>} : memref<4096xf32, #tpu.memory_space<vmem>>, vector<16xf32>,
    %eq3A_933 = arith.constant 0 : i32
    %eq3A_934 = vector.broadcast %eq3A_933 : i32 to vector<16xi32>
    %eq3A_935 = arith.cmpi eq, %iota3A, %eq3A_934 : vector<16xi32>
    %reduce_sum3A_936 = arith.constant true
    %reduce_sum3A_937 = vector.broadcast %reduce_sum3A_936 : i1 to vector<16xi1>
    %reduce_sum3A_938 = tpu.scan <sum>, %get3A_932 masked %reduce_sum3A_937 : vector<16xf32>, vector<16xi1> -> vector<16xf32>
    %reduce_sum3A_939 = vector.extract %reduce_sum3A_938[15] : f32 from vector<16xf32>
    %broadcast_in_dim3A_940 = vector.broadcast %reduce_sum3A_939 : f32 to vector<16xf32>
    %select_n3A_941 = arith.select %eq3A_935, %broadcast_in_dim3A_940, %broadcast_in_dim3A_930 : vector<16xi1>, vector<16xf32>
    %get3A_942 = arith.constant 1296 : index
    %get3A_943 = tpu.vector_load %arg15[%get3A_942] {strides = array<i32>} : memref<4096xf32, #tpu.memory_space<vmem>>, vector<16xf32>,
    %eq3A_944 = arith.constant 1 : i32
    %eq3A_945 = vector.broadcast %eq3A_944 : i32 to vector<16xi32>
    %eq3A_946 = arith.cmpi eq, %iota3A, %eq3A_945 : vector<16xi32>
    %reduce_sum3A_947 = arith.constant true
    %reduce_sum3A_948 = vector.broadcast %reduce_sum3A_947 : i1 to vector<16xi1>
    %reduce_sum3A_949 = tpu.scan <sum>, %get3A_943 masked %reduce_sum3A_948 : vector<16xf32>, vector<16xi1> -> vector<16xf32>
    %reduce_sum3A_950 = vector.extract %reduce_sum3A_949[15] : f32 from vector<16xf32>
    %broadcast_in_dim3A_951 = vector.broadcast %reduce_sum3A_950 : f32 to vector<16xf32>
    %select_n3A_952 = arith.select %eq3A_946, %broadcast_in_dim3A_951, %select_n3A_941 : vector<16xi1>, vector<16xf32>
    %get3A_953 = arith.constant 1312 : index
    %get3A_954 = tpu.vector_load %arg15[%get3A_953] {strides = array<i32>} : memref<4096xf32, #tpu.memory_space<vmem>>, vector<16xf32>,
    %eq3A_955 = arith.constant 2 : i32
    %eq3A_956 = vector.broadcast %eq3A_955 : i32 to vector<16xi32>
    %eq3A_957 = arith.cmpi eq, %iota3A, %eq3A_956 : vector<16xi32>
    %reduce_sum3A_958 = arith.constant true
    %reduce_sum3A_959 = vector.broadcast %reduce_sum3A_958 : i1 to vector<16xi1>
    %reduce_sum3A_960 = tpu.scan <sum>, %get3A_954 masked %reduce_sum3A_959 : vector<16xf32>, vector<16xi1> -> vector<16xf32>
    %reduce_sum3A_961 = vector.extract %reduce_sum3A_960[15] : f32 from vector<16xf32>
    %broadcast_in_dim3A_962 = vector.broadcast %reduce_sum3A_961 : f32 to vector<16xf32>
    %select_n3A_963 = arith.select %eq3A_957, %broadcast_in_dim3A_962, %select_n3A_952 : vector<16xi1>, vector<16xf32>
    %get3A_964 = arith.constant 1328 : index
    %get3A_965 = tpu.vector_load %arg15[%get3A_964] {strides = array<i32>} : memref<4096xf32, #tpu.memory_space<vmem>>, vector<16xf32>,
    %eq3A_966 = arith.constant 3 : i32
    %eq3A_967 = vector.broadcast %eq3A_966 : i32 to vector<16xi32>
    %eq3A_968 = arith.cmpi eq, %iota3A, %eq3A_967 : vector<16xi32>
    %reduce_sum3A_969 = arith.constant true
    %reduce_sum3A_970 = vector.broadcast %reduce_sum3A_969 : i1 to vector<16xi1>
    %reduce_sum3A_971 = tpu.scan <sum>, %get3A_965 masked %reduce_sum3A_970 : vector<16xf32>, vector<16xi1> -> vector<16xf32>
    %reduce_sum3A_972 = vector.extract %reduce_sum3A_971[15] : f32 from vector<16xf32>
    %broadcast_in_dim3A_973 = vector.broadcast %reduce_sum3A_972 : f32 to vector<16xf32>
    %select_n3A_974 = arith.select %eq3A_968, %broadcast_in_dim3A_973, %select_n3A_963 : vector<16xi1>, vector<16xf32>
    %get3A_975 = arith.constant 1344 : index
    %get3A_976 = tpu.vector_load %arg15[%get3A_975] {strides = array<i32>} : memref<4096xf32, #tpu.memory_space<vmem>>, vector<16xf32>,
    %eq3A_977 = arith.constant 4 : i32
    %eq3A_978 = vector.broadcast %eq3A_977 : i32 to vector<16xi32>
    %eq3A_979 = arith.cmpi eq, %iota3A, %eq3A_978 : vector<16xi32>
    %reduce_sum3A_980 = arith.constant true
    %reduce_sum3A_981 = vector.broadcast %reduce_sum3A_980 : i1 to vector<16xi1>
    %reduce_sum3A_982 = tpu.scan <sum>, %get3A_976 masked %reduce_sum3A_981 : vector<16xf32>, vector<16xi1> -> vector<16xf32>
    %reduce_sum3A_983 = vector.extract %reduce_sum3A_982[15] : f32 from vector<16xf32>
    %broadcast_in_dim3A_984 = vector.broadcast %reduce_sum3A_983 : f32 to vector<16xf32>
    %select_n3A_985 = arith.select %eq3A_979, %broadcast_in_dim3A_984, %select_n3A_974 : vector<16xi1>, vector<16xf32>
    %get3A_986 = arith.constant 1360 : index
    %get3A_987 = tpu.vector_load %arg15[%get3A_986] {strides = array<i32>} : memref<4096xf32, #tpu.memory_space<vmem>>, vector<16xf32>,
    %eq3A_988 = arith.constant 5 : i32
    %eq3A_989 = vector.broadcast %eq3A_988 : i32 to vector<16xi32>
    %eq3A_990 = arith.cmpi eq, %iota3A, %eq3A_989 : vector<16xi32>
    %reduce_sum3A_991 = arith.constant true
    %reduce_sum3A_992 = vector.broadcast %reduce_sum3A_991 : i1 to vector<16xi1>
    %reduce_sum3A_993 = tpu.scan <sum>, %get3A_987 masked %reduce_sum3A_992 : vector<16xf32>, vector<16xi1> -> vector<16xf32>
    %reduce_sum3A_994 = vector.extract %reduce_sum3A_993[15] : f32 from vector<16xf32>
    %broadcast_in_dim3A_995 = vector.broadcast %reduce_sum3A_994 : f32 to vector<16xf32>
    %select_n3A_996 = arith.select %eq3A_990, %broadcast_in_dim3A_995, %select_n3A_985 : vector<16xi1>, vector<16xf32>
    %get3A_997 = arith.constant 1376 : index
    %get3A_998 = tpu.vector_load %arg15[%get3A_997] {strides = array<i32>} : memref<4096xf32, #tpu.memory_space<vmem>>, vector<16xf32>,
    %eq3A_999 = arith.constant 6 : i32
    %eq3A_1000 = vector.broadcast %eq3A_999 : i32 to vector<16xi32>
    %eq3A_1001 = arith.cmpi eq, %iota3A, %eq3A_1000 : vector<16xi32>
    %reduce_sum3A_1002 = arith.constant true
    %reduce_sum3A_1003 = vector.broadcast %reduce_sum3A_1002 : i1 to vector<16xi1>
    %reduce_sum3A_1004 = tpu.scan <sum>, %get3A_998 masked %reduce_sum3A_1003 : vector<16xf32>, vector<16xi1> -> vector<16xf32>
    %reduce_sum3A_1005 = vector.extract %reduce_sum3A_1004[15] : f32 from vector<16xf32>
    %broadcast_in_dim3A_1006 = vector.broadcast %reduce_sum3A_1005 : f32 to vector<16xf32>
    %select_n3A_1007 = arith.select %eq3A_1001, %broadcast_in_dim3A_1006, %select_n3A_996 : vector<16xi1>, vector<16xf32>
    %get3A_1008 = arith.constant 1392 : index
    %get3A_1009 = tpu.vector_load %arg15[%get3A_1008] {strides = array<i32>} : memref<4096xf32, #tpu.memory_space<vmem>>, vector<16xf32>,
    %eq3A_1010 = arith.constant 7 : i32
    %eq3A_1011 = vector.broadcast %eq3A_1010 : i32 to vector<16xi32>
    %eq3A_1012 = arith.cmpi eq, %iota3A, %eq3A_1011 : vector<16xi32>
    %reduce_sum3A_1013 = arith.constant true
    %reduce_sum3A_1014 = vector.broadcast %reduce_sum3A_1013 : i1 to vector<16xi1>
    %reduce_sum3A_1015 = tpu.scan <sum>, %get3A_1009 masked %reduce_sum3A_1014 : vector<16xf32>, vector<16xi1> -> vector<16xf32>
    %reduce_sum3A_1016 = vector.extract %reduce_sum3A_1015[15] : f32 from vector<16xf32>
    %broadcast_in_dim3A_1017 = vector.broadcast %reduce_sum3A_1016 : f32 to vector<16xf32>
    %select_n3A_1018 = arith.select %eq3A_1012, %broadcast_in_dim3A_1017, %select_n3A_1007 : vector<16xi1>, vector<16xf32>
    %get3A_1019 = arith.constant 1408 : index
    %get3A_1020 = tpu.vector_load %arg15[%get3A_1019] {strides = array<i32>} : memref<4096xf32, #tpu.memory_space<vmem>>, vector<16xf32>,
    %eq3A_1021 = arith.constant 8 : i32
    %eq3A_1022 = vector.broadcast %eq3A_1021 : i32 to vector<16xi32>
    %eq3A_1023 = arith.cmpi eq, %iota3A, %eq3A_1022 : vector<16xi32>
    %reduce_sum3A_1024 = arith.constant true
    %reduce_sum3A_1025 = vector.broadcast %reduce_sum3A_1024 : i1 to vector<16xi1>
    %reduce_sum3A_1026 = tpu.scan <sum>, %get3A_1020 masked %reduce_sum3A_1025 : vector<16xf32>, vector<16xi1> -> vector<16xf32>
    %reduce_sum3A_1027 = vector.extract %reduce_sum3A_1026[15] : f32 from vector<16xf32>
    %broadcast_in_dim3A_1028 = vector.broadcast %reduce_sum3A_1027 : f32 to vector<16xf32>
    %select_n3A_1029 = arith.select %eq3A_1023, %broadcast_in_dim3A_1028, %select_n3A_1018 : vector<16xi1>, vector<16xf32>
    %get3A_1030 = arith.constant 1424 : index
    %get3A_1031 = tpu.vector_load %arg15[%get3A_1030] {strides = array<i32>} : memref<4096xf32, #tpu.memory_space<vmem>>, vector<16xf32>,
    %eq3A_1032 = arith.constant 9 : i32
    %eq3A_1033 = vector.broadcast %eq3A_1032 : i32 to vector<16xi32>
    %eq3A_1034 = arith.cmpi eq, %iota3A, %eq3A_1033 : vector<16xi32>
    %reduce_sum3A_1035 = arith.constant true
    %reduce_sum3A_1036 = vector.broadcast %reduce_sum3A_1035 : i1 to vector<16xi1>
    %reduce_sum3A_1037 = tpu.scan <sum>, %get3A_1031 masked %reduce_sum3A_1036 : vector<16xf32>, vector<16xi1> -> vector<16xf32>
    %reduce_sum3A_1038 = vector.extract %reduce_sum3A_1037[15] : f32 from vector<16xf32>
    %broadcast_in_dim3A_1039 = vector.broadcast %reduce_sum3A_1038 : f32 to vector<16xf32>
    %select_n3A_1040 = arith.select %eq3A_1034, %broadcast_in_dim3A_1039, %select_n3A_1029 : vector<16xi1>, vector<16xf32>
    %get3A_1041 = arith.constant 1440 : index
    %get3A_1042 = tpu.vector_load %arg15[%get3A_1041] {strides = array<i32>} : memref<4096xf32, #tpu.memory_space<vmem>>, vector<16xf32>,
    %eq3A_1043 = arith.constant 10 : i32
    %eq3A_1044 = vector.broadcast %eq3A_1043 : i32 to vector<16xi32>
    %eq3A_1045 = arith.cmpi eq, %iota3A, %eq3A_1044 : vector<16xi32>
    %reduce_sum3A_1046 = arith.constant true
    %reduce_sum3A_1047 = vector.broadcast %reduce_sum3A_1046 : i1 to vector<16xi1>
    %reduce_sum3A_1048 = tpu.scan <sum>, %get3A_1042 masked %reduce_sum3A_1047 : vector<16xf32>, vector<16xi1> -> vector<16xf32>
    %reduce_sum3A_1049 = vector.extract %reduce_sum3A_1048[15] : f32 from vector<16xf32>
    %broadcast_in_dim3A_1050 = vector.broadcast %reduce_sum3A_1049 : f32 to vector<16xf32>
    %select_n3A_1051 = arith.select %eq3A_1045, %broadcast_in_dim3A_1050, %select_n3A_1040 : vector<16xi1>, vector<16xf32>
    %get3A_1052 = arith.constant 1456 : index
    %get3A_1053 = tpu.vector_load %arg15[%get3A_1052] {strides = array<i32>} : memref<4096xf32, #tpu.memory_space<vmem>>, vector<16xf32>,
    %eq3A_1054 = arith.constant 11 : i32
    %eq3A_1055 = vector.broadcast %eq3A_1054 : i32 to vector<16xi32>
    %eq3A_1056 = arith.cmpi eq, %iota3A, %eq3A_1055 : vector<16xi32>
    %reduce_sum3A_1057 = arith.constant true
    %reduce_sum3A_1058 = vector.broadcast %reduce_sum3A_1057 : i1 to vector<16xi1>
    %reduce_sum3A_1059 = tpu.scan <sum>, %get3A_1053 masked %reduce_sum3A_1058 : vector<16xf32>, vector<16xi1> -> vector<16xf32>
    %reduce_sum3A_1060 = vector.extract %reduce_sum3A_1059[15] : f32 from vector<16xf32>
    %broadcast_in_dim3A_1061 = vector.broadcast %reduce_sum3A_1060 : f32 to vector<16xf32>
    %select_n3A_1062 = arith.select %eq3A_1056, %broadcast_in_dim3A_1061, %select_n3A_1051 : vector<16xi1>, vector<16xf32>
    %get3A_1063 = arith.constant 1472 : index
    %get3A_1064 = tpu.vector_load %arg15[%get3A_1063] {strides = array<i32>} : memref<4096xf32, #tpu.memory_space<vmem>>, vector<16xf32>,
    %eq3A_1065 = arith.constant 12 : i32
    %eq3A_1066 = vector.broadcast %eq3A_1065 : i32 to vector<16xi32>
    %eq3A_1067 = arith.cmpi eq, %iota3A, %eq3A_1066 : vector<16xi32>
    %reduce_sum3A_1068 = arith.constant true
    %reduce_sum3A_1069 = vector.broadcast %reduce_sum3A_1068 : i1 to vector<16xi1>
    %reduce_sum3A_1070 = tpu.scan <sum>, %get3A_1064 masked %reduce_sum3A_1069 : vector<16xf32>, vector<16xi1> -> vector<16xf32>
    %reduce_sum3A_1071 = vector.extract %reduce_sum3A_1070[15] : f32 from vector<16xf32>
    %broadcast_in_dim3A_1072 = vector.broadcast %reduce_sum3A_1071 : f32 to vector<16xf32>
    %select_n3A_1073 = arith.select %eq3A_1067, %broadcast_in_dim3A_1072, %select_n3A_1062 : vector<16xi1>, vector<16xf32>
    %get3A_1074 = arith.constant 1488 : index
    %get3A_1075 = tpu.vector_load %arg15[%get3A_1074] {strides = array<i32>} : memref<4096xf32, #tpu.memory_space<vmem>>, vector<16xf32>,
    %eq3A_1076 = arith.constant 13 : i32
    %eq3A_1077 = vector.broadcast %eq3A_1076 : i32 to vector<16xi32>
    %eq3A_1078 = arith.cmpi eq, %iota3A, %eq3A_1077 : vector<16xi32>
    %reduce_sum3A_1079 = arith.constant true
    %reduce_sum3A_1080 = vector.broadcast %reduce_sum3A_1079 : i1 to vector<16xi1>
    %reduce_sum3A_1081 = tpu.scan <sum>, %get3A_1075 masked %reduce_sum3A_1080 : vector<16xf32>, vector<16xi1> -> vector<16xf32>
    %reduce_sum3A_1082 = vector.extract %reduce_sum3A_1081[15] : f32 from vector<16xf32>
    %broadcast_in_dim3A_1083 = vector.broadcast %reduce_sum3A_1082 : f32 to vector<16xf32>
    %select_n3A_1084 = arith.select %eq3A_1078, %broadcast_in_dim3A_1083, %select_n3A_1073 : vector<16xi1>, vector<16xf32>
    %get3A_1085 = arith.constant 1504 : index
    %get3A_1086 = tpu.vector_load %arg15[%get3A_1085] {strides = array<i32>} : memref<4096xf32, #tpu.memory_space<vmem>>, vector<16xf32>,
    %eq3A_1087 = arith.constant 14 : i32
    %eq3A_1088 = vector.broadcast %eq3A_1087 : i32 to vector<16xi32>
    %eq3A_1089 = arith.cmpi eq, %iota3A, %eq3A_1088 : vector<16xi32>
    %reduce_sum3A_1090 = arith.constant true
    %reduce_sum3A_1091 = vector.broadcast %reduce_sum3A_1090 : i1 to vector<16xi1>
    %reduce_sum3A_1092 = tpu.scan <sum>, %get3A_1086 masked %reduce_sum3A_1091 : vector<16xf32>, vector<16xi1> -> vector<16xf32>
    %reduce_sum3A_1093 = vector.extract %reduce_sum3A_1092[15] : f32 from vector<16xf32>
    %broadcast_in_dim3A_1094 = vector.broadcast %reduce_sum3A_1093 : f32 to vector<16xf32>
    %select_n3A_1095 = arith.select %eq3A_1089, %broadcast_in_dim3A_1094, %select_n3A_1084 : vector<16xi1>, vector<16xf32>
    %get3A_1096 = arith.constant 1520 : index
    %get3A_1097 = tpu.vector_load %arg15[%get3A_1096] {strides = array<i32>} : memref<4096xf32, #tpu.memory_space<vmem>>, vector<16xf32>,
    %eq3A_1098 = arith.constant 15 : i32
    %eq3A_1099 = vector.broadcast %eq3A_1098 : i32 to vector<16xi32>
    %eq3A_1100 = arith.cmpi eq, %iota3A, %eq3A_1099 : vector<16xi32>
    %reduce_sum3A_1101 = arith.constant true
    %reduce_sum3A_1102 = vector.broadcast %reduce_sum3A_1101 : i1 to vector<16xi1>
    %reduce_sum3A_1103 = tpu.scan <sum>, %get3A_1097 masked %reduce_sum3A_1102 : vector<16xf32>, vector<16xi1> -> vector<16xf32>
    %reduce_sum3A_1104 = vector.extract %reduce_sum3A_1103[15] : f32 from vector<16xf32>
    %broadcast_in_dim3A_1105 = vector.broadcast %reduce_sum3A_1104 : f32 to vector<16xf32>
    %select_n3A_1106 = arith.select %eq3A_1100, %broadcast_in_dim3A_1105, %select_n3A_1095 : vector<16xi1>, vector<16xf32>
    %swap3A_1107 = arith.constant 80 : index
    %swap3A_1108 = tpu.vector_load %arg16[%swap3A_1107] {strides = array<i32>} : memref<256xf32, #tpu.memory_space<vmem>>, vector<16xf32>,
    tpu.vector_store %arg16[%swap3A_1107], %select_n3A_1106 {strides = array<i32>} : memref<256xf32, #tpu.memory_space<vmem>>, vector<16xf32>,
    %broadcast_in_dim3A_1109 = arith.constant 0.000000e+00 : f32
    %broadcast_in_dim3A_1110 = vector.broadcast %broadcast_in_dim3A_1109 : f32 to vector<16xf32>
    %get3A_1111 = arith.constant 1536 : index
    %get3A_1112 = tpu.vector_load %arg15[%get3A_1111] {strides = array<i32>} : memref<4096xf32, #tpu.memory_space<vmem>>, vector<16xf32>,
    %eq3A_1113 = arith.constant 0 : i32
    %eq3A_1114 = vector.broadcast %eq3A_1113 : i32 to vector<16xi32>
    %eq3A_1115 = arith.cmpi eq, %iota3A, %eq3A_1114 : vector<16xi32>
    %reduce_sum3A_1116 = arith.constant true
    %reduce_sum3A_1117 = vector.broadcast %reduce_sum3A_1116 : i1 to vector<16xi1>
    %reduce_sum3A_1118 = tpu.scan <sum>, %get3A_1112 masked %reduce_sum3A_1117 : vector<16xf32>, vector<16xi1> -> vector<16xf32>
    %reduce_sum3A_1119 = vector.extract %reduce_sum3A_1118[15] : f32 from vector<16xf32>
    %broadcast_in_dim3A_1120 = vector.broadcast %reduce_sum3A_1119 : f32 to vector<16xf32>
    %select_n3A_1121 = arith.select %eq3A_1115, %broadcast_in_dim3A_1120, %broadcast_in_dim3A_1110 : vector<16xi1>, vector<16xf32>
    %get3A_1122 = arith.constant 1552 : index
    %get3A_1123 = tpu.vector_load %arg15[%get3A_1122] {strides = array<i32>} : memref<4096xf32, #tpu.memory_space<vmem>>, vector<16xf32>,
    %eq3A_1124 = arith.constant 1 : i32
    %eq3A_1125 = vector.broadcast %eq3A_1124 : i32 to vector<16xi32>
    %eq3A_1126 = arith.cmpi eq, %iota3A, %eq3A_1125 : vector<16xi32>
    %reduce_sum3A_1127 = arith.constant true
    %reduce_sum3A_1128 = vector.broadcast %reduce_sum3A_1127 : i1 to vector<16xi1>
    %reduce_sum3A_1129 = tpu.scan <sum>, %get3A_1123 masked %reduce_sum3A_1128 : vector<16xf32>, vector<16xi1> -> vector<16xf32>
    %reduce_sum3A_1130 = vector.extract %reduce_sum3A_1129[15] : f32 from vector<16xf32>
    %broadcast_in_dim3A_1131 = vector.broadcast %reduce_sum3A_1130 : f32 to vector<16xf32>
    %select_n3A_1132 = arith.select %eq3A_1126, %broadcast_in_dim3A_1131, %select_n3A_1121 : vector<16xi1>, vector<16xf32>
    %get3A_1133 = arith.constant 1568 : index
    %get3A_1134 = tpu.vector_load %arg15[%get3A_1133] {strides = array<i32>} : memref<4096xf32, #tpu.memory_space<vmem>>, vector<16xf32>,
    %eq3A_1135 = arith.constant 2 : i32
    %eq3A_1136 = vector.broadcast %eq3A_1135 : i32 to vector<16xi32>
    %eq3A_1137 = arith.cmpi eq, %iota3A, %eq3A_1136 : vector<16xi32>
    %reduce_sum3A_1138 = arith.constant true
    %reduce_sum3A_1139 = vector.broadcast %reduce_sum3A_1138 : i1 to vector<16xi1>
    %reduce_sum3A_1140 = tpu.scan <sum>, %get3A_1134 masked %reduce_sum3A_1139 : vector<16xf32>, vector<16xi1> -> vector<16xf32>
    %reduce_sum3A_1141 = vector.extract %reduce_sum3A_1140[15] : f32 from vector<16xf32>
    %broadcast_in_dim3A_1142 = vector.broadcast %reduce_sum3A_1141 : f32 to vector<16xf32>
    %select_n3A_1143 = arith.select %eq3A_1137, %broadcast_in_dim3A_1142, %select_n3A_1132 : vector<16xi1>, vector<16xf32>
    %get3A_1144 = arith.constant 1584 : index
    %get3A_1145 = tpu.vector_load %arg15[%get3A_1144] {strides = array<i32>} : memref<4096xf32, #tpu.memory_space<vmem>>, vector<16xf32>,
    %eq3A_1146 = arith.constant 3 : i32
    %eq3A_1147 = vector.broadcast %eq3A_1146 : i32 to vector<16xi32>
    %eq3A_1148 = arith.cmpi eq, %iota3A, %eq3A_1147 : vector<16xi32>
    %reduce_sum3A_1149 = arith.constant true
    %reduce_sum3A_1150 = vector.broadcast %reduce_sum3A_1149 : i1 to vector<16xi1>
    %reduce_sum3A_1151 = tpu.scan <sum>, %get3A_1145 masked %reduce_sum3A_1150 : vector<16xf32>, vector<16xi1> -> vector<16xf32>
    %reduce_sum3A_1152 = vector.extract %reduce_sum3A_1151[15] : f32 from vector<16xf32>
    %broadcast_in_dim3A_1153 = vector.broadcast %reduce_sum3A_1152 : f32 to vector<16xf32>
    %select_n3A_1154 = arith.select %eq3A_1148, %broadcast_in_dim3A_1153, %select_n3A_1143 : vector<16xi1>, vector<16xf32>
    %get3A_1155 = arith.constant 1600 : index
    %get3A_1156 = tpu.vector_load %arg15[%get3A_1155] {strides = array<i32>} : memref<4096xf32, #tpu.memory_space<vmem>>, vector<16xf32>,
    %eq3A_1157 = arith.constant 4 : i32
    %eq3A_1158 = vector.broadcast %eq3A_1157 : i32 to vector<16xi32>
    %eq3A_1159 = arith.cmpi eq, %iota3A, %eq3A_1158 : vector<16xi32>
    %reduce_sum3A_1160 = arith.constant true
    %reduce_sum3A_1161 = vector.broadcast %reduce_sum3A_1160 : i1 to vector<16xi1>
    %reduce_sum3A_1162 = tpu.scan <sum>, %get3A_1156 masked %reduce_sum3A_1161 : vector<16xf32>, vector<16xi1> -> vector<16xf32>
    %reduce_sum3A_1163 = vector.extract %reduce_sum3A_1162[15] : f32 from vector<16xf32>
    %broadcast_in_dim3A_1164 = vector.broadcast %reduce_sum3A_1163 : f32 to vector<16xf32>
    %select_n3A_1165 = arith.select %eq3A_1159, %broadcast_in_dim3A_1164, %select_n3A_1154 : vector<16xi1>, vector<16xf32>
    %get3A_1166 = arith.constant 1616 : index
    %get3A_1167 = tpu.vector_load %arg15[%get3A_1166] {strides = array<i32>} : memref<4096xf32, #tpu.memory_space<vmem>>, vector<16xf32>,
    %eq3A_1168 = arith.constant 5 : i32
    %eq3A_1169 = vector.broadcast %eq3A_1168 : i32 to vector<16xi32>
    %eq3A_1170 = arith.cmpi eq, %iota3A, %eq3A_1169 : vector<16xi32>
    %reduce_sum3A_1171 = arith.constant true
    %reduce_sum3A_1172 = vector.broadcast %reduce_sum3A_1171 : i1 to vector<16xi1>
    %reduce_sum3A_1173 = tpu.scan <sum>, %get3A_1167 masked %reduce_sum3A_1172 : vector<16xf32>, vector<16xi1> -> vector<16xf32>
    %reduce_sum3A_1174 = vector.extract %reduce_sum3A_1173[15] : f32 from vector<16xf32>
    %broadcast_in_dim3A_1175 = vector.broadcast %reduce_sum3A_1174 : f32 to vector<16xf32>
    %select_n3A_1176 = arith.select %eq3A_1170, %broadcast_in_dim3A_1175, %select_n3A_1165 : vector<16xi1>, vector<16xf32>
    %get3A_1177 = arith.constant 1632 : index
    %get3A_1178 = tpu.vector_load %arg15[%get3A_1177] {strides = array<i32>} : memref<4096xf32, #tpu.memory_space<vmem>>, vector<16xf32>,
    %eq3A_1179 = arith.constant 6 : i32
    %eq3A_1180 = vector.broadcast %eq3A_1179 : i32 to vector<16xi32>
    %eq3A_1181 = arith.cmpi eq, %iota3A, %eq3A_1180 : vector<16xi32>
    %reduce_sum3A_1182 = arith.constant true
    %reduce_sum3A_1183 = vector.broadcast %reduce_sum3A_1182 : i1 to vector<16xi1>
    %reduce_sum3A_1184 = tpu.scan <sum>, %get3A_1178 masked %reduce_sum3A_1183 : vector<16xf32>, vector<16xi1> -> vector<16xf32>
    %reduce_sum3A_1185 = vector.extract %reduce_sum3A_1184[15] : f32 from vector<16xf32>
    %broadcast_in_dim3A_1186 = vector.broadcast %reduce_sum3A_1185 : f32 to vector<16xf32>
    %select_n3A_1187 = arith.select %eq3A_1181, %broadcast_in_dim3A_1186, %select_n3A_1176 : vector<16xi1>, vector<16xf32>
    %get3A_1188 = arith.constant 1648 : index
    %get3A_1189 = tpu.vector_load %arg15[%get3A_1188] {strides = array<i32>} : memref<4096xf32, #tpu.memory_space<vmem>>, vector<16xf32>,
    %eq3A_1190 = arith.constant 7 : i32
    %eq3A_1191 = vector.broadcast %eq3A_1190 : i32 to vector<16xi32>
    %eq3A_1192 = arith.cmpi eq, %iota3A, %eq3A_1191 : vector<16xi32>
    %reduce_sum3A_1193 = arith.constant true
    %reduce_sum3A_1194 = vector.broadcast %reduce_sum3A_1193 : i1 to vector<16xi1>
    %reduce_sum3A_1195 = tpu.scan <sum>, %get3A_1189 masked %reduce_sum3A_1194 : vector<16xf32>, vector<16xi1> -> vector<16xf32>
    %reduce_sum3A_1196 = vector.extract %reduce_sum3A_1195[15] : f32 from vector<16xf32>
    %broadcast_in_dim3A_1197 = vector.broadcast %reduce_sum3A_1196 : f32 to vector<16xf32>
    %select_n3A_1198 = arith.select %eq3A_1192, %broadcast_in_dim3A_1197, %select_n3A_1187 : vector<16xi1>, vector<16xf32>
    %get3A_1199 = arith.constant 1664 : index
    %get3A_1200 = tpu.vector_load %arg15[%get3A_1199] {strides = array<i32>} : memref<4096xf32, #tpu.memory_space<vmem>>, vector<16xf32>,
    %eq3A_1201 = arith.constant 8 : i32
    %eq3A_1202 = vector.broadcast %eq3A_1201 : i32 to vector<16xi32>
    %eq3A_1203 = arith.cmpi eq, %iota3A, %eq3A_1202 : vector<16xi32>
    %reduce_sum3A_1204 = arith.constant true
    %reduce_sum3A_1205 = vector.broadcast %reduce_sum3A_1204 : i1 to vector<16xi1>
    %reduce_sum3A_1206 = tpu.scan <sum>, %get3A_1200 masked %reduce_sum3A_1205 : vector<16xf32>, vector<16xi1> -> vector<16xf32>
    %reduce_sum3A_1207 = vector.extract %reduce_sum3A_1206[15] : f32 from vector<16xf32>
    %broadcast_in_dim3A_1208 = vector.broadcast %reduce_sum3A_1207 : f32 to vector<16xf32>
    %select_n3A_1209 = arith.select %eq3A_1203, %broadcast_in_dim3A_1208, %select_n3A_1198 : vector<16xi1>, vector<16xf32>
    %get3A_1210 = arith.constant 1680 : index
    %get3A_1211 = tpu.vector_load %arg15[%get3A_1210] {strides = array<i32>} : memref<4096xf32, #tpu.memory_space<vmem>>, vector<16xf32>,
    %eq3A_1212 = arith.constant 9 : i32
    %eq3A_1213 = vector.broadcast %eq3A_1212 : i32 to vector<16xi32>
    %eq3A_1214 = arith.cmpi eq, %iota3A, %eq3A_1213 : vector<16xi32>
    %reduce_sum3A_1215 = arith.constant true
    %reduce_sum3A_1216 = vector.broadcast %reduce_sum3A_1215 : i1 to vector<16xi1>
    %reduce_sum3A_1217 = tpu.scan <sum>, %get3A_1211 masked %reduce_sum3A_1216 : vector<16xf32>, vector<16xi1> -> vector<16xf32>
    %reduce_sum3A_1218 = vector.extract %reduce_sum3A_1217[15] : f32 from vector<16xf32>
    %broadcast_in_dim3A_1219 = vector.broadcast %reduce_sum3A_1218 : f32 to vector<16xf32>
    %select_n3A_1220 = arith.select %eq3A_1214, %broadcast_in_dim3A_1219, %select_n3A_1209 : vector<16xi1>, vector<16xf32>
    %get3A_1221 = arith.constant 1696 : index
    %get3A_1222 = tpu.vector_load %arg15[%get3A_1221] {strides = array<i32>} : memref<4096xf32, #tpu.memory_space<vmem>>, vector<16xf32>,
    %eq3A_1223 = arith.constant 10 : i32
    %eq3A_1224 = vector.broadcast %eq3A_1223 : i32 to vector<16xi32>
    %eq3A_1225 = arith.cmpi eq, %iota3A, %eq3A_1224 : vector<16xi32>
    %reduce_sum3A_1226 = arith.constant true
    %reduce_sum3A_1227 = vector.broadcast %reduce_sum3A_1226 : i1 to vector<16xi1>
    %reduce_sum3A_1228 = tpu.scan <sum>, %get3A_1222 masked %reduce_sum3A_1227 : vector<16xf32>, vector<16xi1> -> vector<16xf32>
    %reduce_sum3A_1229 = vector.extract %reduce_sum3A_1228[15] : f32 from vector<16xf32>
    %broadcast_in_dim3A_1230 = vector.broadcast %reduce_sum3A_1229 : f32 to vector<16xf32>
    %select_n3A_1231 = arith.select %eq3A_1225, %broadcast_in_dim3A_1230, %select_n3A_1220 : vector<16xi1>, vector<16xf32>
    %get3A_1232 = arith.constant 1712 : index
    %get3A_1233 = tpu.vector_load %arg15[%get3A_1232] {strides = array<i32>} : memref<4096xf32, #tpu.memory_space<vmem>>, vector<16xf32>,
    %eq3A_1234 = arith.constant 11 : i32
    %eq3A_1235 = vector.broadcast %eq3A_1234 : i32 to vector<16xi32>
    %eq3A_1236 = arith.cmpi eq, %iota3A, %eq3A_1235 : vector<16xi32>
    %reduce_sum3A_1237 = arith.constant true
    %reduce_sum3A_1238 = vector.broadcast %reduce_sum3A_1237 : i1 to vector<16xi1>
    %reduce_sum3A_1239 = tpu.scan <sum>, %get3A_1233 masked %reduce_sum3A_1238 : vector<16xf32>, vector<16xi1> -> vector<16xf32>
    %reduce_sum3A_1240 = vector.extract %reduce_sum3A_1239[15] : f32 from vector<16xf32>
    %broadcast_in_dim3A_1241 = vector.broadcast %reduce_sum3A_1240 : f32 to vector<16xf32>
    %select_n3A_1242 = arith.select %eq3A_1236, %broadcast_in_dim3A_1241, %select_n3A_1231 : vector<16xi1>, vector<16xf32>
    %get3A_1243 = arith.constant 1728 : index
    %get3A_1244 = tpu.vector_load %arg15[%get3A_1243] {strides = array<i32>} : memref<4096xf32, #tpu.memory_space<vmem>>, vector<16xf32>,
    %eq3A_1245 = arith.constant 12 : i32
    %eq3A_1246 = vector.broadcast %eq3A_1245 : i32 to vector<16xi32>
    %eq3A_1247 = arith.cmpi eq, %iota3A, %eq3A_1246 : vector<16xi32>
    %reduce_sum3A_1248 = arith.constant true
    %reduce_sum3A_1249 = vector.broadcast %reduce_sum3A_1248 : i1 to vector<16xi1>
    %reduce_sum3A_1250 = tpu.scan <sum>, %get3A_1244 masked %reduce_sum3A_1249 : vector<16xf32>, vector<16xi1> -> vector<16xf32>
    %reduce_sum3A_1251 = vector.extract %reduce_sum3A_1250[15] : f32 from vector<16xf32>
    %broadcast_in_dim3A_1252 = vector.broadcast %reduce_sum3A_1251 : f32 to vector<16xf32>
    %select_n3A_1253 = arith.select %eq3A_1247, %broadcast_in_dim3A_1252, %select_n3A_1242 : vector<16xi1>, vector<16xf32>
    %get3A_1254 = arith.constant 1744 : index
    %get3A_1255 = tpu.vector_load %arg15[%get3A_1254] {strides = array<i32>} : memref<4096xf32, #tpu.memory_space<vmem>>, vector<16xf32>,
    %eq3A_1256 = arith.constant 13 : i32
    %eq3A_1257 = vector.broadcast %eq3A_1256 : i32 to vector<16xi32>
    %eq3A_1258 = arith.cmpi eq, %iota3A, %eq3A_1257 : vector<16xi32>
    %reduce_sum3A_1259 = arith.constant true
    %reduce_sum3A_1260 = vector.broadcast %reduce_sum3A_1259 : i1 to vector<16xi1>
    %reduce_sum3A_1261 = tpu.scan <sum>, %get3A_1255 masked %reduce_sum3A_1260 : vector<16xf32>, vector<16xi1> -> vector<16xf32>
    %reduce_sum3A_1262 = vector.extract %reduce_sum3A_1261[15] : f32 from vector<16xf32>
    %broadcast_in_dim3A_1263 = vector.broadcast %reduce_sum3A_1262 : f32 to vector<16xf32>
    %select_n3A_1264 = arith.select %eq3A_1258, %broadcast_in_dim3A_1263, %select_n3A_1253 : vector<16xi1>, vector<16xf32>
    %get3A_1265 = arith.constant 1760 : index
    %get3A_1266 = tpu.vector_load %arg15[%get3A_1265] {strides = array<i32>} : memref<4096xf32, #tpu.memory_space<vmem>>, vector<16xf32>,
    %eq3A_1267 = arith.constant 14 : i32
    %eq3A_1268 = vector.broadcast %eq3A_1267 : i32 to vector<16xi32>
    %eq3A_1269 = arith.cmpi eq, %iota3A, %eq3A_1268 : vector<16xi32>
    %reduce_sum3A_1270 = arith.constant true
    %reduce_sum3A_1271 = vector.broadcast %reduce_sum3A_1270 : i1 to vector<16xi1>
    %reduce_sum3A_1272 = tpu.scan <sum>, %get3A_1266 masked %reduce_sum3A_1271 : vector<16xf32>, vector<16xi1> -> vector<16xf32>
    %reduce_sum3A_1273 = vector.extract %reduce_sum3A_1272[15] : f32 from vector<16xf32>
    %broadcast_in_dim3A_1274 = vector.broadcast %reduce_sum3A_1273 : f32 to vector<16xf32>
    %select_n3A_1275 = arith.select %eq3A_1269, %broadcast_in_dim3A_1274, %select_n3A_1264 : vector<16xi1>, vector<16xf32>
    %get3A_1276 = arith.constant 1776 : index
    %get3A_1277 = tpu.vector_load %arg15[%get3A_1276] {strides = array<i32>} : memref<4096xf32, #tpu.memory_space<vmem>>, vector<16xf32>,
    %eq3A_1278 = arith.constant 15 : i32
    %eq3A_1279 = vector.broadcast %eq3A_1278 : i32 to vector<16xi32>
    %eq3A_1280 = arith.cmpi eq, %iota3A, %eq3A_1279 : vector<16xi32>
    %reduce_sum3A_1281 = arith.constant true
    %reduce_sum3A_1282 = vector.broadcast %reduce_sum3A_1281 : i1 to vector<16xi1>
    %reduce_sum3A_1283 = tpu.scan <sum>, %get3A_1277 masked %reduce_sum3A_1282 : vector<16xf32>, vector<16xi1> -> vector<16xf32>
    %reduce_sum3A_1284 = vector.extract %reduce_sum3A_1283[15] : f32 from vector<16xf32>
    %broadcast_in_dim3A_1285 = vector.broadcast %reduce_sum3A_1284 : f32 to vector<16xf32>
    %select_n3A_1286 = arith.select %eq3A_1280, %broadcast_in_dim3A_1285, %select_n3A_1275 : vector<16xi1>, vector<16xf32>
    %swap3A_1287 = arith.constant 96 : index
    %swap3A_1288 = tpu.vector_load %arg16[%swap3A_1287] {strides = array<i32>} : memref<256xf32, #tpu.memory_space<vmem>>, vector<16xf32>,
    tpu.vector_store %arg16[%swap3A_1287], %select_n3A_1286 {strides = array<i32>} : memref<256xf32, #tpu.memory_space<vmem>>, vector<16xf32>,
    %broadcast_in_dim3A_1289 = arith.constant 0.000000e+00 : f32
    %broadcast_in_dim3A_1290 = vector.broadcast %broadcast_in_dim3A_1289 : f32 to vector<16xf32>
    %get3A_1291 = arith.constant 1792 : index
    %get3A_1292 = tpu.vector_load %arg15[%get3A_1291] {strides = array<i32>} : memref<4096xf32, #tpu.memory_space<vmem>>, vector<16xf32>,
    %eq3A_1293 = arith.constant 0 : i32
    %eq3A_1294 = vector.broadcast %eq3A_1293 : i32 to vector<16xi32>
    %eq3A_1295 = arith.cmpi eq, %iota3A, %eq3A_1294 : vector<16xi32>
    %reduce_sum3A_1296 = arith.constant true
    %reduce_sum3A_1297 = vector.broadcast %reduce_sum3A_1296 : i1 to vector<16xi1>
    %reduce_sum3A_1298 = tpu.scan <sum>, %get3A_1292 masked %reduce_sum3A_1297 : vector<16xf32>, vector<16xi1> -> vector<16xf32>
    %reduce_sum3A_1299 = vector.extract %reduce_sum3A_1298[15] : f32 from vector<16xf32>
    %broadcast_in_dim3A_1300 = vector.broadcast %reduce_sum3A_1299 : f32 to vector<16xf32>
    %select_n3A_1301 = arith.select %eq3A_1295, %broadcast_in_dim3A_1300, %broadcast_in_dim3A_1290 : vector<16xi1>, vector<16xf32>
    %get3A_1302 = arith.constant 1808 : index
    %get3A_1303 = tpu.vector_load %arg15[%get3A_1302] {strides = array<i32>} : memref<4096xf32, #tpu.memory_space<vmem>>, vector<16xf32>,
    %eq3A_1304 = arith.constant 1 : i32
    %eq3A_1305 = vector.broadcast %eq3A_1304 : i32 to vector<16xi32>
    %eq3A_1306 = arith.cmpi eq, %iota3A, %eq3A_1305 : vector<16xi32>
    %reduce_sum3A_1307 = arith.constant true
    %reduce_sum3A_1308 = vector.broadcast %reduce_sum3A_1307 : i1 to vector<16xi1>
    %reduce_sum3A_1309 = tpu.scan <sum>, %get3A_1303 masked %reduce_sum3A_1308 : vector<16xf32>, vector<16xi1> -> vector<16xf32>
    %reduce_sum3A_1310 = vector.extract %reduce_sum3A_1309[15] : f32 from vector<16xf32>
    %broadcast_in_dim3A_1311 = vector.broadcast %reduce_sum3A_1310 : f32 to vector<16xf32>
    %select_n3A_1312 = arith.select %eq3A_1306, %broadcast_in_dim3A_1311, %select_n3A_1301 : vector<16xi1>, vector<16xf32>
    %get3A_1313 = arith.constant 1824 : index
    %get3A_1314 = tpu.vector_load %arg15[%get3A_1313] {strides = array<i32>} : memref<4096xf32, #tpu.memory_space<vmem>>, vector<16xf32>,
    %eq3A_1315 = arith.constant 2 : i32
    %eq3A_1316 = vector.broadcast %eq3A_1315 : i32 to vector<16xi32>
    %eq3A_1317 = arith.cmpi eq, %iota3A, %eq3A_1316 : vector<16xi32>
    %reduce_sum3A_1318 = arith.constant true
    %reduce_sum3A_1319 = vector.broadcast %reduce_sum3A_1318 : i1 to vector<16xi1>
    %reduce_sum3A_1320 = tpu.scan <sum>, %get3A_1314 masked %reduce_sum3A_1319 : vector<16xf32>, vector<16xi1> -> vector<16xf32>
    %reduce_sum3A_1321 = vector.extract %reduce_sum3A_1320[15] : f32 from vector<16xf32>
    %broadcast_in_dim3A_1322 = vector.broadcast %reduce_sum3A_1321 : f32 to vector<16xf32>
    %select_n3A_1323 = arith.select %eq3A_1317, %broadcast_in_dim3A_1322, %select_n3A_1312 : vector<16xi1>, vector<16xf32>
    %get3A_1324 = arith.constant 1840 : index
    %get3A_1325 = tpu.vector_load %arg15[%get3A_1324] {strides = array<i32>} : memref<4096xf32, #tpu.memory_space<vmem>>, vector<16xf32>,
    %eq3A_1326 = arith.constant 3 : i32
    %eq3A_1327 = vector.broadcast %eq3A_1326 : i32 to vector<16xi32>
    %eq3A_1328 = arith.cmpi eq, %iota3A, %eq3A_1327 : vector<16xi32>
    %reduce_sum3A_1329 = arith.constant true
    %reduce_sum3A_1330 = vector.broadcast %reduce_sum3A_1329 : i1 to vector<16xi1>
    %reduce_sum3A_1331 = tpu.scan <sum>, %get3A_1325 masked %reduce_sum3A_1330 : vector<16xf32>, vector<16xi1> -> vector<16xf32>
    %reduce_sum3A_1332 = vector.extract %reduce_sum3A_1331[15] : f32 from vector<16xf32>
    %broadcast_in_dim3A_1333 = vector.broadcast %reduce_sum3A_1332 : f32 to vector<16xf32>
    %select_n3A_1334 = arith.select %eq3A_1328, %broadcast_in_dim3A_1333, %select_n3A_1323 : vector<16xi1>, vector<16xf32>
    %get3A_1335 = arith.constant 1856 : index
    %get3A_1336 = tpu.vector_load %arg15[%get3A_1335] {strides = array<i32>} : memref<4096xf32, #tpu.memory_space<vmem>>, vector<16xf32>,
    %eq3A_1337 = arith.constant 4 : i32
    %eq3A_1338 = vector.broadcast %eq3A_1337 : i32 to vector<16xi32>
    %eq3A_1339 = arith.cmpi eq, %iota3A, %eq3A_1338 : vector<16xi32>
    %reduce_sum3A_1340 = arith.constant true
    %reduce_sum3A_1341 = vector.broadcast %reduce_sum3A_1340 : i1 to vector<16xi1>
    %reduce_sum3A_1342 = tpu.scan <sum>, %get3A_1336 masked %reduce_sum3A_1341 : vector<16xf32>, vector<16xi1> -> vector<16xf32>
    %reduce_sum3A_1343 = vector.extract %reduce_sum3A_1342[15] : f32 from vector<16xf32>
    %broadcast_in_dim3A_1344 = vector.broadcast %reduce_sum3A_1343 : f32 to vector<16xf32>
    %select_n3A_1345 = arith.select %eq3A_1339, %broadcast_in_dim3A_1344, %select_n3A_1334 : vector<16xi1>, vector<16xf32>
    %get3A_1346 = arith.constant 1872 : index
    %get3A_1347 = tpu.vector_load %arg15[%get3A_1346] {strides = array<i32>} : memref<4096xf32, #tpu.memory_space<vmem>>, vector<16xf32>,
    %eq3A_1348 = arith.constant 5 : i32
    %eq3A_1349 = vector.broadcast %eq3A_1348 : i32 to vector<16xi32>
    %eq3A_1350 = arith.cmpi eq, %iota3A, %eq3A_1349 : vector<16xi32>
    %reduce_sum3A_1351 = arith.constant true
    %reduce_sum3A_1352 = vector.broadcast %reduce_sum3A_1351 : i1 to vector<16xi1>
    %reduce_sum3A_1353 = tpu.scan <sum>, %get3A_1347 masked %reduce_sum3A_1352 : vector<16xf32>, vector<16xi1> -> vector<16xf32>
    %reduce_sum3A_1354 = vector.extract %reduce_sum3A_1353[15] : f32 from vector<16xf32>
    %broadcast_in_dim3A_1355 = vector.broadcast %reduce_sum3A_1354 : f32 to vector<16xf32>
    %select_n3A_1356 = arith.select %eq3A_1350, %broadcast_in_dim3A_1355, %select_n3A_1345 : vector<16xi1>, vector<16xf32>
    %get3A_1357 = arith.constant 1888 : index
    %get3A_1358 = tpu.vector_load %arg15[%get3A_1357] {strides = array<i32>} : memref<4096xf32, #tpu.memory_space<vmem>>, vector<16xf32>,
    %eq3A_1359 = arith.constant 6 : i32
    %eq3A_1360 = vector.broadcast %eq3A_1359 : i32 to vector<16xi32>
    %eq3A_1361 = arith.cmpi eq, %iota3A, %eq3A_1360 : vector<16xi32>
    %reduce_sum3A_1362 = arith.constant true
    %reduce_sum3A_1363 = vector.broadcast %reduce_sum3A_1362 : i1 to vector<16xi1>
    %reduce_sum3A_1364 = tpu.scan <sum>, %get3A_1358 masked %reduce_sum3A_1363 : vector<16xf32>, vector<16xi1> -> vector<16xf32>
    %reduce_sum3A_1365 = vector.extract %reduce_sum3A_1364[15] : f32 from vector<16xf32>
    %broadcast_in_dim3A_1366 = vector.broadcast %reduce_sum3A_1365 : f32 to vector<16xf32>
    %select_n3A_1367 = arith.select %eq3A_1361, %broadcast_in_dim3A_1366, %select_n3A_1356 : vector<16xi1>, vector<16xf32>
    %get3A_1368 = arith.constant 1904 : index
    %get3A_1369 = tpu.vector_load %arg15[%get3A_1368] {strides = array<i32>} : memref<4096xf32, #tpu.memory_space<vmem>>, vector<16xf32>,
    %eq3A_1370 = arith.constant 7 : i32
    %eq3A_1371 = vector.broadcast %eq3A_1370 : i32 to vector<16xi32>
    %eq3A_1372 = arith.cmpi eq, %iota3A, %eq3A_1371 : vector<16xi32>
    %reduce_sum3A_1373 = arith.constant true
    %reduce_sum3A_1374 = vector.broadcast %reduce_sum3A_1373 : i1 to vector<16xi1>
    %reduce_sum3A_1375 = tpu.scan <sum>, %get3A_1369 masked %reduce_sum3A_1374 : vector<16xf32>, vector<16xi1> -> vector<16xf32>
    %reduce_sum3A_1376 = vector.extract %reduce_sum3A_1375[15] : f32 from vector<16xf32>
    %broadcast_in_dim3A_1377 = vector.broadcast %reduce_sum3A_1376 : f32 to vector<16xf32>
    %select_n3A_1378 = arith.select %eq3A_1372, %broadcast_in_dim3A_1377, %select_n3A_1367 : vector<16xi1>, vector<16xf32>
    %get3A_1379 = arith.constant 1920 : index
    %get3A_1380 = tpu.vector_load %arg15[%get3A_1379] {strides = array<i32>} : memref<4096xf32, #tpu.memory_space<vmem>>, vector<16xf32>,
    %eq3A_1381 = arith.constant 8 : i32
    %eq3A_1382 = vector.broadcast %eq3A_1381 : i32 to vector<16xi32>
    %eq3A_1383 = arith.cmpi eq, %iota3A, %eq3A_1382 : vector<16xi32>
    %reduce_sum3A_1384 = arith.constant true
    %reduce_sum3A_1385 = vector.broadcast %reduce_sum3A_1384 : i1 to vector<16xi1>
    %reduce_sum3A_1386 = tpu.scan <sum>, %get3A_1380 masked %reduce_sum3A_1385 : vector<16xf32>, vector<16xi1> -> vector<16xf32>
    %reduce_sum3A_1387 = vector.extract %reduce_sum3A_1386[15] : f32 from vector<16xf32>
    %broadcast_in_dim3A_1388 = vector.broadcast %reduce_sum3A_1387 : f32 to vector<16xf32>
    %select_n3A_1389 = arith.select %eq3A_1383, %broadcast_in_dim3A_1388, %select_n3A_1378 : vector<16xi1>, vector<16xf32>
    %get3A_1390 = arith.constant 1936 : index
    %get3A_1391 = tpu.vector_load %arg15[%get3A_1390] {strides = array<i32>} : memref<4096xf32, #tpu.memory_space<vmem>>, vector<16xf32>,
    %eq3A_1392 = arith.constant 9 : i32
    %eq3A_1393 = vector.broadcast %eq3A_1392 : i32 to vector<16xi32>
    %eq3A_1394 = arith.cmpi eq, %iota3A, %eq3A_1393 : vector<16xi32>
    %reduce_sum3A_1395 = arith.constant true
    %reduce_sum3A_1396 = vector.broadcast %reduce_sum3A_1395 : i1 to vector<16xi1>
    %reduce_sum3A_1397 = tpu.scan <sum>, %get3A_1391 masked %reduce_sum3A_1396 : vector<16xf32>, vector<16xi1> -> vector<16xf32>
    %reduce_sum3A_1398 = vector.extract %reduce_sum3A_1397[15] : f32 from vector<16xf32>
    %broadcast_in_dim3A_1399 = vector.broadcast %reduce_sum3A_1398 : f32 to vector<16xf32>
    %select_n3A_1400 = arith.select %eq3A_1394, %broadcast_in_dim3A_1399, %select_n3A_1389 : vector<16xi1>, vector<16xf32>
    %get3A_1401 = arith.constant 1952 : index
    %get3A_1402 = tpu.vector_load %arg15[%get3A_1401] {strides = array<i32>} : memref<4096xf32, #tpu.memory_space<vmem>>, vector<16xf32>,
    %eq3A_1403 = arith.constant 10 : i32
    %eq3A_1404 = vector.broadcast %eq3A_1403 : i32 to vector<16xi32>
    %eq3A_1405 = arith.cmpi eq, %iota3A, %eq3A_1404 : vector<16xi32>
    %reduce_sum3A_1406 = arith.constant true
    %reduce_sum3A_1407 = vector.broadcast %reduce_sum3A_1406 : i1 to vector<16xi1>
    %reduce_sum3A_1408 = tpu.scan <sum>, %get3A_1402 masked %reduce_sum3A_1407 : vector<16xf32>, vector<16xi1> -> vector<16xf32>
    %reduce_sum3A_1409 = vector.extract %reduce_sum3A_1408[15] : f32 from vector<16xf32>
    %broadcast_in_dim3A_1410 = vector.broadcast %reduce_sum3A_1409 : f32 to vector<16xf32>
    %select_n3A_1411 = arith.select %eq3A_1405, %broadcast_in_dim3A_1410, %select_n3A_1400 : vector<16xi1>, vector<16xf32>
    %get3A_1412 = arith.constant 1968 : index
    %get3A_1413 = tpu.vector_load %arg15[%get3A_1412] {strides = array<i32>} : memref<4096xf32, #tpu.memory_space<vmem>>, vector<16xf32>,
    %eq3A_1414 = arith.constant 11 : i32
    %eq3A_1415 = vector.broadcast %eq3A_1414 : i32 to vector<16xi32>
    %eq3A_1416 = arith.cmpi eq, %iota3A, %eq3A_1415 : vector<16xi32>
    %reduce_sum3A_1417 = arith.constant true
    %reduce_sum3A_1418 = vector.broadcast %reduce_sum3A_1417 : i1 to vector<16xi1>
    %reduce_sum3A_1419 = tpu.scan <sum>, %get3A_1413 masked %reduce_sum3A_1418 : vector<16xf32>, vector<16xi1> -> vector<16xf32>
    %reduce_sum3A_1420 = vector.extract %reduce_sum3A_1419[15] : f32 from vector<16xf32>
    %broadcast_in_dim3A_1421 = vector.broadcast %reduce_sum3A_1420 : f32 to vector<16xf32>
    %select_n3A_1422 = arith.select %eq3A_1416, %broadcast_in_dim3A_1421, %select_n3A_1411 : vector<16xi1>, vector<16xf32>
    %get3A_1423 = arith.constant 1984 : index
    %get3A_1424 = tpu.vector_load %arg15[%get3A_1423] {strides = array<i32>} : memref<4096xf32, #tpu.memory_space<vmem>>, vector<16xf32>,
    %eq3A_1425 = arith.constant 12 : i32
    %eq3A_1426 = vector.broadcast %eq3A_1425 : i32 to vector<16xi32>
    %eq3A_1427 = arith.cmpi eq, %iota3A, %eq3A_1426 : vector<16xi32>
    %reduce_sum3A_1428 = arith.constant true
    %reduce_sum3A_1429 = vector.broadcast %reduce_sum3A_1428 : i1 to vector<16xi1>
    %reduce_sum3A_1430 = tpu.scan <sum>, %get3A_1424 masked %reduce_sum3A_1429 : vector<16xf32>, vector<16xi1> -> vector<16xf32>
    %reduce_sum3A_1431 = vector.extract %reduce_sum3A_1430[15] : f32 from vector<16xf32>
    %broadcast_in_dim3A_1432 = vector.broadcast %reduce_sum3A_1431 : f32 to vector<16xf32>
    %select_n3A_1433 = arith.select %eq3A_1427, %broadcast_in_dim3A_1432, %select_n3A_1422 : vector<16xi1>, vector<16xf32>
    %get3A_1434 = arith.constant 2000 : index
    %get3A_1435 = tpu.vector_load %arg15[%get3A_1434] {strides = array<i32>} : memref<4096xf32, #tpu.memory_space<vmem>>, vector<16xf32>,
    %eq3A_1436 = arith.constant 13 : i32
    %eq3A_1437 = vector.broadcast %eq3A_1436 : i32 to vector<16xi32>
    %eq3A_1438 = arith.cmpi eq, %iota3A, %eq3A_1437 : vector<16xi32>
    %reduce_sum3A_1439 = arith.constant true
    %reduce_sum3A_1440 = vector.broadcast %reduce_sum3A_1439 : i1 to vector<16xi1>
    %reduce_sum3A_1441 = tpu.scan <sum>, %get3A_1435 masked %reduce_sum3A_1440 : vector<16xf32>, vector<16xi1> -> vector<16xf32>
    %reduce_sum3A_1442 = vector.extract %reduce_sum3A_1441[15] : f32 from vector<16xf32>
    %broadcast_in_dim3A_1443 = vector.broadcast %reduce_sum3A_1442 : f32 to vector<16xf32>
    %select_n3A_1444 = arith.select %eq3A_1438, %broadcast_in_dim3A_1443, %select_n3A_1433 : vector<16xi1>, vector<16xf32>
    %get3A_1445 = arith.constant 2016 : index
    %get3A_1446 = tpu.vector_load %arg15[%get3A_1445] {strides = array<i32>} : memref<4096xf32, #tpu.memory_space<vmem>>, vector<16xf32>,
    %eq3A_1447 = arith.constant 14 : i32
    %eq3A_1448 = vector.broadcast %eq3A_1447 : i32 to vector<16xi32>
    %eq3A_1449 = arith.cmpi eq, %iota3A, %eq3A_1448 : vector<16xi32>
    %reduce_sum3A_1450 = arith.constant true
    %reduce_sum3A_1451 = vector.broadcast %reduce_sum3A_1450 : i1 to vector<16xi1>
    %reduce_sum3A_1452 = tpu.scan <sum>, %get3A_1446 masked %reduce_sum3A_1451 : vector<16xf32>, vector<16xi1> -> vector<16xf32>
    %reduce_sum3A_1453 = vector.extract %reduce_sum3A_1452[15] : f32 from vector<16xf32>
    %broadcast_in_dim3A_1454 = vector.broadcast %reduce_sum3A_1453 : f32 to vector<16xf32>
    %select_n3A_1455 = arith.select %eq3A_1449, %broadcast_in_dim3A_1454, %select_n3A_1444 : vector<16xi1>, vector<16xf32>
    %get3A_1456 = arith.constant 2032 : index
    %get3A_1457 = tpu.vector_load %arg15[%get3A_1456] {strides = array<i32>} : memref<4096xf32, #tpu.memory_space<vmem>>, vector<16xf32>,
    %eq3A_1458 = arith.constant 15 : i32
    %eq3A_1459 = vector.broadcast %eq3A_1458 : i32 to vector<16xi32>
    %eq3A_1460 = arith.cmpi eq, %iota3A, %eq3A_1459 : vector<16xi32>
    %reduce_sum3A_1461 = arith.constant true
    %reduce_sum3A_1462 = vector.broadcast %reduce_sum3A_1461 : i1 to vector<16xi1>
    %reduce_sum3A_1463 = tpu.scan <sum>, %get3A_1457 masked %reduce_sum3A_1462 : vector<16xf32>, vector<16xi1> -> vector<16xf32>
    %reduce_sum3A_1464 = vector.extract %reduce_sum3A_1463[15] : f32 from vector<16xf32>
    %broadcast_in_dim3A_1465 = vector.broadcast %reduce_sum3A_1464 : f32 to vector<16xf32>
    %select_n3A_1466 = arith.select %eq3A_1460, %broadcast_in_dim3A_1465, %select_n3A_1455 : vector<16xi1>, vector<16xf32>
    %swap3A_1467 = arith.constant 112 : index
    %swap3A_1468 = tpu.vector_load %arg16[%swap3A_1467] {strides = array<i32>} : memref<256xf32, #tpu.memory_space<vmem>>, vector<16xf32>,
    tpu.vector_store %arg16[%swap3A_1467], %select_n3A_1466 {strides = array<i32>} : memref<256xf32, #tpu.memory_space<vmem>>, vector<16xf32>,
    %broadcast_in_dim3A_1469 = arith.constant 0.000000e+00 : f32
    %broadcast_in_dim3A_1470 = vector.broadcast %broadcast_in_dim3A_1469 : f32 to vector<16xf32>
    %get3A_1471 = arith.constant 2048 : index
    %get3A_1472 = tpu.vector_load %arg15[%get3A_1471] {strides = array<i32>} : memref<4096xf32, #tpu.memory_space<vmem>>, vector<16xf32>,
    %eq3A_1473 = arith.constant 0 : i32
    %eq3A_1474 = vector.broadcast %eq3A_1473 : i32 to vector<16xi32>
    %eq3A_1475 = arith.cmpi eq, %iota3A, %eq3A_1474 : vector<16xi32>
    %reduce_sum3A_1476 = arith.constant true
    %reduce_sum3A_1477 = vector.broadcast %reduce_sum3A_1476 : i1 to vector<16xi1>
    %reduce_sum3A_1478 = tpu.scan <sum>, %get3A_1472 masked %reduce_sum3A_1477 : vector<16xf32>, vector<16xi1> -> vector<16xf32>
    %reduce_sum3A_1479 = vector.extract %reduce_sum3A_1478[15] : f32 from vector<16xf32>
    %broadcast_in_dim3A_1480 = vector.broadcast %reduce_sum3A_1479 : f32 to vector<16xf32>
    %select_n3A_1481 = arith.select %eq3A_1475, %broadcast_in_dim3A_1480, %broadcast_in_dim3A_1470 : vector<16xi1>, vector<16xf32>
    %get3A_1482 = arith.constant 2064 : index
    %get3A_1483 = tpu.vector_load %arg15[%get3A_1482] {strides = array<i32>} : memref<4096xf32, #tpu.memory_space<vmem>>, vector<16xf32>,
    %eq3A_1484 = arith.constant 1 : i32
    %eq3A_1485 = vector.broadcast %eq3A_1484 : i32 to vector<16xi32>
    %eq3A_1486 = arith.cmpi eq, %iota3A, %eq3A_1485 : vector<16xi32>
    %reduce_sum3A_1487 = arith.constant true
    %reduce_sum3A_1488 = vector.broadcast %reduce_sum3A_1487 : i1 to vector<16xi1>
    %reduce_sum3A_1489 = tpu.scan <sum>, %get3A_1483 masked %reduce_sum3A_1488 : vector<16xf32>, vector<16xi1> -> vector<16xf32>
    %reduce_sum3A_1490 = vector.extract %reduce_sum3A_1489[15] : f32 from vector<16xf32>
    %broadcast_in_dim3A_1491 = vector.broadcast %reduce_sum3A_1490 : f32 to vector<16xf32>
    %select_n3A_1492 = arith.select %eq3A_1486, %broadcast_in_dim3A_1491, %select_n3A_1481 : vector<16xi1>, vector<16xf32>
    %get3A_1493 = arith.constant 2080 : index
    %get3A_1494 = tpu.vector_load %arg15[%get3A_1493] {strides = array<i32>} : memref<4096xf32, #tpu.memory_space<vmem>>, vector<16xf32>,
    %eq3A_1495 = arith.constant 2 : i32
    %eq3A_1496 = vector.broadcast %eq3A_1495 : i32 to vector<16xi32>
    %eq3A_1497 = arith.cmpi eq, %iota3A, %eq3A_1496 : vector<16xi32>
    %reduce_sum3A_1498 = arith.constant true
    %reduce_sum3A_1499 = vector.broadcast %reduce_sum3A_1498 : i1 to vector<16xi1>
    %reduce_sum3A_1500 = tpu.scan <sum>, %get3A_1494 masked %reduce_sum3A_1499 : vector<16xf32>, vector<16xi1> -> vector<16xf32>
    %reduce_sum3A_1501 = vector.extract %reduce_sum3A_1500[15] : f32 from vector<16xf32>
    %broadcast_in_dim3A_1502 = vector.broadcast %reduce_sum3A_1501 : f32 to vector<16xf32>
    %select_n3A_1503 = arith.select %eq3A_1497, %broadcast_in_dim3A_1502, %select_n3A_1492 : vector<16xi1>, vector<16xf32>
    %get3A_1504 = arith.constant 2096 : index
    %get3A_1505 = tpu.vector_load %arg15[%get3A_1504] {strides = array<i32>} : memref<4096xf32, #tpu.memory_space<vmem>>, vector<16xf32>,
    %eq3A_1506 = arith.constant 3 : i32
    %eq3A_1507 = vector.broadcast %eq3A_1506 : i32 to vector<16xi32>
    %eq3A_1508 = arith.cmpi eq, %iota3A, %eq3A_1507 : vector<16xi32>
    %reduce_sum3A_1509 = arith.constant true
    %reduce_sum3A_1510 = vector.broadcast %reduce_sum3A_1509 : i1 to vector<16xi1>
    %reduce_sum3A_1511 = tpu.scan <sum>, %get3A_1505 masked %reduce_sum3A_1510 : vector<16xf32>, vector<16xi1> -> vector<16xf32>
    %reduce_sum3A_1512 = vector.extract %reduce_sum3A_1511[15] : f32 from vector<16xf32>
    %broadcast_in_dim3A_1513 = vector.broadcast %reduce_sum3A_1512 : f32 to vector<16xf32>
    %select_n3A_1514 = arith.select %eq3A_1508, %broadcast_in_dim3A_1513, %select_n3A_1503 : vector<16xi1>, vector<16xf32>
    %get3A_1515 = arith.constant 2112 : index
    %get3A_1516 = tpu.vector_load %arg15[%get3A_1515] {strides = array<i32>} : memref<4096xf32, #tpu.memory_space<vmem>>, vector<16xf32>,
    %eq3A_1517 = arith.constant 4 : i32
    %eq3A_1518 = vector.broadcast %eq3A_1517 : i32 to vector<16xi32>
    %eq3A_1519 = arith.cmpi eq, %iota3A, %eq3A_1518 : vector<16xi32>
    %reduce_sum3A_1520 = arith.constant true
    %reduce_sum3A_1521 = vector.broadcast %reduce_sum3A_1520 : i1 to vector<16xi1>
    %reduce_sum3A_1522 = tpu.scan <sum>, %get3A_1516 masked %reduce_sum3A_1521 : vector<16xf32>, vector<16xi1> -> vector<16xf32>
    %reduce_sum3A_1523 = vector.extract %reduce_sum3A_1522[15] : f32 from vector<16xf32>
    %broadcast_in_dim3A_1524 = vector.broadcast %reduce_sum3A_1523 : f32 to vector<16xf32>
    %select_n3A_1525 = arith.select %eq3A_1519, %broadcast_in_dim3A_1524, %select_n3A_1514 : vector<16xi1>, vector<16xf32>
    %get3A_1526 = arith.constant 2128 : index
    %get3A_1527 = tpu.vector_load %arg15[%get3A_1526] {strides = array<i32>} : memref<4096xf32, #tpu.memory_space<vmem>>, vector<16xf32>,
    %eq3A_1528 = arith.constant 5 : i32
    %eq3A_1529 = vector.broadcast %eq3A_1528 : i32 to vector<16xi32>
    %eq3A_1530 = arith.cmpi eq, %iota3A, %eq3A_1529 : vector<16xi32>
    %reduce_sum3A_1531 = arith.constant true
    %reduce_sum3A_1532 = vector.broadcast %reduce_sum3A_1531 : i1 to vector<16xi1>
    %reduce_sum3A_1533 = tpu.scan <sum>, %get3A_1527 masked %reduce_sum3A_1532 : vector<16xf32>, vector<16xi1> -> vector<16xf32>
    %reduce_sum3A_1534 = vector.extract %reduce_sum3A_1533[15] : f32 from vector<16xf32>
    %broadcast_in_dim3A_1535 = vector.broadcast %reduce_sum3A_1534 : f32 to vector<16xf32>
    %select_n3A_1536 = arith.select %eq3A_1530, %broadcast_in_dim3A_1535, %select_n3A_1525 : vector<16xi1>, vector<16xf32>
    %get3A_1537 = arith.constant 2144 : index
    %get3A_1538 = tpu.vector_load %arg15[%get3A_1537] {strides = array<i32>} : memref<4096xf32, #tpu.memory_space<vmem>>, vector<16xf32>,
    %eq3A_1539 = arith.constant 6 : i32
    %eq3A_1540 = vector.broadcast %eq3A_1539 : i32 to vector<16xi32>
    %eq3A_1541 = arith.cmpi eq, %iota3A, %eq3A_1540 : vector<16xi32>
    %reduce_sum3A_1542 = arith.constant true
    %reduce_sum3A_1543 = vector.broadcast %reduce_sum3A_1542 : i1 to vector<16xi1>
    %reduce_sum3A_1544 = tpu.scan <sum>, %get3A_1538 masked %reduce_sum3A_1543 : vector<16xf32>, vector<16xi1> -> vector<16xf32>
    %reduce_sum3A_1545 = vector.extract %reduce_sum3A_1544[15] : f32 from vector<16xf32>
    %broadcast_in_dim3A_1546 = vector.broadcast %reduce_sum3A_1545 : f32 to vector<16xf32>
    %select_n3A_1547 = arith.select %eq3A_1541, %broadcast_in_dim3A_1546, %select_n3A_1536 : vector<16xi1>, vector<16xf32>
    %get3A_1548 = arith.constant 2160 : index
    %get3A_1549 = tpu.vector_load %arg15[%get3A_1548] {strides = array<i32>} : memref<4096xf32, #tpu.memory_space<vmem>>, vector<16xf32>,
    %eq3A_1550 = arith.constant 7 : i32
    %eq3A_1551 = vector.broadcast %eq3A_1550 : i32 to vector<16xi32>
    %eq3A_1552 = arith.cmpi eq, %iota3A, %eq3A_1551 : vector<16xi32>
    %reduce_sum3A_1553 = arith.constant true
    %reduce_sum3A_1554 = vector.broadcast %reduce_sum3A_1553 : i1 to vector<16xi1>
    %reduce_sum3A_1555 = tpu.scan <sum>, %get3A_1549 masked %reduce_sum3A_1554 : vector<16xf32>, vector<16xi1> -> vector<16xf32>
    %reduce_sum3A_1556 = vector.extract %reduce_sum3A_1555[15] : f32 from vector<16xf32>
    %broadcast_in_dim3A_1557 = vector.broadcast %reduce_sum3A_1556 : f32 to vector<16xf32>
    %select_n3A_1558 = arith.select %eq3A_1552, %broadcast_in_dim3A_1557, %select_n3A_1547 : vector<16xi1>, vector<16xf32>
    %get3A_1559 = arith.constant 2176 : index
    %get3A_1560 = tpu.vector_load %arg15[%get3A_1559] {strides = array<i32>} : memref<4096xf32, #tpu.memory_space<vmem>>, vector<16xf32>,
    %eq3A_1561 = arith.constant 8 : i32
    %eq3A_1562 = vector.broadcast %eq3A_1561 : i32 to vector<16xi32>
    %eq3A_1563 = arith.cmpi eq, %iota3A, %eq3A_1562 : vector<16xi32>
    %reduce_sum3A_1564 = arith.constant true
    %reduce_sum3A_1565 = vector.broadcast %reduce_sum3A_1564 : i1 to vector<16xi1>
    %reduce_sum3A_1566 = tpu.scan <sum>, %get3A_1560 masked %reduce_sum3A_1565 : vector<16xf32>, vector<16xi1> -> vector<16xf32>
    %reduce_sum3A_1567 = vector.extract %reduce_sum3A_1566[15] : f32 from vector<16xf32>
    %broadcast_in_dim3A_1568 = vector.broadcast %reduce_sum3A_1567 : f32 to vector<16xf32>
    %select_n3A_1569 = arith.select %eq3A_1563, %broadcast_in_dim3A_1568, %select_n3A_1558 : vector<16xi1>, vector<16xf32>
    %get3A_1570 = arith.constant 2192 : index
    %get3A_1571 = tpu.vector_load %arg15[%get3A_1570] {strides = array<i32>} : memref<4096xf32, #tpu.memory_space<vmem>>, vector<16xf32>,
    %eq3A_1572 = arith.constant 9 : i32
    %eq3A_1573 = vector.broadcast %eq3A_1572 : i32 to vector<16xi32>
    %eq3A_1574 = arith.cmpi eq, %iota3A, %eq3A_1573 : vector<16xi32>
    %reduce_sum3A_1575 = arith.constant true
    %reduce_sum3A_1576 = vector.broadcast %reduce_sum3A_1575 : i1 to vector<16xi1>
    %reduce_sum3A_1577 = tpu.scan <sum>, %get3A_1571 masked %reduce_sum3A_1576 : vector<16xf32>, vector<16xi1> -> vector<16xf32>
    %reduce_sum3A_1578 = vector.extract %reduce_sum3A_1577[15] : f32 from vector<16xf32>
    %broadcast_in_dim3A_1579 = vector.broadcast %reduce_sum3A_1578 : f32 to vector<16xf32>
    %select_n3A_1580 = arith.select %eq3A_1574, %broadcast_in_dim3A_1579, %select_n3A_1569 : vector<16xi1>, vector<16xf32>
    %get3A_1581 = arith.constant 2208 : index
    %get3A_1582 = tpu.vector_load %arg15[%get3A_1581] {strides = array<i32>} : memref<4096xf32, #tpu.memory_space<vmem>>, vector<16xf32>,
    %eq3A_1583 = arith.constant 10 : i32
    %eq3A_1584 = vector.broadcast %eq3A_1583 : i32 to vector<16xi32>
    %eq3A_1585 = arith.cmpi eq, %iota3A, %eq3A_1584 : vector<16xi32>
    %reduce_sum3A_1586 = arith.constant true
    %reduce_sum3A_1587 = vector.broadcast %reduce_sum3A_1586 : i1 to vector<16xi1>
    %reduce_sum3A_1588 = tpu.scan <sum>, %get3A_1582 masked %reduce_sum3A_1587 : vector<16xf32>, vector<16xi1> -> vector<16xf32>
    %reduce_sum3A_1589 = vector.extract %reduce_sum3A_1588[15] : f32 from vector<16xf32>
    %broadcast_in_dim3A_1590 = vector.broadcast %reduce_sum3A_1589 : f32 to vector<16xf32>
    %select_n3A_1591 = arith.select %eq3A_1585, %broadcast_in_dim3A_1590, %select_n3A_1580 : vector<16xi1>, vector<16xf32>
    %get3A_1592 = arith.constant 2224 : index
    %get3A_1593 = tpu.vector_load %arg15[%get3A_1592] {strides = array<i32>} : memref<4096xf32, #tpu.memory_space<vmem>>, vector<16xf32>,
    %eq3A_1594 = arith.constant 11 : i32
    %eq3A_1595 = vector.broadcast %eq3A_1594 : i32 to vector<16xi32>
    %eq3A_1596 = arith.cmpi eq, %iota3A, %eq3A_1595 : vector<16xi32>
    %reduce_sum3A_1597 = arith.constant true
    %reduce_sum3A_1598 = vector.broadcast %reduce_sum3A_1597 : i1 to vector<16xi1>
    %reduce_sum3A_1599 = tpu.scan <sum>, %get3A_1593 masked %reduce_sum3A_1598 : vector<16xf32>, vector<16xi1> -> vector<16xf32>
    %reduce_sum3A_1600 = vector.extract %reduce_sum3A_1599[15] : f32 from vector<16xf32>
    %broadcast_in_dim3A_1601 = vector.broadcast %reduce_sum3A_1600 : f32 to vector<16xf32>
    %select_n3A_1602 = arith.select %eq3A_1596, %broadcast_in_dim3A_1601, %select_n3A_1591 : vector<16xi1>, vector<16xf32>
    %get3A_1603 = arith.constant 2240 : index
    %get3A_1604 = tpu.vector_load %arg15[%get3A_1603] {strides = array<i32>} : memref<4096xf32, #tpu.memory_space<vmem>>, vector<16xf32>,
    %eq3A_1605 = arith.constant 12 : i32
    %eq3A_1606 = vector.broadcast %eq3A_1605 : i32 to vector<16xi32>
    %eq3A_1607 = arith.cmpi eq, %iota3A, %eq3A_1606 : vector<16xi32>
    %reduce_sum3A_1608 = arith.constant true
    %reduce_sum3A_1609 = vector.broadcast %reduce_sum3A_1608 : i1 to vector<16xi1>
    %reduce_sum3A_1610 = tpu.scan <sum>, %get3A_1604 masked %reduce_sum3A_1609 : vector<16xf32>, vector<16xi1> -> vector<16xf32>
    %reduce_sum3A_1611 = vector.extract %reduce_sum3A_1610[15] : f32 from vector<16xf32>
    %broadcast_in_dim3A_1612 = vector.broadcast %reduce_sum3A_1611 : f32 to vector<16xf32>
    %select_n3A_1613 = arith.select %eq3A_1607, %broadcast_in_dim3A_1612, %select_n3A_1602 : vector<16xi1>, vector<16xf32>
    %get3A_1614 = arith.constant 2256 : index
    %get3A_1615 = tpu.vector_load %arg15[%get3A_1614] {strides = array<i32>} : memref<4096xf32, #tpu.memory_space<vmem>>, vector<16xf32>,
    %eq3A_1616 = arith.constant 13 : i32
    %eq3A_1617 = vector.broadcast %eq3A_1616 : i32 to vector<16xi32>
    %eq3A_1618 = arith.cmpi eq, %iota3A, %eq3A_1617 : vector<16xi32>
    %reduce_sum3A_1619 = arith.constant true
    %reduce_sum3A_1620 = vector.broadcast %reduce_sum3A_1619 : i1 to vector<16xi1>
    %reduce_sum3A_1621 = tpu.scan <sum>, %get3A_1615 masked %reduce_sum3A_1620 : vector<16xf32>, vector<16xi1> -> vector<16xf32>
    %reduce_sum3A_1622 = vector.extract %reduce_sum3A_1621[15] : f32 from vector<16xf32>
    %broadcast_in_dim3A_1623 = vector.broadcast %reduce_sum3A_1622 : f32 to vector<16xf32>
    %select_n3A_1624 = arith.select %eq3A_1618, %broadcast_in_dim3A_1623, %select_n3A_1613 : vector<16xi1>, vector<16xf32>
    %get3A_1625 = arith.constant 2272 : index
    %get3A_1626 = tpu.vector_load %arg15[%get3A_1625] {strides = array<i32>} : memref<4096xf32, #tpu.memory_space<vmem>>, vector<16xf32>,
    %eq3A_1627 = arith.constant 14 : i32
    %eq3A_1628 = vector.broadcast %eq3A_1627 : i32 to vector<16xi32>
    %eq3A_1629 = arith.cmpi eq, %iota3A, %eq3A_1628 : vector<16xi32>
    %reduce_sum3A_1630 = arith.constant true
    %reduce_sum3A_1631 = vector.broadcast %reduce_sum3A_1630 : i1 to vector<16xi1>
    %reduce_sum3A_1632 = tpu.scan <sum>, %get3A_1626 masked %reduce_sum3A_1631 : vector<16xf32>, vector<16xi1> -> vector<16xf32>
    %reduce_sum3A_1633 = vector.extract %reduce_sum3A_1632[15] : f32 from vector<16xf32>
    %broadcast_in_dim3A_1634 = vector.broadcast %reduce_sum3A_1633 : f32 to vector<16xf32>
    %select_n3A_1635 = arith.select %eq3A_1629, %broadcast_in_dim3A_1634, %select_n3A_1624 : vector<16xi1>, vector<16xf32>
    %get3A_1636 = arith.constant 2288 : index
    %get3A_1637 = tpu.vector_load %arg15[%get3A_1636] {strides = array<i32>} : memref<4096xf32, #tpu.memory_space<vmem>>, vector<16xf32>,
    %eq3A_1638 = arith.constant 15 : i32
    %eq3A_1639 = vector.broadcast %eq3A_1638 : i32 to vector<16xi32>
    %eq3A_1640 = arith.cmpi eq, %iota3A, %eq3A_1639 : vector<16xi32>
    %reduce_sum3A_1641 = arith.constant true
    %reduce_sum3A_1642 = vector.broadcast %reduce_sum3A_1641 : i1 to vector<16xi1>
    %reduce_sum3A_1643 = tpu.scan <sum>, %get3A_1637 masked %reduce_sum3A_1642 : vector<16xf32>, vector<16xi1> -> vector<16xf32>
    %reduce_sum3A_1644 = vector.extract %reduce_sum3A_1643[15] : f32 from vector<16xf32>
    %broadcast_in_dim3A_1645 = vector.broadcast %reduce_sum3A_1644 : f32 to vector<16xf32>
    %select_n3A_1646 = arith.select %eq3A_1640, %broadcast_in_dim3A_1645, %select_n3A_1635 : vector<16xi1>, vector<16xf32>
    %swap3A_1647 = arith.constant 128 : index
    %swap3A_1648 = tpu.vector_load %arg16[%swap3A_1647] {strides = array<i32>} : memref<256xf32, #tpu.memory_space<vmem>>, vector<16xf32>,
    tpu.vector_store %arg16[%swap3A_1647], %select_n3A_1646 {strides = array<i32>} : memref<256xf32, #tpu.memory_space<vmem>>, vector<16xf32>,
    %broadcast_in_dim3A_1649 = arith.constant 0.000000e+00 : f32
    %broadcast_in_dim3A_1650 = vector.broadcast %broadcast_in_dim3A_1649 : f32 to vector<16xf32>
    %get3A_1651 = arith.constant 2304 : index
    %get3A_1652 = tpu.vector_load %arg15[%get3A_1651] {strides = array<i32>} : memref<4096xf32, #tpu.memory_space<vmem>>, vector<16xf32>,
    %eq3A_1653 = arith.constant 0 : i32
    %eq3A_1654 = vector.broadcast %eq3A_1653 : i32 to vector<16xi32>
    %eq3A_1655 = arith.cmpi eq, %iota3A, %eq3A_1654 : vector<16xi32>
    %reduce_sum3A_1656 = arith.constant true
    %reduce_sum3A_1657 = vector.broadcast %reduce_sum3A_1656 : i1 to vector<16xi1>
    %reduce_sum3A_1658 = tpu.scan <sum>, %get3A_1652 masked %reduce_sum3A_1657 : vector<16xf32>, vector<16xi1> -> vector<16xf32>
    %reduce_sum3A_1659 = vector.extract %reduce_sum3A_1658[15] : f32 from vector<16xf32>
    %broadcast_in_dim3A_1660 = vector.broadcast %reduce_sum3A_1659 : f32 to vector<16xf32>
    %select_n3A_1661 = arith.select %eq3A_1655, %broadcast_in_dim3A_1660, %broadcast_in_dim3A_1650 : vector<16xi1>, vector<16xf32>
    %get3A_1662 = arith.constant 2320 : index
    %get3A_1663 = tpu.vector_load %arg15[%get3A_1662] {strides = array<i32>} : memref<4096xf32, #tpu.memory_space<vmem>>, vector<16xf32>,
    %eq3A_1664 = arith.constant 1 : i32
    %eq3A_1665 = vector.broadcast %eq3A_1664 : i32 to vector<16xi32>
    %eq3A_1666 = arith.cmpi eq, %iota3A, %eq3A_1665 : vector<16xi32>
    %reduce_sum3A_1667 = arith.constant true
    %reduce_sum3A_1668 = vector.broadcast %reduce_sum3A_1667 : i1 to vector<16xi1>
    %reduce_sum3A_1669 = tpu.scan <sum>, %get3A_1663 masked %reduce_sum3A_1668 : vector<16xf32>, vector<16xi1> -> vector<16xf32>
    %reduce_sum3A_1670 = vector.extract %reduce_sum3A_1669[15] : f32 from vector<16xf32>
    %broadcast_in_dim3A_1671 = vector.broadcast %reduce_sum3A_1670 : f32 to vector<16xf32>
    %select_n3A_1672 = arith.select %eq3A_1666, %broadcast_in_dim3A_1671, %select_n3A_1661 : vector<16xi1>, vector<16xf32>
    %get3A_1673 = arith.constant 2336 : index
    %get3A_1674 = tpu.vector_load %arg15[%get3A_1673] {strides = array<i32>} : memref<4096xf32, #tpu.memory_space<vmem>>, vector<16xf32>,
    %eq3A_1675 = arith.constant 2 : i32
    %eq3A_1676 = vector.broadcast %eq3A_1675 : i32 to vector<16xi32>
    %eq3A_1677 = arith.cmpi eq, %iota3A, %eq3A_1676 : vector<16xi32>
    %reduce_sum3A_1678 = arith.constant true
    %reduce_sum3A_1679 = vector.broadcast %reduce_sum3A_1678 : i1 to vector<16xi1>
    %reduce_sum3A_1680 = tpu.scan <sum>, %get3A_1674 masked %reduce_sum3A_1679 : vector<16xf32>, vector<16xi1> -> vector<16xf32>
    %reduce_sum3A_1681 = vector.extract %reduce_sum3A_1680[15] : f32 from vector<16xf32>
    %broadcast_in_dim3A_1682 = vector.broadcast %reduce_sum3A_1681 : f32 to vector<16xf32>
    %select_n3A_1683 = arith.select %eq3A_1677, %broadcast_in_dim3A_1682, %select_n3A_1672 : vector<16xi1>, vector<16xf32>
    %get3A_1684 = arith.constant 2352 : index
    %get3A_1685 = tpu.vector_load %arg15[%get3A_1684] {strides = array<i32>} : memref<4096xf32, #tpu.memory_space<vmem>>, vector<16xf32>,
    %eq3A_1686 = arith.constant 3 : i32
    %eq3A_1687 = vector.broadcast %eq3A_1686 : i32 to vector<16xi32>
    %eq3A_1688 = arith.cmpi eq, %iota3A, %eq3A_1687 : vector<16xi32>
    %reduce_sum3A_1689 = arith.constant true
    %reduce_sum3A_1690 = vector.broadcast %reduce_sum3A_1689 : i1 to vector<16xi1>
    %reduce_sum3A_1691 = tpu.scan <sum>, %get3A_1685 masked %reduce_sum3A_1690 : vector<16xf32>, vector<16xi1> -> vector<16xf32>
    %reduce_sum3A_1692 = vector.extract %reduce_sum3A_1691[15] : f32 from vector<16xf32>
    %broadcast_in_dim3A_1693 = vector.broadcast %reduce_sum3A_1692 : f32 to vector<16xf32>
    %select_n3A_1694 = arith.select %eq3A_1688, %broadcast_in_dim3A_1693, %select_n3A_1683 : vector<16xi1>, vector<16xf32>
    %get3A_1695 = arith.constant 2368 : index
    %get3A_1696 = tpu.vector_load %arg15[%get3A_1695] {strides = array<i32>} : memref<4096xf32, #tpu.memory_space<vmem>>, vector<16xf32>,
    %eq3A_1697 = arith.constant 4 : i32
    %eq3A_1698 = vector.broadcast %eq3A_1697 : i32 to vector<16xi32>
    %eq3A_1699 = arith.cmpi eq, %iota3A, %eq3A_1698 : vector<16xi32>
    %reduce_sum3A_1700 = arith.constant true
    %reduce_sum3A_1701 = vector.broadcast %reduce_sum3A_1700 : i1 to vector<16xi1>
    %reduce_sum3A_1702 = tpu.scan <sum>, %get3A_1696 masked %reduce_sum3A_1701 : vector<16xf32>, vector<16xi1> -> vector<16xf32>
    %reduce_sum3A_1703 = vector.extract %reduce_sum3A_1702[15] : f32 from vector<16xf32>
    %broadcast_in_dim3A_1704 = vector.broadcast %reduce_sum3A_1703 : f32 to vector<16xf32>
    %select_n3A_1705 = arith.select %eq3A_1699, %broadcast_in_dim3A_1704, %select_n3A_1694 : vector<16xi1>, vector<16xf32>
    %get3A_1706 = arith.constant 2384 : index
    %get3A_1707 = tpu.vector_load %arg15[%get3A_1706] {strides = array<i32>} : memref<4096xf32, #tpu.memory_space<vmem>>, vector<16xf32>,
    %eq3A_1708 = arith.constant 5 : i32
    %eq3A_1709 = vector.broadcast %eq3A_1708 : i32 to vector<16xi32>
    %eq3A_1710 = arith.cmpi eq, %iota3A, %eq3A_1709 : vector<16xi32>
    %reduce_sum3A_1711 = arith.constant true
    %reduce_sum3A_1712 = vector.broadcast %reduce_sum3A_1711 : i1 to vector<16xi1>
    %reduce_sum3A_1713 = tpu.scan <sum>, %get3A_1707 masked %reduce_sum3A_1712 : vector<16xf32>, vector<16xi1> -> vector<16xf32>
    %reduce_sum3A_1714 = vector.extract %reduce_sum3A_1713[15] : f32 from vector<16xf32>
    %broadcast_in_dim3A_1715 = vector.broadcast %reduce_sum3A_1714 : f32 to vector<16xf32>
    %select_n3A_1716 = arith.select %eq3A_1710, %broadcast_in_dim3A_1715, %select_n3A_1705 : vector<16xi1>, vector<16xf32>
    %get3A_1717 = arith.constant 2400 : index
    %get3A_1718 = tpu.vector_load %arg15[%get3A_1717] {strides = array<i32>} : memref<4096xf32, #tpu.memory_space<vmem>>, vector<16xf32>,
    %eq3A_1719 = arith.constant 6 : i32
    %eq3A_1720 = vector.broadcast %eq3A_1719 : i32 to vector<16xi32>
    %eq3A_1721 = arith.cmpi eq, %iota3A, %eq3A_1720 : vector<16xi32>
    %reduce_sum3A_1722 = arith.constant true
    %reduce_sum3A_1723 = vector.broadcast %reduce_sum3A_1722 : i1 to vector<16xi1>
    %reduce_sum3A_1724 = tpu.scan <sum>, %get3A_1718 masked %reduce_sum3A_1723 : vector<16xf32>, vector<16xi1> -> vector<16xf32>
    %reduce_sum3A_1725 = vector.extract %reduce_sum3A_1724[15] : f32 from vector<16xf32>
    %broadcast_in_dim3A_1726 = vector.broadcast %reduce_sum3A_1725 : f32 to vector<16xf32>
    %select_n3A_1727 = arith.select %eq3A_1721, %broadcast_in_dim3A_1726, %select_n3A_1716 : vector<16xi1>, vector<16xf32>
    %get3A_1728 = arith.constant 2416 : index
    %get3A_1729 = tpu.vector_load %arg15[%get3A_1728] {strides = array<i32>} : memref<4096xf32, #tpu.memory_space<vmem>>, vector<16xf32>,
    %eq3A_1730 = arith.constant 7 : i32
    %eq3A_1731 = vector.broadcast %eq3A_1730 : i32 to vector<16xi32>
    %eq3A_1732 = arith.cmpi eq, %iota3A, %eq3A_1731 : vector<16xi32>
    %reduce_sum3A_1733 = arith.constant true
    %reduce_sum3A_1734 = vector.broadcast %reduce_sum3A_1733 : i1 to vector<16xi1>
    %reduce_sum3A_1735 = tpu.scan <sum>, %get3A_1729 masked %reduce_sum3A_1734 : vector<16xf32>, vector<16xi1> -> vector<16xf32>
    %reduce_sum3A_1736 = vector.extract %reduce_sum3A_1735[15] : f32 from vector<16xf32>
    %broadcast_in_dim3A_1737 = vector.broadcast %reduce_sum3A_1736 : f32 to vector<16xf32>
    %select_n3A_1738 = arith.select %eq3A_1732, %broadcast_in_dim3A_1737, %select_n3A_1727 : vector<16xi1>, vector<16xf32>
    %get3A_1739 = arith.constant 2432 : index
    %get3A_1740 = tpu.vector_load %arg15[%get3A_1739] {strides = array<i32>} : memref<4096xf32, #tpu.memory_space<vmem>>, vector<16xf32>,
    %eq3A_1741 = arith.constant 8 : i32
    %eq3A_1742 = vector.broadcast %eq3A_1741 : i32 to vector<16xi32>
    %eq3A_1743 = arith.cmpi eq, %iota3A, %eq3A_1742 : vector<16xi32>
    %reduce_sum3A_1744 = arith.constant true
    %reduce_sum3A_1745 = vector.broadcast %reduce_sum3A_1744 : i1 to vector<16xi1>
    %reduce_sum3A_1746 = tpu.scan <sum>, %get3A_1740 masked %reduce_sum3A_1745 : vector<16xf32>, vector<16xi1> -> vector<16xf32>
    %reduce_sum3A_1747 = vector.extract %reduce_sum3A_1746[15] : f32 from vector<16xf32>
    %broadcast_in_dim3A_1748 = vector.broadcast %reduce_sum3A_1747 : f32 to vector<16xf32>
    %select_n3A_1749 = arith.select %eq3A_1743, %broadcast_in_dim3A_1748, %select_n3A_1738 : vector<16xi1>, vector<16xf32>
    %get3A_1750 = arith.constant 2448 : index
    %get3A_1751 = tpu.vector_load %arg15[%get3A_1750] {strides = array<i32>} : memref<4096xf32, #tpu.memory_space<vmem>>, vector<16xf32>,
    %eq3A_1752 = arith.constant 9 : i32
    %eq3A_1753 = vector.broadcast %eq3A_1752 : i32 to vector<16xi32>
    %eq3A_1754 = arith.cmpi eq, %iota3A, %eq3A_1753 : vector<16xi32>
    %reduce_sum3A_1755 = arith.constant true
    %reduce_sum3A_1756 = vector.broadcast %reduce_sum3A_1755 : i1 to vector<16xi1>
    %reduce_sum3A_1757 = tpu.scan <sum>, %get3A_1751 masked %reduce_sum3A_1756 : vector<16xf32>, vector<16xi1> -> vector<16xf32>
    %reduce_sum3A_1758 = vector.extract %reduce_sum3A_1757[15] : f32 from vector<16xf32>
    %broadcast_in_dim3A_1759 = vector.broadcast %reduce_sum3A_1758 : f32 to vector<16xf32>
    %select_n3A_1760 = arith.select %eq3A_1754, %broadcast_in_dim3A_1759, %select_n3A_1749 : vector<16xi1>, vector<16xf32>
    %get3A_1761 = arith.constant 2464 : index
    %get3A_1762 = tpu.vector_load %arg15[%get3A_1761] {strides = array<i32>} : memref<4096xf32, #tpu.memory_space<vmem>>, vector<16xf32>,
    %eq3A_1763 = arith.constant 10 : i32
    %eq3A_1764 = vector.broadcast %eq3A_1763 : i32 to vector<16xi32>
    %eq3A_1765 = arith.cmpi eq, %iota3A, %eq3A_1764 : vector<16xi32>
    %reduce_sum3A_1766 = arith.constant true
    %reduce_sum3A_1767 = vector.broadcast %reduce_sum3A_1766 : i1 to vector<16xi1>
    %reduce_sum3A_1768 = tpu.scan <sum>, %get3A_1762 masked %reduce_sum3A_1767 : vector<16xf32>, vector<16xi1> -> vector<16xf32>
    %reduce_sum3A_1769 = vector.extract %reduce_sum3A_1768[15] : f32 from vector<16xf32>
    %broadcast_in_dim3A_1770 = vector.broadcast %reduce_sum3A_1769 : f32 to vector<16xf32>
    %select_n3A_1771 = arith.select %eq3A_1765, %broadcast_in_dim3A_1770, %select_n3A_1760 : vector<16xi1>, vector<16xf32>
    %get3A_1772 = arith.constant 2480 : index
    %get3A_1773 = tpu.vector_load %arg15[%get3A_1772] {strides = array<i32>} : memref<4096xf32, #tpu.memory_space<vmem>>, vector<16xf32>,
    %eq3A_1774 = arith.constant 11 : i32
    %eq3A_1775 = vector.broadcast %eq3A_1774 : i32 to vector<16xi32>
    %eq3A_1776 = arith.cmpi eq, %iota3A, %eq3A_1775 : vector<16xi32>
    %reduce_sum3A_1777 = arith.constant true
    %reduce_sum3A_1778 = vector.broadcast %reduce_sum3A_1777 : i1 to vector<16xi1>
    %reduce_sum3A_1779 = tpu.scan <sum>, %get3A_1773 masked %reduce_sum3A_1778 : vector<16xf32>, vector<16xi1> -> vector<16xf32>
    %reduce_sum3A_1780 = vector.extract %reduce_sum3A_1779[15] : f32 from vector<16xf32>
    %broadcast_in_dim3A_1781 = vector.broadcast %reduce_sum3A_1780 : f32 to vector<16xf32>
    %select_n3A_1782 = arith.select %eq3A_1776, %broadcast_in_dim3A_1781, %select_n3A_1771 : vector<16xi1>, vector<16xf32>
    %get3A_1783 = arith.constant 2496 : index
    %get3A_1784 = tpu.vector_load %arg15[%get3A_1783] {strides = array<i32>} : memref<4096xf32, #tpu.memory_space<vmem>>, vector<16xf32>,
    %eq3A_1785 = arith.constant 12 : i32
    %eq3A_1786 = vector.broadcast %eq3A_1785 : i32 to vector<16xi32>
    %eq3A_1787 = arith.cmpi eq, %iota3A, %eq3A_1786 : vector<16xi32>
    %reduce_sum3A_1788 = arith.constant true
    %reduce_sum3A_1789 = vector.broadcast %reduce_sum3A_1788 : i1 to vector<16xi1>
    %reduce_sum3A_1790 = tpu.scan <sum>, %get3A_1784 masked %reduce_sum3A_1789 : vector<16xf32>, vector<16xi1> -> vector<16xf32>
    %reduce_sum3A_1791 = vector.extract %reduce_sum3A_1790[15] : f32 from vector<16xf32>
    %broadcast_in_dim3A_1792 = vector.broadcast %reduce_sum3A_1791 : f32 to vector<16xf32>
    %select_n3A_1793 = arith.select %eq3A_1787, %broadcast_in_dim3A_1792, %select_n3A_1782 : vector<16xi1>, vector<16xf32>
    %get3A_1794 = arith.constant 2512 : index
    %get3A_1795 = tpu.vector_load %arg15[%get3A_1794] {strides = array<i32>} : memref<4096xf32, #tpu.memory_space<vmem>>, vector<16xf32>,
    %eq3A_1796 = arith.constant 13 : i32
    %eq3A_1797 = vector.broadcast %eq3A_1796 : i32 to vector<16xi32>
    %eq3A_1798 = arith.cmpi eq, %iota3A, %eq3A_1797 : vector<16xi32>
    %reduce_sum3A_1799 = arith.constant true
    %reduce_sum3A_1800 = vector.broadcast %reduce_sum3A_1799 : i1 to vector<16xi1>
    %reduce_sum3A_1801 = tpu.scan <sum>, %get3A_1795 masked %reduce_sum3A_1800 : vector<16xf32>, vector<16xi1> -> vector<16xf32>
    %reduce_sum3A_1802 = vector.extract %reduce_sum3A_1801[15] : f32 from vector<16xf32>
    %broadcast_in_dim3A_1803 = vector.broadcast %reduce_sum3A_1802 : f32 to vector<16xf32>
    %select_n3A_1804 = arith.select %eq3A_1798, %broadcast_in_dim3A_1803, %select_n3A_1793 : vector<16xi1>, vector<16xf32>
    %get3A_1805 = arith.constant 2528 : index
    %get3A_1806 = tpu.vector_load %arg15[%get3A_1805] {strides = array<i32>} : memref<4096xf32, #tpu.memory_space<vmem>>, vector<16xf32>,
    %eq3A_1807 = arith.constant 14 : i32
    %eq3A_1808 = vector.broadcast %eq3A_1807 : i32 to vector<16xi32>
    %eq3A_1809 = arith.cmpi eq, %iota3A, %eq3A_1808 : vector<16xi32>
    %reduce_sum3A_1810 = arith.constant true
    %reduce_sum3A_1811 = vector.broadcast %reduce_sum3A_1810 : i1 to vector<16xi1>
    %reduce_sum3A_1812 = tpu.scan <sum>, %get3A_1806 masked %reduce_sum3A_1811 : vector<16xf32>, vector<16xi1> -> vector<16xf32>
    %reduce_sum3A_1813 = vector.extract %reduce_sum3A_1812[15] : f32 from vector<16xf32>
    %broadcast_in_dim3A_1814 = vector.broadcast %reduce_sum3A_1813 : f32 to vector<16xf32>
    %select_n3A_1815 = arith.select %eq3A_1809, %broadcast_in_dim3A_1814, %select_n3A_1804 : vector<16xi1>, vector<16xf32>
    %get3A_1816 = arith.constant 2544 : index
    %get3A_1817 = tpu.vector_load %arg15[%get3A_1816] {strides = array<i32>} : memref<4096xf32, #tpu.memory_space<vmem>>, vector<16xf32>,
    %eq3A_1818 = arith.constant 15 : i32
    %eq3A_1819 = vector.broadcast %eq3A_1818 : i32 to vector<16xi32>
    %eq3A_1820 = arith.cmpi eq, %iota3A, %eq3A_1819 : vector<16xi32>
    %reduce_sum3A_1821 = arith.constant true
    %reduce_sum3A_1822 = vector.broadcast %reduce_sum3A_1821 : i1 to vector<16xi1>
    %reduce_sum3A_1823 = tpu.scan <sum>, %get3A_1817 masked %reduce_sum3A_1822 : vector<16xf32>, vector<16xi1> -> vector<16xf32>
    %reduce_sum3A_1824 = vector.extract %reduce_sum3A_1823[15] : f32 from vector<16xf32>
    %broadcast_in_dim3A_1825 = vector.broadcast %reduce_sum3A_1824 : f32 to vector<16xf32>
    %select_n3A_1826 = arith.select %eq3A_1820, %broadcast_in_dim3A_1825, %select_n3A_1815 : vector<16xi1>, vector<16xf32>
    %swap3A_1827 = arith.constant 144 : index
    %swap3A_1828 = tpu.vector_load %arg16[%swap3A_1827] {strides = array<i32>} : memref<256xf32, #tpu.memory_space<vmem>>, vector<16xf32>,
    tpu.vector_store %arg16[%swap3A_1827], %select_n3A_1826 {strides = array<i32>} : memref<256xf32, #tpu.memory_space<vmem>>, vector<16xf32>,
    %broadcast_in_dim3A_1829 = arith.constant 0.000000e+00 : f32
    %broadcast_in_dim3A_1830 = vector.broadcast %broadcast_in_dim3A_1829 : f32 to vector<16xf32>
    %get3A_1831 = arith.constant 2560 : index
    %get3A_1832 = tpu.vector_load %arg15[%get3A_1831] {strides = array<i32>} : memref<4096xf32, #tpu.memory_space<vmem>>, vector<16xf32>,
    %eq3A_1833 = arith.constant 0 : i32
    %eq3A_1834 = vector.broadcast %eq3A_1833 : i32 to vector<16xi32>
    %eq3A_1835 = arith.cmpi eq, %iota3A, %eq3A_1834 : vector<16xi32>
    %reduce_sum3A_1836 = arith.constant true
    %reduce_sum3A_1837 = vector.broadcast %reduce_sum3A_1836 : i1 to vector<16xi1>
    %reduce_sum3A_1838 = tpu.scan <sum>, %get3A_1832 masked %reduce_sum3A_1837 : vector<16xf32>, vector<16xi1> -> vector<16xf32>
    %reduce_sum3A_1839 = vector.extract %reduce_sum3A_1838[15] : f32 from vector<16xf32>
    %broadcast_in_dim3A_1840 = vector.broadcast %reduce_sum3A_1839 : f32 to vector<16xf32>
    %select_n3A_1841 = arith.select %eq3A_1835, %broadcast_in_dim3A_1840, %broadcast_in_dim3A_1830 : vector<16xi1>, vector<16xf32>
    %get3A_1842 = arith.constant 2576 : index
    %get3A_1843 = tpu.vector_load %arg15[%get3A_1842] {strides = array<i32>} : memref<4096xf32, #tpu.memory_space<vmem>>, vector<16xf32>,
    %eq3A_1844 = arith.constant 1 : i32
    %eq3A_1845 = vector.broadcast %eq3A_1844 : i32 to vector<16xi32>
    %eq3A_1846 = arith.cmpi eq, %iota3A, %eq3A_1845 : vector<16xi32>
    %reduce_sum3A_1847 = arith.constant true
    %reduce_sum3A_1848 = vector.broadcast %reduce_sum3A_1847 : i1 to vector<16xi1>
    %reduce_sum3A_1849 = tpu.scan <sum>, %get3A_1843 masked %reduce_sum3A_1848 : vector<16xf32>, vector<16xi1> -> vector<16xf32>
    %reduce_sum3A_1850 = vector.extract %reduce_sum3A_1849[15] : f32 from vector<16xf32>
    %broadcast_in_dim3A_1851 = vector.broadcast %reduce_sum3A_1850 : f32 to vector<16xf32>
    %select_n3A_1852 = arith.select %eq3A_1846, %broadcast_in_dim3A_1851, %select_n3A_1841 : vector<16xi1>, vector<16xf32>
    %get3A_1853 = arith.constant 2592 : index
    %get3A_1854 = tpu.vector_load %arg15[%get3A_1853] {strides = array<i32>} : memref<4096xf32, #tpu.memory_space<vmem>>, vector<16xf32>,
    %eq3A_1855 = arith.constant 2 : i32
    %eq3A_1856 = vector.broadcast %eq3A_1855 : i32 to vector<16xi32>
    %eq3A_1857 = arith.cmpi eq, %iota3A, %eq3A_1856 : vector<16xi32>
    %reduce_sum3A_1858 = arith.constant true
    %reduce_sum3A_1859 = vector.broadcast %reduce_sum3A_1858 : i1 to vector<16xi1>
    %reduce_sum3A_1860 = tpu.scan <sum>, %get3A_1854 masked %reduce_sum3A_1859 : vector<16xf32>, vector<16xi1> -> vector<16xf32>
    %reduce_sum3A_1861 = vector.extract %reduce_sum3A_1860[15] : f32 from vector<16xf32>
    %broadcast_in_dim3A_1862 = vector.broadcast %reduce_sum3A_1861 : f32 to vector<16xf32>
    %select_n3A_1863 = arith.select %eq3A_1857, %broadcast_in_dim3A_1862, %select_n3A_1852 : vector<16xi1>, vector<16xf32>
    %get3A_1864 = arith.constant 2608 : index
    %get3A_1865 = tpu.vector_load %arg15[%get3A_1864] {strides = array<i32>} : memref<4096xf32, #tpu.memory_space<vmem>>, vector<16xf32>,
    %eq3A_1866 = arith.constant 3 : i32
    %eq3A_1867 = vector.broadcast %eq3A_1866 : i32 to vector<16xi32>
    %eq3A_1868 = arith.cmpi eq, %iota3A, %eq3A_1867 : vector<16xi32>
    %reduce_sum3A_1869 = arith.constant true
    %reduce_sum3A_1870 = vector.broadcast %reduce_sum3A_1869 : i1 to vector<16xi1>
    %reduce_sum3A_1871 = tpu.scan <sum>, %get3A_1865 masked %reduce_sum3A_1870 : vector<16xf32>, vector<16xi1> -> vector<16xf32>
    %reduce_sum3A_1872 = vector.extract %reduce_sum3A_1871[15] : f32 from vector<16xf32>
    %broadcast_in_dim3A_1873 = vector.broadcast %reduce_sum3A_1872 : f32 to vector<16xf32>
    %select_n3A_1874 = arith.select %eq3A_1868, %broadcast_in_dim3A_1873, %select_n3A_1863 : vector<16xi1>, vector<16xf32>
    %get3A_1875 = arith.constant 2624 : index
    %get3A_1876 = tpu.vector_load %arg15[%get3A_1875] {strides = array<i32>} : memref<4096xf32, #tpu.memory_space<vmem>>, vector<16xf32>,
    %eq3A_1877 = arith.constant 4 : i32
    %eq3A_1878 = vector.broadcast %eq3A_1877 : i32 to vector<16xi32>
    %eq3A_1879 = arith.cmpi eq, %iota3A, %eq3A_1878 : vector<16xi32>
    %reduce_sum3A_1880 = arith.constant true
    %reduce_sum3A_1881 = vector.broadcast %reduce_sum3A_1880 : i1 to vector<16xi1>
    %reduce_sum3A_1882 = tpu.scan <sum>, %get3A_1876 masked %reduce_sum3A_1881 : vector<16xf32>, vector<16xi1> -> vector<16xf32>
    %reduce_sum3A_1883 = vector.extract %reduce_sum3A_1882[15] : f32 from vector<16xf32>
    %broadcast_in_dim3A_1884 = vector.broadcast %reduce_sum3A_1883 : f32 to vector<16xf32>
    %select_n3A_1885 = arith.select %eq3A_1879, %broadcast_in_dim3A_1884, %select_n3A_1874 : vector<16xi1>, vector<16xf32>
    %get3A_1886 = arith.constant 2640 : index
    %get3A_1887 = tpu.vector_load %arg15[%get3A_1886] {strides = array<i32>} : memref<4096xf32, #tpu.memory_space<vmem>>, vector<16xf32>,
    %eq3A_1888 = arith.constant 5 : i32
    %eq3A_1889 = vector.broadcast %eq3A_1888 : i32 to vector<16xi32>
    %eq3A_1890 = arith.cmpi eq, %iota3A, %eq3A_1889 : vector<16xi32>
    %reduce_sum3A_1891 = arith.constant true
    %reduce_sum3A_1892 = vector.broadcast %reduce_sum3A_1891 : i1 to vector<16xi1>
    %reduce_sum3A_1893 = tpu.scan <sum>, %get3A_1887 masked %reduce_sum3A_1892 : vector<16xf32>, vector<16xi1> -> vector<16xf32>
    %reduce_sum3A_1894 = vector.extract %reduce_sum3A_1893[15] : f32 from vector<16xf32>
    %broadcast_in_dim3A_1895 = vector.broadcast %reduce_sum3A_1894 : f32 to vector<16xf32>
    %select_n3A_1896 = arith.select %eq3A_1890, %broadcast_in_dim3A_1895, %select_n3A_1885 : vector<16xi1>, vector<16xf32>
    %get3A_1897 = arith.constant 2656 : index
    %get3A_1898 = tpu.vector_load %arg15[%get3A_1897] {strides = array<i32>} : memref<4096xf32, #tpu.memory_space<vmem>>, vector<16xf32>,
    %eq3A_1899 = arith.constant 6 : i32
    %eq3A_1900 = vector.broadcast %eq3A_1899 : i32 to vector<16xi32>
    %eq3A_1901 = arith.cmpi eq, %iota3A, %eq3A_1900 : vector<16xi32>
    %reduce_sum3A_1902 = arith.constant true
    %reduce_sum3A_1903 = vector.broadcast %reduce_sum3A_1902 : i1 to vector<16xi1>
    %reduce_sum3A_1904 = tpu.scan <sum>, %get3A_1898 masked %reduce_sum3A_1903 : vector<16xf32>, vector<16xi1> -> vector<16xf32>
    %reduce_sum3A_1905 = vector.extract %reduce_sum3A_1904[15] : f32 from vector<16xf32>
    %broadcast_in_dim3A_1906 = vector.broadcast %reduce_sum3A_1905 : f32 to vector<16xf32>
    %select_n3A_1907 = arith.select %eq3A_1901, %broadcast_in_dim3A_1906, %select_n3A_1896 : vector<16xi1>, vector<16xf32>
    %get3A_1908 = arith.constant 2672 : index
    %get3A_1909 = tpu.vector_load %arg15[%get3A_1908] {strides = array<i32>} : memref<4096xf32, #tpu.memory_space<vmem>>, vector<16xf32>,
    %eq3A_1910 = arith.constant 7 : i32
    %eq3A_1911 = vector.broadcast %eq3A_1910 : i32 to vector<16xi32>
    %eq3A_1912 = arith.cmpi eq, %iota3A, %eq3A_1911 : vector<16xi32>
    %reduce_sum3A_1913 = arith.constant true
    %reduce_sum3A_1914 = vector.broadcast %reduce_sum3A_1913 : i1 to vector<16xi1>
    %reduce_sum3A_1915 = tpu.scan <sum>, %get3A_1909 masked %reduce_sum3A_1914 : vector<16xf32>, vector<16xi1> -> vector<16xf32>
    %reduce_sum3A_1916 = vector.extract %reduce_sum3A_1915[15] : f32 from vector<16xf32>
    %broadcast_in_dim3A_1917 = vector.broadcast %reduce_sum3A_1916 : f32 to vector<16xf32>
    %select_n3A_1918 = arith.select %eq3A_1912, %broadcast_in_dim3A_1917, %select_n3A_1907 : vector<16xi1>, vector<16xf32>
    %get3A_1919 = arith.constant 2688 : index
    %get3A_1920 = tpu.vector_load %arg15[%get3A_1919] {strides = array<i32>} : memref<4096xf32, #tpu.memory_space<vmem>>, vector<16xf32>,
    %eq3A_1921 = arith.constant 8 : i32
    %eq3A_1922 = vector.broadcast %eq3A_1921 : i32 to vector<16xi32>
    %eq3A_1923 = arith.cmpi eq, %iota3A, %eq3A_1922 : vector<16xi32>
    %reduce_sum3A_1924 = arith.constant true
    %reduce_sum3A_1925 = vector.broadcast %reduce_sum3A_1924 : i1 to vector<16xi1>
    %reduce_sum3A_1926 = tpu.scan <sum>, %get3A_1920 masked %reduce_sum3A_1925 : vector<16xf32>, vector<16xi1> -> vector<16xf32>
    %reduce_sum3A_1927 = vector.extract %reduce_sum3A_1926[15] : f32 from vector<16xf32>
    %broadcast_in_dim3A_1928 = vector.broadcast %reduce_sum3A_1927 : f32 to vector<16xf32>
    %select_n3A_1929 = arith.select %eq3A_1923, %broadcast_in_dim3A_1928, %select_n3A_1918 : vector<16xi1>, vector<16xf32>
    %get3A_1930 = arith.constant 2704 : index
    %get3A_1931 = tpu.vector_load %arg15[%get3A_1930] {strides = array<i32>} : memref<4096xf32, #tpu.memory_space<vmem>>, vector<16xf32>,
    %eq3A_1932 = arith.constant 9 : i32
    %eq3A_1933 = vector.broadcast %eq3A_1932 : i32 to vector<16xi32>
    %eq3A_1934 = arith.cmpi eq, %iota3A, %eq3A_1933 : vector<16xi32>
    %reduce_sum3A_1935 = arith.constant true
    %reduce_sum3A_1936 = vector.broadcast %reduce_sum3A_1935 : i1 to vector<16xi1>
    %reduce_sum3A_1937 = tpu.scan <sum>, %get3A_1931 masked %reduce_sum3A_1936 : vector<16xf32>, vector<16xi1> -> vector<16xf32>
    %reduce_sum3A_1938 = vector.extract %reduce_sum3A_1937[15] : f32 from vector<16xf32>
    %broadcast_in_dim3A_1939 = vector.broadcast %reduce_sum3A_1938 : f32 to vector<16xf32>
    %select_n3A_1940 = arith.select %eq3A_1934, %broadcast_in_dim3A_1939, %select_n3A_1929 : vector<16xi1>, vector<16xf32>
    %get3A_1941 = arith.constant 2720 : index
    %get3A_1942 = tpu.vector_load %arg15[%get3A_1941] {strides = array<i32>} : memref<4096xf32, #tpu.memory_space<vmem>>, vector<16xf32>,
    %eq3A_1943 = arith.constant 10 : i32
    %eq3A_1944 = vector.broadcast %eq3A_1943 : i32 to vector<16xi32>
    %eq3A_1945 = arith.cmpi eq, %iota3A, %eq3A_1944 : vector<16xi32>
    %reduce_sum3A_1946 = arith.constant true
    %reduce_sum3A_1947 = vector.broadcast %reduce_sum3A_1946 : i1 to vector<16xi1>
    %reduce_sum3A_1948 = tpu.scan <sum>, %get3A_1942 masked %reduce_sum3A_1947 : vector<16xf32>, vector<16xi1> -> vector<16xf32>
    %reduce_sum3A_1949 = vector.extract %reduce_sum3A_1948[15] : f32 from vector<16xf32>
    %broadcast_in_dim3A_1950 = vector.broadcast %reduce_sum3A_1949 : f32 to vector<16xf32>
    %select_n3A_1951 = arith.select %eq3A_1945, %broadcast_in_dim3A_1950, %select_n3A_1940 : vector<16xi1>, vector<16xf32>
    %get3A_1952 = arith.constant 2736 : index
    %get3A_1953 = tpu.vector_load %arg15[%get3A_1952] {strides = array<i32>} : memref<4096xf32, #tpu.memory_space<vmem>>, vector<16xf32>,
    %eq3A_1954 = arith.constant 11 : i32
    %eq3A_1955 = vector.broadcast %eq3A_1954 : i32 to vector<16xi32>
    %eq3A_1956 = arith.cmpi eq, %iota3A, %eq3A_1955 : vector<16xi32>
    %reduce_sum3A_1957 = arith.constant true
    %reduce_sum3A_1958 = vector.broadcast %reduce_sum3A_1957 : i1 to vector<16xi1>
    %reduce_sum3A_1959 = tpu.scan <sum>, %get3A_1953 masked %reduce_sum3A_1958 : vector<16xf32>, vector<16xi1> -> vector<16xf32>
    %reduce_sum3A_1960 = vector.extract %reduce_sum3A_1959[15] : f32 from vector<16xf32>
    %broadcast_in_dim3A_1961 = vector.broadcast %reduce_sum3A_1960 : f32 to vector<16xf32>
    %select_n3A_1962 = arith.select %eq3A_1956, %broadcast_in_dim3A_1961, %select_n3A_1951 : vector<16xi1>, vector<16xf32>
    %get3A_1963 = arith.constant 2752 : index
    %get3A_1964 = tpu.vector_load %arg15[%get3A_1963] {strides = array<i32>} : memref<4096xf32, #tpu.memory_space<vmem>>, vector<16xf32>,
    %eq3A_1965 = arith.constant 12 : i32
    %eq3A_1966 = vector.broadcast %eq3A_1965 : i32 to vector<16xi32>
    %eq3A_1967 = arith.cmpi eq, %iota3A, %eq3A_1966 : vector<16xi32>
    %reduce_sum3A_1968 = arith.constant true
    %reduce_sum3A_1969 = vector.broadcast %reduce_sum3A_1968 : i1 to vector<16xi1>
    %reduce_sum3A_1970 = tpu.scan <sum>, %get3A_1964 masked %reduce_sum3A_1969 : vector<16xf32>, vector<16xi1> -> vector<16xf32>
    %reduce_sum3A_1971 = vector.extract %reduce_sum3A_1970[15] : f32 from vector<16xf32>
    %broadcast_in_dim3A_1972 = vector.broadcast %reduce_sum3A_1971 : f32 to vector<16xf32>
    %select_n3A_1973 = arith.select %eq3A_1967, %broadcast_in_dim3A_1972, %select_n3A_1962 : vector<16xi1>, vector<16xf32>
    %get3A_1974 = arith.constant 2768 : index
    %get3A_1975 = tpu.vector_load %arg15[%get3A_1974] {strides = array<i32>} : memref<4096xf32, #tpu.memory_space<vmem>>, vector<16xf32>,
    %eq3A_1976 = arith.constant 13 : i32
    %eq3A_1977 = vector.broadcast %eq3A_1976 : i32 to vector<16xi32>
    %eq3A_1978 = arith.cmpi eq, %iota3A, %eq3A_1977 : vector<16xi32>
    %reduce_sum3A_1979 = arith.constant true
    %reduce_sum3A_1980 = vector.broadcast %reduce_sum3A_1979 : i1 to vector<16xi1>
    %reduce_sum3A_1981 = tpu.scan <sum>, %get3A_1975 masked %reduce_sum3A_1980 : vector<16xf32>, vector<16xi1> -> vector<16xf32>
    %reduce_sum3A_1982 = vector.extract %reduce_sum3A_1981[15] : f32 from vector<16xf32>
    %broadcast_in_dim3A_1983 = vector.broadcast %reduce_sum3A_1982 : f32 to vector<16xf32>
    %select_n3A_1984 = arith.select %eq3A_1978, %broadcast_in_dim3A_1983, %select_n3A_1973 : vector<16xi1>, vector<16xf32>
    %get3A_1985 = arith.constant 2784 : index
    %get3A_1986 = tpu.vector_load %arg15[%get3A_1985] {strides = array<i32>} : memref<4096xf32, #tpu.memory_space<vmem>>, vector<16xf32>,
    %eq3A_1987 = arith.constant 14 : i32
    %eq3A_1988 = vector.broadcast %eq3A_1987 : i32 to vector<16xi32>
    %eq3A_1989 = arith.cmpi eq, %iota3A, %eq3A_1988 : vector<16xi32>
    %reduce_sum3A_1990 = arith.constant true
    %reduce_sum3A_1991 = vector.broadcast %reduce_sum3A_1990 : i1 to vector<16xi1>
    %reduce_sum3A_1992 = tpu.scan <sum>, %get3A_1986 masked %reduce_sum3A_1991 : vector<16xf32>, vector<16xi1> -> vector<16xf32>
    %reduce_sum3A_1993 = vector.extract %reduce_sum3A_1992[15] : f32 from vector<16xf32>
    %broadcast_in_dim3A_1994 = vector.broadcast %reduce_sum3A_1993 : f32 to vector<16xf32>
    %select_n3A_1995 = arith.select %eq3A_1989, %broadcast_in_dim3A_1994, %select_n3A_1984 : vector<16xi1>, vector<16xf32>
    %get3A_1996 = arith.constant 2800 : index
    %get3A_1997 = tpu.vector_load %arg15[%get3A_1996] {strides = array<i32>} : memref<4096xf32, #tpu.memory_space<vmem>>, vector<16xf32>,
    %eq3A_1998 = arith.constant 15 : i32
    %eq3A_1999 = vector.broadcast %eq3A_1998 : i32 to vector<16xi32>
    %eq3A_2000 = arith.cmpi eq, %iota3A, %eq3A_1999 : vector<16xi32>
    %reduce_sum3A_2001 = arith.constant true
    %reduce_sum3A_2002 = vector.broadcast %reduce_sum3A_2001 : i1 to vector<16xi1>
    %reduce_sum3A_2003 = tpu.scan <sum>, %get3A_1997 masked %reduce_sum3A_2002 : vector<16xf32>, vector<16xi1> -> vector<16xf32>
    %reduce_sum3A_2004 = vector.extract %reduce_sum3A_2003[15] : f32 from vector<16xf32>
    %broadcast_in_dim3A_2005 = vector.broadcast %reduce_sum3A_2004 : f32 to vector<16xf32>
    %select_n3A_2006 = arith.select %eq3A_2000, %broadcast_in_dim3A_2005, %select_n3A_1995 : vector<16xi1>, vector<16xf32>
    %swap3A_2007 = arith.constant 160 : index
    %swap3A_2008 = tpu.vector_load %arg16[%swap3A_2007] {strides = array<i32>} : memref<256xf32, #tpu.memory_space<vmem>>, vector<16xf32>,
    tpu.vector_store %arg16[%swap3A_2007], %select_n3A_2006 {strides = array<i32>} : memref<256xf32, #tpu.memory_space<vmem>>, vector<16xf32>,
    %broadcast_in_dim3A_2009 = arith.constant 0.000000e+00 : f32
    %broadcast_in_dim3A_2010 = vector.broadcast %broadcast_in_dim3A_2009 : f32 to vector<16xf32>
    %get3A_2011 = arith.constant 2816 : index
    %get3A_2012 = tpu.vector_load %arg15[%get3A_2011] {strides = array<i32>} : memref<4096xf32, #tpu.memory_space<vmem>>, vector<16xf32>,
    %eq3A_2013 = arith.constant 0 : i32
    %eq3A_2014 = vector.broadcast %eq3A_2013 : i32 to vector<16xi32>
    %eq3A_2015 = arith.cmpi eq, %iota3A, %eq3A_2014 : vector<16xi32>
    %reduce_sum3A_2016 = arith.constant true
    %reduce_sum3A_2017 = vector.broadcast %reduce_sum3A_2016 : i1 to vector<16xi1>
    %reduce_sum3A_2018 = tpu.scan <sum>, %get3A_2012 masked %reduce_sum3A_2017 : vector<16xf32>, vector<16xi1> -> vector<16xf32>
    %reduce_sum3A_2019 = vector.extract %reduce_sum3A_2018[15] : f32 from vector<16xf32>
    %broadcast_in_dim3A_2020 = vector.broadcast %reduce_sum3A_2019 : f32 to vector<16xf32>
    %select_n3A_2021 = arith.select %eq3A_2015, %broadcast_in_dim3A_2020, %broadcast_in_dim3A_2010 : vector<16xi1>, vector<16xf32>
    %get3A_2022 = arith.constant 2832 : index
    %get3A_2023 = tpu.vector_load %arg15[%get3A_2022] {strides = array<i32>} : memref<4096xf32, #tpu.memory_space<vmem>>, vector<16xf32>,
    %eq3A_2024 = arith.constant 1 : i32
    %eq3A_2025 = vector.broadcast %eq3A_2024 : i32 to vector<16xi32>
    %eq3A_2026 = arith.cmpi eq, %iota3A, %eq3A_2025 : vector<16xi32>
    %reduce_sum3A_2027 = arith.constant true
    %reduce_sum3A_2028 = vector.broadcast %reduce_sum3A_2027 : i1 to vector<16xi1>
    %reduce_sum3A_2029 = tpu.scan <sum>, %get3A_2023 masked %reduce_sum3A_2028 : vector<16xf32>, vector<16xi1> -> vector<16xf32>
    %reduce_sum3A_2030 = vector.extract %reduce_sum3A_2029[15] : f32 from vector<16xf32>
    %broadcast_in_dim3A_2031 = vector.broadcast %reduce_sum3A_2030 : f32 to vector<16xf32>
    %select_n3A_2032 = arith.select %eq3A_2026, %broadcast_in_dim3A_2031, %select_n3A_2021 : vector<16xi1>, vector<16xf32>
    %get3A_2033 = arith.constant 2848 : index
    %get3A_2034 = tpu.vector_load %arg15[%get3A_2033] {strides = array<i32>} : memref<4096xf32, #tpu.memory_space<vmem>>, vector<16xf32>,
    %eq3A_2035 = arith.constant 2 : i32
    %eq3A_2036 = vector.broadcast %eq3A_2035 : i32 to vector<16xi32>
    %eq3A_2037 = arith.cmpi eq, %iota3A, %eq3A_2036 : vector<16xi32>
    %reduce_sum3A_2038 = arith.constant true
    %reduce_sum3A_2039 = vector.broadcast %reduce_sum3A_2038 : i1 to vector<16xi1>
    %reduce_sum3A_2040 = tpu.scan <sum>, %get3A_2034 masked %reduce_sum3A_2039 : vector<16xf32>, vector<16xi1> -> vector<16xf32>
    %reduce_sum3A_2041 = vector.extract %reduce_sum3A_2040[15] : f32 from vector<16xf32>
    %broadcast_in_dim3A_2042 = vector.broadcast %reduce_sum3A_2041 : f32 to vector<16xf32>
    %select_n3A_2043 = arith.select %eq3A_2037, %broadcast_in_dim3A_2042, %select_n3A_2032 : vector<16xi1>, vector<16xf32>
    %get3A_2044 = arith.constant 2864 : index
    %get3A_2045 = tpu.vector_load %arg15[%get3A_2044] {strides = array<i32>} : memref<4096xf32, #tpu.memory_space<vmem>>, vector<16xf32>,
    %eq3A_2046 = arith.constant 3 : i32
    %eq3A_2047 = vector.broadcast %eq3A_2046 : i32 to vector<16xi32>
    %eq3A_2048 = arith.cmpi eq, %iota3A, %eq3A_2047 : vector<16xi32>
    %reduce_sum3A_2049 = arith.constant true
    %reduce_sum3A_2050 = vector.broadcast %reduce_sum3A_2049 : i1 to vector<16xi1>
    %reduce_sum3A_2051 = tpu.scan <sum>, %get3A_2045 masked %reduce_sum3A_2050 : vector<16xf32>, vector<16xi1> -> vector<16xf32>
    %reduce_sum3A_2052 = vector.extract %reduce_sum3A_2051[15] : f32 from vector<16xf32>
    %broadcast_in_dim3A_2053 = vector.broadcast %reduce_sum3A_2052 : f32 to vector<16xf32>
    %select_n3A_2054 = arith.select %eq3A_2048, %broadcast_in_dim3A_2053, %select_n3A_2043 : vector<16xi1>, vector<16xf32>
    %get3A_2055 = arith.constant 2880 : index
    %get3A_2056 = tpu.vector_load %arg15[%get3A_2055] {strides = array<i32>} : memref<4096xf32, #tpu.memory_space<vmem>>, vector<16xf32>,
    %eq3A_2057 = arith.constant 4 : i32
    %eq3A_2058 = vector.broadcast %eq3A_2057 : i32 to vector<16xi32>
    %eq3A_2059 = arith.cmpi eq, %iota3A, %eq3A_2058 : vector<16xi32>
    %reduce_sum3A_2060 = arith.constant true
    %reduce_sum3A_2061 = vector.broadcast %reduce_sum3A_2060 : i1 to vector<16xi1>
    %reduce_sum3A_2062 = tpu.scan <sum>, %get3A_2056 masked %reduce_sum3A_2061 : vector<16xf32>, vector<16xi1> -> vector<16xf32>
    %reduce_sum3A_2063 = vector.extract %reduce_sum3A_2062[15] : f32 from vector<16xf32>
    %broadcast_in_dim3A_2064 = vector.broadcast %reduce_sum3A_2063 : f32 to vector<16xf32>
    %select_n3A_2065 = arith.select %eq3A_2059, %broadcast_in_dim3A_2064, %select_n3A_2054 : vector<16xi1>, vector<16xf32>
    %get3A_2066 = arith.constant 2896 : index
    %get3A_2067 = tpu.vector_load %arg15[%get3A_2066] {strides = array<i32>} : memref<4096xf32, #tpu.memory_space<vmem>>, vector<16xf32>,
    %eq3A_2068 = arith.constant 5 : i32
    %eq3A_2069 = vector.broadcast %eq3A_2068 : i32 to vector<16xi32>
    %eq3A_2070 = arith.cmpi eq, %iota3A, %eq3A_2069 : vector<16xi32>
    %reduce_sum3A_2071 = arith.constant true
    %reduce_sum3A_2072 = vector.broadcast %reduce_sum3A_2071 : i1 to vector<16xi1>
    %reduce_sum3A_2073 = tpu.scan <sum>, %get3A_2067 masked %reduce_sum3A_2072 : vector<16xf32>, vector<16xi1> -> vector<16xf32>
    %reduce_sum3A_2074 = vector.extract %reduce_sum3A_2073[15] : f32 from vector<16xf32>
    %broadcast_in_dim3A_2075 = vector.broadcast %reduce_sum3A_2074 : f32 to vector<16xf32>
    %select_n3A_2076 = arith.select %eq3A_2070, %broadcast_in_dim3A_2075, %select_n3A_2065 : vector<16xi1>, vector<16xf32>
    %get3A_2077 = arith.constant 2912 : index
    %get3A_2078 = tpu.vector_load %arg15[%get3A_2077] {strides = array<i32>} : memref<4096xf32, #tpu.memory_space<vmem>>, vector<16xf32>,
    %eq3A_2079 = arith.constant 6 : i32
    %eq3A_2080 = vector.broadcast %eq3A_2079 : i32 to vector<16xi32>
    %eq3A_2081 = arith.cmpi eq, %iota3A, %eq3A_2080 : vector<16xi32>
    %reduce_sum3A_2082 = arith.constant true
    %reduce_sum3A_2083 = vector.broadcast %reduce_sum3A_2082 : i1 to vector<16xi1>
    %reduce_sum3A_2084 = tpu.scan <sum>, %get3A_2078 masked %reduce_sum3A_2083 : vector<16xf32>, vector<16xi1> -> vector<16xf32>
    %reduce_sum3A_2085 = vector.extract %reduce_sum3A_2084[15] : f32 from vector<16xf32>
    %broadcast_in_dim3A_2086 = vector.broadcast %reduce_sum3A_2085 : f32 to vector<16xf32>
    %select_n3A_2087 = arith.select %eq3A_2081, %broadcast_in_dim3A_2086, %select_n3A_2076 : vector<16xi1>, vector<16xf32>
    %get3A_2088 = arith.constant 2928 : index
    %get3A_2089 = tpu.vector_load %arg15[%get3A_2088] {strides = array<i32>} : memref<4096xf32, #tpu.memory_space<vmem>>, vector<16xf32>,
    %eq3A_2090 = arith.constant 7 : i32
    %eq3A_2091 = vector.broadcast %eq3A_2090 : i32 to vector<16xi32>
    %eq3A_2092 = arith.cmpi eq, %iota3A, %eq3A_2091 : vector<16xi32>
    %reduce_sum3A_2093 = arith.constant true
    %reduce_sum3A_2094 = vector.broadcast %reduce_sum3A_2093 : i1 to vector<16xi1>
    %reduce_sum3A_2095 = tpu.scan <sum>, %get3A_2089 masked %reduce_sum3A_2094 : vector<16xf32>, vector<16xi1> -> vector<16xf32>
    %reduce_sum3A_2096 = vector.extract %reduce_sum3A_2095[15] : f32 from vector<16xf32>
    %broadcast_in_dim3A_2097 = vector.broadcast %reduce_sum3A_2096 : f32 to vector<16xf32>
    %select_n3A_2098 = arith.select %eq3A_2092, %broadcast_in_dim3A_2097, %select_n3A_2087 : vector<16xi1>, vector<16xf32>
    %get3A_2099 = arith.constant 2944 : index
    %get3A_2100 = tpu.vector_load %arg15[%get3A_2099] {strides = array<i32>} : memref<4096xf32, #tpu.memory_space<vmem>>, vector<16xf32>,
    %eq3A_2101 = arith.constant 8 : i32
    %eq3A_2102 = vector.broadcast %eq3A_2101 : i32 to vector<16xi32>
    %eq3A_2103 = arith.cmpi eq, %iota3A, %eq3A_2102 : vector<16xi32>
    %reduce_sum3A_2104 = arith.constant true
    %reduce_sum3A_2105 = vector.broadcast %reduce_sum3A_2104 : i1 to vector<16xi1>
    %reduce_sum3A_2106 = tpu.scan <sum>, %get3A_2100 masked %reduce_sum3A_2105 : vector<16xf32>, vector<16xi1> -> vector<16xf32>
    %reduce_sum3A_2107 = vector.extract %reduce_sum3A_2106[15] : f32 from vector<16xf32>
    %broadcast_in_dim3A_2108 = vector.broadcast %reduce_sum3A_2107 : f32 to vector<16xf32>
    %select_n3A_2109 = arith.select %eq3A_2103, %broadcast_in_dim3A_2108, %select_n3A_2098 : vector<16xi1>, vector<16xf32>
    %get3A_2110 = arith.constant 2960 : index
    %get3A_2111 = tpu.vector_load %arg15[%get3A_2110] {strides = array<i32>} : memref<4096xf32, #tpu.memory_space<vmem>>, vector<16xf32>,
    %eq3A_2112 = arith.constant 9 : i32
    %eq3A_2113 = vector.broadcast %eq3A_2112 : i32 to vector<16xi32>
    %eq3A_2114 = arith.cmpi eq, %iota3A, %eq3A_2113 : vector<16xi32>
    %reduce_sum3A_2115 = arith.constant true
    %reduce_sum3A_2116 = vector.broadcast %reduce_sum3A_2115 : i1 to vector<16xi1>
    %reduce_sum3A_2117 = tpu.scan <sum>, %get3A_2111 masked %reduce_sum3A_2116 : vector<16xf32>, vector<16xi1> -> vector<16xf32>
    %reduce_sum3A_2118 = vector.extract %reduce_sum3A_2117[15] : f32 from vector<16xf32>
    %broadcast_in_dim3A_2119 = vector.broadcast %reduce_sum3A_2118 : f32 to vector<16xf32>
    %select_n3A_2120 = arith.select %eq3A_2114, %broadcast_in_dim3A_2119, %select_n3A_2109 : vector<16xi1>, vector<16xf32>
    %get3A_2121 = arith.constant 2976 : index
    %get3A_2122 = tpu.vector_load %arg15[%get3A_2121] {strides = array<i32>} : memref<4096xf32, #tpu.memory_space<vmem>>, vector<16xf32>,
    %eq3A_2123 = arith.constant 10 : i32
    %eq3A_2124 = vector.broadcast %eq3A_2123 : i32 to vector<16xi32>
    %eq3A_2125 = arith.cmpi eq, %iota3A, %eq3A_2124 : vector<16xi32>
    %reduce_sum3A_2126 = arith.constant true
    %reduce_sum3A_2127 = vector.broadcast %reduce_sum3A_2126 : i1 to vector<16xi1>
    %reduce_sum3A_2128 = tpu.scan <sum>, %get3A_2122 masked %reduce_sum3A_2127 : vector<16xf32>, vector<16xi1> -> vector<16xf32>
    %reduce_sum3A_2129 = vector.extract %reduce_sum3A_2128[15] : f32 from vector<16xf32>
    %broadcast_in_dim3A_2130 = vector.broadcast %reduce_sum3A_2129 : f32 to vector<16xf32>
    %select_n3A_2131 = arith.select %eq3A_2125, %broadcast_in_dim3A_2130, %select_n3A_2120 : vector<16xi1>, vector<16xf32>
    %get3A_2132 = arith.constant 2992 : index
    %get3A_2133 = tpu.vector_load %arg15[%get3A_2132] {strides = array<i32>} : memref<4096xf32, #tpu.memory_space<vmem>>, vector<16xf32>,
    %eq3A_2134 = arith.constant 11 : i32
    %eq3A_2135 = vector.broadcast %eq3A_2134 : i32 to vector<16xi32>
    %eq3A_2136 = arith.cmpi eq, %iota3A, %eq3A_2135 : vector<16xi32>
    %reduce_sum3A_2137 = arith.constant true
    %reduce_sum3A_2138 = vector.broadcast %reduce_sum3A_2137 : i1 to vector<16xi1>
    %reduce_sum3A_2139 = tpu.scan <sum>, %get3A_2133 masked %reduce_sum3A_2138 : vector<16xf32>, vector<16xi1> -> vector<16xf32>
    %reduce_sum3A_2140 = vector.extract %reduce_sum3A_2139[15] : f32 from vector<16xf32>
    %broadcast_in_dim3A_2141 = vector.broadcast %reduce_sum3A_2140 : f32 to vector<16xf32>
    %select_n3A_2142 = arith.select %eq3A_2136, %broadcast_in_dim3A_2141, %select_n3A_2131 : vector<16xi1>, vector<16xf32>
    %get3A_2143 = arith.constant 3008 : index
    %get3A_2144 = tpu.vector_load %arg15[%get3A_2143] {strides = array<i32>} : memref<4096xf32, #tpu.memory_space<vmem>>, vector<16xf32>,
    %eq3A_2145 = arith.constant 12 : i32
    %eq3A_2146 = vector.broadcast %eq3A_2145 : i32 to vector<16xi32>
    %eq3A_2147 = arith.cmpi eq, %iota3A, %eq3A_2146 : vector<16xi32>
    %reduce_sum3A_2148 = arith.constant true
    %reduce_sum3A_2149 = vector.broadcast %reduce_sum3A_2148 : i1 to vector<16xi1>
    %reduce_sum3A_2150 = tpu.scan <sum>, %get3A_2144 masked %reduce_sum3A_2149 : vector<16xf32>, vector<16xi1> -> vector<16xf32>
    %reduce_sum3A_2151 = vector.extract %reduce_sum3A_2150[15] : f32 from vector<16xf32>
    %broadcast_in_dim3A_2152 = vector.broadcast %reduce_sum3A_2151 : f32 to vector<16xf32>
    %select_n3A_2153 = arith.select %eq3A_2147, %broadcast_in_dim3A_2152, %select_n3A_2142 : vector<16xi1>, vector<16xf32>
    %get3A_2154 = arith.constant 3024 : index
    %get3A_2155 = tpu.vector_load %arg15[%get3A_2154] {strides = array<i32>} : memref<4096xf32, #tpu.memory_space<vmem>>, vector<16xf32>,
    %eq3A_2156 = arith.constant 13 : i32
    %eq3A_2157 = vector.broadcast %eq3A_2156 : i32 to vector<16xi32>
    %eq3A_2158 = arith.cmpi eq, %iota3A, %eq3A_2157 : vector<16xi32>
    %reduce_sum3A_2159 = arith.constant true
    %reduce_sum3A_2160 = vector.broadcast %reduce_sum3A_2159 : i1 to vector<16xi1>
    %reduce_sum3A_2161 = tpu.scan <sum>, %get3A_2155 masked %reduce_sum3A_2160 : vector<16xf32>, vector<16xi1> -> vector<16xf32>
    %reduce_sum3A_2162 = vector.extract %reduce_sum3A_2161[15] : f32 from vector<16xf32>
    %broadcast_in_dim3A_2163 = vector.broadcast %reduce_sum3A_2162 : f32 to vector<16xf32>
    %select_n3A_2164 = arith.select %eq3A_2158, %broadcast_in_dim3A_2163, %select_n3A_2153 : vector<16xi1>, vector<16xf32>
    %get3A_2165 = arith.constant 3040 : index
    %get3A_2166 = tpu.vector_load %arg15[%get3A_2165] {strides = array<i32>} : memref<4096xf32, #tpu.memory_space<vmem>>, vector<16xf32>,
    %eq3A_2167 = arith.constant 14 : i32
    %eq3A_2168 = vector.broadcast %eq3A_2167 : i32 to vector<16xi32>
    %eq3A_2169 = arith.cmpi eq, %iota3A, %eq3A_2168 : vector<16xi32>
    %reduce_sum3A_2170 = arith.constant true
    %reduce_sum3A_2171 = vector.broadcast %reduce_sum3A_2170 : i1 to vector<16xi1>
    %reduce_sum3A_2172 = tpu.scan <sum>, %get3A_2166 masked %reduce_sum3A_2171 : vector<16xf32>, vector<16xi1> -> vector<16xf32>
    %reduce_sum3A_2173 = vector.extract %reduce_sum3A_2172[15] : f32 from vector<16xf32>
    %broadcast_in_dim3A_2174 = vector.broadcast %reduce_sum3A_2173 : f32 to vector<16xf32>
    %select_n3A_2175 = arith.select %eq3A_2169, %broadcast_in_dim3A_2174, %select_n3A_2164 : vector<16xi1>, vector<16xf32>
    %get3A_2176 = arith.constant 3056 : index
    %get3A_2177 = tpu.vector_load %arg15[%get3A_2176] {strides = array<i32>} : memref<4096xf32, #tpu.memory_space<vmem>>, vector<16xf32>,
    %eq3A_2178 = arith.constant 15 : i32
    %eq3A_2179 = vector.broadcast %eq3A_2178 : i32 to vector<16xi32>
    %eq3A_2180 = arith.cmpi eq, %iota3A, %eq3A_2179 : vector<16xi32>
    %reduce_sum3A_2181 = arith.constant true
    %reduce_sum3A_2182 = vector.broadcast %reduce_sum3A_2181 : i1 to vector<16xi1>
    %reduce_sum3A_2183 = tpu.scan <sum>, %get3A_2177 masked %reduce_sum3A_2182 : vector<16xf32>, vector<16xi1> -> vector<16xf32>
    %reduce_sum3A_2184 = vector.extract %reduce_sum3A_2183[15] : f32 from vector<16xf32>
    %broadcast_in_dim3A_2185 = vector.broadcast %reduce_sum3A_2184 : f32 to vector<16xf32>
    %select_n3A_2186 = arith.select %eq3A_2180, %broadcast_in_dim3A_2185, %select_n3A_2175 : vector<16xi1>, vector<16xf32>
    %swap3A_2187 = arith.constant 176 : index
    %swap3A_2188 = tpu.vector_load %arg16[%swap3A_2187] {strides = array<i32>} : memref<256xf32, #tpu.memory_space<vmem>>, vector<16xf32>,
    tpu.vector_store %arg16[%swap3A_2187], %select_n3A_2186 {strides = array<i32>} : memref<256xf32, #tpu.memory_space<vmem>>, vector<16xf32>,
    %broadcast_in_dim3A_2189 = arith.constant 0.000000e+00 : f32
    %broadcast_in_dim3A_2190 = vector.broadcast %broadcast_in_dim3A_2189 : f32 to vector<16xf32>
    %get3A_2191 = arith.constant 3072 : index
    %get3A_2192 = tpu.vector_load %arg15[%get3A_2191] {strides = array<i32>} : memref<4096xf32, #tpu.memory_space<vmem>>, vector<16xf32>,
    %eq3A_2193 = arith.constant 0 : i32
    %eq3A_2194 = vector.broadcast %eq3A_2193 : i32 to vector<16xi32>
    %eq3A_2195 = arith.cmpi eq, %iota3A, %eq3A_2194 : vector<16xi32>
    %reduce_sum3A_2196 = arith.constant true
    %reduce_sum3A_2197 = vector.broadcast %reduce_sum3A_2196 : i1 to vector<16xi1>
    %reduce_sum3A_2198 = tpu.scan <sum>, %get3A_2192 masked %reduce_sum3A_2197 : vector<16xf32>, vector<16xi1> -> vector<16xf32>
    %reduce_sum3A_2199 = vector.extract %reduce_sum3A_2198[15] : f32 from vector<16xf32>
    %broadcast_in_dim3A_2200 = vector.broadcast %reduce_sum3A_2199 : f32 to vector<16xf32>
    %select_n3A_2201 = arith.select %eq3A_2195, %broadcast_in_dim3A_2200, %broadcast_in_dim3A_2190 : vector<16xi1>, vector<16xf32>
    %get3A_2202 = arith.constant 3088 : index
    %get3A_2203 = tpu.vector_load %arg15[%get3A_2202] {strides = array<i32>} : memref<4096xf32, #tpu.memory_space<vmem>>, vector<16xf32>,
    %eq3A_2204 = arith.constant 1 : i32
    %eq3A_2205 = vector.broadcast %eq3A_2204 : i32 to vector<16xi32>
    %eq3A_2206 = arith.cmpi eq, %iota3A, %eq3A_2205 : vector<16xi32>
    %reduce_sum3A_2207 = arith.constant true
    %reduce_sum3A_2208 = vector.broadcast %reduce_sum3A_2207 : i1 to vector<16xi1>
    %reduce_sum3A_2209 = tpu.scan <sum>, %get3A_2203 masked %reduce_sum3A_2208 : vector<16xf32>, vector<16xi1> -> vector<16xf32>
    %reduce_sum3A_2210 = vector.extract %reduce_sum3A_2209[15] : f32 from vector<16xf32>
    %broadcast_in_dim3A_2211 = vector.broadcast %reduce_sum3A_2210 : f32 to vector<16xf32>
    %select_n3A_2212 = arith.select %eq3A_2206, %broadcast_in_dim3A_2211, %select_n3A_2201 : vector<16xi1>, vector<16xf32>
    %get3A_2213 = arith.constant 3104 : index
    %get3A_2214 = tpu.vector_load %arg15[%get3A_2213] {strides = array<i32>} : memref<4096xf32, #tpu.memory_space<vmem>>, vector<16xf32>,
    %eq3A_2215 = arith.constant 2 : i32
    %eq3A_2216 = vector.broadcast %eq3A_2215 : i32 to vector<16xi32>
    %eq3A_2217 = arith.cmpi eq, %iota3A, %eq3A_2216 : vector<16xi32>
    %reduce_sum3A_2218 = arith.constant true
    %reduce_sum3A_2219 = vector.broadcast %reduce_sum3A_2218 : i1 to vector<16xi1>
    %reduce_sum3A_2220 = tpu.scan <sum>, %get3A_2214 masked %reduce_sum3A_2219 : vector<16xf32>, vector<16xi1> -> vector<16xf32>
    %reduce_sum3A_2221 = vector.extract %reduce_sum3A_2220[15] : f32 from vector<16xf32>
    %broadcast_in_dim3A_2222 = vector.broadcast %reduce_sum3A_2221 : f32 to vector<16xf32>
    %select_n3A_2223 = arith.select %eq3A_2217, %broadcast_in_dim3A_2222, %select_n3A_2212 : vector<16xi1>, vector<16xf32>
    %get3A_2224 = arith.constant 3120 : index
    %get3A_2225 = tpu.vector_load %arg15[%get3A_2224] {strides = array<i32>} : memref<4096xf32, #tpu.memory_space<vmem>>, vector<16xf32>,
    %eq3A_2226 = arith.constant 3 : i32
    %eq3A_2227 = vector.broadcast %eq3A_2226 : i32 to vector<16xi32>
    %eq3A_2228 = arith.cmpi eq, %iota3A, %eq3A_2227 : vector<16xi32>
    %reduce_sum3A_2229 = arith.constant true
    %reduce_sum3A_2230 = vector.broadcast %reduce_sum3A_2229 : i1 to vector<16xi1>
    %reduce_sum3A_2231 = tpu.scan <sum>, %get3A_2225 masked %reduce_sum3A_2230 : vector<16xf32>, vector<16xi1> -> vector<16xf32>
    %reduce_sum3A_2232 = vector.extract %reduce_sum3A_2231[15] : f32 from vector<16xf32>
    %broadcast_in_dim3A_2233 = vector.broadcast %reduce_sum3A_2232 : f32 to vector<16xf32>
    %select_n3A_2234 = arith.select %eq3A_2228, %broadcast_in_dim3A_2233, %select_n3A_2223 : vector<16xi1>, vector<16xf32>
    %get3A_2235 = arith.constant 3136 : index
    %get3A_2236 = tpu.vector_load %arg15[%get3A_2235] {strides = array<i32>} : memref<4096xf32, #tpu.memory_space<vmem>>, vector<16xf32>,
    %eq3A_2237 = arith.constant 4 : i32
    %eq3A_2238 = vector.broadcast %eq3A_2237 : i32 to vector<16xi32>
    %eq3A_2239 = arith.cmpi eq, %iota3A, %eq3A_2238 : vector<16xi32>
    %reduce_sum3A_2240 = arith.constant true
    %reduce_sum3A_2241 = vector.broadcast %reduce_sum3A_2240 : i1 to vector<16xi1>
    %reduce_sum3A_2242 = tpu.scan <sum>, %get3A_2236 masked %reduce_sum3A_2241 : vector<16xf32>, vector<16xi1> -> vector<16xf32>
    %reduce_sum3A_2243 = vector.extract %reduce_sum3A_2242[15] : f32 from vector<16xf32>
    %broadcast_in_dim3A_2244 = vector.broadcast %reduce_sum3A_2243 : f32 to vector<16xf32>
    %select_n3A_2245 = arith.select %eq3A_2239, %broadcast_in_dim3A_2244, %select_n3A_2234 : vector<16xi1>, vector<16xf32>
    %get3A_2246 = arith.constant 3152 : index
    %get3A_2247 = tpu.vector_load %arg15[%get3A_2246] {strides = array<i32>} : memref<4096xf32, #tpu.memory_space<vmem>>, vector<16xf32>,
    %eq3A_2248 = arith.constant 5 : i32
    %eq3A_2249 = vector.broadcast %eq3A_2248 : i32 to vector<16xi32>
    %eq3A_2250 = arith.cmpi eq, %iota3A, %eq3A_2249 : vector<16xi32>
    %reduce_sum3A_2251 = arith.constant true
    %reduce_sum3A_2252 = vector.broadcast %reduce_sum3A_2251 : i1 to vector<16xi1>
    %reduce_sum3A_2253 = tpu.scan <sum>, %get3A_2247 masked %reduce_sum3A_2252 : vector<16xf32>, vector<16xi1> -> vector<16xf32>
    %reduce_sum3A_2254 = vector.extract %reduce_sum3A_2253[15] : f32 from vector<16xf32>
    %broadcast_in_dim3A_2255 = vector.broadcast %reduce_sum3A_2254 : f32 to vector<16xf32>
    %select_n3A_2256 = arith.select %eq3A_2250, %broadcast_in_dim3A_2255, %select_n3A_2245 : vector<16xi1>, vector<16xf32>
    %get3A_2257 = arith.constant 3168 : index
    %get3A_2258 = tpu.vector_load %arg15[%get3A_2257] {strides = array<i32>} : memref<4096xf32, #tpu.memory_space<vmem>>, vector<16xf32>,
    %eq3A_2259 = arith.constant 6 : i32
    %eq3A_2260 = vector.broadcast %eq3A_2259 : i32 to vector<16xi32>
    %eq3A_2261 = arith.cmpi eq, %iota3A, %eq3A_2260 : vector<16xi32>
    %reduce_sum3A_2262 = arith.constant true
    %reduce_sum3A_2263 = vector.broadcast %reduce_sum3A_2262 : i1 to vector<16xi1>
    %reduce_sum3A_2264 = tpu.scan <sum>, %get3A_2258 masked %reduce_sum3A_2263 : vector<16xf32>, vector<16xi1> -> vector<16xf32>
    %reduce_sum3A_2265 = vector.extract %reduce_sum3A_2264[15] : f32 from vector<16xf32>
    %broadcast_in_dim3A_2266 = vector.broadcast %reduce_sum3A_2265 : f32 to vector<16xf32>
    %select_n3A_2267 = arith.select %eq3A_2261, %broadcast_in_dim3A_2266, %select_n3A_2256 : vector<16xi1>, vector<16xf32>
    %get3A_2268 = arith.constant 3184 : index
    %get3A_2269 = tpu.vector_load %arg15[%get3A_2268] {strides = array<i32>} : memref<4096xf32, #tpu.memory_space<vmem>>, vector<16xf32>,
    %eq3A_2270 = arith.constant 7 : i32
    %eq3A_2271 = vector.broadcast %eq3A_2270 : i32 to vector<16xi32>
    %eq3A_2272 = arith.cmpi eq, %iota3A, %eq3A_2271 : vector<16xi32>
    %reduce_sum3A_2273 = arith.constant true
    %reduce_sum3A_2274 = vector.broadcast %reduce_sum3A_2273 : i1 to vector<16xi1>
    %reduce_sum3A_2275 = tpu.scan <sum>, %get3A_2269 masked %reduce_sum3A_2274 : vector<16xf32>, vector<16xi1> -> vector<16xf32>
    %reduce_sum3A_2276 = vector.extract %reduce_sum3A_2275[15] : f32 from vector<16xf32>
    %broadcast_in_dim3A_2277 = vector.broadcast %reduce_sum3A_2276 : f32 to vector<16xf32>
    %select_n3A_2278 = arith.select %eq3A_2272, %broadcast_in_dim3A_2277, %select_n3A_2267 : vector<16xi1>, vector<16xf32>
    %get3A_2279 = arith.constant 3200 : index
    %get3A_2280 = tpu.vector_load %arg15[%get3A_2279] {strides = array<i32>} : memref<4096xf32, #tpu.memory_space<vmem>>, vector<16xf32>,
    %eq3A_2281 = arith.constant 8 : i32
    %eq3A_2282 = vector.broadcast %eq3A_2281 : i32 to vector<16xi32>
    %eq3A_2283 = arith.cmpi eq, %iota3A, %eq3A_2282 : vector<16xi32>
    %reduce_sum3A_2284 = arith.constant true
    %reduce_sum3A_2285 = vector.broadcast %reduce_sum3A_2284 : i1 to vector<16xi1>
    %reduce_sum3A_2286 = tpu.scan <sum>, %get3A_2280 masked %reduce_sum3A_2285 : vector<16xf32>, vector<16xi1> -> vector<16xf32>
    %reduce_sum3A_2287 = vector.extract %reduce_sum3A_2286[15] : f32 from vector<16xf32>
    %broadcast_in_dim3A_2288 = vector.broadcast %reduce_sum3A_2287 : f32 to vector<16xf32>
    %select_n3A_2289 = arith.select %eq3A_2283, %broadcast_in_dim3A_2288, %select_n3A_2278 : vector<16xi1>, vector<16xf32>
    %get3A_2290 = arith.constant 3216 : index
    %get3A_2291 = tpu.vector_load %arg15[%get3A_2290] {strides = array<i32>} : memref<4096xf32, #tpu.memory_space<vmem>>, vector<16xf32>,
    %eq3A_2292 = arith.constant 9 : i32
    %eq3A_2293 = vector.broadcast %eq3A_2292 : i32 to vector<16xi32>
    %eq3A_2294 = arith.cmpi eq, %iota3A, %eq3A_2293 : vector<16xi32>
    %reduce_sum3A_2295 = arith.constant true
    %reduce_sum3A_2296 = vector.broadcast %reduce_sum3A_2295 : i1 to vector<16xi1>
    %reduce_sum3A_2297 = tpu.scan <sum>, %get3A_2291 masked %reduce_sum3A_2296 : vector<16xf32>, vector<16xi1> -> vector<16xf32>
    %reduce_sum3A_2298 = vector.extract %reduce_sum3A_2297[15] : f32 from vector<16xf32>
    %broadcast_in_dim3A_2299 = vector.broadcast %reduce_sum3A_2298 : f32 to vector<16xf32>
    %select_n3A_2300 = arith.select %eq3A_2294, %broadcast_in_dim3A_2299, %select_n3A_2289 : vector<16xi1>, vector<16xf32>
    %get3A_2301 = arith.constant 3232 : index
    %get3A_2302 = tpu.vector_load %arg15[%get3A_2301] {strides = array<i32>} : memref<4096xf32, #tpu.memory_space<vmem>>, vector<16xf32>,
    %eq3A_2303 = arith.constant 10 : i32
    %eq3A_2304 = vector.broadcast %eq3A_2303 : i32 to vector<16xi32>
    %eq3A_2305 = arith.cmpi eq, %iota3A, %eq3A_2304 : vector<16xi32>
    %reduce_sum3A_2306 = arith.constant true
    %reduce_sum3A_2307 = vector.broadcast %reduce_sum3A_2306 : i1 to vector<16xi1>
    %reduce_sum3A_2308 = tpu.scan <sum>, %get3A_2302 masked %reduce_sum3A_2307 : vector<16xf32>, vector<16xi1> -> vector<16xf32>
    %reduce_sum3A_2309 = vector.extract %reduce_sum3A_2308[15] : f32 from vector<16xf32>
    %broadcast_in_dim3A_2310 = vector.broadcast %reduce_sum3A_2309 : f32 to vector<16xf32>
    %select_n3A_2311 = arith.select %eq3A_2305, %broadcast_in_dim3A_2310, %select_n3A_2300 : vector<16xi1>, vector<16xf32>
    %get3A_2312 = arith.constant 3248 : index
    %get3A_2313 = tpu.vector_load %arg15[%get3A_2312] {strides = array<i32>} : memref<4096xf32, #tpu.memory_space<vmem>>, vector<16xf32>,
    %eq3A_2314 = arith.constant 11 : i32
    %eq3A_2315 = vector.broadcast %eq3A_2314 : i32 to vector<16xi32>
    %eq3A_2316 = arith.cmpi eq, %iota3A, %eq3A_2315 : vector<16xi32>
    %reduce_sum3A_2317 = arith.constant true
    %reduce_sum3A_2318 = vector.broadcast %reduce_sum3A_2317 : i1 to vector<16xi1>
    %reduce_sum3A_2319 = tpu.scan <sum>, %get3A_2313 masked %reduce_sum3A_2318 : vector<16xf32>, vector<16xi1> -> vector<16xf32>
    %reduce_sum3A_2320 = vector.extract %reduce_sum3A_2319[15] : f32 from vector<16xf32>
    %broadcast_in_dim3A_2321 = vector.broadcast %reduce_sum3A_2320 : f32 to vector<16xf32>
    %select_n3A_2322 = arith.select %eq3A_2316, %broadcast_in_dim3A_2321, %select_n3A_2311 : vector<16xi1>, vector<16xf32>
    %get3A_2323 = arith.constant 3264 : index
    %get3A_2324 = tpu.vector_load %arg15[%get3A_2323] {strides = array<i32>} : memref<4096xf32, #tpu.memory_space<vmem>>, vector<16xf32>,
    %eq3A_2325 = arith.constant 12 : i32
    %eq3A_2326 = vector.broadcast %eq3A_2325 : i32 to vector<16xi32>
    %eq3A_2327 = arith.cmpi eq, %iota3A, %eq3A_2326 : vector<16xi32>
    %reduce_sum3A_2328 = arith.constant true
    %reduce_sum3A_2329 = vector.broadcast %reduce_sum3A_2328 : i1 to vector<16xi1>
    %reduce_sum3A_2330 = tpu.scan <sum>, %get3A_2324 masked %reduce_sum3A_2329 : vector<16xf32>, vector<16xi1> -> vector<16xf32>
    %reduce_sum3A_2331 = vector.extract %reduce_sum3A_2330[15] : f32 from vector<16xf32>
    %broadcast_in_dim3A_2332 = vector.broadcast %reduce_sum3A_2331 : f32 to vector<16xf32>
    %select_n3A_2333 = arith.select %eq3A_2327, %broadcast_in_dim3A_2332, %select_n3A_2322 : vector<16xi1>, vector<16xf32>
    %get3A_2334 = arith.constant 3280 : index
    %get3A_2335 = tpu.vector_load %arg15[%get3A_2334] {strides = array<i32>} : memref<4096xf32, #tpu.memory_space<vmem>>, vector<16xf32>,
    %eq3A_2336 = arith.constant 13 : i32
    %eq3A_2337 = vector.broadcast %eq3A_2336 : i32 to vector<16xi32>
    %eq3A_2338 = arith.cmpi eq, %iota3A, %eq3A_2337 : vector<16xi32>
    %reduce_sum3A_2339 = arith.constant true
    %reduce_sum3A_2340 = vector.broadcast %reduce_sum3A_2339 : i1 to vector<16xi1>
    %reduce_sum3A_2341 = tpu.scan <sum>, %get3A_2335 masked %reduce_sum3A_2340 : vector<16xf32>, vector<16xi1> -> vector<16xf32>
    %reduce_sum3A_2342 = vector.extract %reduce_sum3A_2341[15] : f32 from vector<16xf32>
    %broadcast_in_dim3A_2343 = vector.broadcast %reduce_sum3A_2342 : f32 to vector<16xf32>
    %select_n3A_2344 = arith.select %eq3A_2338, %broadcast_in_dim3A_2343, %select_n3A_2333 : vector<16xi1>, vector<16xf32>
    %get3A_2345 = arith.constant 3296 : index
    %get3A_2346 = tpu.vector_load %arg15[%get3A_2345] {strides = array<i32>} : memref<4096xf32, #tpu.memory_space<vmem>>, vector<16xf32>,
    %eq3A_2347 = arith.constant 14 : i32
    %eq3A_2348 = vector.broadcast %eq3A_2347 : i32 to vector<16xi32>
    %eq3A_2349 = arith.cmpi eq, %iota3A, %eq3A_2348 : vector<16xi32>
    %reduce_sum3A_2350 = arith.constant true
    %reduce_sum3A_2351 = vector.broadcast %reduce_sum3A_2350 : i1 to vector<16xi1>
    %reduce_sum3A_2352 = tpu.scan <sum>, %get3A_2346 masked %reduce_sum3A_2351 : vector<16xf32>, vector<16xi1> -> vector<16xf32>
    %reduce_sum3A_2353 = vector.extract %reduce_sum3A_2352[15] : f32 from vector<16xf32>
    %broadcast_in_dim3A_2354 = vector.broadcast %reduce_sum3A_2353 : f32 to vector<16xf32>
    %select_n3A_2355 = arith.select %eq3A_2349, %broadcast_in_dim3A_2354, %select_n3A_2344 : vector<16xi1>, vector<16xf32>
    %get3A_2356 = arith.constant 3312 : index
    %get3A_2357 = tpu.vector_load %arg15[%get3A_2356] {strides = array<i32>} : memref<4096xf32, #tpu.memory_space<vmem>>, vector<16xf32>,
    %eq3A_2358 = arith.constant 15 : i32
    %eq3A_2359 = vector.broadcast %eq3A_2358 : i32 to vector<16xi32>
    %eq3A_2360 = arith.cmpi eq, %iota3A, %eq3A_2359 : vector<16xi32>
    %reduce_sum3A_2361 = arith.constant true
    %reduce_sum3A_2362 = vector.broadcast %reduce_sum3A_2361 : i1 to vector<16xi1>
    %reduce_sum3A_2363 = tpu.scan <sum>, %get3A_2357 masked %reduce_sum3A_2362 : vector<16xf32>, vector<16xi1> -> vector<16xf32>
    %reduce_sum3A_2364 = vector.extract %reduce_sum3A_2363[15] : f32 from vector<16xf32>
    %broadcast_in_dim3A_2365 = vector.broadcast %reduce_sum3A_2364 : f32 to vector<16xf32>
    %select_n3A_2366 = arith.select %eq3A_2360, %broadcast_in_dim3A_2365, %select_n3A_2355 : vector<16xi1>, vector<16xf32>
    %swap3A_2367 = arith.constant 192 : index
    %swap3A_2368 = tpu.vector_load %arg16[%swap3A_2367] {strides = array<i32>} : memref<256xf32, #tpu.memory_space<vmem>>, vector<16xf32>,
    tpu.vector_store %arg16[%swap3A_2367], %select_n3A_2366 {strides = array<i32>} : memref<256xf32, #tpu.memory_space<vmem>>, vector<16xf32>,
    %broadcast_in_dim3A_2369 = arith.constant 0.000000e+00 : f32
    %broadcast_in_dim3A_2370 = vector.broadcast %broadcast_in_dim3A_2369 : f32 to vector<16xf32>
    %get3A_2371 = arith.constant 3328 : index
    %get3A_2372 = tpu.vector_load %arg15[%get3A_2371] {strides = array<i32>} : memref<4096xf32, #tpu.memory_space<vmem>>, vector<16xf32>,
    %eq3A_2373 = arith.constant 0 : i32
    %eq3A_2374 = vector.broadcast %eq3A_2373 : i32 to vector<16xi32>
    %eq3A_2375 = arith.cmpi eq, %iota3A, %eq3A_2374 : vector<16xi32>
    %reduce_sum3A_2376 = arith.constant true
    %reduce_sum3A_2377 = vector.broadcast %reduce_sum3A_2376 : i1 to vector<16xi1>
    %reduce_sum3A_2378 = tpu.scan <sum>, %get3A_2372 masked %reduce_sum3A_2377 : vector<16xf32>, vector<16xi1> -> vector<16xf32>
    %reduce_sum3A_2379 = vector.extract %reduce_sum3A_2378[15] : f32 from vector<16xf32>
    %broadcast_in_dim3A_2380 = vector.broadcast %reduce_sum3A_2379 : f32 to vector<16xf32>
    %select_n3A_2381 = arith.select %eq3A_2375, %broadcast_in_dim3A_2380, %broadcast_in_dim3A_2370 : vector<16xi1>, vector<16xf32>
    %get3A_2382 = arith.constant 3344 : index
    %get3A_2383 = tpu.vector_load %arg15[%get3A_2382] {strides = array<i32>} : memref<4096xf32, #tpu.memory_space<vmem>>, vector<16xf32>,
    %eq3A_2384 = arith.constant 1 : i32
    %eq3A_2385 = vector.broadcast %eq3A_2384 : i32 to vector<16xi32>
    %eq3A_2386 = arith.cmpi eq, %iota3A, %eq3A_2385 : vector<16xi32>
    %reduce_sum3A_2387 = arith.constant true
    %reduce_sum3A_2388 = vector.broadcast %reduce_sum3A_2387 : i1 to vector<16xi1>
    %reduce_sum3A_2389 = tpu.scan <sum>, %get3A_2383 masked %reduce_sum3A_2388 : vector<16xf32>, vector<16xi1> -> vector<16xf32>
    %reduce_sum3A_2390 = vector.extract %reduce_sum3A_2389[15] : f32 from vector<16xf32>
    %broadcast_in_dim3A_2391 = vector.broadcast %reduce_sum3A_2390 : f32 to vector<16xf32>
    %select_n3A_2392 = arith.select %eq3A_2386, %broadcast_in_dim3A_2391, %select_n3A_2381 : vector<16xi1>, vector<16xf32>
    %get3A_2393 = arith.constant 3360 : index
    %get3A_2394 = tpu.vector_load %arg15[%get3A_2393] {strides = array<i32>} : memref<4096xf32, #tpu.memory_space<vmem>>, vector<16xf32>,
    %eq3A_2395 = arith.constant 2 : i32
    %eq3A_2396 = vector.broadcast %eq3A_2395 : i32 to vector<16xi32>
    %eq3A_2397 = arith.cmpi eq, %iota3A, %eq3A_2396 : vector<16xi32>
    %reduce_sum3A_2398 = arith.constant true
    %reduce_sum3A_2399 = vector.broadcast %reduce_sum3A_2398 : i1 to vector<16xi1>
    %reduce_sum3A_2400 = tpu.scan <sum>, %get3A_2394 masked %reduce_sum3A_2399 : vector<16xf32>, vector<16xi1> -> vector<16xf32>
    %reduce_sum3A_2401 = vector.extract %reduce_sum3A_2400[15] : f32 from vector<16xf32>
    %broadcast_in_dim3A_2402 = vector.broadcast %reduce_sum3A_2401 : f32 to vector<16xf32>
    %select_n3A_2403 = arith.select %eq3A_2397, %broadcast_in_dim3A_2402, %select_n3A_2392 : vector<16xi1>, vector<16xf32>
    %get3A_2404 = arith.constant 3376 : index
    %get3A_2405 = tpu.vector_load %arg15[%get3A_2404] {strides = array<i32>} : memref<4096xf32, #tpu.memory_space<vmem>>, vector<16xf32>,
    %eq3A_2406 = arith.constant 3 : i32
    %eq3A_2407 = vector.broadcast %eq3A_2406 : i32 to vector<16xi32>
    %eq3A_2408 = arith.cmpi eq, %iota3A, %eq3A_2407 : vector<16xi32>
    %reduce_sum3A_2409 = arith.constant true
    %reduce_sum3A_2410 = vector.broadcast %reduce_sum3A_2409 : i1 to vector<16xi1>
    %reduce_sum3A_2411 = tpu.scan <sum>, %get3A_2405 masked %reduce_sum3A_2410 : vector<16xf32>, vector<16xi1> -> vector<16xf32>
    %reduce_sum3A_2412 = vector.extract %reduce_sum3A_2411[15] : f32 from vector<16xf32>
    %broadcast_in_dim3A_2413 = vector.broadcast %reduce_sum3A_2412 : f32 to vector<16xf32>
    %select_n3A_2414 = arith.select %eq3A_2408, %broadcast_in_dim3A_2413, %select_n3A_2403 : vector<16xi1>, vector<16xf32>
    %get3A_2415 = arith.constant 3392 : index
    %get3A_2416 = tpu.vector_load %arg15[%get3A_2415] {strides = array<i32>} : memref<4096xf32, #tpu.memory_space<vmem>>, vector<16xf32>,
    %eq3A_2417 = arith.constant 4 : i32
    %eq3A_2418 = vector.broadcast %eq3A_2417 : i32 to vector<16xi32>
    %eq3A_2419 = arith.cmpi eq, %iota3A, %eq3A_2418 : vector<16xi32>
    %reduce_sum3A_2420 = arith.constant true
    %reduce_sum3A_2421 = vector.broadcast %reduce_sum3A_2420 : i1 to vector<16xi1>
    %reduce_sum3A_2422 = tpu.scan <sum>, %get3A_2416 masked %reduce_sum3A_2421 : vector<16xf32>, vector<16xi1> -> vector<16xf32>
    %reduce_sum3A_2423 = vector.extract %reduce_sum3A_2422[15] : f32 from vector<16xf32>
    %broadcast_in_dim3A_2424 = vector.broadcast %reduce_sum3A_2423 : f32 to vector<16xf32>
    %select_n3A_2425 = arith.select %eq3A_2419, %broadcast_in_dim3A_2424, %select_n3A_2414 : vector<16xi1>, vector<16xf32>
    %get3A_2426 = arith.constant 3408 : index
    %get3A_2427 = tpu.vector_load %arg15[%get3A_2426] {strides = array<i32>} : memref<4096xf32, #tpu.memory_space<vmem>>, vector<16xf32>,
    %eq3A_2428 = arith.constant 5 : i32
    %eq3A_2429 = vector.broadcast %eq3A_2428 : i32 to vector<16xi32>
    %eq3A_2430 = arith.cmpi eq, %iota3A, %eq3A_2429 : vector<16xi32>
    %reduce_sum3A_2431 = arith.constant true
    %reduce_sum3A_2432 = vector.broadcast %reduce_sum3A_2431 : i1 to vector<16xi1>
    %reduce_sum3A_2433 = tpu.scan <sum>, %get3A_2427 masked %reduce_sum3A_2432 : vector<16xf32>, vector<16xi1> -> vector<16xf32>
    %reduce_sum3A_2434 = vector.extract %reduce_sum3A_2433[15] : f32 from vector<16xf32>
    %broadcast_in_dim3A_2435 = vector.broadcast %reduce_sum3A_2434 : f32 to vector<16xf32>
    %select_n3A_2436 = arith.select %eq3A_2430, %broadcast_in_dim3A_2435, %select_n3A_2425 : vector<16xi1>, vector<16xf32>
    %get3A_2437 = arith.constant 3424 : index
    %get3A_2438 = tpu.vector_load %arg15[%get3A_2437] {strides = array<i32>} : memref<4096xf32, #tpu.memory_space<vmem>>, vector<16xf32>,
    %eq3A_2439 = arith.constant 6 : i32
    %eq3A_2440 = vector.broadcast %eq3A_2439 : i32 to vector<16xi32>
    %eq3A_2441 = arith.cmpi eq, %iota3A, %eq3A_2440 : vector<16xi32>
    %reduce_sum3A_2442 = arith.constant true
    %reduce_sum3A_2443 = vector.broadcast %reduce_sum3A_2442 : i1 to vector<16xi1>
    %reduce_sum3A_2444 = tpu.scan <sum>, %get3A_2438 masked %reduce_sum3A_2443 : vector<16xf32>, vector<16xi1> -> vector<16xf32>
    %reduce_sum3A_2445 = vector.extract %reduce_sum3A_2444[15] : f32 from vector<16xf32>
    %broadcast_in_dim3A_2446 = vector.broadcast %reduce_sum3A_2445 : f32 to vector<16xf32>
    %select_n3A_2447 = arith.select %eq3A_2441, %broadcast_in_dim3A_2446, %select_n3A_2436 : vector<16xi1>, vector<16xf32>
    %get3A_2448 = arith.constant 3440 : index
    %get3A_2449 = tpu.vector_load %arg15[%get3A_2448] {strides = array<i32>} : memref<4096xf32, #tpu.memory_space<vmem>>, vector<16xf32>,
    %eq3A_2450 = arith.constant 7 : i32
    %eq3A_2451 = vector.broadcast %eq3A_2450 : i32 to vector<16xi32>
    %eq3A_2452 = arith.cmpi eq, %iota3A, %eq3A_2451 : vector<16xi32>
    %reduce_sum3A_2453 = arith.constant true
    %reduce_sum3A_2454 = vector.broadcast %reduce_sum3A_2453 : i1 to vector<16xi1>
    %reduce_sum3A_2455 = tpu.scan <sum>, %get3A_2449 masked %reduce_sum3A_2454 : vector<16xf32>, vector<16xi1> -> vector<16xf32>
    %reduce_sum3A_2456 = vector.extract %reduce_sum3A_2455[15] : f32 from vector<16xf32>
    %broadcast_in_dim3A_2457 = vector.broadcast %reduce_sum3A_2456 : f32 to vector<16xf32>
    %select_n3A_2458 = arith.select %eq3A_2452, %broadcast_in_dim3A_2457, %select_n3A_2447 : vector<16xi1>, vector<16xf32>
    %get3A_2459 = arith.constant 3456 : index
    %get3A_2460 = tpu.vector_load %arg15[%get3A_2459] {strides = array<i32>} : memref<4096xf32, #tpu.memory_space<vmem>>, vector<16xf32>,
    %eq3A_2461 = arith.constant 8 : i32
    %eq3A_2462 = vector.broadcast %eq3A_2461 : i32 to vector<16xi32>
    %eq3A_2463 = arith.cmpi eq, %iota3A, %eq3A_2462 : vector<16xi32>
    %reduce_sum3A_2464 = arith.constant true
    %reduce_sum3A_2465 = vector.broadcast %reduce_sum3A_2464 : i1 to vector<16xi1>
    %reduce_sum3A_2466 = tpu.scan <sum>, %get3A_2460 masked %reduce_sum3A_2465 : vector<16xf32>, vector<16xi1> -> vector<16xf32>
    %reduce_sum3A_2467 = vector.extract %reduce_sum3A_2466[15] : f32 from vector<16xf32>
    %broadcast_in_dim3A_2468 = vector.broadcast %reduce_sum3A_2467 : f32 to vector<16xf32>
    %select_n3A_2469 = arith.select %eq3A_2463, %broadcast_in_dim3A_2468, %select_n3A_2458 : vector<16xi1>, vector<16xf32>
    %get3A_2470 = arith.constant 3472 : index
    %get3A_2471 = tpu.vector_load %arg15[%get3A_2470] {strides = array<i32>} : memref<4096xf32, #tpu.memory_space<vmem>>, vector<16xf32>,
    %eq3A_2472 = arith.constant 9 : i32
    %eq3A_2473 = vector.broadcast %eq3A_2472 : i32 to vector<16xi32>
    %eq3A_2474 = arith.cmpi eq, %iota3A, %eq3A_2473 : vector<16xi32>
    %reduce_sum3A_2475 = arith.constant true
    %reduce_sum3A_2476 = vector.broadcast %reduce_sum3A_2475 : i1 to vector<16xi1>
    %reduce_sum3A_2477 = tpu.scan <sum>, %get3A_2471 masked %reduce_sum3A_2476 : vector<16xf32>, vector<16xi1> -> vector<16xf32>
    %reduce_sum3A_2478 = vector.extract %reduce_sum3A_2477[15] : f32 from vector<16xf32>
    %broadcast_in_dim3A_2479 = vector.broadcast %reduce_sum3A_2478 : f32 to vector<16xf32>
    %select_n3A_2480 = arith.select %eq3A_2474, %broadcast_in_dim3A_2479, %select_n3A_2469 : vector<16xi1>, vector<16xf32>
    %get3A_2481 = arith.constant 3488 : index
    %get3A_2482 = tpu.vector_load %arg15[%get3A_2481] {strides = array<i32>} : memref<4096xf32, #tpu.memory_space<vmem>>, vector<16xf32>,
    %eq3A_2483 = arith.constant 10 : i32
    %eq3A_2484 = vector.broadcast %eq3A_2483 : i32 to vector<16xi32>
    %eq3A_2485 = arith.cmpi eq, %iota3A, %eq3A_2484 : vector<16xi32>
    %reduce_sum3A_2486 = arith.constant true
    %reduce_sum3A_2487 = vector.broadcast %reduce_sum3A_2486 : i1 to vector<16xi1>
    %reduce_sum3A_2488 = tpu.scan <sum>, %get3A_2482 masked %reduce_sum3A_2487 : vector<16xf32>, vector<16xi1> -> vector<16xf32>
    %reduce_sum3A_2489 = vector.extract %reduce_sum3A_2488[15] : f32 from vector<16xf32>
    %broadcast_in_dim3A_2490 = vector.broadcast %reduce_sum3A_2489 : f32 to vector<16xf32>
    %select_n3A_2491 = arith.select %eq3A_2485, %broadcast_in_dim3A_2490, %select_n3A_2480 : vector<16xi1>, vector<16xf32>
    %get3A_2492 = arith.constant 3504 : index
    %get3A_2493 = tpu.vector_load %arg15[%get3A_2492] {strides = array<i32>} : memref<4096xf32, #tpu.memory_space<vmem>>, vector<16xf32>,
    %eq3A_2494 = arith.constant 11 : i32
    %eq3A_2495 = vector.broadcast %eq3A_2494 : i32 to vector<16xi32>
    %eq3A_2496 = arith.cmpi eq, %iota3A, %eq3A_2495 : vector<16xi32>
    %reduce_sum3A_2497 = arith.constant true
    %reduce_sum3A_2498 = vector.broadcast %reduce_sum3A_2497 : i1 to vector<16xi1>
    %reduce_sum3A_2499 = tpu.scan <sum>, %get3A_2493 masked %reduce_sum3A_2498 : vector<16xf32>, vector<16xi1> -> vector<16xf32>
    %reduce_sum3A_2500 = vector.extract %reduce_sum3A_2499[15] : f32 from vector<16xf32>
    %broadcast_in_dim3A_2501 = vector.broadcast %reduce_sum3A_2500 : f32 to vector<16xf32>
    %select_n3A_2502 = arith.select %eq3A_2496, %broadcast_in_dim3A_2501, %select_n3A_2491 : vector<16xi1>, vector<16xf32>
    %get3A_2503 = arith.constant 3520 : index
    %get3A_2504 = tpu.vector_load %arg15[%get3A_2503] {strides = array<i32>} : memref<4096xf32, #tpu.memory_space<vmem>>, vector<16xf32>,
    %eq3A_2505 = arith.constant 12 : i32
    %eq3A_2506 = vector.broadcast %eq3A_2505 : i32 to vector<16xi32>
    %eq3A_2507 = arith.cmpi eq, %iota3A, %eq3A_2506 : vector<16xi32>
    %reduce_sum3A_2508 = arith.constant true
    %reduce_sum3A_2509 = vector.broadcast %reduce_sum3A_2508 : i1 to vector<16xi1>
    %reduce_sum3A_2510 = tpu.scan <sum>, %get3A_2504 masked %reduce_sum3A_2509 : vector<16xf32>, vector<16xi1> -> vector<16xf32>
    %reduce_sum3A_2511 = vector.extract %reduce_sum3A_2510[15] : f32 from vector<16xf32>
    %broadcast_in_dim3A_2512 = vector.broadcast %reduce_sum3A_2511 : f32 to vector<16xf32>
    %select_n3A_2513 = arith.select %eq3A_2507, %broadcast_in_dim3A_2512, %select_n3A_2502 : vector<16xi1>, vector<16xf32>
    %get3A_2514 = arith.constant 3536 : index
    %get3A_2515 = tpu.vector_load %arg15[%get3A_2514] {strides = array<i32>} : memref<4096xf32, #tpu.memory_space<vmem>>, vector<16xf32>,
    %eq3A_2516 = arith.constant 13 : i32
    %eq3A_2517 = vector.broadcast %eq3A_2516 : i32 to vector<16xi32>
    %eq3A_2518 = arith.cmpi eq, %iota3A, %eq3A_2517 : vector<16xi32>
    %reduce_sum3A_2519 = arith.constant true
    %reduce_sum3A_2520 = vector.broadcast %reduce_sum3A_2519 : i1 to vector<16xi1>
    %reduce_sum3A_2521 = tpu.scan <sum>, %get3A_2515 masked %reduce_sum3A_2520 : vector<16xf32>, vector<16xi1> -> vector<16xf32>
    %reduce_sum3A_2522 = vector.extract %reduce_sum3A_2521[15] : f32 from vector<16xf32>
    %broadcast_in_dim3A_2523 = vector.broadcast %reduce_sum3A_2522 : f32 to vector<16xf32>
    %select_n3A_2524 = arith.select %eq3A_2518, %broadcast_in_dim3A_2523, %select_n3A_2513 : vector<16xi1>, vector<16xf32>
    %get3A_2525 = arith.constant 3552 : index
    %get3A_2526 = tpu.vector_load %arg15[%get3A_2525] {strides = array<i32>} : memref<4096xf32, #tpu.memory_space<vmem>>, vector<16xf32>,
    %eq3A_2527 = arith.constant 14 : i32
    %eq3A_2528 = vector.broadcast %eq3A_2527 : i32 to vector<16xi32>
    %eq3A_2529 = arith.cmpi eq, %iota3A, %eq3A_2528 : vector<16xi32>
    %reduce_sum3A_2530 = arith.constant true
    %reduce_sum3A_2531 = vector.broadcast %reduce_sum3A_2530 : i1 to vector<16xi1>
    %reduce_sum3A_2532 = tpu.scan <sum>, %get3A_2526 masked %reduce_sum3A_2531 : vector<16xf32>, vector<16xi1> -> vector<16xf32>
    %reduce_sum3A_2533 = vector.extract %reduce_sum3A_2532[15] : f32 from vector<16xf32>
    %broadcast_in_dim3A_2534 = vector.broadcast %reduce_sum3A_2533 : f32 to vector<16xf32>
    %select_n3A_2535 = arith.select %eq3A_2529, %broadcast_in_dim3A_2534, %select_n3A_2524 : vector<16xi1>, vector<16xf32>
    %get3A_2536 = arith.constant 3568 : index
    %get3A_2537 = tpu.vector_load %arg15[%get3A_2536] {strides = array<i32>} : memref<4096xf32, #tpu.memory_space<vmem>>, vector<16xf32>,
    %eq3A_2538 = arith.constant 15 : i32
    %eq3A_2539 = vector.broadcast %eq3A_2538 : i32 to vector<16xi32>
    %eq3A_2540 = arith.cmpi eq, %iota3A, %eq3A_2539 : vector<16xi32>
    %reduce_sum3A_2541 = arith.constant true
    %reduce_sum3A_2542 = vector.broadcast %reduce_sum3A_2541 : i1 to vector<16xi1>
    %reduce_sum3A_2543 = tpu.scan <sum>, %get3A_2537 masked %reduce_sum3A_2542 : vector<16xf32>, vector<16xi1> -> vector<16xf32>
    %reduce_sum3A_2544 = vector.extract %reduce_sum3A_2543[15] : f32 from vector<16xf32>
    %broadcast_in_dim3A_2545 = vector.broadcast %reduce_sum3A_2544 : f32 to vector<16xf32>
    %select_n3A_2546 = arith.select %eq3A_2540, %broadcast_in_dim3A_2545, %select_n3A_2535 : vector<16xi1>, vector<16xf32>
    %swap3A_2547 = arith.constant 208 : index
    %swap3A_2548 = tpu.vector_load %arg16[%swap3A_2547] {strides = array<i32>} : memref<256xf32, #tpu.memory_space<vmem>>, vector<16xf32>,
    tpu.vector_store %arg16[%swap3A_2547], %select_n3A_2546 {strides = array<i32>} : memref<256xf32, #tpu.memory_space<vmem>>, vector<16xf32>,
    %broadcast_in_dim3A_2549 = arith.constant 0.000000e+00 : f32
    %broadcast_in_dim3A_2550 = vector.broadcast %broadcast_in_dim3A_2549 : f32 to vector<16xf32>
    %get3A_2551 = arith.constant 3584 : index
    %get3A_2552 = tpu.vector_load %arg15[%get3A_2551] {strides = array<i32>} : memref<4096xf32, #tpu.memory_space<vmem>>, vector<16xf32>,
    %eq3A_2553 = arith.constant 0 : i32
    %eq3A_2554 = vector.broadcast %eq3A_2553 : i32 to vector<16xi32>
    %eq3A_2555 = arith.cmpi eq, %iota3A, %eq3A_2554 : vector<16xi32>
    %reduce_sum3A_2556 = arith.constant true
    %reduce_sum3A_2557 = vector.broadcast %reduce_sum3A_2556 : i1 to vector<16xi1>
    %reduce_sum3A_2558 = tpu.scan <sum>, %get3A_2552 masked %reduce_sum3A_2557 : vector<16xf32>, vector<16xi1> -> vector<16xf32>
    %reduce_sum3A_2559 = vector.extract %reduce_sum3A_2558[15] : f32 from vector<16xf32>
    %broadcast_in_dim3A_2560 = vector.broadcast %reduce_sum3A_2559 : f32 to vector<16xf32>
    %select_n3A_2561 = arith.select %eq3A_2555, %broadcast_in_dim3A_2560, %broadcast_in_dim3A_2550 : vector<16xi1>, vector<16xf32>
    %get3A_2562 = arith.constant 3600 : index
    %get3A_2563 = tpu.vector_load %arg15[%get3A_2562] {strides = array<i32>} : memref<4096xf32, #tpu.memory_space<vmem>>, vector<16xf32>,
    %eq3A_2564 = arith.constant 1 : i32
    %eq3A_2565 = vector.broadcast %eq3A_2564 : i32 to vector<16xi32>
    %eq3A_2566 = arith.cmpi eq, %iota3A, %eq3A_2565 : vector<16xi32>
    %reduce_sum3A_2567 = arith.constant true
    %reduce_sum3A_2568 = vector.broadcast %reduce_sum3A_2567 : i1 to vector<16xi1>
    %reduce_sum3A_2569 = tpu.scan <sum>, %get3A_2563 masked %reduce_sum3A_2568 : vector<16xf32>, vector<16xi1> -> vector<16xf32>
    %reduce_sum3A_2570 = vector.extract %reduce_sum3A_2569[15] : f32 from vector<16xf32>
    %broadcast_in_dim3A_2571 = vector.broadcast %reduce_sum3A_2570 : f32 to vector<16xf32>
    %select_n3A_2572 = arith.select %eq3A_2566, %broadcast_in_dim3A_2571, %select_n3A_2561 : vector<16xi1>, vector<16xf32>
    %get3A_2573 = arith.constant 3616 : index
    %get3A_2574 = tpu.vector_load %arg15[%get3A_2573] {strides = array<i32>} : memref<4096xf32, #tpu.memory_space<vmem>>, vector<16xf32>,
    %eq3A_2575 = arith.constant 2 : i32
    %eq3A_2576 = vector.broadcast %eq3A_2575 : i32 to vector<16xi32>
    %eq3A_2577 = arith.cmpi eq, %iota3A, %eq3A_2576 : vector<16xi32>
    %reduce_sum3A_2578 = arith.constant true
    %reduce_sum3A_2579 = vector.broadcast %reduce_sum3A_2578 : i1 to vector<16xi1>
    %reduce_sum3A_2580 = tpu.scan <sum>, %get3A_2574 masked %reduce_sum3A_2579 : vector<16xf32>, vector<16xi1> -> vector<16xf32>
    %reduce_sum3A_2581 = vector.extract %reduce_sum3A_2580[15] : f32 from vector<16xf32>
    %broadcast_in_dim3A_2582 = vector.broadcast %reduce_sum3A_2581 : f32 to vector<16xf32>
    %select_n3A_2583 = arith.select %eq3A_2577, %broadcast_in_dim3A_2582, %select_n3A_2572 : vector<16xi1>, vector<16xf32>
    %get3A_2584 = arith.constant 3632 : index
    %get3A_2585 = tpu.vector_load %arg15[%get3A_2584] {strides = array<i32>} : memref<4096xf32, #tpu.memory_space<vmem>>, vector<16xf32>,
    %eq3A_2586 = arith.constant 3 : i32
    %eq3A_2587 = vector.broadcast %eq3A_2586 : i32 to vector<16xi32>
    %eq3A_2588 = arith.cmpi eq, %iota3A, %eq3A_2587 : vector<16xi32>
    %reduce_sum3A_2589 = arith.constant true
    %reduce_sum3A_2590 = vector.broadcast %reduce_sum3A_2589 : i1 to vector<16xi1>
    %reduce_sum3A_2591 = tpu.scan <sum>, %get3A_2585 masked %reduce_sum3A_2590 : vector<16xf32>, vector<16xi1> -> vector<16xf32>
    %reduce_sum3A_2592 = vector.extract %reduce_sum3A_2591[15] : f32 from vector<16xf32>
    %broadcast_in_dim3A_2593 = vector.broadcast %reduce_sum3A_2592 : f32 to vector<16xf32>
    %select_n3A_2594 = arith.select %eq3A_2588, %broadcast_in_dim3A_2593, %select_n3A_2583 : vector<16xi1>, vector<16xf32>
    %get3A_2595 = arith.constant 3648 : index
    %get3A_2596 = tpu.vector_load %arg15[%get3A_2595] {strides = array<i32>} : memref<4096xf32, #tpu.memory_space<vmem>>, vector<16xf32>,
    %eq3A_2597 = arith.constant 4 : i32
    %eq3A_2598 = vector.broadcast %eq3A_2597 : i32 to vector<16xi32>
    %eq3A_2599 = arith.cmpi eq, %iota3A, %eq3A_2598 : vector<16xi32>
    %reduce_sum3A_2600 = arith.constant true
    %reduce_sum3A_2601 = vector.broadcast %reduce_sum3A_2600 : i1 to vector<16xi1>
    %reduce_sum3A_2602 = tpu.scan <sum>, %get3A_2596 masked %reduce_sum3A_2601 : vector<16xf32>, vector<16xi1> -> vector<16xf32>
    %reduce_sum3A_2603 = vector.extract %reduce_sum3A_2602[15] : f32 from vector<16xf32>
    %broadcast_in_dim3A_2604 = vector.broadcast %reduce_sum3A_2603 : f32 to vector<16xf32>
    %select_n3A_2605 = arith.select %eq3A_2599, %broadcast_in_dim3A_2604, %select_n3A_2594 : vector<16xi1>, vector<16xf32>
    %get3A_2606 = arith.constant 3664 : index
    %get3A_2607 = tpu.vector_load %arg15[%get3A_2606] {strides = array<i32>} : memref<4096xf32, #tpu.memory_space<vmem>>, vector<16xf32>,
    %eq3A_2608 = arith.constant 5 : i32
    %eq3A_2609 = vector.broadcast %eq3A_2608 : i32 to vector<16xi32>
    %eq3A_2610 = arith.cmpi eq, %iota3A, %eq3A_2609 : vector<16xi32>
    %reduce_sum3A_2611 = arith.constant true
    %reduce_sum3A_2612 = vector.broadcast %reduce_sum3A_2611 : i1 to vector<16xi1>
    %reduce_sum3A_2613 = tpu.scan <sum>, %get3A_2607 masked %reduce_sum3A_2612 : vector<16xf32>, vector<16xi1> -> vector<16xf32>
    %reduce_sum3A_2614 = vector.extract %reduce_sum3A_2613[15] : f32 from vector<16xf32>
    %broadcast_in_dim3A_2615 = vector.broadcast %reduce_sum3A_2614 : f32 to vector<16xf32>
    %select_n3A_2616 = arith.select %eq3A_2610, %broadcast_in_dim3A_2615, %select_n3A_2605 : vector<16xi1>, vector<16xf32>
    %get3A_2617 = arith.constant 3680 : index
    %get3A_2618 = tpu.vector_load %arg15[%get3A_2617] {strides = array<i32>} : memref<4096xf32, #tpu.memory_space<vmem>>, vector<16xf32>,
    %eq3A_2619 = arith.constant 6 : i32
    %eq3A_2620 = vector.broadcast %eq3A_2619 : i32 to vector<16xi32>
    %eq3A_2621 = arith.cmpi eq, %iota3A, %eq3A_2620 : vector<16xi32>
    %reduce_sum3A_2622 = arith.constant true
    %reduce_sum3A_2623 = vector.broadcast %reduce_sum3A_2622 : i1 to vector<16xi1>
    %reduce_sum3A_2624 = tpu.scan <sum>, %get3A_2618 masked %reduce_sum3A_2623 : vector<16xf32>, vector<16xi1> -> vector<16xf32>
    %reduce_sum3A_2625 = vector.extract %reduce_sum3A_2624[15] : f32 from vector<16xf32>
    %broadcast_in_dim3A_2626 = vector.broadcast %reduce_sum3A_2625 : f32 to vector<16xf32>
    %select_n3A_2627 = arith.select %eq3A_2621, %broadcast_in_dim3A_2626, %select_n3A_2616 : vector<16xi1>, vector<16xf32>
    %get3A_2628 = arith.constant 3696 : index
    %get3A_2629 = tpu.vector_load %arg15[%get3A_2628] {strides = array<i32>} : memref<4096xf32, #tpu.memory_space<vmem>>, vector<16xf32>,
    %eq3A_2630 = arith.constant 7 : i32
    %eq3A_2631 = vector.broadcast %eq3A_2630 : i32 to vector<16xi32>
    %eq3A_2632 = arith.cmpi eq, %iota3A, %eq3A_2631 : vector<16xi32>
    %reduce_sum3A_2633 = arith.constant true
    %reduce_sum3A_2634 = vector.broadcast %reduce_sum3A_2633 : i1 to vector<16xi1>
    %reduce_sum3A_2635 = tpu.scan <sum>, %get3A_2629 masked %reduce_sum3A_2634 : vector<16xf32>, vector<16xi1> -> vector<16xf32>
    %reduce_sum3A_2636 = vector.extract %reduce_sum3A_2635[15] : f32 from vector<16xf32>
    %broadcast_in_dim3A_2637 = vector.broadcast %reduce_sum3A_2636 : f32 to vector<16xf32>
    %select_n3A_2638 = arith.select %eq3A_2632, %broadcast_in_dim3A_2637, %select_n3A_2627 : vector<16xi1>, vector<16xf32>
    %get3A_2639 = arith.constant 3712 : index
    %get3A_2640 = tpu.vector_load %arg15[%get3A_2639] {strides = array<i32>} : memref<4096xf32, #tpu.memory_space<vmem>>, vector<16xf32>,
    %eq3A_2641 = arith.constant 8 : i32
    %eq3A_2642 = vector.broadcast %eq3A_2641 : i32 to vector<16xi32>
    %eq3A_2643 = arith.cmpi eq, %iota3A, %eq3A_2642 : vector<16xi32>
    %reduce_sum3A_2644 = arith.constant true
    %reduce_sum3A_2645 = vector.broadcast %reduce_sum3A_2644 : i1 to vector<16xi1>
    %reduce_sum3A_2646 = tpu.scan <sum>, %get3A_2640 masked %reduce_sum3A_2645 : vector<16xf32>, vector<16xi1> -> vector<16xf32>
    %reduce_sum3A_2647 = vector.extract %reduce_sum3A_2646[15] : f32 from vector<16xf32>
    %broadcast_in_dim3A_2648 = vector.broadcast %reduce_sum3A_2647 : f32 to vector<16xf32>
    %select_n3A_2649 = arith.select %eq3A_2643, %broadcast_in_dim3A_2648, %select_n3A_2638 : vector<16xi1>, vector<16xf32>
    %get3A_2650 = arith.constant 3728 : index
    %get3A_2651 = tpu.vector_load %arg15[%get3A_2650] {strides = array<i32>} : memref<4096xf32, #tpu.memory_space<vmem>>, vector<16xf32>,
    %eq3A_2652 = arith.constant 9 : i32
    %eq3A_2653 = vector.broadcast %eq3A_2652 : i32 to vector<16xi32>
    %eq3A_2654 = arith.cmpi eq, %iota3A, %eq3A_2653 : vector<16xi32>
    %reduce_sum3A_2655 = arith.constant true
    %reduce_sum3A_2656 = vector.broadcast %reduce_sum3A_2655 : i1 to vector<16xi1>
    %reduce_sum3A_2657 = tpu.scan <sum>, %get3A_2651 masked %reduce_sum3A_2656 : vector<16xf32>, vector<16xi1> -> vector<16xf32>
    %reduce_sum3A_2658 = vector.extract %reduce_sum3A_2657[15] : f32 from vector<16xf32>
    %broadcast_in_dim3A_2659 = vector.broadcast %reduce_sum3A_2658 : f32 to vector<16xf32>
    %select_n3A_2660 = arith.select %eq3A_2654, %broadcast_in_dim3A_2659, %select_n3A_2649 : vector<16xi1>, vector<16xf32>
    %get3A_2661 = arith.constant 3744 : index
    %get3A_2662 = tpu.vector_load %arg15[%get3A_2661] {strides = array<i32>} : memref<4096xf32, #tpu.memory_space<vmem>>, vector<16xf32>,
    %eq3A_2663 = arith.constant 10 : i32
    %eq3A_2664 = vector.broadcast %eq3A_2663 : i32 to vector<16xi32>
    %eq3A_2665 = arith.cmpi eq, %iota3A, %eq3A_2664 : vector<16xi32>
    %reduce_sum3A_2666 = arith.constant true
    %reduce_sum3A_2667 = vector.broadcast %reduce_sum3A_2666 : i1 to vector<16xi1>
    %reduce_sum3A_2668 = tpu.scan <sum>, %get3A_2662 masked %reduce_sum3A_2667 : vector<16xf32>, vector<16xi1> -> vector<16xf32>
    %reduce_sum3A_2669 = vector.extract %reduce_sum3A_2668[15] : f32 from vector<16xf32>
    %broadcast_in_dim3A_2670 = vector.broadcast %reduce_sum3A_2669 : f32 to vector<16xf32>
    %select_n3A_2671 = arith.select %eq3A_2665, %broadcast_in_dim3A_2670, %select_n3A_2660 : vector<16xi1>, vector<16xf32>
    %get3A_2672 = arith.constant 3760 : index
    %get3A_2673 = tpu.vector_load %arg15[%get3A_2672] {strides = array<i32>} : memref<4096xf32, #tpu.memory_space<vmem>>, vector<16xf32>,
    %eq3A_2674 = arith.constant 11 : i32
    %eq3A_2675 = vector.broadcast %eq3A_2674 : i32 to vector<16xi32>
    %eq3A_2676 = arith.cmpi eq, %iota3A, %eq3A_2675 : vector<16xi32>
    %reduce_sum3A_2677 = arith.constant true
    %reduce_sum3A_2678 = vector.broadcast %reduce_sum3A_2677 : i1 to vector<16xi1>
    %reduce_sum3A_2679 = tpu.scan <sum>, %get3A_2673 masked %reduce_sum3A_2678 : vector<16xf32>, vector<16xi1> -> vector<16xf32>
    %reduce_sum3A_2680 = vector.extract %reduce_sum3A_2679[15] : f32 from vector<16xf32>
    %broadcast_in_dim3A_2681 = vector.broadcast %reduce_sum3A_2680 : f32 to vector<16xf32>
    %select_n3A_2682 = arith.select %eq3A_2676, %broadcast_in_dim3A_2681, %select_n3A_2671 : vector<16xi1>, vector<16xf32>
    %get3A_2683 = arith.constant 3776 : index
    %get3A_2684 = tpu.vector_load %arg15[%get3A_2683] {strides = array<i32>} : memref<4096xf32, #tpu.memory_space<vmem>>, vector<16xf32>,
    %eq3A_2685 = arith.constant 12 : i32
    %eq3A_2686 = vector.broadcast %eq3A_2685 : i32 to vector<16xi32>
    %eq3A_2687 = arith.cmpi eq, %iota3A, %eq3A_2686 : vector<16xi32>
    %reduce_sum3A_2688 = arith.constant true
    %reduce_sum3A_2689 = vector.broadcast %reduce_sum3A_2688 : i1 to vector<16xi1>
    %reduce_sum3A_2690 = tpu.scan <sum>, %get3A_2684 masked %reduce_sum3A_2689 : vector<16xf32>, vector<16xi1> -> vector<16xf32>
    %reduce_sum3A_2691 = vector.extract %reduce_sum3A_2690[15] : f32 from vector<16xf32>
    %broadcast_in_dim3A_2692 = vector.broadcast %reduce_sum3A_2691 : f32 to vector<16xf32>
    %select_n3A_2693 = arith.select %eq3A_2687, %broadcast_in_dim3A_2692, %select_n3A_2682 : vector<16xi1>, vector<16xf32>
    %get3A_2694 = arith.constant 3792 : index
    %get3A_2695 = tpu.vector_load %arg15[%get3A_2694] {strides = array<i32>} : memref<4096xf32, #tpu.memory_space<vmem>>, vector<16xf32>,
    %eq3A_2696 = arith.constant 13 : i32
    %eq3A_2697 = vector.broadcast %eq3A_2696 : i32 to vector<16xi32>
    %eq3A_2698 = arith.cmpi eq, %iota3A, %eq3A_2697 : vector<16xi32>
    %reduce_sum3A_2699 = arith.constant true
    %reduce_sum3A_2700 = vector.broadcast %reduce_sum3A_2699 : i1 to vector<16xi1>
    %reduce_sum3A_2701 = tpu.scan <sum>, %get3A_2695 masked %reduce_sum3A_2700 : vector<16xf32>, vector<16xi1> -> vector<16xf32>
    %reduce_sum3A_2702 = vector.extract %reduce_sum3A_2701[15] : f32 from vector<16xf32>
    %broadcast_in_dim3A_2703 = vector.broadcast %reduce_sum3A_2702 : f32 to vector<16xf32>
    %select_n3A_2704 = arith.select %eq3A_2698, %broadcast_in_dim3A_2703, %select_n3A_2693 : vector<16xi1>, vector<16xf32>
    %get3A_2705 = arith.constant 3808 : index
    %get3A_2706 = tpu.vector_load %arg15[%get3A_2705] {strides = array<i32>} : memref<4096xf32, #tpu.memory_space<vmem>>, vector<16xf32>,
    %eq3A_2707 = arith.constant 14 : i32
    %eq3A_2708 = vector.broadcast %eq3A_2707 : i32 to vector<16xi32>
    %eq3A_2709 = arith.cmpi eq, %iota3A, %eq3A_2708 : vector<16xi32>
    %reduce_sum3A_2710 = arith.constant true
    %reduce_sum3A_2711 = vector.broadcast %reduce_sum3A_2710 : i1 to vector<16xi1>
    %reduce_sum3A_2712 = tpu.scan <sum>, %get3A_2706 masked %reduce_sum3A_2711 : vector<16xf32>, vector<16xi1> -> vector<16xf32>
    %reduce_sum3A_2713 = vector.extract %reduce_sum3A_2712[15] : f32 from vector<16xf32>
    %broadcast_in_dim3A_2714 = vector.broadcast %reduce_sum3A_2713 : f32 to vector<16xf32>
    %select_n3A_2715 = arith.select %eq3A_2709, %broadcast_in_dim3A_2714, %select_n3A_2704 : vector<16xi1>, vector<16xf32>
    %get3A_2716 = arith.constant 3824 : index
    %get3A_2717 = tpu.vector_load %arg15[%get3A_2716] {strides = array<i32>} : memref<4096xf32, #tpu.memory_space<vmem>>, vector<16xf32>,
    %eq3A_2718 = arith.constant 15 : i32
    %eq3A_2719 = vector.broadcast %eq3A_2718 : i32 to vector<16xi32>
    %eq3A_2720 = arith.cmpi eq, %iota3A, %eq3A_2719 : vector<16xi32>
    %reduce_sum3A_2721 = arith.constant true
    %reduce_sum3A_2722 = vector.broadcast %reduce_sum3A_2721 : i1 to vector<16xi1>
    %reduce_sum3A_2723 = tpu.scan <sum>, %get3A_2717 masked %reduce_sum3A_2722 : vector<16xf32>, vector<16xi1> -> vector<16xf32>
    %reduce_sum3A_2724 = vector.extract %reduce_sum3A_2723[15] : f32 from vector<16xf32>
    %broadcast_in_dim3A_2725 = vector.broadcast %reduce_sum3A_2724 : f32 to vector<16xf32>
    %select_n3A_2726 = arith.select %eq3A_2720, %broadcast_in_dim3A_2725, %select_n3A_2715 : vector<16xi1>, vector<16xf32>
    %swap3A_2727 = arith.constant 224 : index
    %swap3A_2728 = tpu.vector_load %arg16[%swap3A_2727] {strides = array<i32>} : memref<256xf32, #tpu.memory_space<vmem>>, vector<16xf32>,
    tpu.vector_store %arg16[%swap3A_2727], %select_n3A_2726 {strides = array<i32>} : memref<256xf32, #tpu.memory_space<vmem>>, vector<16xf32>,
    %broadcast_in_dim3A_2729 = arith.constant 0.000000e+00 : f32
    %broadcast_in_dim3A_2730 = vector.broadcast %broadcast_in_dim3A_2729 : f32 to vector<16xf32>
    %get3A_2731 = arith.constant 3840 : index
    %get3A_2732 = tpu.vector_load %arg15[%get3A_2731] {strides = array<i32>} : memref<4096xf32, #tpu.memory_space<vmem>>, vector<16xf32>,
    %eq3A_2733 = arith.constant 0 : i32
    %eq3A_2734 = vector.broadcast %eq3A_2733 : i32 to vector<16xi32>
    %eq3A_2735 = arith.cmpi eq, %iota3A, %eq3A_2734 : vector<16xi32>
    %reduce_sum3A_2736 = arith.constant true
    %reduce_sum3A_2737 = vector.broadcast %reduce_sum3A_2736 : i1 to vector<16xi1>
    %reduce_sum3A_2738 = tpu.scan <sum>, %get3A_2732 masked %reduce_sum3A_2737 : vector<16xf32>, vector<16xi1> -> vector<16xf32>
    %reduce_sum3A_2739 = vector.extract %reduce_sum3A_2738[15] : f32 from vector<16xf32>
    %broadcast_in_dim3A_2740 = vector.broadcast %reduce_sum3A_2739 : f32 to vector<16xf32>
    %select_n3A_2741 = arith.select %eq3A_2735, %broadcast_in_dim3A_2740, %broadcast_in_dim3A_2730 : vector<16xi1>, vector<16xf32>
    %get3A_2742 = arith.constant 3856 : index
    %get3A_2743 = tpu.vector_load %arg15[%get3A_2742] {strides = array<i32>} : memref<4096xf32, #tpu.memory_space<vmem>>, vector<16xf32>,
    %eq3A_2744 = arith.constant 1 : i32
    %eq3A_2745 = vector.broadcast %eq3A_2744 : i32 to vector<16xi32>
    %eq3A_2746 = arith.cmpi eq, %iota3A, %eq3A_2745 : vector<16xi32>
    %reduce_sum3A_2747 = arith.constant true
    %reduce_sum3A_2748 = vector.broadcast %reduce_sum3A_2747 : i1 to vector<16xi1>
    %reduce_sum3A_2749 = tpu.scan <sum>, %get3A_2743 masked %reduce_sum3A_2748 : vector<16xf32>, vector<16xi1> -> vector<16xf32>
    %reduce_sum3A_2750 = vector.extract %reduce_sum3A_2749[15] : f32 from vector<16xf32>
    %broadcast_in_dim3A_2751 = vector.broadcast %reduce_sum3A_2750 : f32 to vector<16xf32>
    %select_n3A_2752 = arith.select %eq3A_2746, %broadcast_in_dim3A_2751, %select_n3A_2741 : vector<16xi1>, vector<16xf32>
    %get3A_2753 = arith.constant 3872 : index
    %get3A_2754 = tpu.vector_load %arg15[%get3A_2753] {strides = array<i32>} : memref<4096xf32, #tpu.memory_space<vmem>>, vector<16xf32>,
    %eq3A_2755 = arith.constant 2 : i32
    %eq3A_2756 = vector.broadcast %eq3A_2755 : i32 to vector<16xi32>
    %eq3A_2757 = arith.cmpi eq, %iota3A, %eq3A_2756 : vector<16xi32>
    %reduce_sum3A_2758 = arith.constant true
    %reduce_sum3A_2759 = vector.broadcast %reduce_sum3A_2758 : i1 to vector<16xi1>
    %reduce_sum3A_2760 = tpu.scan <sum>, %get3A_2754 masked %reduce_sum3A_2759 : vector<16xf32>, vector<16xi1> -> vector<16xf32>
    %reduce_sum3A_2761 = vector.extract %reduce_sum3A_2760[15] : f32 from vector<16xf32>
    %broadcast_in_dim3A_2762 = vector.broadcast %reduce_sum3A_2761 : f32 to vector<16xf32>
    %select_n3A_2763 = arith.select %eq3A_2757, %broadcast_in_dim3A_2762, %select_n3A_2752 : vector<16xi1>, vector<16xf32>
    %get3A_2764 = arith.constant 3888 : index
    %get3A_2765 = tpu.vector_load %arg15[%get3A_2764] {strides = array<i32>} : memref<4096xf32, #tpu.memory_space<vmem>>, vector<16xf32>,
    %eq3A_2766 = arith.constant 3 : i32
    %eq3A_2767 = vector.broadcast %eq3A_2766 : i32 to vector<16xi32>
    %eq3A_2768 = arith.cmpi eq, %iota3A, %eq3A_2767 : vector<16xi32>
    %reduce_sum3A_2769 = arith.constant true
    %reduce_sum3A_2770 = vector.broadcast %reduce_sum3A_2769 : i1 to vector<16xi1>
    %reduce_sum3A_2771 = tpu.scan <sum>, %get3A_2765 masked %reduce_sum3A_2770 : vector<16xf32>, vector<16xi1> -> vector<16xf32>
    %reduce_sum3A_2772 = vector.extract %reduce_sum3A_2771[15] : f32 from vector<16xf32>
    %broadcast_in_dim3A_2773 = vector.broadcast %reduce_sum3A_2772 : f32 to vector<16xf32>
    %select_n3A_2774 = arith.select %eq3A_2768, %broadcast_in_dim3A_2773, %select_n3A_2763 : vector<16xi1>, vector<16xf32>
    %get3A_2775 = arith.constant 3904 : index
    %get3A_2776 = tpu.vector_load %arg15[%get3A_2775] {strides = array<i32>} : memref<4096xf32, #tpu.memory_space<vmem>>, vector<16xf32>,
    %eq3A_2777 = arith.constant 4 : i32
    %eq3A_2778 = vector.broadcast %eq3A_2777 : i32 to vector<16xi32>
    %eq3A_2779 = arith.cmpi eq, %iota3A, %eq3A_2778 : vector<16xi32>
    %reduce_sum3A_2780 = arith.constant true
    %reduce_sum3A_2781 = vector.broadcast %reduce_sum3A_2780 : i1 to vector<16xi1>
    %reduce_sum3A_2782 = tpu.scan <sum>, %get3A_2776 masked %reduce_sum3A_2781 : vector<16xf32>, vector<16xi1> -> vector<16xf32>
    %reduce_sum3A_2783 = vector.extract %reduce_sum3A_2782[15] : f32 from vector<16xf32>
    %broadcast_in_dim3A_2784 = vector.broadcast %reduce_sum3A_2783 : f32 to vector<16xf32>
    %select_n3A_2785 = arith.select %eq3A_2779, %broadcast_in_dim3A_2784, %select_n3A_2774 : vector<16xi1>, vector<16xf32>
    %get3A_2786 = arith.constant 3920 : index
    %get3A_2787 = tpu.vector_load %arg15[%get3A_2786] {strides = array<i32>} : memref<4096xf32, #tpu.memory_space<vmem>>, vector<16xf32>,
    %eq3A_2788 = arith.constant 5 : i32
    %eq3A_2789 = vector.broadcast %eq3A_2788 : i32 to vector<16xi32>
    %eq3A_2790 = arith.cmpi eq, %iota3A, %eq3A_2789 : vector<16xi32>
    %reduce_sum3A_2791 = arith.constant true
    %reduce_sum3A_2792 = vector.broadcast %reduce_sum3A_2791 : i1 to vector<16xi1>
    %reduce_sum3A_2793 = tpu.scan <sum>, %get3A_2787 masked %reduce_sum3A_2792 : vector<16xf32>, vector<16xi1> -> vector<16xf32>
    %reduce_sum3A_2794 = vector.extract %reduce_sum3A_2793[15] : f32 from vector<16xf32>
    %broadcast_in_dim3A_2795 = vector.broadcast %reduce_sum3A_2794 : f32 to vector<16xf32>
    %select_n3A_2796 = arith.select %eq3A_2790, %broadcast_in_dim3A_2795, %select_n3A_2785 : vector<16xi1>, vector<16xf32>
    %get3A_2797 = arith.constant 3936 : index
    %get3A_2798 = tpu.vector_load %arg15[%get3A_2797] {strides = array<i32>} : memref<4096xf32, #tpu.memory_space<vmem>>, vector<16xf32>,
    %eq3A_2799 = arith.constant 6 : i32
    %eq3A_2800 = vector.broadcast %eq3A_2799 : i32 to vector<16xi32>
    %eq3A_2801 = arith.cmpi eq, %iota3A, %eq3A_2800 : vector<16xi32>
    %reduce_sum3A_2802 = arith.constant true
    %reduce_sum3A_2803 = vector.broadcast %reduce_sum3A_2802 : i1 to vector<16xi1>
    %reduce_sum3A_2804 = tpu.scan <sum>, %get3A_2798 masked %reduce_sum3A_2803 : vector<16xf32>, vector<16xi1> -> vector<16xf32>
    %reduce_sum3A_2805 = vector.extract %reduce_sum3A_2804[15] : f32 from vector<16xf32>
    %broadcast_in_dim3A_2806 = vector.broadcast %reduce_sum3A_2805 : f32 to vector<16xf32>
    %select_n3A_2807 = arith.select %eq3A_2801, %broadcast_in_dim3A_2806, %select_n3A_2796 : vector<16xi1>, vector<16xf32>
    %get3A_2808 = arith.constant 3952 : index
    %get3A_2809 = tpu.vector_load %arg15[%get3A_2808] {strides = array<i32>} : memref<4096xf32, #tpu.memory_space<vmem>>, vector<16xf32>,
    %eq3A_2810 = arith.constant 7 : i32
    %eq3A_2811 = vector.broadcast %eq3A_2810 : i32 to vector<16xi32>
    %eq3A_2812 = arith.cmpi eq, %iota3A, %eq3A_2811 : vector<16xi32>
    %reduce_sum3A_2813 = arith.constant true
    %reduce_sum3A_2814 = vector.broadcast %reduce_sum3A_2813 : i1 to vector<16xi1>
    %reduce_sum3A_2815 = tpu.scan <sum>, %get3A_2809 masked %reduce_sum3A_2814 : vector<16xf32>, vector<16xi1> -> vector<16xf32>
    %reduce_sum3A_2816 = vector.extract %reduce_sum3A_2815[15] : f32 from vector<16xf32>
    %broadcast_in_dim3A_2817 = vector.broadcast %reduce_sum3A_2816 : f32 to vector<16xf32>
    %select_n3A_2818 = arith.select %eq3A_2812, %broadcast_in_dim3A_2817, %select_n3A_2807 : vector<16xi1>, vector<16xf32>
    %get3A_2819 = arith.constant 3968 : index
    %get3A_2820 = tpu.vector_load %arg15[%get3A_2819] {strides = array<i32>} : memref<4096xf32, #tpu.memory_space<vmem>>, vector<16xf32>,
    %eq3A_2821 = arith.constant 8 : i32
    %eq3A_2822 = vector.broadcast %eq3A_2821 : i32 to vector<16xi32>
    %eq3A_2823 = arith.cmpi eq, %iota3A, %eq3A_2822 : vector<16xi32>
    %reduce_sum3A_2824 = arith.constant true
    %reduce_sum3A_2825 = vector.broadcast %reduce_sum3A_2824 : i1 to vector<16xi1>
    %reduce_sum3A_2826 = tpu.scan <sum>, %get3A_2820 masked %reduce_sum3A_2825 : vector<16xf32>, vector<16xi1> -> vector<16xf32>
    %reduce_sum3A_2827 = vector.extract %reduce_sum3A_2826[15] : f32 from vector<16xf32>
    %broadcast_in_dim3A_2828 = vector.broadcast %reduce_sum3A_2827 : f32 to vector<16xf32>
    %select_n3A_2829 = arith.select %eq3A_2823, %broadcast_in_dim3A_2828, %select_n3A_2818 : vector<16xi1>, vector<16xf32>
    %get3A_2830 = arith.constant 3984 : index
    %get3A_2831 = tpu.vector_load %arg15[%get3A_2830] {strides = array<i32>} : memref<4096xf32, #tpu.memory_space<vmem>>, vector<16xf32>,
    %eq3A_2832 = arith.constant 9 : i32
    %eq3A_2833 = vector.broadcast %eq3A_2832 : i32 to vector<16xi32>
    %eq3A_2834 = arith.cmpi eq, %iota3A, %eq3A_2833 : vector<16xi32>
    %reduce_sum3A_2835 = arith.constant true
    %reduce_sum3A_2836 = vector.broadcast %reduce_sum3A_2835 : i1 to vector<16xi1>
    %reduce_sum3A_2837 = tpu.scan <sum>, %get3A_2831 masked %reduce_sum3A_2836 : vector<16xf32>, vector<16xi1> -> vector<16xf32>
    %reduce_sum3A_2838 = vector.extract %reduce_sum3A_2837[15] : f32 from vector<16xf32>
    %broadcast_in_dim3A_2839 = vector.broadcast %reduce_sum3A_2838 : f32 to vector<16xf32>
    %select_n3A_2840 = arith.select %eq3A_2834, %broadcast_in_dim3A_2839, %select_n3A_2829 : vector<16xi1>, vector<16xf32>
    %get3A_2841 = arith.constant 4000 : index
    %get3A_2842 = tpu.vector_load %arg15[%get3A_2841] {strides = array<i32>} : memref<4096xf32, #tpu.memory_space<vmem>>, vector<16xf32>,
    %eq3A_2843 = arith.constant 10 : i32
    %eq3A_2844 = vector.broadcast %eq3A_2843 : i32 to vector<16xi32>
    %eq3A_2845 = arith.cmpi eq, %iota3A, %eq3A_2844 : vector<16xi32>
    %reduce_sum3A_2846 = arith.constant true
    %reduce_sum3A_2847 = vector.broadcast %reduce_sum3A_2846 : i1 to vector<16xi1>
    %reduce_sum3A_2848 = tpu.scan <sum>, %get3A_2842 masked %reduce_sum3A_2847 : vector<16xf32>, vector<16xi1> -> vector<16xf32>
    %reduce_sum3A_2849 = vector.extract %reduce_sum3A_2848[15] : f32 from vector<16xf32>
    %broadcast_in_dim3A_2850 = vector.broadcast %reduce_sum3A_2849 : f32 to vector<16xf32>
    %select_n3A_2851 = arith.select %eq3A_2845, %broadcast_in_dim3A_2850, %select_n3A_2840 : vector<16xi1>, vector<16xf32>
    %get3A_2852 = arith.constant 4016 : index
    %get3A_2853 = tpu.vector_load %arg15[%get3A_2852] {strides = array<i32>} : memref<4096xf32, #tpu.memory_space<vmem>>, vector<16xf32>,
    %eq3A_2854 = arith.constant 11 : i32
    %eq3A_2855 = vector.broadcast %eq3A_2854 : i32 to vector<16xi32>
    %eq3A_2856 = arith.cmpi eq, %iota3A, %eq3A_2855 : vector<16xi32>
    %reduce_sum3A_2857 = arith.constant true
    %reduce_sum3A_2858 = vector.broadcast %reduce_sum3A_2857 : i1 to vector<16xi1>
    %reduce_sum3A_2859 = tpu.scan <sum>, %get3A_2853 masked %reduce_sum3A_2858 : vector<16xf32>, vector<16xi1> -> vector<16xf32>
    %reduce_sum3A_2860 = vector.extract %reduce_sum3A_2859[15] : f32 from vector<16xf32>
    %broadcast_in_dim3A_2861 = vector.broadcast %reduce_sum3A_2860 : f32 to vector<16xf32>
    %select_n3A_2862 = arith.select %eq3A_2856, %broadcast_in_dim3A_2861, %select_n3A_2851 : vector<16xi1>, vector<16xf32>
    %get3A_2863 = arith.constant 4032 : index
    %get3A_2864 = tpu.vector_load %arg15[%get3A_2863] {strides = array<i32>} : memref<4096xf32, #tpu.memory_space<vmem>>, vector<16xf32>,
    %eq3A_2865 = arith.constant 12 : i32
    %eq3A_2866 = vector.broadcast %eq3A_2865 : i32 to vector<16xi32>
    %eq3A_2867 = arith.cmpi eq, %iota3A, %eq3A_2866 : vector<16xi32>
    %reduce_sum3A_2868 = arith.constant true
    %reduce_sum3A_2869 = vector.broadcast %reduce_sum3A_2868 : i1 to vector<16xi1>
    %reduce_sum3A_2870 = tpu.scan <sum>, %get3A_2864 masked %reduce_sum3A_2869 : vector<16xf32>, vector<16xi1> -> vector<16xf32>
    %reduce_sum3A_2871 = vector.extract %reduce_sum3A_2870[15] : f32 from vector<16xf32>
    %broadcast_in_dim3A_2872 = vector.broadcast %reduce_sum3A_2871 : f32 to vector<16xf32>
    %select_n3A_2873 = arith.select %eq3A_2867, %broadcast_in_dim3A_2872, %select_n3A_2862 : vector<16xi1>, vector<16xf32>
    %get3A_2874 = arith.constant 4048 : index
    %get3A_2875 = tpu.vector_load %arg15[%get3A_2874] {strides = array<i32>} : memref<4096xf32, #tpu.memory_space<vmem>>, vector<16xf32>,
    %eq3A_2876 = arith.constant 13 : i32
    %eq3A_2877 = vector.broadcast %eq3A_2876 : i32 to vector<16xi32>
    %eq3A_2878 = arith.cmpi eq, %iota3A, %eq3A_2877 : vector<16xi32>
    %reduce_sum3A_2879 = arith.constant true
    %reduce_sum3A_2880 = vector.broadcast %reduce_sum3A_2879 : i1 to vector<16xi1>
    %reduce_sum3A_2881 = tpu.scan <sum>, %get3A_2875 masked %reduce_sum3A_2880 : vector<16xf32>, vector<16xi1> -> vector<16xf32>
    %reduce_sum3A_2882 = vector.extract %reduce_sum3A_2881[15] : f32 from vector<16xf32>
    %broadcast_in_dim3A_2883 = vector.broadcast %reduce_sum3A_2882 : f32 to vector<16xf32>
    %select_n3A_2884 = arith.select %eq3A_2878, %broadcast_in_dim3A_2883, %select_n3A_2873 : vector<16xi1>, vector<16xf32>
    %get3A_2885 = arith.constant 4064 : index
    %get3A_2886 = tpu.vector_load %arg15[%get3A_2885] {strides = array<i32>} : memref<4096xf32, #tpu.memory_space<vmem>>, vector<16xf32>,
    %eq3A_2887 = arith.constant 14 : i32
    %eq3A_2888 = vector.broadcast %eq3A_2887 : i32 to vector<16xi32>
    %eq3A_2889 = arith.cmpi eq, %iota3A, %eq3A_2888 : vector<16xi32>
    %reduce_sum3A_2890 = arith.constant true
    %reduce_sum3A_2891 = vector.broadcast %reduce_sum3A_2890 : i1 to vector<16xi1>
    %reduce_sum3A_2892 = tpu.scan <sum>, %get3A_2886 masked %reduce_sum3A_2891 : vector<16xf32>, vector<16xi1> -> vector<16xf32>
    %reduce_sum3A_2893 = vector.extract %reduce_sum3A_2892[15] : f32 from vector<16xf32>
    %broadcast_in_dim3A_2894 = vector.broadcast %reduce_sum3A_2893 : f32 to vector<16xf32>
    %select_n3A_2895 = arith.select %eq3A_2889, %broadcast_in_dim3A_2894, %select_n3A_2884 : vector<16xi1>, vector<16xf32>
    %get3A_2896 = arith.constant 4080 : index
    %get3A_2897 = tpu.vector_load %arg15[%get3A_2896] {strides = array<i32>} : memref<4096xf32, #tpu.memory_space<vmem>>, vector<16xf32>,
    %eq3A_2898 = arith.constant 15 : i32
    %eq3A_2899 = vector.broadcast %eq3A_2898 : i32 to vector<16xi32>
    %eq3A_2900 = arith.cmpi eq, %iota3A, %eq3A_2899 : vector<16xi32>
    %reduce_sum3A_2901 = arith.constant true
    %reduce_sum3A_2902 = vector.broadcast %reduce_sum3A_2901 : i1 to vector<16xi1>
    %reduce_sum3A_2903 = tpu.scan <sum>, %get3A_2897 masked %reduce_sum3A_2902 : vector<16xf32>, vector<16xi1> -> vector<16xf32>
    %reduce_sum3A_2904 = vector.extract %reduce_sum3A_2903[15] : f32 from vector<16xf32>
    %broadcast_in_dim3A_2905 = vector.broadcast %reduce_sum3A_2904 : f32 to vector<16xf32>
    %select_n3A_2906 = arith.select %eq3A_2900, %broadcast_in_dim3A_2905, %select_n3A_2895 : vector<16xi1>, vector<16xf32>
    %swap3A_2907 = arith.constant 240 : index
    %swap3A_2908 = tpu.vector_load %arg16[%swap3A_2907] {strides = array<i32>} : memref<256xf32, #tpu.memory_space<vmem>>, vector<16xf32>,
    tpu.vector_store %arg16[%swap3A_2907], %select_n3A_2906 {strides = array<i32>} : memref<256xf32, #tpu.memory_space<vmem>>, vector<16xf32>,
    "tpu.region"() ({
      %run_scoped3A = tpu.sem_alloc : memref<!tpu.dma_semaphore, #tpu.memory_space<semaphore_mem>>
      %dma_start3A_2909 = arith.constant 0 : i32
      %dma_start3A_2910 = tpu.memref_slice %arg6[%add3A, %dma_start3A_2909] : memref<32x256xf32, #tpu.memory_space<hbm>> -> memref<1x256xf32, #tpu.memory_space<hbm>>
      %dma_start3A_2911 = tpu.memref_squeeze %dma_start3A_2910 : memref<1x256xf32, #tpu.memory_space<hbm>> -> memref<256xf32, #tpu.memory_space<hbm>>
      %dma_start3A_2912 = arith.constant 0 : i32
      %dma_start3A_2913 = tpu.memref_slice %arg6[%add3A, %dma_start3A_2912] : memref<32x256xf32, #tpu.memory_space<hbm>> -> memref<1x256xf32, #tpu.memory_space<hbm>>
      %dma_start3A_2914 = tpu.memref_squeeze %dma_start3A_2913 : memref<1x256xf32, #tpu.memory_space<hbm>> -> memref<256xf32, #tpu.memory_space<hbm>>
      tpu.enqueue_dma source(%arg16 : memref<256xf32, #tpu.memory_space<vmem>>) target(%dma_start3A_2914 : memref<256xf32, #tpu.memory_space<hbm>>) target_semaphore(%run_scoped3A : memref<!tpu.dma_semaphore, #tpu.memory_space<semaphore_mem>>)
      %dma_wait3A_2915 = arith.constant 0 : i32
      %dma_wait3A_2916 = tpu.memref_slice %arg6[%add3A, %dma_wait3A_2915] : memref<32x256xf32, #tpu.memory_space<hbm>> -> memref<1x256xf32, #tpu.memory_space<hbm>>
      %dma_wait3A_2917 = tpu.memref_squeeze %dma_wait3A_2916 : memref<1x256xf32, #tpu.memory_space<hbm>> -> memref<256xf32, #tpu.memory_space<hbm>>
      %dma_wait3A_2918 = arith.constant 0 : i32
      %dma_wait3A_2919 = tpu.memref_slice %arg6[%add3A, %dma_wait3A_2918] : memref<32x256xf32, #tpu.memory_space<hbm>> -> memref<1x256xf32, #tpu.memory_space<hbm>>
      %dma_wait3A_2920 = tpu.memref_squeeze %dma_wait3A_2919 : memref<1x256xf32, #tpu.memory_space<hbm>> -> memref<256xf32, #tpu.memory_space<hbm>>
      tpu.wait_dma2 semaphore(%run_scoped3A : memref<!tpu.dma_semaphore, #tpu.memory_space<semaphore_mem>>) src(%arg16 : memref<256xf32, #tpu.memory_space<vmem>>) dst(%dma_wait3A_2920 : memref<256xf32, #tpu.memory_space<hbm>>)
      tpu.yield
    }) : () -> ()
    return
  }
}

</mosaic_0001>

<sc_bundles>
// kernel: kernel.3.cloned.1.call-start
scs
__scs_entry_jumppad:
0x0: {  	(pc) =	sbr.rel $0x88, $3  }
0x1: {  	(tag) =	ssettag $0x0;
	lr =	simm.s32 $0x1  }
0x2: {  	[smem:$0x3F9A] =	sst lr;
	_ =	strace $0xD0000000  }
0x3: {  	_ = 	snop  }
0x4: {  	_ = 	snop  }
0x5: {  	_ = 	snop  }
0x6: {  	_ = 	snop  }
0x7: {  	_ = 	snop  }
__scs_overlays_trampoline_lowered:
0x8: {  	[smem:$0x3FA9] =	sst s0  }
0x9: {  	[smem:$0x3FAA] =	sst s1  }
0xa: {  	[smem:$0x3FAB] =	sst s2  }
0xb: {  	[smem:$0x3FAC] =	sst s3  }
0xc: {  	[smem:$0x3FAD] =	sst s4  }
0xd: {  	[smem:$0x3FAE] =	sst s5  }
0xe: {  	[smem:$0x3FAF] =	sst s6  }
0xf: {  	[smem:$0x3FB0] =	sst s7  }
0x10: {  	[smem:$0x3FB1] =	sst s8  }
0x11: {  	[smem:$0x3FB2] =	sst s9;
	s0 =	simm.s32 @!p0 $0x0  }
0x12: {  	s1 =	sld [smem:$0x3F98];
	s0 =	simm.s32 @p0 $0x1  }
0x13: {  	[smem:$0x3FB3] =	sst s0;
	s0 =	simm.s32 @!p1 $0x0  }
0x14: {  	s2 =	sld [smem:$0x3F97];
	s0 =	simm.s32 @p1 $0x1  }
0x15: {  	[smem:$0x3FB4] =	sst s0;
	s0 =	simm.s32 @!p2 $0x0  }
0x16: {  	s3 =	sld [smem:$0x3FDB];
	s0 =	simm.s32 @p2 $0x1  }
0x17: {  	s4 =	simm.s32 $0x1BF5;
	[smem:$0x3FB6] =	sst s0  }
0x18: {  	s0 =	sld [smem:$0x3F99];
	_ =	swait.ge [sflag:s4], $0x0  }
0x19: {  	s7 =	sld [smem:$0x3F9A]  }
0x1a: {  	s8 =	sadd.s32 $0xFFFFE003, lr  }
0x1b: {  	s9 =	sadd.s32 $0xFFFFFEF7, lr;
	s5 =	simm.s32 $0xFFFFFFFF;
	p2 =	slt.u32 s8, $0xFFFFF086  }
0x1c: {  	p1 =	slt.u32 s9, $0xF7A;
	s5 =	simm.s32 @!p2 $0x0  }
0x1d: {  	s5 =	simm.s32 @p1 $0x1;
	p0 =	seq.s32 s7, s2  }
0x1e: {  	s7 =	smul.u32 @!p0 $0xF7A, s2;
	p2 =	seq.s32 @!p0 s5, $0x0  }
0x1f: {  	s9 =	smul.u32 $0xF7A, s1;
	s8 =	simm.s32 @!p0 $0x1BF5;
	p2 =	por !p2, p0  }
0x20: {  	[sflag:s8] =	ssyncset.s32 @!p0 $0xFFFFF086;
	s6 =	sadd.s32 @!p0 s3, s7;
	s7 =	simm.s32 @!p0 $0x108  }
0x21: {  	s3 =	sadd.s32 s3, s9;
	s6 =	sadd.s32 @!p0 $0x88, s6;
	s7 =	simm.s32 @p2 $0x1082  }
0x22: {  	[simem:s7], [sflag:s8] =	dma.local @!p0 [hbm:s6], $0xF7A  }
0x23: {  	s9 =	sor.u32 $0xD0000000, s2;
	s6 =	simm.s32 $0x108;
	_ =	swait.ge @!p0 [sflag:s8], $0x0  }
0x24: {  	s3 =	sadd.s32 $0x88, s3;
	s6 =	simm.s32 @!p1 $0x1082;
	[sflag:s4] =	ssyncset.s32 $0xFFFFF086  }
0x25: {  	[simem:s6], [sflag:s4] =	dma.local [hbm:s3], $0xF7A  }
0x26: {  	[smem:$0x3F9A] =	sst s1;
	(tag) =	ssettag s2;
	_ =	strace s9  }
0x27: {  	s1 =	sld [smem:$0x3FAA]  }
0x28: {  	s2 =	sld [smem:$0x3FAB]  }
0x29: {  	s4 =	sld [smem:$0x3FAD]  }
0x2a: {  	p0 =	seq.s32 s5, $0x0;
	s5 =	sld [smem:$0x3FAE]  }
0x2b: {  	s6 =	sld [smem:$0x3FAF]  }
0x2c: {  	s7 =	sld [smem:$0x3FB0]  }
0x2d: {  	s3 =	simm.s32 $0x108;
	s8 =	sld [smem:$0x3FB1]  }
0x2e: {  	s3 =	simm.s32 @!p0 $0x1082;
	s9 =	sld [smem:$0x3FB2]  }
0x2f: {  	lr =	sadd.s32 s0, s3;
	s0 =	sld [smem:$0x3FA9]  }
0x30: {  	s3 =	sld [smem:$0x3FAC]  }
0x31: {  	[smem:$0x3FB5] =	sst s10  }
0x32: {  	s10 =	sld [smem:$0x3FB3];
	_ =	sdelay $0x3  }
0x33: {  	p0 =	seq.s32 s10, $0x1;
	s10 =	sld [smem:$0x3FB5];
	_ =	sdelay $0x3  }
0x34: {  	[smem:$0x3FB5] =	sst s10  }
0x35: {  	s10 =	sld [smem:$0x3FB4];
	_ =	sdelay $0x3  }
0x36: {  	p1 =	seq.s32 s10, $0x1;
	s10 =	sld [smem:$0x3FB5];
	_ =	sdelay $0x3  }
0x37: {  	[smem:$0x3FB5] =	sst s10  }
0x38: {  	s10 =	sld [smem:$0x3FB6]  }
0x39: {  	_ = 	snop;
	(pc) =	sbr.ind lr, $3  }
0x3a: {  	_ = 	snop  }
0x3b: {  	_ = 	snop  }
0x3c: {  	p2 =	seq.s32 s10, $0x1;
	s10 =	sld [smem:$0x3FB5]  }
0x3d: {  	_ =	shalt  }
0x3e: {  	_ =	shalt  }
0x3f: {  	_ =	shalt  }
0x40: {  	_ =	shalt  }
0x41: {  	_ =	shalt  }
0x42: {  	_ =	shalt  }
0x43: {  	_ =	shalt  }
0x44: {  	_ =	shalt  }
0x45: {  	_ =	shalt  }
0x46: {  	_ =	shalt  }
0x47: {  	_ =	shalt  }
0x48: {  	_ =	shalt  }
0x49: {  	_ =	shalt  }
0x4a: {  	_ =	shalt  }
0x4b: {  	_ =	shalt  }
0x4c: {  	_ =	shalt  }
0x4d: {  	_ =	shalt  }
0x4e: {  	_ =	shalt  }
0x4f: {  	_ =	shalt  }
0x50: {  	_ =	shalt  }
0x51: {  	_ =	shalt  }
0x52: {  	_ =	shalt  }
0x53: {  	_ =	shalt  }
0x54: {  	_ =	shalt  }
0x55: {  	_ =	shalt  }
0x56: {  	_ =	shalt  }
0x57: {  	_ =	shalt  }
0x58: {  	_ =	shalt  }
0x59: {  	_ =	shalt  }
0x5a: {  	_ =	shalt  }
0x5b: {  	_ =	shalt  }
0x5c: {  	_ =	shalt  }
0x5d: {  	_ =	shalt  }
0x5e: {  	_ =	shalt  }
0x5f: {  	_ =	shalt  }
0x60: {  	_ =	shalt  }
0x61: {  	_ =	shalt  }
0x62: {  	_ =	shalt  }
0x63: {  	_ =	shalt  }
0x64: {  	_ =	shalt  }
0x65: {  	_ =	shalt  }
0x66: {  	_ =	shalt  }
0x67: {  	_ =	shalt  }
0x68: {  	_ =	shalt  }
0x69: {  	_ =	shalt  }
0x6a: {  	_ =	shalt  }
0x6b: {  	_ =	shalt  }
0x6c: {  	_ =	shalt  }
0x6d: {  	_ =	shalt  }
0x6e: {  	_ =	shalt  }
0x6f: {  	_ =	shalt  }
0x70: {  	_ =	shalt  }
0x71: {  	_ =	shalt  }
0x72: {  	_ =	shalt  }
0x73: {  	_ =	shalt  }
0x74: {  	_ =	shalt  }
0x75: {  	_ =	shalt  }
0x76: {  	_ =	shalt  }
0x77: {  	_ =	shalt  }
0x78: {  	_ =	shalt  }
0x79: {  	_ =	shalt  }
0x7a: {  	_ =	shalt  }
0x7b: {  	_ =	shalt  }
0x7c: {  	_ =	shalt  }
0x7d: {  	_ =	shalt  }
0x7e: {  	_ =	shalt  }
0x7f: {  	_ =	shalt  }
0x80: {  	_ =	shalt  }
0x81: {  	_ =	shalt  }
0x82: {  	_ =	shalt  }
0x83: {  	_ =	shalt  }
0x84: {  	_ =	shalt  }
0x85: {  	_ =	shalt  }
0x86: {  	_ =	shalt  }
0x87: {  	_ =	shalt  }
.Lfunc_end0:
.L_simem_size_0:
called_computation_lowered:
.L_overlay_start_0:
0x88: {  	s2 =	sld [smem:$0x3FD9]  }
0x89: {  	s3 =	sld [smem:$0x3FFE];
	_ =	sdelay $0x1  }
0x8a: {  	s1 =	srdreg.scid  }
0x8b: {  	s0 =	sand.u32 $0x1, s1  }
0x8c: {  	s17 =	sshll.u32 s0, $0xA;
	s2 =	sadd.s32 s3, s2  }
0x8d: {  	s2 =	sadd.s32 s2, s17  }
0x8e: {  	[smem:$0x3FC1] =	sst s2  }
0x8f: {  	_ = 	snop  }
0x90: {  	s2 =	sld [smem:$0x3FC5]  }
0x91: {  	s18 =	sld [smem:$0x3FC3];
	(tm) =	ssettm $0x1  }
0x92: {  	s4 =	sld [smem:$0x3FFB];
	_ =	sdelay $0x3  }
0x93: {  	_ =	strace s4  }
0x94: {  	s4 =	sld [smem:$0x3FFC];
	_ =	sdelay $0x3  }
0x95: {  	_ =	strace s4  }
0x96: {  	s4 =	sld [smem:$0x3FFD];
	_ =	sdelay $0x3  }
0x97: {  	_ =	strace s4  }
0x98: {  	_ =	strace $0x8FFFFFFF  }
0x99: {  	s19 =	sld [smem:$0x3FDB];
	_ =	sdelay $0x1  }
0x9a: {  	s5 =	simm.s32 $_scs_section_size  }
0x9b: {  	s6 =	simm.s32 $_size__tile_overlayer_lowered;
	s7 =	simm.s32 $_tile_overlayer_lowered  }
0x9c: {  	s22 =	simm.s32 $0x1BFF;
	s21 =	sshll.u32 s7, $0x1;
	s4 =	sadd.s32 s5, s19  }
0x9d: {  	s8 =	simm.s32 $0x0;
	s20 =	sshll.u32 s6, $0x1;
	s6 =	sadd.s32 s21, s4  }
0x9e: {  	[timem:s8], [sflag:s22] =	dma.local [hbm:s6], s20  }
0x9f: {  	_ =	swait.ge [sflag:s22], s20  }
0xa0: {  	s5 =	ssub.s32 $0x0, s20;
	[sflag:s22] =	ssyncset.done $0x0  }
0xa1: {  	[sflag:s22] =	ssyncadd.s32 s5;
	_ =	sdelay $0x1  }
0xa2: {  	s23 =	simm.s32 $0x1B8B  }
0xa3: {  	_ =	swait.ge [sflag:s23], $0x1  }
0xa4: {  	[sflag:s23] =	ssyncset.done $0x0  }
0xa5: {  	s25 =	simm.s32 $0x1B8E;
	s24 =	sld [smem:$0x3FFE];
	[sflag:s23] =	ssyncadd.s32 $0xFFFFFFFF  }
0xa6: {  	s26 =	simm.s32 $execute0_lowered;
	[smem:$0x3FD2] =	sst s25  }
0xa7: {  	s6 =	sshll.u32 s26, $0x1;
	_ =	strace $0x80000046;
	[dreg:$0x1] =	wrdreg $0xFFFFFFFF  }
0xa8: {  	s28 =	simm.s32 $_size_execute0_lowered;
	s4 =	sadd.s32 s4, s6;
	[dreg:$0x0] =	wrdreg $0x0  }
0xa9: {  	s6 =	sshll.u32 s28, $0x1;
	[dreg:$0x2] =	wrdreg s4  }
0xaa: {  	[dreg:$0x3] =	wrdreg s6  }
0xab: {  	[dreg:$0x4] =	wrdreg $0xC0  }
0xac: {  	_ =	task [dreg:s8], $0x5FFFF  }
0xad: {  	[dreg:$0x1] =	wrdreg $0xFFFFFFFF  }
0xae: {  	[dreg:$0x0] =	wrdreg $0x60  }
0xaf: {  	[dreg:$0x2] =	wrdreg s24  }
0xb0: {  	[dreg:$0x3] =	wrdreg s2  }
0xb1: {  	[dreg:$0x4] =	wrdreg s18  }
0xb2: {  	[dreg:$0x5] =	wrdreg $0x9  }
0xb3: {  	_ =	task.clear_ibuf [dreg:s8], $0x6FFFF;
	_ =	strace $0x90000046  }
0xb4: {  	s29 =	simm.s32 $0x9;
	_ =	strace $0x80000048  }
0xb5: {  	_ =	swait.ge [sflag:s29], $0x1  }
0xb6: {  	[sflag:s29] =	ssyncadd.s32 $0xFFFFFFFF  }
0xb7: {  	_ =	strace $0x90000048  }
0xb8: {  	_ =	sfence  }
0xb9: {  	s30 =	sld [smem:$0x0];
	_ =	sdelay $0x2  }
0xba: {  	s31 =	sshll.u32 s1, $0xD;
	s1 =	sshrl.u32 s1, $0x2  }
0xbb: {  	s3 =	sand.u32 $0x4000, s31;
	s1 =	sadd.s32 s1, s30  }
0xbc: {  	s0 =	sor.u32 s3, s0;
	s1 =	sshll.u32 s1, $0x11  }
0xbd: {  	s0 =	sor.u32 s1, s0  }
0xbe: {  	s0 =	sadd.s32 $0x8F2B, s0  }
0xbf: {  	[sflag:s0] =	ssyncadd.remote.s32 $0x1  }
0xc0: {  	_ =	sfence.sel $0xFFFF  }
0xc1: {  	[dreg:$0x0] =	wrdreg $0xFFFFFFFF;
	(pc) =	sbr.abs _section_cstart, $3  }
0xc2: {  	[dreg:$0x1] =	wrdreg $0xFFFFFFFF  }
0xc3: {  	_ =	task.clear_ibuf [dreg:s8], $0x2FFFF;
	_ =	strace $0x9FFFFFFF  }
0xc4: {  	(tm) =	ssettm $0x7FFFFFFF  }
0xc5: {  	_ =	shalt  }
tec
execute0_lowered:
.L_overlay_start_1:
0x0: {  	(tag) =	ssettag $0x1  }
0x1: {  	s0 =	rddreg [dreg:$0x0]  }
0x2: {  	s2 =	rddreg [dreg:$0x1];
	s4 =	simm.s32 $0x0  }
0x3: {  	s6 =	stileid.u32;
	s1 =	srdreg.scid;
	s14 =	simm.s32 $0xF780  }
0x4: {  	s15 =	simm.s32 $0x11F00;
	s16 =	simm.s32 $0x14680;
	s17 =	simm.s32 $0xC380  }
0x5: {  	s18 =	simm.s32 $0x3;
	s19 =	simm.s32 $0x16E00;
	s20 =	simm.s32 $0x19580  }
0x6: {  	s21 =	simm.s32 $0x1BD00;
	s22 =	simm.s32 $0x1;
	s23 =	simm.s32 $0x1E480  }
0x7: {  	s24 =	simm.s32 $0x2;
	s26 =	simm.s32 $0x400;
	s28 =	simm.s32 $0x1F480  }
0x8: {  	s29 =	simm.s32 $0x4;
	s30 =	simm.s32 $0x0;
	[smem:$0x7FF] =	sst s4  }
0x9: {  	s1 =	sand.u32 $0x1, s1;
	s3 =	sshll.u32 s6, $0x1;
	s5 =	sadd.s32 $0xC00, s0  }
0xa: {  	s7 =	sshll.u32 s6, $0x6;
	s6 =	sadd.s32 $0x62800, s0;
	_ =	strace $0x80000047  }
0xb: {  	v0 =	vimm.f32 $0.0e+00;
	v1 =	vlaneseq.u32;
	s3 =	sor.u32 s1, s3;
	s7 =	sand.u32 $0x300, s7;
	s1 =	ssub.s32 $0x2, s1  }
0xc: {  	vm0 =	vmmov $0x1;
	vm1 =	vmmov $0x3;
	vm2 =	vmmov $0x7;
	s11 =	smul.u32 $0xC350, s3;
	s31 =	sshrl.u32 s1, $0x1;
	s3 =	sshll.u32 s3, $0x4  }
0xd: {  	vm3 =	vmmov $0xf;
	vm4 =	vmmov $0x1f;
	vm5 =	vmmov $0x3f;
	s0 =	sadd.s32 s7, s0;
	s1 =	ssub.s32 s1, s31;
	s3 =	sand.u32 $0x70, s3  }
0xe: {  	vm6 =	vmmov $0x7f;
	vm7 =	vmmov $0xff;
	vm8 =	vmmov $0x1ff;
	s9 =	sshrl.u32 s11, $0x3;
	s10 =	sadd.s32 $0x2710, s11;
	s11 =	sadd.s32 $0x4E20, s11  }
0xf: {  	vm9 =	vmmov $0x3ff;
	vm10 =	vmmov $0x7ff;
	vm11 =	vmmov $0xfff;
	s0 =	sadd.s32 s3, s0;
	s13 =	smax.u32 s1, $0x1;
	s7 =	sadd.s32 s5, s9  }
0x10: {  	vm12 =	vmmov $0x1fff;
	vm13 =	vmmov $0x3fff;
	vm14 =	vmmov $0x7fff;
	s9 =	sadd.s32 s2, s9;
	s12 =	sadd.s32 $0x64200, s0;
	s8 =	sadd.s32 $0x30D40, s7  }
.LBB2_1:
0x11: {  	[tilespmem:s14], [sflag:$0x1] =	stream.linear.gather [hbm4b:s7+s4], $0x2710, $0x38;
	[tilespmem:$0x1F580] =	vst v63  }
0x12: {  	_ = 	snop  }
0x13: {  	[tilespmem:s15], [sflag:$0x1] =	stream.linear.gather [hbm4b:s8+s4], $0x2710, $0x38;
	[tilespmem:$0x1F580] =	vst v63  }
0x14: {  	_ = 	snop  }
0x15: {  	[tilespmem:s16], [sflag:$0x1] =	stream.linear.gather [hbm4b:s9+s4], $0x2710, $0x38;
	[tilespmem:$0x1F580] =	vst v63  }
0x16: {  	_ = 	snop  }
0x17: {  	[tilespmem:s4], [sflag:$0x3] =	stream.linear.gather [hbm4b:s6+s4], $0xC380, $0x38;
	[tilespmem:$0x1F580] =	vst v63  }
0x18: {  	s0 =	rddreg [dreg:$0x2]  }
0x19: {  	[tilespmem:s17], [sflag:$0x3] =	stream.linear.gather [hbm4b:s0+s4], $0x3200, $0x38;
	[tilespmem:$0x1F580] =	vst v63  }
0x1a: {  	s0 =	simm.s32 $0x1E4C0  }
0x1b: {  	[tilespmem:s0+$0xFFFFFFC0] =	vst v0  }
0x1c: {  	[tilespmem:s0+$0x30] =	vst v0  }
0x1d: {  	[tilespmem:s0+$0x20] =	vst v0  }
0x1e: {  	[tilespmem:s0+$0x10] =	vst v0  }
0x1f: {  	[tilespmem:s0+$0x0] =	vst v0  }
0x20: {  	[tilespmem:s0+$0xFFFFFFF0] =	vst v0  }
0x21: {  	s1 =	simm.s32 $0x0;
	[tilespmem:s0+$0xFFFFFFE0] =	vst v0  }
.LBB2_2:
0x22: {  	s1 =	sadd.s32 $0x8, s1;
	[tilespmem:s0+$0xFFFFFFD0] =	vst v0;
	s0 =	sadd.s32 $0x80, s0  }
0x23: {  	[tilespmem:s0+$0xFFFFFFC0] =	vst v0;
	p0 =	slt.u32 s1, $0xF8  }
0x24: {  	[tilespmem:s0+$0x30] =	vst v0  }
.Ltmp0:
0x25: {  	[tilespmem:s0+$0x20] =	vst v0;
	(pc) =	sbr.rel @p0 .LBB2_2-.Ltmp0, $4  }
0x26: {  	[tilespmem:s0+$0x10] =	vst v0  }
0x27: {  	[tilespmem:s0+$0x0] =	vst v0  }
0x28: {  	[tilespmem:s0+$0xFFFFFFF0] =	vst v0  }
0x29: {  	[tilespmem:s0+$0xFFFFFFE0] =	vst v0  }
0x2a: {  	[tilespmem:s0+$0xFFFFFFD0] =	vst v0  }
0x2b: {  	_ =	swait.ge [sflag:s18], $0xC380  }
0x2c: {  	[sflag:s18] =	ssyncset.done $0x0  }
0x2d: {  	[sflag:s18] =	ssyncadd.s32 $0xFFFF3C80  }
0x2e: {  	_ =	swait.ge [sflag:s18], $0x3200  }
0x2f: {  	[sflag:s18] =	ssyncset.done $0x0  }
0x30: {  	s31 =	simm.s32 $0x0;
	p1 =	por $0x1, $0x1;
	[sflag:s18] =	ssyncadd.s32 $0xFFFFCE00  }
.LBB2_4:
0x31: {  	s0 =	sadd.s32 s31, s10  }
0x32: {  	s0 =	sshrl.u32 s0, $0x3  }
0x33: {  	s1 =	sadd.s32 s5, s0  }
0x34: {  	[tilespmem:s19], [sflag:$0x2] =	stream.linear.gather [hbm4b:s1+s4], $0x2710, $0x38;
	[tilespmem:$0x1F580] =	vst v63  }
0x35: {  	s1 =	sadd.s32 $0x30D40, s1  }
0x36: {  	[tilespmem:s20], [sflag:$0x2] =	stream.linear.gather [hbm4b:s1+s4], $0x2710, $0x38;
	[tilespmem:$0x1F580] =	vst v63  }
0x37: {  	s0 =	sadd.s32 s2, s0  }
0x38: {  	[tilespmem:s21], [sflag:$0x2] =	stream.linear.gather [hbm4b:s0+s4], $0x2710, $0x38;
	[tilespmem:$0x1F580] =	vst v63  }
0x39: {  	_ =	swait.ge [sflag:s22], $0x2710  }
0x3a: {  	[sflag:s22] =	ssyncset.done $0x0  }
0x3b: {  	[sflag:s22] =	ssyncadd.s32 $0xFFFFD8F0  }
0x3c: {  	_ =	swait.ge [sflag:s22], $0x2710  }
0x3d: {  	[sflag:s22] =	ssyncset.done $0x0  }
0x3e: {  	[sflag:s22] =	ssyncadd.s32 $0xFFFFD8F0  }
0x3f: {  	_ =	swait.ge [sflag:s22], $0x2710  }
0x40: {  	[sflag:s22] =	ssyncset.done $0x0  }
0x41: {  	s3 =	simm.s32 $0xF7A0;
	[sflag:s22] =	ssyncadd.s32 $0xFFFFD8F0  }
0x42: {  	s25 =	simm.s32 $0x11F20;
	v2 =	vld [tilespmem:s3+$0x20]  }
0x43: {  	v3 =	vld [tilespmem:s25+$0x20]  }
0x44: {  	v4 =	vld [tilespmem:s3+$0xFFFFFFF0]  }
0x45: {  	v5 =	vld [tilespmem:s3+$0x0]  }
0x46: {  	v6 =	vld [tilespmem:s3+$0x10]  }
0x47: {  	v7 =	vld [tilespmem:s3+$0xFFFFFFE0]  }
0x48: {  	v8 =	vld [tilespmem:s25+$0xFFFFFFE0]  }
0x49: {  	v9 =	vld [tilespmem:s25+$0xFFFFFFF0]  }
0x4a: {  	v10 =	vld [tilespmem:s25+$0x0]  }
0x4b: {  	s0 =	simm.s32 $0x11F70;
	v12 =	vld [tilespmem:s25+$0x10]  }
0x4c: {  	v17 =	vld [tilespmem:s0+$0x20]  }
0x4d: {  	s1 =	simm.s32 $0x146F0;
	v19 =	vld [tilespmem:s0+$0xFFFFFFE0]  }
0x4e: {  	v23 =	vld [tilespmem:s1+$0x20]  }
0x4f: {  	v24 =	vld [tilespmem:s0+$0x0]  }
0x50: {  	s3 =	simm.s32 $0x146A0;
	v27 =	vld [tilespmem:s1+$0xFFFFFFE0]  }
0x51: {  	v11 =	vld [tilespmem:s3+$0x20]  }
0x52: {  	v13 =	vld [tilespmem:s3+$0xFFFFFFE0]  }
0x53: {  	v15 =	vld [tilespmem:s3+$0xFFFFFFF0]  }
0x54: {  	s25 =	simm.s32 $0xF7F0;
	v16 =	vld [tilespmem:s3+$0x0]  }
0x55: {  	v18 =	vld [tilespmem:s25+$0xFFFFFFF0]  }
0x56: {  	v2 =	vld.idx.msk [tilespmem:v2+s4+$0x0], $0xffff  }
0x57: {  	v3 =	vld.idx.msk [tilespmem:v3+s4+$0x0], $0xffff  }
0x58: {  	(erf) = vrcp.f32 v11;
	v11 =	vld [tilespmem:s25+$0x20]  }
0x59: {  	(erf) = vrcp.f32 v13;
	v13 =	vld [tilespmem:s25+$0x0]  }
0x5a: {  	v7 =	vld.idx.msk [tilespmem:v7+s4+$0x0], $0xffff  }
0x5b: {  	v4 =	vld.idx.msk [tilespmem:v4+s4+$0x0], $0xffff;
	v14 =	vshll.u32 v2, $0x7  }
0x5c: {  	v6 =	vld.idx.msk [tilespmem:v6+s4+$0x0], $0xffff;
	v3 =	vand.u32 $0x7F, v3;
	v14 =	vand.u32 $0x3F80, v14  }
0x5d: {  	v8 =	vld.idx.msk [tilespmem:v8+s4+$0x0], $0xffff;
	v3 =	vor.u32 v3, v14  }
0x5e: {  	v9 =	vld.idx.msk [tilespmem:v9+s4+$0x0], $0xffff  }
0x5f: {  	v10 =	vld.idx.msk [tilespmem:v10+s4+$0x0], $0xffff  }
0x60: {  	v12 =	vld.idx.msk [tilespmem:v12+s4+$0x0], $0xffff  }
0x61: {  	v17 =	vld.idx.msk [tilespmem:v17+s4+$0x0], $0xffff  }
0x62: {  	v3 =	vld.idx.msk [tilespmem:v3+s17+$0x0], $0xffff  }
0x63: {  	v5 =	vld.idx.msk [tilespmem:v5+s4+$0x0], $0xffff;
	(erf) = vrcp.f32 v15  }
0x64: {  	(erf) = vrcp.f32 v16;
	v20 =	vshll.u32 v4, $0x7;
	v4 =	vshrl.u32 v4, $0x3;
	v14 =	vld [tilespmem:s3+$0x10]  }
0x65: {  	v22 =	vshll.u32 v6, $0x7;
	v6 =	vshrl.u32 v6, $0x3;
	v8 =	vand.u32 $0x7F, v8;
	v25 =	vld.idx.msk [tilespmem:v11+s4+$0x0], $0xffff  }
0x66: {  	v29 =	vld [tilespmem:s1+$0xFFFFFFF0];
	v9 =	vand.u32 $0x7F, v9;
	v10 =	vand.u32 $0x7F, v10;
	v17 =	vand.u32 $0x7F, v17;
	v21 =	vpop (erf)  }
0x67: {  	v15 =	vld [tilespmem:s25+$0x10];
	v2 =	vshrl.u32 v2, $0x3;
	v12 =	vand.u32 $0x7F, v12;
	v3 =	vmul.f32 v3, v21  }
0x68: {  	v16 =	vld [tilespmem:s25+$0xFFFFFFE0];
	v11 =	vand.u32 $0x3F80, v20;
	v20 =	vshll.u32 v5, $0x7;
	v5 =	vshrl.u32 v5, $0x3  }
0x69: {  	v18 =	vld.idx.msk [tilespmem:v18+s4+$0x0], $0xffff;
	(erf) = vrcp.f32 v14;
	v14 =	vshll.u32 v7, $0x7;
	v3 =	vmul.f32 v3, v3  }
0x6a: {  	v4 =	vand.u32 $0x1FFFFFF0, v4;
	v13 =	vld.idx.msk [tilespmem:v13+s4+$0x0], $0xffff;
	v28 =	vshll.u32 v25, $0x7;
	v14 =	vand.u32 $0x3F80, v14  }
0x6b: {  	v28 =	vand.u32 $0x3F80, v28;
	v8 =	vor.u32 v8, v14;
	v14 =	vld [tilespmem:s0+$0x10];
	v26 =	vmul.f32 v3, v3  }
0x6c: {  	v22 =	vand.u32 $0x3F80, v22;
	v2 =	vand.u32 $0x1FFFFFF0, v2;
	v17 =	vor.u32 v17, v28;
	v21 =	vld [tilespmem:s0+$0xFFFFFFF0]  }
0x6d: {  	v20 =	vand.u32 $0x3F80, v20;
	(erf) = vrcp.f32 v23;
	v3 =	vmul.f32 v26, v3;
	v26 =	vld [tilespmem:s1+$0x0]  }
0x6e: {  	v6 =	vand.u32 $0x1FFFFFF0, v6;
	v9 =	vor.u32 v9, v11;
	v11 =	vor.u32 v10, v20;
	v10 =	vld [tilespmem:s1+$0x10]  }
0x6f: {  	v5 =	vand.u32 $0x1FFFFFF0, v5;
	v12 =	vor.u32 v12, v22;
	v15 =	vld.idx.msk [tilespmem:v15+s4+$0x0], $0xffff;
	v3 =	vmul.f32 v3, v3  }
0x70: {  	v22 =	vor.u32 v1, v2;
	v5 =	vor.u32 v1, v5;
	v16 =	vld.idx.msk [tilespmem:v16+s4+$0x0], $0xffff;
	(erf) = vrcp.f32 v27  }
0x71: {  	v7 =	vshrl.u32 v7, $0x3;
	v28 =	vpop (erf);
	(erf) = vrcp.f32 v29;
	v17 =	vld.idx.msk [tilespmem:v17+s17+$0x0], $0xffff;
	v3 =	vmax.f32 v3, $1.000000000e+00  }
0x72: {  	v7 =	vand.u32 $0x1FFFFFF0, v7;
	v29 =	vpop (erf);
	v63 =	vld.idx.msk [tilespmem:v8+s17+$0x0], $0xffff;
	v23 =	vadd.f32 $-1.000000000e+00, v3;
	(erf) = vrcp.f32 v26  }
0x73: {  	v3 =	vor.u32 v1, v4;
	v4 =	vor.u32 v1, v6;
	v6 =	vpop (erf);
	(erf) = vrcp.f32 v10;
	v10 =	vld.idx.msk [tilespmem:v19+s4+$0x0], $0xffff  }
0x74: {  	v2 =	vor.u32 v1, v7;
	v27 =	vshll.u32 v13, $0x7;
	v13 =	vshrl.u32 v13, $0x3;
	v20 =	vld.idx.msk [tilespmem:v21+s4+$0x0], $0xffff  }
0x75: {  	v8 =	vshll.u32 v15, $0x7;
	v15 =	vshrl.u32 v15, $0x3;
	v14 =	vld.idx.msk [tilespmem:v14+s4+$0x0], $0xffff;
	v21 =	vshll.u32 v18, $0x7;
	v7 =	vpop (erf)  }
0x76: {  	v26 =	vand.u32 $0x3F80, v21;
	v19 =	vshll.u32 v16, $0x7;
	v16 =	vshrl.u32 v16, $0x3;
	v30 =	vpop (erf)  }
0x77: {  	v24 =	vld.idx.msk [tilespmem:v24+s4+$0x0], $0xffff;
	v19 =	vand.u32 $0x3F80, v19;
	v21 =	vand.u32 $0x1FFFFFF0, v16;
	v17 =	vmul.f32 v17, v30  }
0x78: {  	v31 =	vld.idx.msk [tilespmem:v9+s17+$0x0], $0xffff;
	v16 =	vand.u32 $0x3F80, v27;
	v27 =	vand.u32 $0x3F80, v8;
	v9 =	vand.u32 $0x7F, v10  }
0x79: {  	v17 =	vmul.f32 v17, v17;
	v8 =	vor.u32 v9, v19;
	v9 =	vand.u32 $0x7F, v20  }
0x7a: {  	v18 =	vshrl.u32 v18, $0x3;
	v14 =	vand.u32 $0x7F, v14;
	v9 =	vor.u32 v9, v26;
	v26 =	vld.idx.msk [tilespmem:v11+s17+$0x0], $0xffff  }
0x7b: {  	v19 =	vand.u32 $0x1FFFFFF0, v13;
	v20 =	vpop (erf);
	v13 =	vmul.f32 v17, v17;
	v11 =	vor.u32 v14, v27;
	v27 =	vld.idx.msk [tilespmem:v12+s17+$0x0], $0xffff  }
0x7c: {  	v18 =	vand.u32 $0x1FFFFFF0, v18;
	[tilespmem:v22+s23+$0x0] =	vst.idx.add.f32.msk $0xffff, v23;
	v23 =	vand.u32 $0x1FFFFFF0, v15;
	v10 =	vand.u32 $0x7F, v24;
	v22 =	vpop (erf)  }
0x7d: {  	v10 =	vor.u32 v10, v16;
	v24 =	vpop (erf);
	v15 =	vmul.f32 v13, v17;
	v13 =	vshrl.u32 v25, $0x3  }
0x7e: {  	p0 =	por p1, p1;
	s25 =	simm.s32 $0xF840;
	s3 =	simm.s32 $0x5;
	v16 =	vmul.f32 v31, v29;
	v25 =	vpop (erf);
	v12 =	vand.u32 $0x1FFFFFF0, v13;
	v13 =	vmul.f32 v63, v28  }
.LBB2_5:
0x7f: {  	v28 =	vld [tilespmem:s25+$0x20];
	s3 =	sadd.s32 $0x5, s3;
	v34 =	vmul.f32 v15, v15;
	v29 =	vor.u32 v1, v12;
	s0 =	sadd.s32 $0x50, s0;
	v33 =	vmul.f32 v26, v6;
	v12 =	vmovc v3  }
0x80: {  	v15 =	vor.u32 v1, v21;
	v3 =	vmul.f32 v27, v7;
	v26 =	vld [tilespmem:s0+$0x20];
	p1 =	slt.u32 s3, $0x26C;
	v21 =	vmul.f32 v13, v13;
	v13 =	vmovc v5  }
0x81: {  	v14 =	vmovc v4;
	v30 =	vmul.f32 v16, v16;
	v16 =	vmovc v20;
	v27 =	vld [tilespmem:s25+$0xFFFFFFF0];
	v5 =	vmax.f32 v34, $1.000000000e+00;
	v31 =	vmul.f32 v33, v33  }
0x82: {  	v17 =	vmovc v22;
	v6 =	vmovc v24;
	v32 =	vmul.f32 v3, v3;
	v20 =	vld [tilespmem:s25+$0x0];
	v4 =	vadd.f32 $-1.000000000e+00, v5;
	v5 =	vmul.f32 v21, v21  }
0x83: {  	v7 =	vmovc v25;
	v3 =	vor.u32 v1, v18;
	v18 =	vmul.f32 v30, v30;
	v22 =	vld [tilespmem:s25+$0x10];
	v24 =	vmul.f32 v31, v31  }
0x84: {  	v25 =	vmul.f32 v32, v32;
	[tilespmem:v29+s23+$0x0] =	vst.idx.add.f32.msk $0xffff, v4;
	v21 =	vmul.f32 v5, v21  }
0x85: {  	v5 =	vor.u32 v1, v19;
	v18 =	vmul.f32 v18, v30;
	v29 =	vld [tilespmem:s25+$0xFFFFFFE0];
	v19 =	vmul.f32 v24, v31  }
0x86: {  	v4 =	vor.u32 v1, v23;
	v23 =	vmul.f32 v25, v32;
	v24 =	vld [tilespmem:s0+$0xFFFFFFE0];
	v21 =	vmul.f32 v21, v21  }
0x87: {  	v18 =	vmul.f32 v18, v18;
	v28 =	vld.idx.msk [tilespmem:v28+s4+$0x0], $0xffff;
	v19 =	vmul.f32 v19, v19  }
0x88: {  	v23 =	vmul.f32 v23, v23;
	v25 =	vld.idx.msk [tilespmem:v26+s4+$0x0], $0xffff;
	v21 =	vmax.f32 v21, $1.000000000e+00  }
0x89: {  	v18 =	vmax.f32 v18, $1.000000000e+00;
	v26 =	vld [tilespmem:s0+$0xFFFFFFF0];
	v30 =	vadd.f32 $-1.000000000e+00, v21;
	v19 =	vmax.f32 v19, $1.000000000e+00  }
0x8a: {  	s1 =	sadd.s32 $0x50, s1;
	v31 =	vadd.f32 $-1.000000000e+00, v18;
	v18 =	vmax.f32 v23, $1.000000000e+00;
	v21 =	vld [tilespmem:s0+$0x0];
	v32 =	vadd.f32 $-1.000000000e+00, v19  }
0x8b: {  	v33 =	vadd.f32 $-1.000000000e+00, v18;
	v19 =	vld [tilespmem:s1+$0x20]  }
0x8c: {  	v18 =	vld [tilespmem:s0+$0x10]  }
0x8d: {  	v34 =	vshll.u32 v28, $0x7;
	v23 =	vld [tilespmem:s1+$0xFFFFFFE0]  }
0x8e: {  	v25 =	vand.u32 $0x7F, v25;
	v34 =	vand.u32 $0x3F80, v34;
	v35 =	vld [tilespmem:s1+$0xFFFFFFF0]  }
0x8f: {  	v25 =	vor.u32 v25, v34;
	v36 =	vld [tilespmem:s1+$0x0]  }
0x90: {  	v34 =	vld [tilespmem:s1+$0x10];
	(erf) = vrcp.f32 v19  }
0x91: {  	v19 =	vld.idx.msk [tilespmem:v29+s4+$0x0], $0xffff  }
0x92: {  	v27 =	vld.idx.msk [tilespmem:v27+s4+$0x0], $0xffff;
	(erf) = vrcp.f32 v23  }
0x93: {  	v20 =	vld.idx.msk [tilespmem:v20+s4+$0x0], $0xffff;
	(erf) = vrcp.f32 v35  }
0x94: {  	v23 =	vld.idx.msk [tilespmem:v25+s17+$0x0], $0xffff;
	(erf) = vrcp.f32 v36  }
0x95: {  	v22 =	vld.idx.msk [tilespmem:v22+s4+$0x0], $0xffff;
	(erf) = vrcp.f32 v34  }
0x96: {  	v24 =	vld.idx.msk [tilespmem:v24+s4+$0x0], $0xffff  }
0x97: {  	v25 =	vshll.u32 v19, $0x7;
	v19 =	vshrl.u32 v19, $0x3;
	v29 =	vld.idx.msk [tilespmem:v26+s4+$0x0], $0xffff  }
0x98: {  	v25 =	vand.u32 $0x3F80, v25;
	v26 =	vshll.u32 v27, $0x7;
	v27 =	vshrl.u32 v27, $0x3;
	v34 =	vld.idx.msk [tilespmem:v21+s4+$0x0], $0xffff  }
0x99: {  	v35 =	vand.u32 $0x3F80, v26;
	v26 =	vshll.u32 v20, $0x7;
	v36 =	vshrl.u32 v20, $0x3;
	v37 =	vld.idx.msk [tilespmem:v18+s4+$0x0], $0xffff;
	v18 =	vpop (erf)  }
0x9a: {  	v21 =	vand.u32 $0x1FFFFFF0, v19;
	v38 =	vand.u32 $0x3F80, v26;
	v19 =	vmul.f32 v23, v18;
	v39 =	vld.idx.msk [tilespmem:v8+s17+$0x0], $0xffff  }
0x9b: {  	v18 =	vand.u32 $0x1FFFFFF0, v27;
	v8 =	vshll.u32 v22, $0x7;
	v23 =	vshrl.u32 v22, $0x3;
	v20 =	vpop (erf);
	v40 =	vld.idx.msk [tilespmem:v9+s17+$0x0], $0xffff  }
0x9c: {  	v9 =	vand.u32 $0x7F, v24;
	v41 =	vand.u32 $0x3F80, v8;
	v42 =	vmul.f32 v19, v19;
	v22 =	vpop (erf);
	v26 =	vld.idx.msk [tilespmem:v10+s17+$0x0], $0xffff  }
.Ltmp1:
0x9d: {  	v8 =	vor.u32 v9, v25;
	v9 =	vand.u32 $0x7F, v29;
	v19 =	vand.u32 $0x1FFFFFF0, v36;
	v24 =	vpop (erf);
	v27 =	vld.idx.msk [tilespmem:v11+s17+$0x0], $0xffff;
	(pc) =	sbr.rel @p1 .LBB2_5-.Ltmp1, $4  }
0x9e: {  	v9 =	vor.u32 v9, v35;
	v10 =	vand.u32 $0x7F, v34;
	v29 =	vmul.f32 v42, v42;
	v25 =	vpop (erf);
	[tilespmem:v2+s23+$0x0] =	vst.idx.add.f32.msk $0xffff, v30  }
0x9f: {  	v23 =	vand.u32 $0x1FFFFFF0, v23;
	v10 =	vor.u32 v10, v38;
	v11 =	vand.u32 $0x7F, v37;
	v2 =	vmovc v15;
	[tilespmem:v12+s23+$0x0] =	vst.idx.add.f32.msk $0xffff, v31  }
0xa0: {  	v11 =	vor.u32 v11, v41;
	v12 =	vshrl.u32 v28, $0x3;
	v15 =	vmul.f32 v29, v42;
	[tilespmem:v13+s23+$0x0] =	vst.idx.add.f32.msk $0xffff, v32  }
0xa1: {  	s25 =	sadd.s32 $0x50, s25;
	v12 =	vand.u32 $0x1FFFFFF0, v12;
	v13 =	vmul.f32 v39, v16;
	v16 =	vmul.f32 v40, v17;
	[tilespmem:v14+s23+$0x0] =	vst.idx.add.f32.msk $0xffff, v33  }
0xa2: {  	_ =	sdelay $0x3  }
0xa3: {  	v14 =	vmul.f32 v15, v15;
	v6 =	vmul.f32 v26, v6;
	v8 =	vld.idx.msk [tilespmem:v8+s17+$0x0], $0xffff  }
0xa4: {  	v7 =	vmul.f32 v27, v7;
	v9 =	vld.idx.msk [tilespmem:v9+s17+$0x0], $0xffff;
	v13 =	vmul.f32 v13, v13  }
0xa5: {  	v10 =	vld.idx.msk [tilespmem:v10+s17+$0x0], $0xffff;
	v15 =	vmul.f32 v16, v16;
	v6 =	vmul.f32 v6, v6  }
0xa6: {  	v11 =	vld.idx.msk [tilespmem:v11+s17+$0x0], $0xffff;
	v7 =	vmul.f32 v7, v7;
	v16 =	vmul.f32 v13, v13  }
0xa7: {  	v17 =	vmul.f32 v15, v15;
	v26 =	vmul.f32 v6, v6  }
0xa8: {  	v13 =	vmul.f32 v16, v13;
	v16 =	vor.u32 v1, v21;
	v21 =	vmul.f32 v7, v7  }
0xa9: {  	v15 =	vmul.f32 v17, v15;
	v8 =	vmul.f32 v8, v20  }
0xaa: {  	v12 =	vor.u32 v1, v12;
	v9 =	vmul.f32 v9, v22;
	v10 =	vmul.f32 v10, v24  }
0xab: {  	v14 =	vmax.f32 v14, $1.000000000e+00;
	v11 =	vmul.f32 v11, v25;
	v6 =	vmul.f32 v26, v6  }
0xac: {  	v14 =	vadd.f32 $-1.000000000e+00, v14;
	v13 =	vmul.f32 v13, v13;
	v7 =	vmul.f32 v21, v7  }
0xad: {  	v17 =	vor.u32 v1, v18;
	v15 =	vmul.f32 v15, v15;
	v8 =	vmul.f32 v8, v8  }
0xae: {  	v18 =	vor.u32 v1, v19;
	v9 =	vmul.f32 v9, v9;
	v10 =	vmul.f32 v10, v10  }
0xaf: {  	v19 =	vor.u32 v1, v23;
	v11 =	vmul.f32 v11, v11;
	v6 =	vmul.f32 v6, v6  }
0xb0: {  	v7 =	vmul.f32 v7, v7;
	v13 =	vmax.f32 v13, $1.000000000e+00;
	v20 =	vmul.f32 v8, v8  }
0xb1: {  	v15 =	vmax.f32 v15, $1.000000000e+00;
	v21 =	vmul.f32 v9, v9;
	v22 =	vmul.f32 v10, v10  }
0xb2: {  	v13 =	vadd.f32 $-1.000000000e+00, v13;
	v6 =	vmax.f32 v6, $1.000000000e+00;
	v8 =	vmul.f32 v20, v8  }
0xb3: {  	v15 =	vadd.f32 $-1.000000000e+00, v15;
	v20 =	vmul.f32 v11, v11;
	v9 =	vmul.f32 v21, v9  }
0xb4: {  	[tilespmem:v12+s23+$0x0] =	vst.idx.add.f32.msk $0xffff, v14;
	v6 =	vadd.f32 $-1.000000000e+00, v6;
	v10 =	vmul.f32 v22, v10;
	v8 =	vmul.f32 v8, v8  }
0xb5: {  	v7 =	vmax.f32 v7, $1.000000000e+00;
	[tilespmem:v2+s23+$0x0] =	vst.idx.add.f32.msk $0xffff, v13;
	v2 =	vmul.f32 v20, v11;
	v9 =	vmul.f32 v9, v9  }
0xb6: {  	v7 =	vadd.f32 $-1.000000000e+00, v7;
	[tilespmem:v3+s23+$0x0] =	vst.idx.add.f32.msk $0xffff, v15;
	v3 =	vmul.f32 v10, v10;
	v8 =	vmax.f32 v8, $1.000000000e+00  }
0xb7: {  	[tilespmem:v5+s23+$0x0] =	vst.idx.add.f32.msk $0xffff, v6;
	v2 =	vmul.f32 v2, v2;
	v6 =	vmax.f32 v9, $1.000000000e+00;
	v5 =	vadd.f32 $-1.000000000e+00, v8  }
0xb8: {  	[tilespmem:v4+s23+$0x0] =	vst.idx.add.f32.msk $0xffff, v7;
	v3 =	vmax.f32 v3, $1.000000000e+00;
	v4 =	vadd.f32 $-1.000000000e+00, v6  }
0xb9: {  	v3 =	vadd.f32 $-1.000000000e+00, v3;
	v2 =	vmax.f32 v2, $1.000000000e+00;
	[tilespmem:v16+s23+$0x0] =	vst.idx.add.f32.msk $0xffff, v5  }
0xba: {  	s0 =	sadd.s32 s31, s11;
	v2 =	vadd.f32 $-1.000000000e+00, v2;
	[tilespmem:v17+s23+$0x0] =	vst.idx.add.f32.msk $0xffff, v4  }
0xbb: {  	s0 =	sshrl.u32 s0, $0x3;
	[tilespmem:v18+s23+$0x0] =	vst.idx.add.f32.msk $0xffff, v3  }
0xbc: {  	s1 =	sadd.s32 s5, s0;
	[tilespmem:v19+s23+$0x0] =	vst.idx.add.f32.msk $0xffff, v2  }
0xbd: {  	[tilespmem:s14], [sflag:$0x1] =	stream.linear.gather [hbm4b:s1+s4], $0x2710, $0x38;
	[tilespmem:$0x1F580] =	vst v63  }
0xbe: {  	s1 =	sadd.s32 $0x30D40, s1  }
0xbf: {  	[tilespmem:s15], [sflag:$0x1] =	stream.linear.gather [hbm4b:s1+s4], $0x2710, $0x38;
	[tilespmem:$0x1F580] =	vst v63  }
0xc0: {  	s0 =	sadd.s32 s2, s0  }
0xc1: {  	[tilespmem:s16], [sflag:$0x1] =	stream.linear.gather [hbm4b:s0+s4], $0x2710, $0x38;
	[tilespmem:$0x1F580] =	vst v63  }
0xc2: {  	_ =	swait.ge [sflag:s24], $0x2710  }
0xc3: {  	[sflag:s24] =	ssyncset.done $0x0  }
0xc4: {  	[sflag:s24] =	ssyncadd.s32 $0xFFFFD8F0  }
0xc5: {  	_ =	swait.ge [sflag:s24], $0x2710  }
0xc6: {  	[sflag:s24] =	ssyncset.done $0x0  }
0xc7: {  	[sflag:s24] =	ssyncadd.s32 $0xFFFFD8F0  }
0xc8: {  	_ =	swait.ge [sflag:s24], $0x2710  }
0xc9: {  	[sflag:s24] =	ssyncset.done $0x0  }
0xca: {  	s1 =	simm.s32 $0x16E20;
	[sflag:s24] =	ssyncadd.s32 $0xFFFFD8F0  }
0xcb: {  	s3 =	simm.s32 $0x195A0;
	v2 =	vld [tilespmem:s1+$0x20]  }
0xcc: {  	v3 =	vld [tilespmem:s3+$0x20]  }
0xcd: {  	v4 =	vld [tilespmem:s1+$0xFFFFFFF0]  }
0xce: {  	v5 =	vld [tilespmem:s1+$0x0]  }
0xcf: {  	v6 =	vld [tilespmem:s1+$0x10]  }
0xd0: {  	v7 =	vld [tilespmem:s1+$0xFFFFFFE0]  }
0xd1: {  	v8 =	vld [tilespmem:s3+$0xFFFFFFE0]  }
0xd2: {  	v9 =	vld [tilespmem:s3+$0xFFFFFFF0]  }
0xd3: {  	s25 =	simm.s32 $0x1BD20;
	v10 =	vld [tilespmem:s3+$0x0]  }
0xd4: {  	v11 =	vld [tilespmem:s25+$0x20]  }
0xd5: {  	v12 =	vld [tilespmem:s3+$0x10]  }
0xd6: {  	v13 =	vld [tilespmem:s25+$0xFFFFFFE0]  }
0xd7: {  	v15 =	vld [tilespmem:s25+$0xFFFFFFF0]  }
0xd8: {  	s0 =	simm.s32 $0x195F0;
	v16 =	vld [tilespmem:s25+$0x0]  }
0xd9: {  	s31 =	simm.s32 $0x16E70;
	v17 =	vld [tilespmem:s0+$0x20]  }
0xda: {  	v18 =	vld [tilespmem:s31+$0xFFFFFFF0]  }
0xdb: {  	v19 =	vld [tilespmem:s0+$0xFFFFFFE0]  }
0xdc: {  	s1 =	simm.s32 $0x1BD70;
	v24 =	vld [tilespmem:s0+$0x0]  }
0xdd: {  	v23 =	vld [tilespmem:s1+$0x20]  }
0xde: {  	v27 =	vld [tilespmem:s1+$0xFFFFFFE0]  }
0xdf: {  	v2 =	vld.idx.msk [tilespmem:v2+s4+$0x0], $0xffff  }
0xe0: {  	v3 =	vld.idx.msk [tilespmem:v3+s4+$0x0], $0xffff  }
0xe1: {  	(erf) = vrcp.f32 v11;
	v11 =	vld [tilespmem:s31+$0x20]  }
0xe2: {  	(erf) = vrcp.f32 v13;
	v13 =	vld [tilespmem:s31+$0x0]  }
0xe3: {  	v7 =	vld.idx.msk [tilespmem:v7+s4+$0x0], $0xffff  }
0xe4: {  	v4 =	vld.idx.msk [tilespmem:v4+s4+$0x0], $0xffff;
	v14 =	vshll.u32 v2, $0x7  }
0xe5: {  	v6 =	vld.idx.msk [tilespmem:v6+s4+$0x0], $0xffff;
	v3 =	vand.u32 $0x7F, v3;
	v14 =	vand.u32 $0x3F80, v14  }
0xe6: {  	v8 =	vld.idx.msk [tilespmem:v8+s4+$0x0], $0xffff;
	v3 =	vor.u32 v3, v14  }
0xe7: {  	v9 =	vld.idx.msk [tilespmem:v9+s4+$0x0], $0xffff  }
0xe8: {  	v10 =	vld.idx.msk [tilespmem:v10+s4+$0x0], $0xffff  }
0xe9: {  	v12 =	vld.idx.msk [tilespmem:v12+s4+$0x0], $0xffff  }
0xea: {  	v17 =	vld.idx.msk [tilespmem:v17+s4+$0x0], $0xffff  }
0xeb: {  	v3 =	vld.idx.msk [tilespmem:v3+s17+$0x0], $0xffff  }
0xec: {  	(erf) = vrcp.f32 v15;
	v5 =	vld.idx.msk [tilespmem:v5+s4+$0x0], $0xffff  }
0xed: {  	(erf) = vrcp.f32 v16;
	v20 =	vshll.u32 v4, $0x7;
	v4 =	vshrl.u32 v4, $0x3;
	v14 =	vld [tilespmem:s25+$0x10]  }
0xee: {  	v25 =	vld.idx.msk [tilespmem:v11+s4+$0x0], $0xffff;
	v22 =	vshll.u32 v6, $0x7;
	v6 =	vshrl.u32 v6, $0x3;
	v8 =	vand.u32 $0x7F, v8  }
0xef: {  	v29 =	vld [tilespmem:s1+$0xFFFFFFF0];
	v9 =	vand.u32 $0x7F, v9;
	v10 =	vand.u32 $0x7F, v10;
	v17 =	vand.u32 $0x7F, v17;
	v21 =	vpop (erf)  }
0xf0: {  	v15 =	vld [tilespmem:s31+$0x10];
	v2 =	vshrl.u32 v2, $0x3;
	v12 =	vand.u32 $0x7F, v12;
	v3 =	vmul.f32 v3, v21  }
0xf1: {  	v16 =	vld [tilespmem:s31+$0xFFFFFFE0];
	v11 =	vand.u32 $0x3F80, v20;
	v20 =	vshll.u32 v5, $0x7;
	v5 =	vshrl.u32 v5, $0x3  }
0xf2: {  	v18 =	vld.idx.msk [tilespmem:v18+s4+$0x0], $0xffff;
	(erf) = vrcp.f32 v14;
	v14 =	vshll.u32 v7, $0x7;
	v3 =	vmul.f32 v3, v3  }
0xf3: {  	v4 =	vand.u32 $0x1FFFFFF0, v4;
	v13 =	vld.idx.msk [tilespmem:v13+s4+$0x0], $0xffff;
	v28 =	vshll.u32 v25, $0x7;
	v14 =	vand.u32 $0x3F80, v14  }
0xf4: {  	v28 =	vand.u32 $0x3F80, v28;
	v8 =	vor.u32 v8, v14;
	v14 =	vld [tilespmem:s0+$0x10];
	v26 =	vmul.f32 v3, v3  }
0xf5: {  	v22 =	vand.u32 $0x3F80, v22;
	v2 =	vand.u32 $0x1FFFFFF0, v2;
	v17 =	vor.u32 v17, v28;
	v21 =	vld [tilespmem:s0+$0xFFFFFFF0]  }
0xf6: {  	v20 =	vand.u32 $0x3F80, v20;
	(erf) = vrcp.f32 v23;
	v3 =	vmul.f32 v26, v3;
	v26 =	vld [tilespmem:s1+$0x0]  }
0xf7: {  	v6 =	vand.u32 $0x1FFFFFF0, v6;
	v9 =	vor.u32 v9, v11;
	v11 =	vor.u32 v10, v20;
	v10 =	vld [tilespmem:s1+$0x10]  }
0xf8: {  	v5 =	vand.u32 $0x1FFFFFF0, v5;
	v12 =	vor.u32 v12, v22;
	v15 =	vld.idx.msk [tilespmem:v15+s4+$0x0], $0xffff;
	v3 =	vmul.f32 v3, v3  }
0xf9: {  	v22 =	vor.u32 v1, v2;
	v16 =	vld.idx.msk [tilespmem:v16+s4+$0x0], $0xffff;
	v5 =	vor.u32 v1, v5;
	(erf) = vrcp.f32 v27  }
0xfa: {  	v7 =	vshrl.u32 v7, $0x3;
	v28 =	vpop (erf);
	(erf) = vrcp.f32 v29;
	v17 =	vld.idx.msk [tilespmem:v17+s17+$0x0], $0xffff;
	v3 =	vmax.f32 v3, $1.000000000e+00  }
0xfb: {  	v7 =	vand.u32 $0x1FFFFFF0, v7;
	v29 =	vpop (erf);
	v63 =	vld.idx.msk [tilespmem:v8+s17+$0x0], $0xffff;
	v23 =	vadd.f32 $-1.000000000e+00, v3;
	(erf) = vrcp.f32 v26  }
0xfc: {  	v3 =	vor.u32 v1, v4;
	v4 =	vor.u32 v1, v6;
	v6 =	vpop (erf);
	(erf) = vrcp.f32 v10;
	v10 =	vld.idx.msk [tilespmem:v19+s4+$0x0], $0xffff  }
0xfd: {  	v2 =	vor.u32 v1, v7;
	v27 =	vshll.u32 v13, $0x7;
	v13 =	vshrl.u32 v13, $0x3;
	v20 =	vld.idx.msk [tilespmem:v21+s4+$0x0], $0xffff  }
0xfe: {  	v8 =	vshll.u32 v15, $0x7;
	v15 =	vshrl.u32 v15, $0x3;
	v14 =	vld.idx.msk [tilespmem:v14+s4+$0x0], $0xffff;
	v21 =	vshll.u32 v18, $0x7;
	v7 =	vpop (erf)  }
0xff: {  	v26 =	vand.u32 $0x3F80, v21;
	v19 =	vshll.u32 v16, $0x7;
	v16 =	vshrl.u32 v16, $0x3;
	v30 =	vpop (erf)  }
0x100: {  	v24 =	vld.idx.msk [tilespmem:v24+s4+$0x0], $0xffff;
	v19 =	vand.u32 $0x3F80, v19;
	v21 =	vand.u32 $0x1FFFFFF0, v16;
	v17 =	vmul.f32 v17, v30  }
0x101: {  	v31 =	vld.idx.msk [tilespmem:v9+s17+$0x0], $0xffff;
	v16 =	vand.u32 $0x3F80, v27;
	v27 =	vand.u32 $0x3F80, v8;
	v9 =	vand.u32 $0x7F, v10  }
0x102: {  	v17 =	vmul.f32 v17, v17;
	v8 =	vor.u32 v9, v19;
	v9 =	vand.u32 $0x7F, v20  }
0x103: {  	v18 =	vshrl.u32 v18, $0x3;
	v14 =	vand.u32 $0x7F, v14;
	v9 =	vor.u32 v9, v26;
	v26 =	vld.idx.msk [tilespmem:v11+s17+$0x0], $0xffff  }
0x104: {  	v19 =	vand.u32 $0x1FFFFFF0, v13;
	v20 =	vpop (erf);
	v13 =	vmul.f32 v17, v17;
	v11 =	vor.u32 v14, v27;
	v27 =	vld.idx.msk [tilespmem:v12+s17+$0x0], $0xffff  }
0x105: {  	v18 =	vand.u32 $0x1FFFFFF0, v18;
	[tilespmem:v22+s23+$0x0] =	vst.idx.add.f32.msk $0xffff, v23;
	v23 =	vand.u32 $0x1FFFFFF0, v15;
	v10 =	vand.u32 $0x7F, v24;
	v22 =	vpop (erf)  }
0x106: {  	v10 =	vor.u32 v10, v16;
	v24 =	vpop (erf);
	v15 =	vmul.f32 v13, v17;
	v13 =	vshrl.u32 v25, $0x3  }
0x107: {  	s3 =	simm.s32 $0x5;
	s25 =	simm.s32 $0x16EC0;
	v16 =	vmul.f32 v31, v29;
	v25 =	vpop (erf);
	v12 =	vand.u32 $0x1FFFFFF0, v13;
	v13 =	vmul.f32 v63, v28  }
.LBB2_7:
0x108: {  	v28 =	vld [tilespmem:s25+$0x20];
	s3 =	sadd.s32 $0x5, s3;
	v34 =	vmul.f32 v15, v15;
	v29 =	vor.u32 v1, v12;
	s0 =	sadd.s32 $0x50, s0;
	v33 =	vmul.f32 v26, v6;
	v12 =	vmovc v3  }
0x109: {  	v15 =	vor.u32 v1, v21;
	v3 =	vmul.f32 v27, v7;
	v26 =	vld [tilespmem:s0+$0x20];
	p1 =	slt.u32 s3, $0x26C;
	v21 =	vmul.f32 v13, v13;
	v13 =	vmovc v5  }
0x10a: {  	v14 =	vmovc v4;
	v30 =	vmul.f32 v16, v16;
	v16 =	vmovc v20;
	v27 =	vld [tilespmem:s25+$0xFFFFFFF0];
	v5 =	vmax.f32 v34, $1.000000000e+00;
	v31 =	vmul.f32 v33, v33  }
0x10b: {  	v17 =	vmovc v22;
	v6 =	vmovc v24;
	v32 =	vmul.f32 v3, v3;
	v20 =	vld [tilespmem:s25+$0x0];
	v4 =	vadd.f32 $-1.000000000e+00, v5;
	v5 =	vmul.f32 v21, v21  }
0x10c: {  	v7 =	vmovc v25;
	v3 =	vor.u32 v1, v18;
	v18 =	vmul.f32 v30, v30;
	v22 =	vld [tilespmem:s25+$0x10];
	v24 =	vmul.f32 v31, v31  }
0x10d: {  	v25 =	vmul.f32 v32, v32;
	[tilespmem:v29+s23+$0x0] =	vst.idx.add.f32.msk $0xffff, v4;
	v21 =	vmul.f32 v5, v21  }
0x10e: {  	v5 =	vor.u32 v1, v19;
	v18 =	vmul.f32 v18, v30;
	v29 =	vld [tilespmem:s25+$0xFFFFFFE0];
	v19 =	vmul.f32 v24, v31  }
0x10f: {  	v4 =	vor.u32 v1, v23;
	v23 =	vmul.f32 v25, v32;
	v24 =	vld [tilespmem:s0+$0xFFFFFFE0];
	v21 =	vmul.f32 v21, v21  }
0x110: {  	v18 =	vmul.f32 v18, v18;
	v28 =	vld.idx.msk [tilespmem:v28+s4+$0x0], $0xffff;
	v19 =	vmul.f32 v19, v19  }
0x111: {  	v23 =	vmul.f32 v23, v23;
	v25 =	vld.idx.msk [tilespmem:v26+s4+$0x0], $0xffff;
	v21 =	vmax.f32 v21, $1.000000000e+00  }
0x112: {  	v18 =	vmax.f32 v18, $1.000000000e+00;
	v26 =	vld [tilespmem:s0+$0xFFFFFFF0];
	v30 =	vadd.f32 $-1.000000000e+00, v21;
	v19 =	vmax.f32 v19, $1.000000000e+00  }
0x113: {  	s1 =	sadd.s32 $0x50, s1;
	v31 =	vadd.f32 $-1.000000000e+00, v18;
	v18 =	vmax.f32 v23, $1.000000000e+00;
	v21 =	vld [tilespmem:s0+$0x0];
	v32 =	vadd.f32 $-1.000000000e+00, v19  }
0x114: {  	v33 =	vadd.f32 $-1.000000000e+00, v18;
	v19 =	vld [tilespmem:s1+$0x20]  }
0x115: {  	v18 =	vld [tilespmem:s0+$0x10]  }
0x116: {  	v34 =	vshll.u32 v28, $0x7;
	v23 =	vld [tilespmem:s1+$0xFFFFFFE0]  }
0x117: {  	v25 =	vand.u32 $0x7F, v25;
	v34 =	vand.u32 $0x3F80, v34;
	v35 =	vld [tilespmem:s1+$0xFFFFFFF0]  }
0x118: {  	v25 =	vor.u32 v25, v34;
	v36 =	vld [tilespmem:s1+$0x0]  }
0x119: {  	v34 =	vld [tilespmem:s1+$0x10];
	(erf) = vrcp.f32 v19  }
0x11a: {  	v19 =	vld.idx.msk [tilespmem:v29+s4+$0x0], $0xffff  }
0x11b: {  	v27 =	vld.idx.msk [tilespmem:v27+s4+$0x0], $0xffff;
	(erf) = vrcp.f32 v23  }
0x11c: {  	v20 =	vld.idx.msk [tilespmem:v20+s4+$0x0], $0xffff;
	(erf) = vrcp.f32 v35  }
0x11d: {  	v23 =	vld.idx.msk [tilespmem:v25+s17+$0x0], $0xffff;
	(erf) = vrcp.f32 v36  }
0x11e: {  	v22 =	vld.idx.msk [tilespmem:v22+s4+$0x0], $0xffff;
	(erf) = vrcp.f32 v34  }
0x11f: {  	v24 =	vld.idx.msk [tilespmem:v24+s4+$0x0], $0xffff  }
0x120: {  	v25 =	vshll.u32 v19, $0x7;
	v19 =	vshrl.u32 v19, $0x3;
	v29 =	vld.idx.msk [tilespmem:v26+s4+$0x0], $0xffff  }
0x121: {  	v25 =	vand.u32 $0x3F80, v25;
	v26 =	vshll.u32 v27, $0x7;
	v27 =	vshrl.u32 v27, $0x3;
	v34 =	vld.idx.msk [tilespmem:v21+s4+$0x0], $0xffff  }
0x122: {  	v35 =	vand.u32 $0x3F80, v26;
	v26 =	vshll.u32 v20, $0x7;
	v36 =	vshrl.u32 v20, $0x3;
	v37 =	vld.idx.msk [tilespmem:v18+s4+$0x0], $0xffff;
	v18 =	vpop (erf)  }
0x123: {  	v21 =	vand.u32 $0x1FFFFFF0, v19;
	v38 =	vand.u32 $0x3F80, v26;
	v19 =	vmul.f32 v23, v18;
	v39 =	vld.idx.msk [tilespmem:v8+s17+$0x0], $0xffff  }
0x124: {  	v18 =	vand.u32 $0x1FFFFFF0, v27;
	v8 =	vshll.u32 v22, $0x7;
	v23 =	vshrl.u32 v22, $0x3;
	v20 =	vpop (erf);
	v40 =	vld.idx.msk [tilespmem:v9+s17+$0x0], $0xffff  }
0x125: {  	v9 =	vand.u32 $0x7F, v24;
	v41 =	vand.u32 $0x3F80, v8;
	v42 =	vmul.f32 v19, v19;
	v22 =	vpop (erf);
	v26 =	vld.idx.msk [tilespmem:v10+s17+$0x0], $0xffff  }
.Ltmp2:
0x126: {  	v8 =	vor.u32 v9, v25;
	v9 =	vand.u32 $0x7F, v29;
	v19 =	vand.u32 $0x1FFFFFF0, v36;
	v24 =	vpop (erf);
	v27 =	vld.idx.msk [tilespmem:v11+s17+$0x0], $0xffff;
	(pc) =	sbr.rel @p1 .LBB2_7-.Ltmp2, $4  }
0x127: {  	v9 =	vor.u32 v9, v35;
	v10 =	vand.u32 $0x7F, v34;
	v29 =	vmul.f32 v42, v42;
	v25 =	vpop (erf);
	[tilespmem:v2+s23+$0x0] =	vst.idx.add.f32.msk $0xffff, v30  }
0x128: {  	v23 =	vand.u32 $0x1FFFFFF0, v23;
	v10 =	vor.u32 v10, v38;
	v11 =	vand.u32 $0x7F, v37;
	v2 =	vmovc v15;
	[tilespmem:v12+s23+$0x0] =	vst.idx.add.f32.msk $0xffff, v31  }
0x129: {  	v11 =	vor.u32 v11, v41;
	v12 =	vshrl.u32 v28, $0x3;
	v15 =	vmul.f32 v29, v42;
	[tilespmem:v13+s23+$0x0] =	vst.idx.add.f32.msk $0xffff, v32  }
0x12a: {  	s25 =	sadd.s32 $0x50, s25;
	v12 =	vand.u32 $0x1FFFFFF0, v12;
	v13 =	vmul.f32 v39, v16;
	v16 =	vmul.f32 v40, v17;
	[tilespmem:v14+s23+$0x0] =	vst.idx.add.f32.msk $0xffff, v33  }
0x12b: {  	_ =	sdelay $0x3  }
0x12c: {  	v14 =	vmul.f32 v15, v15;
	v6 =	vmul.f32 v26, v6;
	v8 =	vld.idx.msk [tilespmem:v8+s17+$0x0], $0xffff  }
0x12d: {  	v7 =	vmul.f32 v27, v7;
	v9 =	vld.idx.msk [tilespmem:v9+s17+$0x0], $0xffff;
	v13 =	vmul.f32 v13, v13  }
0x12e: {  	v10 =	vld.idx.msk [tilespmem:v10+s17+$0x0], $0xffff;
	v49 =	vmul.f32 v16, v16;
	v6 =	vmul.f32 v6, v6  }
0x12f: {  	v11 =	vld.idx.msk [tilespmem:v11+s17+$0x0], $0xffff;
	v7 =	vmul.f32 v7, v7;
	v50 =	vmul.f32 v13, v13  }
0x130: {  	v17 =	vmul.f32 v49, v49;
	v51 =	vmul.f32 v6, v6  }
0x131: {  	v53 =	vmul.f32 v7, v7;
	v13 =	vmul.f32 v50, v13  }
0x132: {  	v12 =	vor.u32 v1, v12;
	v15 =	vmul.f32 v17, v49;
	v8 =	vmul.f32 v8, v20  }
0x133: {  	v52 =	vor.u32 v1, v21;
	v9 =	vmul.f32 v9, v22;
	v10 =	vmul.f32 v10, v24  }
0x134: {  	v54 =	vor.u32 v1, v18;
	v11 =	vmul.f32 v11, v25;
	v6 =	vmul.f32 v51, v6  }
0x135: {  	v55 =	vor.u32 v1, v19;
	v7 =	vmul.f32 v53, v7;
	v13 =	vmul.f32 v13, v13  }
0x136: {  	v56 =	vor.u32 v1, v23;
	v15 =	vmul.f32 v15, v15;
	v8 =	vmul.f32 v8, v8  }
0x137: {  	v14 =	vmax.f32 v14, $1.000000000e+00;
	v9 =	vmul.f32 v9, v9;
	v10 =	vmul.f32 v10, v10  }
0x138: {  	v14 =	vadd.f32 $-1.000000000e+00, v14;
	v11 =	vmul.f32 v11, v11;
	v6 =	vmul.f32 v6, v6  }
0x139: {  	v7 =	vmul.f32 v7, v7;
	v13 =	vmax.f32 v13, $1.000000000e+00;
	v57 =	vmul.f32 v8, v8  }
0x13a: {  	v15 =	vmax.f32 v15, $1.000000000e+00;
	v58 =	vmul.f32 v9, v9;
	v59 =	vmul.f32 v10, v10  }
0x13b: {  	v60 =	vmul.f32 v11, v11;
	v13 =	vadd.f32 $-1.000000000e+00, v13;
	v8 =	vmul.f32 v57, v8  }
0x13c: {  	v6 =	vmax.f32 v6, $1.000000000e+00;
	v15 =	vadd.f32 $-1.000000000e+00, v15;
	v9 =	vmul.f32 v58, v9  }
0x13d: {  	[tilespmem:v12+s23+$0x0] =	vst.idx.add.f32.msk $0xffff, v14;
	v7 =	vmax.f32 v7, $1.000000000e+00;
	v10 =	vmul.f32 v59, v10;
	v8 =	vmul.f32 v8, v8  }
0x13e: {  	v6 =	vadd.f32 $-1.000000000e+00, v6;
	[tilespmem:v2+s23+$0x0] =	vst.idx.add.f32.msk $0xffff, v13;
	v2 =	vmul.f32 v60, v11;
	v9 =	vmul.f32 v9, v9  }
0x13f: {  	v7 =	vadd.f32 $-1.000000000e+00, v7;
	[tilespmem:v3+s23+$0x0] =	vst.idx.add.f32.msk $0xffff, v15;
	v3 =	vmul.f32 v10, v10;
	v8 =	vmax.f32 v8, $1.000000000e+00  }
0x140: {  	[tilespmem:v5+s23+$0x0] =	vst.idx.add.f32.msk $0xffff, v6;
	v2 =	vmul.f32 v2, v2;
	v62 =	vmax.f32 v9, $1.000000000e+00;
	v61 =	vadd.f32 $-1.000000000e+00, v8  }
.Ltmp3:
0x141: {  	[tilespmem:v4+s23+$0x0] =	vst.idx.add.f32.msk $0xffff, v7;
	v3 =	vmax.f32 v3, $1.000000000e+00;
	v63 =	vadd.f32 $-1.000000000e+00, v62;
	(pc) =	sbr.rel @p0 .LBB2_4-.Ltmp3, $4  }
0x142: {  	v3 =	vadd.f32 $-1.000000000e+00, v3;
	v2 =	vmax.f32 v2, $1.000000000e+00;
	[tilespmem:v52+s23+$0x0] =	vst.idx.add.f32.msk $0xffff, v61  }
0x143: {  	v2 =	vadd.f32 $-1.000000000e+00, v2;
	[tilespmem:v54+s23+$0x0] =	vst.idx.add.f32.msk $0xffff, v63  }
0x144: {  	[tilespmem:v55+s23+$0x0] =	vst.idx.add.f32.msk $0xffff, v3  }
0x145: {  	s31 =	simm.s32 $0x4E20;
	p1 =	por $0x0, $0x0;
	[tilespmem:v56+s23+$0x0] =	vst.idx.add.f32.msk $0xffff, v2  }
0x146: {  	_ =	swait.ge [sflag:s22], $0x2710  }
0x147: {  	[sflag:s22] =	ssyncset.done $0x0  }
0x148: {  	[sflag:s22] =	ssyncadd.s32 $0xFFFFD8F0  }
0x149: {  	_ =	swait.ge [sflag:s22], $0x2710  }
0x14a: {  	[sflag:s22] =	ssyncset.done $0x0  }
0x14b: {  	[sflag:s22] =	ssyncadd.s32 $0xFFFFD8F0  }
0x14c: {  	_ =	swait.ge [sflag:s22], $0x2710  }
0x14d: {  	[sflag:s22] =	ssyncset.done $0x0  }
0x14e: {  	s0 =	simm.s32 $0xF7A0;
	[sflag:s22] =	ssyncadd.s32 $0xFFFFD8F0  }
0x14f: {  	s1 =	simm.s32 $0x11F20;
	v2 =	vld [tilespmem:s0+$0x20]  }
0x150: {  	v3 =	vld [tilespmem:s1+$0x20]  }
0x151: {  	v4 =	vld [tilespmem:s0+$0xFFFFFFF0]  }
0x152: {  	v5 =	vld [tilespmem:s0+$0x0]  }
0x153: {  	v6 =	vld [tilespmem:s0+$0x10]  }
0x154: {  	v7 =	vld [tilespmem:s0+$0xFFFFFFE0]  }
0x155: {  	v8 =	vld [tilespmem:s1+$0xFFFFFFE0]  }
0x156: {  	v9 =	vld [tilespmem:s1+$0xFFFFFFF0]  }
0x157: {  	s25 =	simm.s32 $0x146A0;
	v10 =	vld [tilespmem:s1+$0x0]  }
0x158: {  	v11 =	vld [tilespmem:s25+$0x20]  }
0x159: {  	v12 =	vld [tilespmem:s1+$0x10]  }
0x15a: {  	v13 =	vld [tilespmem:s25+$0xFFFFFFE0]  }
0x15b: {  	v15 =	vld [tilespmem:s25+$0xFFFFFFF0]  }
0x15c: {  	s31 =	simm.s32 $0xF7F0;
	v16 =	vld [tilespmem:s25+$0x0]  }
0x15d: {  	s0 =	simm.s32 $0x11F70;
	v18 =	vld [tilespmem:s31+$0xFFFFFFF0]  }
0x15e: {  	v17 =	vld [tilespmem:s0+$0x20]  }
0x15f: {  	s1 =	simm.s32 $0x146F0;
	v19 =	vld [tilespmem:s0+$0xFFFFFFE0]  }
0x160: {  	v23 =	vld [tilespmem:s1+$0x20]  }
0x161: {  	v24 =	vld [tilespmem:s0+$0x0]  }
0x162: {  	v27 =	vld [tilespmem:s1+$0xFFFFFFE0]  }
0x163: {  	v2 =	vld.idx.msk [tilespmem:v2+s4+$0x0], $0xffff  }
0x164: {  	v3 =	vld.idx.msk [tilespmem:v3+s4+$0x0], $0xffff  }
0x165: {  	(erf) = vrcp.f32 v11;
	v11 =	vld [tilespmem:s31+$0x20]  }
0x166: {  	(erf) = vrcp.f32 v13;
	v13 =	vld [tilespmem:s31+$0x0]  }
0x167: {  	v7 =	vld.idx.msk [tilespmem:v7+s4+$0x0], $0xffff  }
0x168: {  	v4 =	vld.idx.msk [tilespmem:v4+s4+$0x0], $0xffff;
	v14 =	vshll.u32 v2, $0x7  }
0x169: {  	v5 =	vld.idx.msk [tilespmem:v5+s4+$0x0], $0xffff;
	v3 =	vand.u32 $0x7F, v3;
	v14 =	vand.u32 $0x3F80, v14  }
0x16a: {  	v6 =	vld.idx.msk [tilespmem:v6+s4+$0x0], $0xffff;
	v3 =	vor.u32 v3, v14  }
0x16b: {  	v8 =	vld.idx.msk [tilespmem:v8+s4+$0x0], $0xffff  }
0x16c: {  	v9 =	vld.idx.msk [tilespmem:v9+s4+$0x0], $0xffff  }
0x16d: {  	v10 =	vld.idx.msk [tilespmem:v10+s4+$0x0], $0xffff  }
0x16e: {  	v12 =	vld.idx.msk [tilespmem:v12+s4+$0x0], $0xffff  }
0x16f: {  	v3 =	vld.idx.msk [tilespmem:v3+s17+$0x0], $0xffff  }
0x170: {  	(erf) = vrcp.f32 v15;
	v17 =	vld.idx.msk [tilespmem:v17+s4+$0x0], $0xffff  }
0x171: {  	(erf) = vrcp.f32 v16;
	v20 =	vshll.u32 v4, $0x7;
	v4 =	vshrl.u32 v4, $0x3;
	v14 =	vld [tilespmem:s25+$0x10]  }
0x172: {  	v25 =	vld.idx.msk [tilespmem:v11+s4+$0x0], $0xffff;
	v22 =	vshll.u32 v6, $0x7;
	v6 =	vshrl.u32 v6, $0x3;
	v8 =	vand.u32 $0x7F, v8  }
0x173: {  	v29 =	vld [tilespmem:s1+$0xFFFFFFF0];
	v9 =	vand.u32 $0x7F, v9;
	v10 =	vand.u32 $0x7F, v10;
	v2 =	vshrl.u32 v2, $0x3;
	v21 =	vpop (erf)  }
0x174: {  	v15 =	vld [tilespmem:s31+$0x10];
	v12 =	vand.u32 $0x7F, v12;
	v11 =	vand.u32 $0x3F80, v20;
	v3 =	vmul.f32 v3, v21  }
0x175: {  	v16 =	vld [tilespmem:s31+$0xFFFFFFE0];
	v20 =	vshll.u32 v5, $0x7;
	v5 =	vshrl.u32 v5, $0x3;
	v4 =	vand.u32 $0x1FFFFFF0, v4  }
0x176: {  	v18 =	vld.idx.msk [tilespmem:v18+s4+$0x0], $0xffff;
	(erf) = vrcp.f32 v14;
	v14 =	vshll.u32 v7, $0x7;
	v3 =	vmul.f32 v3, v3  }
0x177: {  	v17 =	vand.u32 $0x7F, v17;
	v13 =	vld.idx.msk [tilespmem:v13+s4+$0x0], $0xffff;
	v28 =	vshll.u32 v25, $0x7;
	v14 =	vand.u32 $0x3F80, v14  }
0x178: {  	v28 =	vand.u32 $0x3F80, v28;
	v8 =	vor.u32 v8, v14;
	v14 =	vld [tilespmem:s0+$0x10];
	v26 =	vmul.f32 v3, v3  }
0x179: {  	v22 =	vand.u32 $0x3F80, v22;
	v2 =	vand.u32 $0x1FFFFFF0, v2;
	v17 =	vor.u32 v17, v28;
	v21 =	vld [tilespmem:s0+$0xFFFFFFF0]  }
0x17a: {  	v20 =	vand.u32 $0x3F80, v20;
	(erf) = vrcp.f32 v23;
	v3 =	vmul.f32 v26, v3;
	v26 =	vld [tilespmem:s1+$0x0]  }
0x17b: {  	v6 =	vand.u32 $0x1FFFFFF0, v6;
	v9 =	vor.u32 v9, v11;
	v11 =	vor.u32 v10, v20;
	v10 =	vld [tilespmem:s1+$0x10]  }
0x17c: {  	v5 =	vand.u32 $0x1FFFFFF0, v5;
	v12 =	vor.u32 v12, v22;
	v15 =	vld.idx.msk [tilespmem:v15+s4+$0x0], $0xffff;
	v3 =	vmul.f32 v3, v3  }
0x17d: {  	v22 =	vor.u32 v1, v2;
	v16 =	vld.idx.msk [tilespmem:v16+s4+$0x0], $0xffff;
	v5 =	vor.u32 v1, v5;
	(erf) = vrcp.f32 v27  }
0x17e: {  	v7 =	vshrl.u32 v7, $0x3;
	v28 =	vpop (erf);
	(erf) = vrcp.f32 v29;
	v17 =	vld.idx.msk [tilespmem:v17+s17+$0x0], $0xffff;
	v3 =	vmax.f32 v3, $1.000000000e+00  }
0x17f: {  	v7 =	vand.u32 $0x1FFFFFF0, v7;
	v29 =	vpop (erf);
	v63 =	vld.idx.msk [tilespmem:v8+s17+$0x0], $0xffff;
	v23 =	vadd.f32 $-1.000000000e+00, v3;
	(erf) = vrcp.f32 v26  }
0x180: {  	v3 =	vor.u32 v1, v4;
	v4 =	vor.u32 v1, v6;
	v6 =	vpop (erf);
	(erf) = vrcp.f32 v10;
	v10 =	vld.idx.msk [tilespmem:v19+s4+$0x0], $0xffff  }
0x181: {  	v2 =	vor.u32 v1, v7;
	v27 =	vshll.u32 v13, $0x7;
	v13 =	vshrl.u32 v13, $0x3;
	v20 =	vld.idx.msk [tilespmem:v21+s4+$0x0], $0xffff  }
0x182: {  	v8 =	vshll.u32 v15, $0x7;
	v15 =	vshrl.u32 v15, $0x3;
	v14 =	vld.idx.msk [tilespmem:v14+s4+$0x0], $0xffff;
	v21 =	vshll.u32 v18, $0x7;
	v7 =	vpop (erf)  }
0x183: {  	v26 =	vand.u32 $0x3F80, v21;
	v19 =	vshll.u32 v16, $0x7;
	v16 =	vshrl.u32 v16, $0x3;
	v30 =	vpop (erf)  }
0x184: {  	v24 =	vld.idx.msk [tilespmem:v24+s4+$0x0], $0xffff;
	v19 =	vand.u32 $0x3F80, v19;
	v21 =	vand.u32 $0x1FFFFFF0, v16;
	v17 =	vmul.f32 v17, v30  }
0x185: {  	v31 =	vld.idx.msk [tilespmem:v9+s17+$0x0], $0xffff;
	v16 =	vand.u32 $0x3F80, v27;
	v27 =	vand.u32 $0x3F80, v8;
	v9 =	vand.u32 $0x7F, v10  }
0x186: {  	v17 =	vmul.f32 v17, v17;
	v8 =	vor.u32 v9, v19;
	v9 =	vand.u32 $0x7F, v20  }
0x187: {  	v18 =	vshrl.u32 v18, $0x3;
	v14 =	vand.u32 $0x7F, v14;
	v9 =	vor.u32 v9, v26;
	v26 =	vld.idx.msk [tilespmem:v11+s17+$0x0], $0xffff  }
0x188: {  	v19 =	vand.u32 $0x1FFFFFF0, v13;
	v20 =	vpop (erf);
	v13 =	vmul.f32 v17, v17;
	v11 =	vor.u32 v14, v27;
	v27 =	vld.idx.msk [tilespmem:v12+s17+$0x0], $0xffff  }
0x189: {  	v18 =	vand.u32 $0x1FFFFFF0, v18;
	[tilespmem:v22+s23+$0x0] =	vst.idx.add.f32.msk $0xffff, v23;
	v23 =	vand.u32 $0x1FFFFFF0, v15;
	v10 =	vand.u32 $0x7F, v24;
	v22 =	vpop (erf)  }
0x18a: {  	v10 =	vor.u32 v10, v16;
	v24 =	vpop (erf);
	v15 =	vmul.f32 v13, v17;
	v13 =	vshrl.u32 v25, $0x3  }
0x18b: {  	s3 =	simm.s32 $0x5;
	s25 =	simm.s32 $0xF840;
	v16 =	vmul.f32 v31, v29;
	v25 =	vpop (erf);
	v12 =	vand.u32 $0x1FFFFFF0, v13;
	v13 =	vmul.f32 v63, v28  }
.LBB2_10:
0x18c: {  	v28 =	vld [tilespmem:s25+$0x20];
	s3 =	sadd.s32 $0x5, s3;
	v34 =	vmul.f32 v15, v15;
	v29 =	vor.u32 v1, v12;
	s0 =	sadd.s32 $0x50, s0;
	v33 =	vmul.f32 v26, v6;
	v12 =	vmovc v3  }
0x18d: {  	v15 =	vor.u32 v1, v21;
	v3 =	vmul.f32 v27, v7;
	v26 =	vld [tilespmem:s0+$0x20];
	p0 =	slt.u32 s3, $0x26C;
	v21 =	vmul.f32 v13, v13;
	v13 =	vmovc v5  }
0x18e: {  	v14 =	vmovc v4;
	v30 =	vmul.f32 v16, v16;
	v16 =	vmovc v20;
	v27 =	vld [tilespmem:s25+$0xFFFFFFF0];
	v5 =	vmax.f32 v34, $1.000000000e+00;
	v31 =	vmul.f32 v33, v33  }
0x18f: {  	v17 =	vmovc v22;
	v6 =	vmovc v24;
	v32 =	vmul.f32 v3, v3;
	v20 =	vld [tilespmem:s25+$0x0];
	v4 =	vadd.f32 $-1.000000000e+00, v5;
	v5 =	vmul.f32 v21, v21  }
0x190: {  	v7 =	vmovc v25;
	v3 =	vor.u32 v1, v18;
	v18 =	vmul.f32 v30, v30;
	v22 =	vld [tilespmem:s25+$0x10];
	v24 =	vmul.f32 v31, v31  }
0x191: {  	v25 =	vmul.f32 v32, v32;
	[tilespmem:v29+s23+$0x0] =	vst.idx.add.f32.msk $0xffff, v4;
	v21 =	vmul.f32 v5, v21  }
0x192: {  	v5 =	vor.u32 v1, v19;
	v18 =	vmul.f32 v18, v30;
	v29 =	vld [tilespmem:s25+$0xFFFFFFE0];
	v19 =	vmul.f32 v24, v31  }
0x193: {  	v4 =	vor.u32 v1, v23;
	v23 =	vmul.f32 v25, v32;
	v24 =	vld [tilespmem:s0+$0xFFFFFFE0];
	v21 =	vmul.f32 v21, v21  }
0x194: {  	v18 =	vmul.f32 v18, v18;
	v28 =	vld.idx.msk [tilespmem:v28+s4+$0x0], $0xffff;
	v19 =	vmul.f32 v19, v19  }
0x195: {  	v23 =	vmul.f32 v23, v23;
	v25 =	vld.idx.msk [tilespmem:v26+s4+$0x0], $0xffff;
	v21 =	vmax.f32 v21, $1.000000000e+00  }
0x196: {  	v18 =	vmax.f32 v18, $1.000000000e+00;
	v26 =	vld [tilespmem:s0+$0xFFFFFFF0];
	v30 =	vadd.f32 $-1.000000000e+00, v21;
	v19 =	vmax.f32 v19, $1.000000000e+00  }
0x197: {  	s1 =	sadd.s32 $0x50, s1;
	v31 =	vadd.f32 $-1.000000000e+00, v18;
	v18 =	vmax.f32 v23, $1.000000000e+00;
	v21 =	vld [tilespmem:s0+$0x0];
	v32 =	vadd.f32 $-1.000000000e+00, v19  }
0x198: {  	v33 =	vadd.f32 $-1.000000000e+00, v18;
	v19 =	vld [tilespmem:s1+$0x20]  }
0x199: {  	v18 =	vld [tilespmem:s0+$0x10]  }
0x19a: {  	v34 =	vshll.u32 v28, $0x7;
	v23 =	vld [tilespmem:s1+$0xFFFFFFE0]  }
0x19b: {  	v25 =	vand.u32 $0x7F, v25;
	v34 =	vand.u32 $0x3F80, v34;
	v35 =	vld [tilespmem:s1+$0xFFFFFFF0]  }
0x19c: {  	v25 =	vor.u32 v25, v34;
	v36 =	vld [tilespmem:s1+$0x0]  }
0x19d: {  	v34 =	vld [tilespmem:s1+$0x10];
	(erf) = vrcp.f32 v19  }
0x19e: {  	v19 =	vld.idx.msk [tilespmem:v29+s4+$0x0], $0xffff  }
0x19f: {  	v27 =	vld.idx.msk [tilespmem:v27+s4+$0x0], $0xffff;
	(erf) = vrcp.f32 v23  }
0x1a0: {  	v20 =	vld.idx.msk [tilespmem:v20+s4+$0x0], $0xffff;
	(erf) = vrcp.f32 v35  }
0x1a1: {  	v23 =	vld.idx.msk [tilespmem:v25+s17+$0x0], $0xffff;
	(erf) = vrcp.f32 v36  }
0x1a2: {  	v22 =	vld.idx.msk [tilespmem:v22+s4+$0x0], $0xffff;
	(erf) = vrcp.f32 v34  }
0x1a3: {  	v24 =	vld.idx.msk [tilespmem:v24+s4+$0x0], $0xffff  }
0x1a4: {  	v25 =	vshll.u32 v19, $0x7;
	v19 =	vshrl.u32 v19, $0x3;
	v29 =	vld.idx.msk [tilespmem:v26+s4+$0x0], $0xffff  }
0x1a5: {  	v25 =	vand.u32 $0x3F80, v25;
	v26 =	vshll.u32 v27, $0x7;
	v27 =	vshrl.u32 v27, $0x3;
	v34 =	vld.idx.msk [tilespmem:v21+s4+$0x0], $0xffff  }
0x1a6: {  	v35 =	vand.u32 $0x3F80, v26;
	v26 =	vshll.u32 v20, $0x7;
	v36 =	vshrl.u32 v20, $0x3;
	v37 =	vld.idx.msk [tilespmem:v18+s4+$0x0], $0xffff;
	v18 =	vpop (erf)  }
0x1a7: {  	v21 =	vand.u32 $0x1FFFFFF0, v19;
	v38 =	vand.u32 $0x3F80, v26;
	v19 =	vmul.f32 v23, v18;
	v39 =	vld.idx.msk [tilespmem:v8+s17+$0x0], $0xffff  }
0x1a8: {  	v18 =	vand.u32 $0x1FFFFFF0, v27;
	v8 =	vshll.u32 v22, $0x7;
	v23 =	vshrl.u32 v22, $0x3;
	v20 =	vpop (erf);
	v40 =	vld.idx.msk [tilespmem:v9+s17+$0x0], $0xffff  }
0x1a9: {  	v9 =	vand.u32 $0x7F, v24;
	v41 =	vand.u32 $0x3F80, v8;
	v42 =	vmul.f32 v19, v19;
	v22 =	vpop (erf);
	v26 =	vld.idx.msk [tilespmem:v10+s17+$0x0], $0xffff  }
.Ltmp4:
0x1aa: {  	v8 =	vor.u32 v9, v25;
	v9 =	vand.u32 $0x7F, v29;
	v19 =	vand.u32 $0x1FFFFFF0, v36;
	v24 =	vpop (erf);
	v27 =	vld.idx.msk [tilespmem:v11+s17+$0x0], $0xffff;
	(pc) =	sbr.rel @p0 .LBB2_10-.Ltmp4, $4  }
0x1ab: {  	v9 =	vor.u32 v9, v35;
	v10 =	vand.u32 $0x7F, v34;
	v29 =	vmul.f32 v42, v42;
	v25 =	vpop (erf);
	[tilespmem:v2+s23+$0x0] =	vst.idx.add.f32.msk $0xffff, v30  }
0x1ac: {  	v23 =	vand.u32 $0x1FFFFFF0, v23;
	v10 =	vor.u32 v10, v38;
	v11 =	vand.u32 $0x7F, v37;
	v2 =	vmovc v15;
	[tilespmem:v12+s23+$0x0] =	vst.idx.add.f32.msk $0xffff, v31  }
0x1ad: {  	v11 =	vor.u32 v11, v41;
	v12 =	vshrl.u32 v28, $0x3;
	v15 =	vmul.f32 v29, v42;
	[tilespmem:v13+s23+$0x0] =	vst.idx.add.f32.msk $0xffff, v32  }
0x1ae: {  	s25 =	sadd.s32 $0x50, s25;
	v12 =	vand.u32 $0x1FFFFFF0, v12;
	v13 =	vmul.f32 v39, v16;
	v16 =	vmul.f32 v40, v17;
	[tilespmem:v14+s23+$0x0] =	vst.idx.add.f32.msk $0xffff, v33  }
0x1af: {  	_ =	sdelay $0x3  }
0x1b0: {  	v14 =	vmul.f32 v15, v15;
	v6 =	vmul.f32 v26, v6;
	v8 =	vld.idx.msk [tilespmem:v8+s17+$0x0], $0xffff  }
0x1b1: {  	v7 =	vmul.f32 v27, v7;
	v9 =	vld.idx.msk [tilespmem:v9+s17+$0x0], $0xffff;
	v13 =	vmul.f32 v13, v13  }
0x1b2: {  	v10 =	vld.idx.msk [tilespmem:v10+s17+$0x0], $0xffff;
	v41 =	vmul.f32 v16, v16;
	v6 =	vmul.f32 v6, v6  }
0x1b3: {  	v11 =	vld.idx.msk [tilespmem:v11+s17+$0x0], $0xffff;
	v7 =	vmul.f32 v7, v7;
	v42 =	vmul.f32 v13, v13  }
0x1b4: {  	v17 =	vmul.f32 v41, v41;
	v43 =	vmul.f32 v6, v6  }
0x1b5: {  	v45 =	vmul.f32 v7, v7;
	v13 =	vmul.f32 v42, v13  }
0x1b6: {  	v12 =	vor.u32 v1, v12;
	v15 =	vmul.f32 v17, v41;
	v8 =	vmul.f32 v8, v20  }
0x1b7: {  	v44 =	vor.u32 v1, v21;
	v9 =	vmul.f32 v9, v22;
	v10 =	vmul.f32 v10, v24  }
0x1b8: {  	v46 =	vor.u32 v1, v18;
	v11 =	vmul.f32 v11, v25;
	v6 =	vmul.f32 v43, v6  }
0x1b9: {  	v47 =	vor.u32 v1, v19;
	v7 =	vmul.f32 v45, v7;
	v13 =	vmul.f32 v13, v13  }
0x1ba: {  	v48 =	vor.u32 v1, v23;
	v15 =	vmul.f32 v15, v15;
	v8 =	vmul.f32 v8, v8  }
0x1bb: {  	v14 =	vmax.f32 v14, $1.000000000e+00;
	v9 =	vmul.f32 v9, v9;
	v10 =	vmul.f32 v10, v10  }
0x1bc: {  	v14 =	vadd.f32 $-1.000000000e+00, v14;
	v11 =	vmul.f32 v11, v11;
	v6 =	vmul.f32 v6, v6  }
0x1bd: {  	v7 =	vmul.f32 v7, v7;
	v13 =	vmax.f32 v13, $1.000000000e+00;
	v49 =	vmul.f32 v8, v8  }
0x1be: {  	v15 =	vmax.f32 v15, $1.000000000e+00;
	v50 =	vmul.f32 v9, v9;
	v51 =	vmul.f32 v10, v10  }
0x1bf: {  	v52 =	vmul.f32 v11, v11;
	v13 =	vadd.f32 $-1.000000000e+00, v13;
	v8 =	vmul.f32 v49, v8  }
0x1c0: {  	v6 =	vmax.f32 v6, $1.000000000e+00;
	v15 =	vadd.f32 $-1.000000000e+00, v15;
	v9 =	vmul.f32 v50, v9  }
0x1c1: {  	[tilespmem:v12+s23+$0x0] =	vst.idx.add.f32.msk $0xffff, v14;
	v7 =	vmax.f32 v7, $1.000000000e+00;
	v10 =	vmul.f32 v51, v10;
	v8 =	vmul.f32 v8, v8  }
0x1c2: {  	v6 =	vadd.f32 $-1.000000000e+00, v6;
	[tilespmem:v2+s23+$0x0] =	vst.idx.add.f32.msk $0xffff, v13;
	v2 =	vmul.f32 v52, v11;
	v9 =	vmul.f32 v9, v9  }
0x1c3: {  	v7 =	vadd.f32 $-1.000000000e+00, v7;
	[tilespmem:v3+s23+$0x0] =	vst.idx.add.f32.msk $0xffff, v15;
	v3 =	vmul.f32 v10, v10;
	v8 =	vmax.f32 v8, $1.000000000e+00  }
0x1c4: {  	[tilespmem:v5+s23+$0x0] =	vst.idx.add.f32.msk $0xffff, v6;
	v2 =	vmul.f32 v2, v2;
	v54 =	vmax.f32 v9, $1.000000000e+00;
	v53 =	vadd.f32 $-1.000000000e+00, v8  }
0x1c5: {  	[tilespmem:v4+s23+$0x0] =	vst.idx.add.f32.msk $0xffff, v7;
	v3 =	vmax.f32 v3, $1.000000000e+00;
	v55 =	vadd.f32 $-1.000000000e+00, v54  }
0x1c6: {  	v3 =	vadd.f32 $-1.000000000e+00, v3;
	v2 =	vmax.f32 v2, $1.000000000e+00;
	[tilespmem:v44+s23+$0x0] =	vst.idx.add.f32.msk $0xffff, v53  }
0x1c7: {  	v2 =	vadd.f32 $-1.000000000e+00, v2;
	[tilespmem:v46+s23+$0x0] =	vst.idx.add.f32.msk $0xffff, v55  }
0x1c8: {  	[tilespmem:v47+s23+$0x0] =	vst.idx.add.f32.msk $0xffff, v3  }
0x1c9: {  	[tilespmem:v48+s23+$0x0] =	vst.idx.add.f32.msk $0xffff, v2  }
0x1ca: {  	v2 =	vld [tilespmem:$0x1E480]  }
0x1cb: {  	v3 =	vld [tilespmem:$0x1E490]  }
0x1cc: {  	v4 =	vld [tilespmem:$0x1E4A0]  }
0x1cd: {  	v5 =	vld [tilespmem:$0x1E4B0]  }
0x1ce: {  	v56 =	vld [tilespmem:$0x1E4C0]  }
0x1cf: {  	(xrf2) =	vadd.scan.msk.f32 $0xffff, v2;
	v2 =	vld [tilespmem:$0x1E4D0]  }
0x1d0: {  	(xrf2) =	vadd.scan.msk.f32 $0xffff, v3;
	v3 =	vld [tilespmem:$0x1E4E0]  }
0x1d1: {  	v57 =	vld [tilespmem:$0x1E4F0];
	(xrf2) =	vadd.scan.msk.f32 $0xffff, v4  }
0x1d2: {  	v58 =	vld [tilespmem:$0x1E500];
	(xrf2) =	vadd.scan.msk.f32 $0xffff, v5  }
0x1d3: {  	v59 =	vld [tilespmem:$0x1E510];
	(xrf2) =	vadd.scan.msk.f32 $0xffff, v56  }
0x1d4: {  	(xrf2) =	vadd.scan.msk.f32 $0xffff, v2;
	v2 =	vld [tilespmem:$0x1E520]  }
0x1d5: {  	(xrf2) =	vadd.scan.msk.f32 $0xffff, v3;
	v3 =	vld [tilespmem:$0x1E530]  }
0x1d6: {  	v60 =	vld [tilespmem:$0x1E540];
	(xrf2) =	vadd.scan.msk.f32 $0xffff, v57  }
0x1d7: {  	v61 =	vld [tilespmem:$0x1E550];
	(xrf2) =	vadd.scan.msk.f32 $0xffff, v58  }
0x1d8: {  	v62 =	vld [tilespmem:$0x1E560];
	(xrf2) =	vadd.scan.msk.f32 $0xffff, v59  }
0x1d9: {  	v7, _, _ =	vpop (xrf2);
	(xrf2) =	vadd.scan.msk.f32 $0xffff, v2;
	v2 =	vld [tilespmem:$0x1E570]  }
0x1da: {  	v63, _, _ =	vpop (xrf2);
	(xrf2) =	vadd.scan.msk.f32 $0xffff, v3;
	v3 =	vld [tilespmem:$0x1E580]  }
0x1db: {  	v37 =	vld [tilespmem:$0x1E590];
	v13, _, _ =	vpop (xrf2);
	(xrf2) =	vadd.scan.msk.f32 $0xffff, v60  }
0x1dc: {  	v38 =	vld [tilespmem:$0x1E5A0];
	v15, _, _ =	vpop (xrf2);
	(xrf2) =	vadd.scan.msk.f32 $0xffff, v61  }
0x1dd: {  	v39 =	vld [tilespmem:$0x1E5B0];
	v16, _, _ =	vpop (xrf2);
	(xrf2) =	vadd.scan.msk.f32 $0xffff, v62  }
0x1de: {  	v40 =	vld [tilespmem:$0x1E5C0];
	v29, _, _ =	vpop (xrf2);
	(xrf2) =	vadd.scan.msk.f32 $0xffff, v2  }
0x1df: {  	v30, _, _ =	vpop (xrf2);
	(xrf2) =	vadd.scan.msk.f32 $0xffff, v3;
	v3 =	vld [tilespmem:$0x1E5D0]  }
0x1e0: {  	v41 =	vld [tilespmem:$0x1E5E0];
	v31, _, _ =	vpop (xrf2);
	(xrf2) =	vadd.scan.msk.f32 $0xffff, v37  }
0x1e1: {  	v42 =	vld [tilespmem:$0x1E5F0];
	v32, _, _ =	vpop (xrf2);
	(xrf2) =	vadd.scan.msk.f32 $0xffff, v38  }
0x1e2: {  	v43 =	vld [tilespmem:$0x1E600];
	v33, _, _ =	vpop (xrf2);
	(xrf2) =	vadd.scan.msk.f32 $0xffff, v39  }
0x1e3: {  	v44 =	vld [tilespmem:$0x1E610];
	v2, _, _ =	vpop (xrf2);
	(xrf2) =	vadd.scan.msk.f32 $0xffff, v40  }
0x1e4: {  	v18, _, _ =	vpop (xrf2);
	(xrf2) =	vadd.scan.msk.f32 $0xffff, v3;
	v3 =	vld [tilespmem:$0x1E620]  }
0x1e5: {  	v45 =	vld [tilespmem:$0x1E630];
	v14, _, _ =	vpop (xrf2);
	(xrf2) =	vadd.scan.msk.f32 $0xffff, v41  }
0x1e6: {  	v46 =	vld [tilespmem:$0x1E640];
	v9, _, _ =	vpop (xrf2);
	(xrf2) =	vadd.scan.msk.f32 $0xffff, v42  }
0x1e7: {  	v47 =	vld [tilespmem:$0x1E650];
	v8, _, _ =	vpop (xrf2);
	(xrf2) =	vadd.scan.msk.f32 $0xffff, v43  }
0x1e8: {  	v48 =	vld [tilespmem:$0x1E660];
	v4, _, _ =	vpop (xrf2);
	(xrf2) =	vadd.scan.msk.f32 $0xffff, v44  }
0x1e9: {  	v34, _, _ =	vpop (xrf2);
	(xrf2) =	vadd.scan.msk.f32 $0xffff, v3;
	v3 =	vld [tilespmem:$0x1E670]  }
0x1ea: {  	v49 =	vld [tilespmem:$0x1E680];
	v35, _, _ =	vpop (xrf2);
	(xrf2) =	vadd.scan.msk.f32 $0xffff, v45  }
0x1eb: {  	v50 =	vld [tilespmem:$0x1E690];
	v36, _, _ =	vpop (xrf2);
	(xrf2) =	vadd.scan.msk.f32 $0xffff, v46  }
0x1ec: {  	v51 =	vld [tilespmem:$0x1E6A0];
	v37, _, _ =	vpop (xrf2);
	(xrf2) =	vadd.scan.msk.f32 $0xffff, v47  }
0x1ed: {  	v52 =	vld [tilespmem:$0x1E6B0];
	v38, _, _ =	vpop (xrf2);
	(xrf2) =	vadd.scan.msk.f32 $0xffff, v48  }
0x1ee: {  	v39, _, _ =	vpop (xrf2);
	(xrf2) =	vadd.scan.msk.f32 $0xffff, v3;
	v3 =	vld [tilespmem:$0x1E6C0]  }
0x1ef: {  	v17 =	vld [tilespmem:$0x1E6D0];
	v40, _, _ =	vpop (xrf2);
	(xrf2) =	vadd.scan.msk.f32 $0xffff, v49  }
0x1f0: {  	v53 =	vld [tilespmem:$0x1E6E0];
	v27, _, _ =	vpop (xrf2);
	(xrf2) =	vadd.scan.msk.f32 $0xffff, v50  }
0x1f1: {  	v19 =	vld [tilespmem:$0x1E6F0];
	v25, _, _ =	vpop (xrf2);
	(xrf2) =	vadd.scan.msk.f32 $0xffff, v51  }
0x1f2: {  	v54 =	vld [tilespmem:$0x1E700];
	v23, _, _ =	vpop (xrf2);
	(xrf2) =	vadd.scan.msk.f32 $0xffff, v52  }
0x1f3: {  	v55 =	vld [tilespmem:$0x1E710];
	v20, _, _ =	vpop (xrf2);
	(xrf2) =	vadd.scan.msk.f32 $0xffff, v3  }
0x1f4: {  	v56 =	vld [tilespmem:$0x1E720];
	v11, _, _ =	vpop (xrf2);
	(xrf2) =	vadd.scan.msk.f32 $0xffff, v17  }
0x1f5: {  	v57 =	vld [tilespmem:$0x1E730];
	v10, _, _ =	vpop (xrf2);
	(xrf2) =	vadd.scan.msk.f32 $0xffff, v53  }
0x1f6: {  	v58 =	vld [tilespmem:$0x1E740];
	v6, _, _ =	vpop (xrf2);
	(xrf2) =	vadd.scan.msk.f32 $0xffff, v19  }
0x1f7: {  	v59 =	vld [tilespmem:$0x1E750];
	v5, _, _ =	vpop (xrf2);
	(xrf2) =	vadd.scan.msk.f32 $0xffff, v54  }
0x1f8: {  	v60 =	vld [tilespmem:$0x1E760];
	v3, _, _ =	vpop (xrf2);
	(xrf2) =	vadd.scan.msk.f32 $0xffff, v55  }
0x1f9: {  	v61 =	vld [tilespmem:$0x1E770];
	v41, _, _ =	vpop (xrf2);
	(xrf2) =	vadd.scan.msk.f32 $0xffff, v56  }
0x1fa: {  	v43 =	vld [tilespmem:$0x1E780];
	v42, _, _ =	vpop (xrf2);
	(xrf2) =	vadd.scan.msk.f32 $0xffff, v57  }
0x1fb: {  	v62 =	vld [tilespmem:$0x1E790];
	v44, _, _ =	vpop (xrf2);
	(xrf2) =	vadd.scan.msk.f32 $0xffff, v58  }
0x1fc: {  	v45 =	vld [tilespmem:$0x1E7A0];
	v28, _, _ =	vpop (xrf2);
	(xrf2) =	vadd.scan.msk.f32 $0xffff, v59  }
0x1fd: {  	v7 =	vbroadcast v7, $0xF;
	v12 =	vbroadcast v63, $0xF;
	v46 =	vld [tilespmem:$0x1E7B0];
	v26, _, _ =	vpop (xrf2);
	(xrf2) =	vadd.scan.msk.f32 $0xffff, v60  }
0x1fe: {  	v13 =	vbroadcast v13, $0xF;
	v47 =	vld [tilespmem:$0x1E7C0];
	v24, _, _ =	vpop (xrf2);
	(xrf2) =	vadd.scan.msk.f32 $0xffff, v61  }
0x1ff: {  	v63 =	vld [tilespmem:$0x1E7D0];
	v7 =	vsel vm0, v7, v12;
	v51 =	vbroadcast v15, $0xF;
	v22, _, _ =	vpop (xrf2);
	(xrf2) =	vadd.scan.msk.f32 $0xffff, v43  }
0x200: {  	v7 =	vsel vm1, v7, v13;
	v48 =	vld [tilespmem:$0x1E7E0];
	v53 =	vbroadcast v16, $0xF;
	v21, _, _ =	vpop (xrf2);
	(xrf2) =	vadd.scan.msk.f32 $0xffff, v62  }
0x201: {  	v52 =	vld [tilespmem:$0x1E7F0];
	v7 =	vsel vm2, v7, v51;
	v55 =	vbroadcast v29, $0xF;
	v19, _, _ =	vpop (xrf2);
	(xrf2) =	vadd.scan.msk.f32 $0xffff, v45  }
0x202: {  	v31 =	vbroadcast v31, $0xF;
	v54 =	vld [tilespmem:$0x1E800];
	v7 =	vsel vm3, v7, v53;
	v57 =	vbroadcast v30, $0xF;
	v17, _, _ =	vpop (xrf2);
	(xrf2) =	vadd.scan.msk.f32 $0xffff, v46  }
0x203: {  	v32 =	vbroadcast v32, $0xF;
	v33 =	vbroadcast v33, $0xF;
	v56 =	vld [tilespmem:$0x1E810];
	v7 =	vsel vm4, v7, v55;
	v16, _, _ =	vpop (xrf2);
	(xrf2) =	vadd.scan.msk.f32 $0xffff, v47  }
0x204: {  	v18 =	vbroadcast v18, $0xF;
	v14 =	vbroadcast v14, $0xF;
	v58 =	vld [tilespmem:$0x1E820];
	v7 =	vsel vm5, v7, v57;
	v15, _, _ =	vpop (xrf2);
	(xrf2) =	vadd.scan.msk.f32 $0xffff, v63  }
0x205: {  	v9 =	vbroadcast v9, $0xF;
	v8 =	vbroadcast v8, $0xF;
	v59 =	vld [tilespmem:$0x1E830];
	v12, _, _ =	vpop (xrf2);
	(xrf2) =	vadd.scan.msk.f32 $0xffff, v48  }
0x206: {  	v50 =	vbroadcast v36, $0xF;
	v27 =	vbroadcast v27, $0xF;
	v60 =	vld [tilespmem:$0x1E840];
	v13, _, _ =	vpop (xrf2);
	(xrf2) =	vadd.scan.msk.f32 $0xffff, v52  }
0x207: {  	v25 =	vbroadcast v25, $0xF;
	v31 =	vsel vm6, v7, v31;
	v61 =	vld [tilespmem:$0x1E850];
	v62 =	vbroadcast v2, $0xF;
	v7, _, _ =	vpop (xrf2);
	(xrf2) =	vadd.scan.msk.f32 $0xffff, v54  }
0x208: {  	v47 =	vbroadcast v34, $0xF;
	v63 =	vld [tilespmem:$0x1E860];
	v48 =	vbroadcast v35, $0xF;
	v2, _, _ =	vpop (xrf2);
	(xrf2) =	vadd.scan.msk.f32 $0xffff, v56  }
0x209: {  	v49 =	vld [tilespmem:$0x1E870];
	v23 =	vbroadcast v23, $0xF;
	v6 =	vbroadcast v6, $0xF;
	v31 =	vsel vm7, v31, v32;
	v35, _, _ =	vpop (xrf2);
	(xrf2) =	vadd.scan.msk.f32 $0xffff, v58  }
0x20a: {  	v51 =	vld [tilespmem:$0x1E880];
	v31 =	vsel vm8, v31, v33;
	v52 =	vbroadcast v37, $0xF;
	v33 =	vsel vm0, v47, v48;
	v36, _, _ =	vpop (xrf2);
	(xrf2) =	vadd.scan.msk.f32 $0xffff, v59  }
0x20b: {  	v53 =	vld [tilespmem:$0x1E890];
	v5 =	vbroadcast v5, $0xF;
	v54 =	vbroadcast v38, $0xF;
	v32 =	vsel vm1, v33, v50;
	v37, _, _ =	vpop (xrf2);
	(xrf2) =	vadd.scan.msk.f32 $0xffff, v60  }
0x20c: {  	v55 =	vld [tilespmem:$0x1E8A0];
	v57 =	vbroadcast v39, $0xF;
	v31 =	vsel vm9, v31, v62;
	v56 =	vsel vm2, v32, v52;
	v38, _, _ =	vpop (xrf2);
	(xrf2) =	vadd.scan.msk.f32 $0xffff, v61  }
0x20d: {  	v18 =	vsel vm10, v31, v18;
	v58 =	vld [tilespmem:$0x1E8B0];
	v59 =	vsel vm3, v56, v54;
	v60 =	vbroadcast v40, $0xF;
	v34, _, _ =	vpop (xrf2);
	(xrf2) =	vadd.scan.msk.f32 $0xffff, v63  }
0x20e: {  	v24 =	vbroadcast v24, $0xF;
	v14 =	vsel vm11, v18, v14;
	v18 =	vsel vm4, v59, v57;
	v61 =	vld [tilespmem:$0x1E8C0];
	v33, _, _ =	vpop (xrf2);
	(xrf2) =	vadd.scan.msk.f32 $0xffff, v49  }
0x20f: {  	v22 =	vbroadcast v22, $0xF;
	v21 =	vbroadcast v21, $0xF;
	v62 =	vld [tilespmem:$0x1E8D0];
	v18 =	vsel vm5, v18, v60;
	v32, _, _ =	vpop (xrf2);
	(xrf2) =	vadd.scan.msk.f32 $0xffff, v51  }
0x210: {  	v19 =	vbroadcast v19, $0xF;
	v17 =	vbroadcast v17, $0xF;
	v9 =	vsel vm12, v14, v9;
	v63 =	vld [tilespmem:$0x1E8E0];
	v31, _, _ =	vpop (xrf2);
	(xrf2) =	vadd.scan.msk.f32 $0xffff, v53  }
0x211: {  	v46 =	vld [tilespmem:$0x1E8F0];
	v16 =	vbroadcast v16, $0xF;
	v8 =	vsel vm13, v9, v8;
	v45 =	vsel vm6, v18, v27;
	v27, _, _ =	vpop (xrf2);
	(xrf2) =	vadd.scan.msk.f32 $0xffff, v55  }
0x212: {  	v48 =	vbroadcast v20, $0xF;
	v50 =	vbroadcast v41, $0xF;
	v49 =	vld [tilespmem:$0x1E900];
	v47 =	vsel vm7, v45, v25;
	v18, _, _ =	vpop (xrf2);
	(xrf2) =	vadd.scan.msk.f32 $0xffff, v58  }
0x213: {  	v52 =	vld [tilespmem:$0x1E910];
	v56 =	vbroadcast v11, $0xF;
	v51 =	vbroadcast v42, $0xF;
	v9 =	vsel vm8, v47, v23;
	v29, _, _ =	vpop (xrf2);
	(xrf2) =	vadd.scan.msk.f32 $0xffff, v61  }
0x214: {  	v4 =	vsel vm14, v8, v4;
	v54 =	vbroadcast v44, $0xF;
	v53 =	vsel vm9, v9, v48;
	v55 =	vld [tilespmem:$0x1E920];
	v14, _, _ =	vpop (xrf2);
	(xrf2) =	vadd.scan.msk.f32 $0xffff, v62  }
0x215: {  	v57 =	vbroadcast v28, $0xF;
	v23 =	vsel vm0, v50, v51;
	v58 =	vld [tilespmem:$0x1E930];
	v8 =	vsel vm10, v53, v56;
	v11, _, _ =	vpop (xrf2);
	(xrf2) =	vadd.scan.msk.f32 $0xffff, v63  }
0x216: {  	v59 =	vbroadcast v10, $0xF;
	v60 =	vsel vm1, v23, v54;
	v61 =	vbroadcast v26, $0xF;
	v62 =	vld [tilespmem:$0x1E940];
	v9, _, _ =	vpop (xrf2);
	(xrf2) =	vadd.scan.msk.f32 $0xffff, v46  }
0x217: {  	v39 =	vbroadcast v15, $0xF;
	v13 =	vbroadcast v13, $0xF;
	v25 =	vsel vm2, v60, v57;
	v63 =	vld [tilespmem:$0x1E950];
	v10, _, _ =	vpop (xrf2);
	(xrf2) =	vadd.scan.msk.f32 $0xffff, v49  }
0x218: {  	v7 =	vbroadcast v7, $0xF;
	v44 =	vld [tilespmem:$0x1E960];
	v40 =	vsel vm11, v8, v59;
	v23 =	vsel vm3, v25, v61;
	v8, _, _ =	vpop (xrf2);
	(xrf2) =	vadd.scan.msk.f32 $0xffff, v52  }
0x219: {  	v41 =	vbroadcast v35, $0xF;
	v45 =	vld [tilespmem:$0x1E970];
	v42 =	vbroadcast v36, $0xF;
	v23 =	vsel vm4, v23, v24;
	v24, _, _ =	vpop (xrf2);
	(xrf2) =	vadd.scan.msk.f32 $0xffff, v55  }
0x21a: {  	v47 =	vld [tilespmem:$0x1E980];
	v50 =	vbroadcast v12, $0xF;
	v51 =	vbroadcast v37, $0xF;
	v22 =	vsel vm5, v23, v22;
	v46, _, _ =	vpop (xrf2);
	(xrf2) =	vadd.scan.msk.f32 $0xffff, v58  }
0x21b: {  	v53 =	vbroadcast v38, $0xF;
	v56 =	vbroadcast v34, $0xF;
	v61 =	vld [tilespmem:$0x1E990];
	v21 =	vsel vm6, v22, v21;
	v48, _, _ =	vpop (xrf2);
	(xrf2) =	vadd.scan.msk.f32 $0xffff, v62  }
0x21c: {  	v27 =	vbroadcast v27, $0xF;
	v6 =	vsel vm12, v40, v6;
	v62 =	vsel vm7, v21, v19;
	v19, _, _ =	vpop (xrf2);
	(xrf2) =	vadd.scan.msk.f32 $0xffff, v63;
	v63 =	vld [tilespmem:$0x1E9A0]  }
0x21d: {  	v60 =	vbroadcast v32, $0xF;
	v40 =	vld [tilespmem:$0x1E9B0];
	v5 =	vsel vm13, v6, v5;
	v21 =	vsel vm8, v62, v17;
	v15, _, _ =	vpop (xrf2);
	(xrf2) =	vadd.scan.msk.f32 $0xffff, v44  }
0x21e: {  	v3 =	vsel vm14, v5, v3;
	v49 =	vld [tilespmem:$0x1E9C0];
	v5 =	vsel vm9, v21, v16;
	v16 =	vsel vm0, v41, v42;
	v43, _, _ =	vpop (xrf2);
	(xrf2) =	vadd.scan.msk.f32 $0xffff, v45  }
0x21f: {  	v18 =	vbroadcast v18, $0xF;
	v14 =	vbroadcast v14, $0xF;
	v52 =	vld [tilespmem:$0x1E9D0];
	v35, _, _ =	vpop (xrf2);
	(xrf2) =	vadd.scan.msk.f32 $0xffff, v47  }
0x220: {  	v54 =	vld [tilespmem:$0x1E9E0];
	v11 =	vbroadcast v11, $0xF;
	v9 =	vbroadcast v9, $0xF;
	v36, _, _ =	vpop (xrf2);
	(xrf2) =	vadd.scan.msk.f32 $0xffff, v61  }
0x221: {  	v57 =	vld [tilespmem:$0x1E9F0];
	v10 =	vbroadcast v10, $0xF;
	v58 =	vbroadcast v33, $0xF;
	v55 =	vsel vm1, v16, v51;
	v16, _, _ =	vpop (xrf2);
	(xrf2) =	vadd.scan.msk.f32 $0xffff, v63  }
0x222: {  	v59 =	vld [tilespmem:$0x1EA00];
	v23 =	vbroadcast v46, $0xF;
	v62 =	vbroadcast v31, $0xF;
	v21, _, _ =	vpop (xrf2);
	(xrf2) =	vadd.scan.msk.f32 $0xffff, v40  }
0x223: {  	v48 =	vbroadcast v48, $0xF;
	v5 =	vsel vm10, v5, v39;
	v45 =	vbroadcast v24, $0xF;
	v61 =	vld [tilespmem:$0x1EA10];
	v32, _, _ =	vpop (xrf2);
	(xrf2) =	vadd.scan.msk.f32 $0xffff, v49  }
0x224: {  	v44 =	vld [tilespmem:$0x1EA20];
	v19 =	vbroadcast v19, $0xF;
	v5 =	vsel vm11, v5, v50;
	v6 =	vsel vm2, v55, v53;
	v63, _, _ =	vpop (xrf2);
	(xrf2) =	vadd.scan.msk.f32 $0xffff, v52  }
0x225: {  	v47 =	vld [tilespmem:$0x1EA30];
	v53 =	vbroadcast v15, $0xF;
	v5 =	vsel vm12, v5, v13;
	v12 =	vsel vm0, v45, v23;
	v46, _, _ =	vpop (xrf2);
	(xrf2) =	vadd.scan.msk.f32 $0xffff, v54  }
0x226: {  	v50 =	vld [tilespmem:$0x1EA40];
	v55 =	vbroadcast v29, $0xF;
	v5 =	vsel vm13, v5, v7;
	v7 =	vsel vm1, v12, v48;
	v49, _, _ =	vpop (xrf2);
	(xrf2) =	vadd.scan.msk.f32 $0xffff, v57  }
0x227: {  	v6 =	vsel vm3, v6, v56;
	v56 =	vbroadcast v43, $0xF;
	v7 =	vsel vm2, v7, v19;
	v52 =	vld [tilespmem:$0x1EA50];
	v51, _, _ =	vpop (xrf2);
	(xrf2) =	vadd.scan.msk.f32 $0xffff, v59  }
0x228: {  	v6 =	vsel vm4, v6, v58;
	v7 =	vsel vm3, v7, v53;
	v57 =	vbroadcast v35, $0xF;
	v54, _, _ =	vpop (xrf2);
	(xrf2) =	vadd.scan.msk.f32 $0xffff, v61  }
0x229: {  	v58 =	vbroadcast v36, $0xF;
	v6 =	vsel vm5, v6, v60;
	v7 =	vsel vm4, v7, v56;
	v41, _, _ =	vpop (xrf2);
	(xrf2) =	vadd.scan.msk.f32 $0xffff, v44  }
0x22a: {  	v6 =	vsel vm6, v6, v62;
	v59 =	vbroadcast v16, $0xF;
	v7 =	vsel vm5, v7, v57;
	v34, _, _ =	vpop (xrf2);
	(xrf2) =	vadd.scan.msk.f32 $0xffff, v47  }
0x22b: {  	v60 =	vbroadcast v21, $0xF;
	v6 =	vsel vm7, v6, v27;
	v7 =	vsel vm6, v7, v58;
	v36, _, _ =	vpop (xrf2);
	(xrf2) =	vadd.scan.msk.f32 $0xffff, v50  }
0x22c: {  	v6 =	vsel vm8, v6, v18;
	v61 =	vbroadcast v32, $0xF;
	v7 =	vsel vm7, v7, v59;
	v37, _, _ =	vpop (xrf2);
	(xrf2) =	vadd.scan.msk.f32 $0xffff, v52  }
0x22d: {  	v62 =	vbroadcast v63, $0xF;
	v6 =	vsel vm9, v6, v55;
	v7 =	vsel vm8, v7, v60;
	v38, _, _ =	vpop (xrf2)  }
0x22e: {  	v63 =	vbroadcast v46, $0xF;
	v6 =	vsel vm10, v6, v14;
	v7 =	vsel vm9, v7, v61;
	v35, _, _ =	vpop (xrf2)  }
0x22f: {  	v13 =	vbroadcast v49, $0xF;
	v6 =	vsel vm11, v6, v11;
	v7 =	vsel vm10, v7, v62;
	v33, _, _ =	vpop (xrf2)  }
0x230: {  	v17 =	vbroadcast v51, $0xF;
	v14 =	vsel vm12, v6, v9;
	v16 =	vsel vm11, v7, v63;
	v30, _, _ =	vpop (xrf2)  }
0x231: {  	[tilespmem:$0x1F490] =	vst v3;
	v2 =	vsel vm14, v5, v2;
	v3 =	vsel vm13, v14, v10;
	v18 =	vsel vm12, v16, v13;
	v22, _, _ =	vpop (xrf2)  }
0x232: {  	[tilespmem:$0x1F4A0] =	vst v2;
	v2 =	vsel vm14, v3, v8;
	v3 =	vsel vm13, v18, v17;
	v23, _, _ =	vpop (xrf2)  }
0x233: {  	[tilespmem:$0x1F4B0] =	vst v2;
	v2 =	vsel vm14, v3, v54;
	v29, _, _ =	vpop (xrf2)  }
0x234: {  	v17, _, _ =	vpop (xrf2)  }
0x235: {  	v3, _, _ =	vpop (xrf2)  }
0x236: {  	[tilespmem:$0x1F4C0] =	vst v2;
	v2, _, _ =	vpop (xrf2)  }
0x237: {  	[tilespmem:$0x1FF70] =	vst v2;
	v2 =	vld [tilespmem:$0x1EA60]  }
0x238: {  	[tilespmem:$0x1FF60] =	vst v3;
	v3 =	vld [tilespmem:$0x1EA70]  }
0x239: {  	v19 =	vld [tilespmem:$0x1EA80]  }
0x23a: {  	v20 =	vld [tilespmem:$0x1EA90]  }
0x23b: {  	v21 =	vld [tilespmem:$0x1EAA0]  }
0x23c: {  	(xrf2) =	vadd.scan.msk.f32 $0xffff, v2;
	v2 =	vld [tilespmem:$0x1EAB0]  }
0x23d: {  	(xrf2) =	vadd.scan.msk.f32 $0xffff, v3;
	v3 =	vld [tilespmem:$0x1EAC0]  }
0x23e: {  	(xrf2) =	vadd.scan.msk.f32 $0xffff, v19  }
0x23f: {  	v24 =	vld [tilespmem:$0x1EAD0];
	(xrf2) =	vadd.scan.msk.f32 $0xffff, v20  }
0x240: {  	v25 =	vld [tilespmem:$0x1EAE0];
	(xrf2) =	vadd.scan.msk.f32 $0xffff, v21  }
0x241: {  	v26 =	vld [tilespmem:$0x1EAF0];
	(xrf2) =	vadd.scan.msk.f32 $0xffff, v2  }
0x242: {  	[tilespmem:$0x1F480] =	vst v4;
	v2 =	vld [tilespmem:$0x1EB00];
	(xrf2) =	vadd.scan.msk.f32 $0xffff, v3  }
0x243: {  	v3 =	vld [tilespmem:$0x1EB10]  }
0x244: {  	(xrf2) =	vadd.scan.msk.f32 $0xffff, v24;
	v27 =	vld [tilespmem:$0x1EB20]  }
0x245: {  	v28 =	vld [tilespmem:$0x1EB30];
	(xrf2) =	vadd.scan.msk.f32 $0xffff, v25  }
0x246: {  	v31 =	vld [tilespmem:$0x1EB40];
	(xrf2) =	vadd.scan.msk.f32 $0xffff, v26  }
0x247: {  	v32 =	vld [tilespmem:$0x1EB50];
	v20, _, _ =	vpop (xrf2);
	(xrf2) =	vadd.scan.msk.f32 $0xffff, v2  }
0x248: {  	v39 =	vld [tilespmem:$0x1EB60];
	v2, _, _ =	vpop (xrf2);
	(xrf2) =	vadd.scan.msk.f32 $0xffff, v3  }
0x249: {  	v40 =	vld [tilespmem:$0x1EB70];
	v14, _, _ =	vpop (xrf2);
	(xrf2) =	vadd.scan.msk.f32 $0xffff, v27  }
0x24a: {  	v42 =	vld [tilespmem:$0x1EB80];
	v8, _, _ =	vpop (xrf2);
	(xrf2) =	vadd.scan.msk.f32 $0xffff, v28  }
0x24b: {  	v43 =	vld [tilespmem:$0x1EB90];
	v10, _, _ =	vpop (xrf2);
	(xrf2) =	vadd.scan.msk.f32 $0xffff, v31  }
0x24c: {  	v44 =	vld [tilespmem:$0x1EBA0];
	v15, _, _ =	vpop (xrf2);
	(xrf2) =	vadd.scan.msk.f32 $0xffff, v32  }
0x24d: {  	v45 =	vld [tilespmem:$0x1EBB0];
	v16, _, _ =	vpop (xrf2);
	(xrf2) =	vadd.scan.msk.f32 $0xffff, v39  }
0x24e: {  	v46 =	vld [tilespmem:$0x1EBC0];
	v62, _, _ =	vpop (xrf2);
	(xrf2) =	vadd.scan.msk.f32 $0xffff, v40  }
0x24f: {  	v47 =	vld [tilespmem:$0x1EBD0];
	v59, _, _ =	vpop (xrf2);
	(xrf2) =	vadd.scan.msk.f32 $0xffff, v42  }
0x250: {  	v58 =	vld [tilespmem:$0x1EBE0];
	v57, _, _ =	vpop (xrf2);
	(xrf2) =	vadd.scan.msk.f32 $0xffff, v43  }
0x251: {  	v60 =	vld [tilespmem:$0x1EBF0];
	v55, _, _ =	vpop (xrf2);
	(xrf2) =	vadd.scan.msk.f32 $0xffff, v44  }
0x252: {  	v61 =	vld [tilespmem:$0x1EC00];
	v53, _, _ =	vpop (xrf2);
	(xrf2) =	vadd.scan.msk.f32 $0xffff, v45  }
0x253: {  	v63 =	vld [tilespmem:$0x1EC10];
	v48, _, _ =	vpop (xrf2);
	(xrf2) =	vadd.scan.msk.f32 $0xffff, v46  }
0x254: {  	v18 =	vld [tilespmem:$0x1EC20];
	v27, _, _ =	vpop (xrf2);
	(xrf2) =	vadd.scan.msk.f32 $0xffff, v47  }
0x255: {  	v19 =	vld [tilespmem:$0x1EC30];
	v25, _, _ =	vpop (xrf2);
	(xrf2) =	vadd.scan.msk.f32 $0xffff, v58  }
0x256: {  	v21 =	vld [tilespmem:$0x1EC40];
	[tilespmem:$0x1FF80] =	vst v2;
	v2, _, _ =	vpop (xrf2);
	(xrf2) =	vadd.scan.msk.f32 $0xffff, v60  }
0x257: {  	v24 =	vld [tilespmem:$0x1EC50];
	[tilespmem:$0x1FF90] =	vst v2;
	v2, _, _ =	vpop (xrf2);
	(xrf2) =	vadd.scan.msk.f32 $0xffff, v61  }
0x258: {  	v26 =	vld [tilespmem:$0x1EC60];
	[tilespmem:$0x1FFA0] =	vst v2;
	v2, _, _ =	vpop (xrf2);
	(xrf2) =	vadd.scan.msk.f32 $0xffff, v63  }
0x259: {  	v28 =	vld [tilespmem:$0x1EC70];
	v61, _, _ =	vpop (xrf2);
	(xrf2) =	vadd.scan.msk.f32 $0xffff, v18  }
0x25a: {  	v31 =	vld [tilespmem:$0x1EC80];
	v63, _, _ =	vpop (xrf2);
	(xrf2) =	vadd.scan.msk.f32 $0xffff, v19  }
0x25b: {  	v32 =	vld [tilespmem:$0x1EC90];
	v60, _, _ =	vpop (xrf2);
	(xrf2) =	vadd.scan.msk.f32 $0xffff, v21  }
0x25c: {  	v39 =	vld [tilespmem:$0x1ECA0];
	v58, _, _ =	vpop (xrf2);
	(xrf2) =	vadd.scan.msk.f32 $0xffff, v24  }
0x25d: {  	v18 =	vld [tilespmem:$0x1ECB0];
	v56, _, _ =	vpop (xrf2);
	(xrf2) =	vadd.scan.msk.f32 $0xffff, v26  }
0x25e: {  	v19 =	vld [tilespmem:$0x1ECC0];
	v51, _, _ =	vpop (xrf2);
	(xrf2) =	vadd.scan.msk.f32 $0xffff, v28  }
0x25f: {  	v24 =	vld [tilespmem:$0x1ECD0];
	v49, _, _ =	vpop (xrf2);
	(xrf2) =	vadd.scan.msk.f32 $0xffff, v31  }
0x260: {  	v26 =	vld [tilespmem:$0x1ECE0];
	v46, _, _ =	vpop (xrf2);
	(xrf2) =	vadd.scan.msk.f32 $0xffff, v32  }
0x261: {  	v44 =	vld [tilespmem:$0x1ECF0];
	v42, _, _ =	vpop (xrf2);
	(xrf2) =	vadd.scan.msk.f32 $0xffff, v39  }
0x262: {  	v45 =	vld [tilespmem:$0x1ED00];
	v39, _, _ =	vpop (xrf2);
	(xrf2) =	vadd.scan.msk.f32 $0xffff, v18  }
0x263: {  	v47 =	vld [tilespmem:$0x1ED10];
	v31, _, _ =	vpop (xrf2);
	(xrf2) =	vadd.scan.msk.f32 $0xffff, v19  }
0x264: {  	v50 =	vld [tilespmem:$0x1ED20];
	v19, _, _ =	vpop (xrf2);
	(xrf2) =	vadd.scan.msk.f32 $0xffff, v24  }
0x265: {  	v28 =	vld [tilespmem:$0x1ED30];
	v18, _, _ =	vpop (xrf2);
	(xrf2) =	vadd.scan.msk.f32 $0xffff, v26  }
0x266: {  	v40 =	vld [tilespmem:$0x1ED40];
	v11, _, _ =	vpop (xrf2);
	(xrf2) =	vadd.scan.msk.f32 $0xffff, v44  }
0x267: {  	v43 =	vld [tilespmem:$0x1ED50];
	v9, _, _ =	vpop (xrf2);
	(xrf2) =	vadd.scan.msk.f32 $0xffff, v45  }
0x268: {  	v13 =	vld [tilespmem:$0x1ED60];
	[tilespmem:$0x1FFB0] =	vst v2;
	v2, _, _ =	vpop (xrf2);
	(xrf2) =	vadd.scan.msk.f32 $0xffff, v47  }
0x269: {  	v32 =	vld [tilespmem:$0x1ED70];
	v52, _, _ =	vpop (xrf2);
	(xrf2) =	vadd.scan.msk.f32 $0xffff, v50  }
0x26a: {  	v54, _, _ =	vpop (xrf2);
	(xrf2) =	vadd.scan.msk.f32 $0xffff, v28;
	v28 =	vld [tilespmem:$0x1ED80]  }
0x26b: {  	v26 =	vld [tilespmem:$0x1ED90];
	v50, _, _ =	vpop (xrf2);
	(xrf2) =	vadd.scan.msk.f32 $0xffff, v40  }
0x26c: {  	v21 =	vld [tilespmem:$0x1EDA0];
	v47, _, _ =	vpop (xrf2);
	(xrf2) =	vadd.scan.msk.f32 $0xffff, v43  }
0x26d: {  	v43, _, _ =	vpop (xrf2);
	(xrf2) =	vadd.scan.msk.f32 $0xffff, v13;
	v13 =	vld [tilespmem:$0x1EDB0]  }
0x26e: {  	v7 =	vld [tilespmem:$0x1EDC0];
	v40, _, _ =	vpop (xrf2);
	(xrf2) =	vadd.scan.msk.f32 $0xffff, v32  }
0x26f: {  	v44 =	vld [tilespmem:$0x1EDD0];
	v32, _, _ =	vpop (xrf2);
	(xrf2) =	vadd.scan.msk.f32 $0xffff, v28  }
0x270: {  	v6 =	vld [tilespmem:$0x1EDE0];
	v28, _, _ =	vpop (xrf2);
	(xrf2) =	vadd.scan.msk.f32 $0xffff, v26  }
0x271: {  	v45 =	vld [tilespmem:$0x1EDF0];
	v26, _, _ =	vpop (xrf2);
	(xrf2) =	vadd.scan.msk.f32 $0xffff, v21  }
0x272: {  	[tilespmem:$0x1FFC0] =	vst v2;
	v2 =	vld [tilespmem:$0x1EE00];
	v24, _, _ =	vpop (xrf2);
	(xrf2) =	vadd.scan.msk.f32 $0xffff, v13  }
0x273: {  	v3 =	vld [tilespmem:$0x1EE10];
	v21, _, _ =	vpop (xrf2);
	(xrf2) =	vadd.scan.msk.f32 $0xffff, v7  }
0x274: {  	(xrf2) =	vadd.scan.msk.f32 $0xffff, v44;
	v13, _, _ =	vpop (xrf2);
	v44 =	vld [tilespmem:$0x1EE20]  }
0x275: {  	(xrf2) =	vadd.scan.msk.f32 $0xffff, v6;
	v12, _, _ =	vpop (xrf2)  }
0x276: {  	v4 =	vld [tilespmem:$0x1EE30];
	(xrf2) =	vadd.scan.msk.f32 $0xffff, v45;
	v45, _, _ =	vpop (xrf2)  }
0x277: {  	[tilespmem:$0x1FFD0] =	vst v45;
	v45 =	vld [tilespmem:$0x1EE40];
	(xrf2) =	vadd.scan.msk.f32 $0xffff, v2;
	v2, _, _ =	vpop (xrf2)  }
0x278: {  	[tilespmem:$0x1FFE0] =	vst v2;
	v2 =	vld [tilespmem:$0x1EE50];
	(xrf2) =	vadd.scan.msk.f32 $0xffff, v3;
	v3, _, _ =	vpop (xrf2)  }
0x279: {  	[tilespmem:$0x1FFF0] =	vst v3;
	v3 =	vld [tilespmem:$0x1EE60];
	(xrf2) =	vadd.scan.msk.f32 $0xffff, v44;
	v44 =	vbroadcast v41, $0xF  }
0x27a: {  	v34 =	vbroadcast v34, $0xF;
	v5 =	vld [tilespmem:$0x1EE70]  }
0x27b: {  	v36 =	vbroadcast v36, $0xF;
	v37 =	vbroadcast v37, $0xF;
	v41, _, _ =	vpop (xrf2);
	(xrf2) =	vadd.scan.msk.f32 $0xffff, v4;
	v4 =	vld [tilespmem:$0x1EE80]  }
0x27c: {  	v7, _, _ =	vpop (xrf2);
	v34 =	vsel vm0, v44, v34;
	(xrf2) =	vadd.scan.msk.f32 $0xffff, v45;
	v45 =	vld [tilespmem:$0x1EE90]  }
0x27d: {  	v34 =	vsel vm1, v34, v36;
	v36 =	vld [tilespmem:$0x1EEA0];
	v44, _, _ =	vpop (xrf2);
	(xrf2) =	vadd.scan.msk.f32 $0xffff, v2;
	v2 =	vbroadcast v38, $0xF  }
0x27e: {  	v6 =	vld [tilespmem:$0x1EEB0];
	v34 =	vsel vm2, v34, v37;
	v38, _, _ =	vpop (xrf2);
	(xrf2) =	vadd.scan.msk.f32 $0xffff, v3;
	v3 =	vbroadcast v35, $0xF  }
0x27f: {  	v33 =	vbroadcast v33, $0xF;
	v37, _, _ =	vpop (xrf2);
	v2 =	vsel vm3, v34, v2;
	(xrf2) =	vadd.scan.msk.f32 $0xffff, v5;
	v34 =	vld [tilespmem:$0x1EEC0]  }
0x280: {  	v2 =	vsel vm4, v2, v3;
	(xrf2) =	vadd.scan.msk.f32 $0xffff, v4;
	v3 =	vbroadcast v30, $0xF;
	v4 =	vld [tilespmem:$0x1EED0]  }
0x281: {  	v22 =	vbroadcast v22, $0xF;
	v5, _, _ =	vpop (xrf2);
	v2 =	vsel vm5, v2, v33;
	(xrf2) =	vadd.scan.msk.f32 $0xffff, v45  }
0x282: {  	v35, _, _ =	vpop (xrf2);
	v2 =	vsel vm6, v2, v3;
	(xrf2) =	vadd.scan.msk.f32 $0xffff, v36;
	v3 =	vbroadcast v23, $0xF  }
0x283: {  	v30 =	vld [tilespmem:$0x1EEE0];
	v45, _, _ =	vpop (xrf2);
	v2 =	vsel vm7, v2, v22;
	(xrf2) =	vadd.scan.msk.f32 $0xffff, v6  }
0x284: {  	v8 =	vbroadcast v8, $0xF;
	v36 =	vld [tilespmem:$0x1EEF0];
	v33, _, _ =	vpop (xrf2);
	v2 =	vsel vm8, v2, v3;
	(xrf2) =	vadd.scan.msk.f32 $0xffff, v34;
	v3 =	vbroadcast v14, $0xF  }
0x285: {  	v23 =	vld [tilespmem:$0x1EF00];
	v6 =	vbroadcast v29, $0xF;
	v29, _, _ =	vpop (xrf2);
	(xrf2) =	vadd.scan.msk.f32 $0xffff, v4;
	v4 =	vbroadcast v10, $0xF  }
0x286: {  	v10 =	vbroadcast v15, $0xF;
	v15 =	vld [tilespmem:$0x1FF60];
	v3 =	vsel vm0, v3, v8  }
0x287: {  	v16 =	vbroadcast v16, $0xF;
	v14 =	vld [tilespmem:$0x1EF10];
	v3 =	vsel vm1, v3, v4  }
0x288: {  	v2 =	vsel vm9, v2, v6;
	v6 =	vld [tilespmem:$0x1EF20];
	v3 =	vsel vm2, v3, v10  }
0x289: {  	v34, _, _ =	vpop (xrf2);
	v3 =	vsel vm3, v3, v16;
	v16 =	vld [tilespmem:$0x1FF70]  }
0x28a: {  	v22, _, _ =	vpop (xrf2);
	(xrf2) =	vadd.scan.msk.f32 $0xffff, v30;
	v8 =	vbroadcast v17, $0xF;
	v17 =	vld [tilespmem:$0x1EF30];
	v10 =	vbroadcast v62, $0xF  }
0x28b: {  	v30, _, _ =	vpop (xrf2);
	(xrf2) =	vadd.scan.msk.f32 $0xffff, v36;
	v4 =	vbroadcast v15, $0xF;
	v15 =	vld [tilespmem:$0x1EF40]  }
0x28c: {  	v36, _, _ =	vpop (xrf2);
	v2 =	vsel vm10, v2, v8;
	(xrf2) =	vadd.scan.msk.f32 $0xffff, v23;
	v62 =	vld [tilespmem:$0x1EF50];
	v3 =	vsel vm4, v3, v10  }
0x28d: {  	v23, _, _ =	vpop (xrf2);
	(xrf2) =	vadd.scan.msk.f32 $0xffff, v14;
	v14 =	vld [tilespmem:$0x1EF60];
	v10 =	vbroadcast v57, $0xF;
	v2 =	vsel vm11, v2, v4;
	v4 =	vbroadcast v59, $0xF  }
0x28e: {  	v8, _, _ =	vpop (xrf2);
	(xrf2) =	vadd.scan.msk.f32 $0xffff, v6;
	v59 =	vbroadcast v55, $0xF;
	v6 =	vbroadcast v16, $0xF  }
0x28f: {  	v57, _, _ =	vpop (xrf2);
	(xrf2) =	vadd.scan.msk.f32 $0xffff, v17;
	v3 =	vsel vm5, v3, v4  }
0x290: {  	v17 =	vld [tilespmem:$0x1EFB0];
	v55, _, _ =	vpop (xrf2);
	v3 =	vsel vm6, v3, v10;
	(xrf2) =	vadd.scan.msk.f32 $0xffff, v15;
	v2 =	vsel vm12, v2, v6;
	v6 =	vbroadcast v53, $0xF  }
0x291: {  	v16 =	vld [tilespmem:$0x1EF70];
	v4 =	vbroadcast v20, $0xF;
	v53, _, _ =	vpop (xrf2);
	v3 =	vsel vm7, v3, v59;
	(xrf2) =	vadd.scan.msk.f32 $0xffff, v62  }
0x292: {  	v20 =	vld [tilespmem:$0x1EF80];
	v59, _, _ =	vpop (xrf2);
	(xrf2) =	vadd.scan.msk.f32 $0xffff, v14;
	v14 =	vbroadcast v63, $0xF;
	v3 =	vsel vm8, v3, v6;
	v6 =	vbroadcast v61, $0xF  }
0x293: {  	v10 =	vld [tilespmem:$0x1EF90];
	v2 =	vsel vm13, v2, v4;
	v4 =	vbroadcast v48, $0xF;
	v48 =	vbroadcast v60, $0xF  }
0x294: {  	v15 =	vld [tilespmem:$0x1EFA0];
	v6 =	vsel vm0, v6, v14;
	v14 =	vbroadcast v27, $0xF;
	v27 =	vbroadcast v58, $0xF  }
0x295: {  	v62 =	vld [tilespmem:$0x1EFD0];
	v3 =	vsel vm9, v3, v4;
	v4 =	vsel vm1, v6, v48;
	v48 =	vbroadcast v56, $0xF  }
0x296: {  	v63 =	vld [tilespmem:$0x1FF80];
	v6 =	vbroadcast v25, $0xF;
	v25 =	vbroadcast v51, $0xF;
	v4 =	vsel vm2, v4, v27  }
0x297: {  	v61, _, _ =	vpop (xrf2);
	(xrf2) =	vadd.scan.msk.f32 $0xffff, v16;
	v16 =	vld [tilespmem:$0x1EFC0];
	v4 =	vsel vm3, v4, v48  }
0x298: {  	v60, _, _ =	vpop (xrf2);
	v4 =	vsel vm4, v4, v25;
	v25 =	vld [tilespmem:$0x1FFA0]  }
0x299: {  	(xrf2) =	vadd.scan.msk.f32 $0xffff, v20;
	v58, _, _ =	vpop (xrf2);
	v20 =	vld [tilespmem:$0x1FF90]  }
0x29a: {  	(xrf2) =	vadd.scan.msk.f32 $0xffff, v10;
	v56, _, _ =	vpop (xrf2);
	v10 =	vld [tilespmem:$0x1F000];
	v3 =	vsel vm10, v3, v14  }
0x29b: {  	v2 =	vsel vm14, v2, v63;
	v63 =	vld [tilespmem:$0x1EFE0];
	(xrf2) =	vadd.scan.msk.f32 $0xffff, v15;
	v3 =	vsel vm11, v3, v6;
	v6 =	vbroadcast v49, $0xF;
	v27, _, _ =	vpop (xrf2)  }
0x29c: {  	v51 =	vbroadcast v39, $0xF;
	v15 =	vld [tilespmem:$0x1EFF0];
	v14 =	vbroadcast v46, $0xF;
	(xrf2) =	vadd.scan.msk.f32 $0xffff, v17;
	v48, _, _ =	vpop (xrf2)  }
0x29d: {  	v39 =	vld [tilespmem:$0x1F030];
	v4 =	vsel vm5, v4, v6;
	v6 =	vbroadcast v42, $0xF;
	v46, _, _ =	vpop (xrf2);
	(xrf2) =	vadd.scan.msk.f32 $0xffff, v16;
	v16 =	vbroadcast v25, $0xF  }
0x29e: {  	v49 =	vld [tilespmem:$0x1F010];
	v17 =	vbroadcast v20, $0xF;
	v4 =	vsel vm6, v4, v14  }
0x29f: {  	v42 =	vld [tilespmem:$0x1F020];
	v20, _, _ =	vpop (xrf2);
	(xrf2) =	vadd.scan.msk.f32 $0xffff, v62;
	v4 =	vsel vm7, v4, v6  }
0x2a0: {  	v3 =	vsel vm12, v3, v17;
	v6 =	vbroadcast v31, $0xF;
	(xrf2) =	vadd.scan.msk.f32 $0xffff, v63;
	v4 =	vsel vm8, v4, v51;
	v51 =	vld [tilespmem:$0x1F050];
	v25, _, _ =	vpop (xrf2)  }
0x2a1: {  	(xrf2) =	vadd.scan.msk.f32 $0xffff, v15;
	v15 =	vld [tilespmem:$0x1F040];
	v3 =	vsel vm13, v3, v16;
	v16, _, _ =	vpop (xrf2)  }
0x2a2: {  	v62 =	vbroadcast v52, $0xF;
	v63 =	vbroadcast v54, $0xF;
	v54 =	vld [tilespmem:$0x1FFB0];
	v17, _, _ =	vpop (xrf2);
	(xrf2) =	vadd.scan.msk.f32 $0xffff, v10  }
0x2a3: {  	v50 =	vbroadcast v50, $0xF;
	v10, _, _ =	vpop (xrf2);
	(xrf2) =	vadd.scan.msk.f32 $0xffff, v49;
	v49 =	vld [tilespmem:$0x1F060]  }
0x2a4: {  	v4 =	vsel vm9, v4, v6;
	v14 =	vsel vm0, v62, v63;
	v62 =	vbroadcast v47, $0xF;
	v63 =	vld [tilespmem:$0x1F070];
	v6, _, _ =	vpop (xrf2);
	(xrf2) =	vadd.scan.msk.f32 $0xffff, v42  }
0x2a5: {  	v43 =	vbroadcast v43, $0xF;
	v52 =	vbroadcast v19, $0xF;
	v14 =	vsel vm1, v14, v50;
	v50 =	vld [tilespmem:$0x1F080];
	v19, _, _ =	vpop (xrf2);
	(xrf2) =	vadd.scan.msk.f32 $0xffff, v39  }
0x2a6: {  	v18 =	vbroadcast v18, $0xF;
	v40 =	vbroadcast v40, $0xF;
	v14 =	vsel vm2, v14, v62;
	v31, _, _ =	vpop (xrf2);
	(xrf2) =	vadd.scan.msk.f32 $0xffff, v15;
	v15 =	vld [tilespmem:$0x1F090]  }
0x2a7: {  	v4 =	vsel vm10, v4, v52;
	v52 =	vbroadcast v32, $0xF;
	v14 =	vsel vm3, v14, v43;
	v43 =	vld [tilespmem:$0x1F0A0];
	v32, _, _ =	vpop (xrf2);
	(xrf2) =	vadd.scan.msk.f32 $0xffff, v51  }
0x2a8: {  	v11 =	vbroadcast v11, $0xF;
	v47 =	vld [tilespmem:$0x1F0B0];
	v3 =	vsel vm14, v3, v54;
	v54 =	vbroadcast v28, $0xF;
	v28, _, _ =	vpop (xrf2);
	(xrf2) =	vadd.scan.msk.f32 $0xffff, v49  }
0x2a9: {  	v62 =	vbroadcast v26, $0xF;
	v14 =	vsel vm4, v14, v40;
	v40 =	vbroadcast v24, $0xF;
	v42 =	vld [tilespmem:$0x1F0C0];
	v26, _, _ =	vpop (xrf2);
	(xrf2) =	vadd.scan.msk.f32 $0xffff, v63  }
0x2aa: {  	v9 =	vbroadcast v9, $0xF;
	v7 =	vbroadcast v7, $0xF;
	v14 =	vsel vm5, v14, v52;
	v49 =	vld [tilespmem:$0x1F0D0];
	v24, _, _ =	vpop (xrf2);
	(xrf2) =	vadd.scan.msk.f32 $0xffff, v50  }
0x2ab: {  	v4 =	vsel vm11, v4, v18;
	v51 =	vbroadcast v21, $0xF;
	v63 =	vsel vm6, v14, v54;
	v21, _, _ =	vpop (xrf2);
	(xrf2) =	vadd.scan.msk.f32 $0xffff, v15;
	v15 =	vld [tilespmem:$0x1F0E0]  }
0x2ac: {  	v4 =	vsel vm12, v4, v11;
	v52 =	vbroadcast v41, $0xF;
	v54 =	vld [tilespmem:$0x1F0F0];
	v50 =	vsel vm7, v63, v62;
	v39, _, _ =	vpop (xrf2);
	(xrf2) =	vadd.scan.msk.f32 $0xffff, v43  }
0x2ad: {  	v4 =	vsel vm13, v4, v9;
	v9 =	vsel vm8, v50, v40;
	v40, _, _ =	vpop (xrf2);
	(xrf2) =	vadd.scan.msk.f32 $0xffff, v47  }
0x2ae: {  	v7 =	vsel vm0, v52, v7;
	v52 =	vbroadcast v35, $0xF;
	v35 =	vld [tilespmem:$0x1F140];
	v50 =	vbroadcast v38, $0xF;
	v38, _, _ =	vpop (xrf2);
	(xrf2) =	vadd.scan.msk.f32 $0xffff, v42  }
0x2af: {  	v14 =	vld [tilespmem:$0x1F130];
	v47 =	vbroadcast v13, $0xF;
	v13, _, _ =	vpop (xrf2);
	(xrf2) =	vadd.scan.msk.f32 $0xffff, v49  }
0x2b0: {  	v62 =	vld [tilespmem:$0x1FFC0];
	v63 =	vbroadcast v44, $0xF;
	v18, _, _ =	vpop (xrf2);
	(xrf2) =	vadd.scan.msk.f32 $0xffff, v15  }
0x2b1: {  	v11, _, _ =	vpop (xrf2);
	(xrf2) =	vadd.scan.msk.f32 $0xffff, v54;
	v54 =	vld [tilespmem:$0x1FFD0]  }
0x2b2: {  	v9 =	vsel vm9, v9, v51;
	v43 =	vld [tilespmem:$0x1F100];
	v7 =	vsel vm1, v7, v63;
	v51 =	vbroadcast v37, $0xF  }
0x2b3: {  	v12 =	vbroadcast v12, $0xF;
	v5 =	vbroadcast v5, $0xF;
	v7 =	vsel vm2, v7, v50;
	v42 =	vld [tilespmem:$0x1F110]  }
0x2b4: {  	v33 =	vbroadcast v33, $0xF;
	v29 =	vbroadcast v29, $0xF;
	v37 =	vld [tilespmem:$0x1F120];
	v7 =	vsel vm3, v7, v51  }
0x2b5: {  	v63 =	vbroadcast v45, $0xF;
	v50 =	vld [tilespmem:$0x1FFE0];
	v9 =	vsel vm10, v9, v47;
	v5 =	vsel vm4, v7, v5  }
0x2b6: {  	v51 =	vld [tilespmem:$0x1F160];
	v4 =	vsel vm14, v4, v62;
	v5 =	vsel vm5, v5, v52;
	v62 =	vbroadcast v54, $0xF  }
0x2b7: {  	v22 =	vbroadcast v22, $0xF;
	v49 =	vld [tilespmem:$0x1F150];
	v15 =	vsel vm11, v9, v12;
	v5 =	vsel vm6, v5, v63;
	v12, _, _ =	vpop (xrf2);
	(xrf2) =	vadd.scan.msk.f32 $0xffff, v43  }
0x2b8: {  	v52 =	vbroadcast v34, $0xF;
	v5 =	vsel vm7, v5, v33;
	v9, _, _ =	vpop (xrf2);
	(xrf2) =	vadd.scan.msk.f32 $0xffff, v42;
	v15 =	vsel vm12, v15, v62;
	v62 =	vld [tilespmem:$0x1FFF0]  }
0x2b9: {  	v29 =	vsel vm8, v5, v29;
	v7, _, _ =	vpop (xrf2);
	(xrf2) =	vadd.scan.msk.f32 $0xffff, v37;
	v37 =	vld [tilespmem:$0x1F170];
	v54 =	vbroadcast v57, $0xF;
	v57 =	vbroadcast v55, $0xF  }
0x2ba: {  	v44 =	vbroadcast v50, $0xF;
	v63 =	vsel vm9, v29, v52;
	v52 =	vbroadcast v53, $0xF;
	v34, _, _ =	vpop (xrf2);
	(xrf2) =	vadd.scan.msk.f32 $0xffff, v14;
	v14 =	vld [tilespmem:$0x1F180]  }
0x2bb: {  	v30 =	vbroadcast v30, $0xF;
	v53 =	vbroadcast v59, $0xF;
	v45, _, _ =	vpop (xrf2);
	(xrf2) =	vadd.scan.msk.f32 $0xffff, v35;
	v35 =	vld [tilespmem:$0x1F190];
	v41 =	vsel vm0, v54, v57  }
0x2bc: {  	v43 =	vld [tilespmem:$0x1F1A0];
	v55 =	vbroadcast v61, $0xF;
	v33, _, _ =	vpop (xrf2);
	(xrf2) =	vadd.scan.msk.f32 $0xffff, v49;
	v15 =	vsel vm13, v15, v44;
	v29 =	vsel vm1, v41, v52  }
0x2bd: {  	v60 =	vbroadcast v60, $0xF;
	v47, _, _ =	vpop (xrf2);
	(xrf2) =	vadd.scan.msk.f32 $0xffff, v51;
	v54 =	vld [tilespmem:$0x1F1B0];
	v59 =	vsel vm2, v29, v53;
	v5 =	vsel vm14, v15, v62  }
0x2be: {  	v57 =	vld [tilespmem:$0x1F1C0];
	v49, _, _ =	vpop (xrf2);
	(xrf2) =	vadd.scan.msk.f32 $0xffff, v37;
	v15 =	vsel vm10, v63, v22;
	v22 =	vsel vm3, v59, v55;
	v62 =	vbroadcast v58, $0xF  }
0x2bf: {  	v36 =	vbroadcast v36, $0xF;
	v61 =	vld [tilespmem:$0x1F1D0];
	v52 =	vbroadcast v56, $0xF;
	v44, _, _ =	vpop (xrf2);
	(xrf2) =	vadd.scan.msk.f32 $0xffff, v14;
	v22 =	vsel vm4, v22, v60  }
0x2c0: {  	v41, _, _ =	vpop (xrf2);
	(xrf2) =	vadd.scan.msk.f32 $0xffff, v35;
	v22 =	vsel vm5, v22, v62  }
0x2c1: {  	v23 =	vbroadcast v23, $0xF;
	v27 =	vbroadcast v27, $0xF;
	v50, _, _ =	vpop (xrf2);
	(xrf2) =	vadd.scan.msk.f32 $0xffff, v43;
	v63 =	vld [tilespmem:$0x1F1E0];
	v22 =	vsel vm6, v22, v52  }
0x2c2: {  	v20 =	vbroadcast v20, $0xF;
	v25 =	vbroadcast v25, $0xF;
	v53 =	vld [tilespmem:$0x1F1F0];
	v15 =	vsel vm11, v15, v30;
	v30, _, _ =	vpop (xrf2);
	(xrf2) =	vadd.scan.msk.f32 $0xffff, v54  }
0x2c3: {  	v19 =	vbroadcast v19, $0xF;
	v28 =	vbroadcast v28, $0xF;
	v54 =	vld [tilespmem:$0x1F200];
	v15 =	vsel vm12, v15, v36;
	v36, _, _ =	vpop (xrf2);
	(xrf2) =	vadd.scan.msk.f32 $0xffff, v57  }
0x2c4: {  	v56 =	vld [tilespmem:$0x1F210];
	v15 =	vsel vm13, v15, v23;
	v57 =	vsel vm7, v22, v27;
	v22, _, _ =	vpop (xrf2);
	(xrf2) =	vadd.scan.msk.f32 $0xffff, v61;
	v61 =	vbroadcast v6, $0xF  }
0x2c5: {  	v55 =	vbroadcast v48, $0xF;
	v59 =	vld [tilespmem:$0x1F220];
	v48 =	vbroadcast v31, $0xF  }
0x2c6: {  	v58 =	vbroadcast v46, $0xF;
	v62 =	vld [tilespmem:$0x1F230];
	v52 =	vbroadcast v32, $0xF;
	v23, _, _ =	vpop (xrf2);
	(xrf2) =	vadd.scan.msk.f32 $0xffff, v63;
	v29 =	vsel vm0, v61, v19  }
0x2c7: {  	v51 =	vld [tilespmem:$0x1F240];
	v60 =	vsel vm8, v57, v55;
	v6 =	vsel vm14, v15, v8;
	v15, _, _ =	vpop (xrf2);
	(xrf2) =	vadd.scan.msk.f32 $0xffff, v53;
	v29 =	vsel vm1, v29, v48  }
0x2c8: {  	v26 =	vbroadcast v26, $0xF;
	v63 =	vsel vm9, v60, v58;
	v53 =	vld [tilespmem:$0x1F250];
	v19, _, _ =	vpop (xrf2);
	(xrf2) =	vadd.scan.msk.f32 $0xffff, v54;
	v55 =	vsel vm2, v29, v52  }
0x2c9: {  	v24 =	vbroadcast v24, $0xF;
	v8 =	vsel vm10, v63, v20;
	v54 =	vld [tilespmem:$0x1F260];
	v14, _, _ =	vpop (xrf2);
	(xrf2) =	vadd.scan.msk.f32 $0xffff, v56;
	v20 =	vsel vm3, v55, v28  }
0x2ca: {  	v16 =	vbroadcast v16, $0xF;
	v21 =	vbroadcast v21, $0xF;
	v56 =	vld [tilespmem:$0x1F270];
	v29, _, _ =	vpop (xrf2);
	(xrf2) =	vadd.scan.msk.f32 $0xffff, v59;
	v20 =	vsel vm4, v20, v26  }
0x2cb: {  	v57 =	vld [tilespmem:$0x1F280];
	v8 =	vsel vm11, v8, v25;
	v59 =	vbroadcast v39, $0xF;
	v25, _, _ =	vpop (xrf2);
	(xrf2) =	vadd.scan.msk.f32 $0xffff, v62;
	v20 =	vsel vm5, v20, v24  }
0x2cc: {  	v58 =	vld [tilespmem:$0x1F290];
	v62 =	vbroadcast v40, $0xF;
	v26, _, _ =	vpop (xrf2);
	(xrf2) =	vadd.scan.msk.f32 $0xffff, v51;
	v61 =	vsel vm6, v20, v21  }
0x2cd: {  	v60 =	vld [tilespmem:$0x1F2A0];
	v8 =	vsel vm12, v8, v16;
	v35, _, _ =	vpop (xrf2);
	(xrf2) =	vadd.scan.msk.f32 $0xffff, v53;
	v16 =	vsel vm7, v61, v59  }
0x2ce: {  	v17 =	vbroadcast v17, $0xF;
	v63 =	vld [tilespmem:$0x1F2B0];
	v21, _, _ =	vpop (xrf2);
	(xrf2) =	vadd.scan.msk.f32 $0xffff, v54;
	v16 =	vsel vm8, v16, v62  }
0x2cf: {  	v42 =	vld [tilespmem:$0x1F2C0];
	v34 =	vbroadcast v34, $0xF;
	v40 =	vbroadcast v38, $0xF;
	v24, _, _ =	vpop (xrf2);
	(xrf2) =	vadd.scan.msk.f32 $0xffff, v56  }
0x2d0: {  	v13 =	vbroadcast v13, $0xF;
	v43 =	vbroadcast v7, $0xF;
	v46 =	vld [tilespmem:$0x1F2D0];
	v38, _, _ =	vpop (xrf2);
	(xrf2) =	vadd.scan.msk.f32 $0xffff, v57  }
0x2d1: {  	v18 =	vbroadcast v18, $0xF;
	v11 =	vbroadcast v11, $0xF;
	v52 =	vld [tilespmem:$0x1F2E0];
	v48 =	vsel vm9, v16, v40;
	v16, _, _ =	vpop (xrf2);
	(xrf2) =	vadd.scan.msk.f32 $0xffff, v58  }
0x2d2: {  	v12 =	vbroadcast v12, $0xF;
	v20 =	vsel vm0, v43, v34;
	v53 =	vbroadcast v33, $0xF;
	v54 =	vld [tilespmem:$0x1F2F0];
	v33, _, _ =	vpop (xrf2);
	(xrf2) =	vadd.scan.msk.f32 $0xffff, v60  }
0x2d3: {  	v22 =	vbroadcast v22, $0xF;
	v8 =	vsel vm13, v8, v17;
	v51 =	vbroadcast v45, $0xF;
	v56 =	vld [tilespmem:$0x1F300];
	v34, _, _ =	vpop (xrf2);
	(xrf2) =	vadd.scan.msk.f32 $0xffff, v63  }
0x2d4: {  	v23 =	vbroadcast v23, $0xF;
	v7 =	vsel vm14, v8, v10;
	v8 =	vsel vm10, v48, v13;
	v58 =	vld [tilespmem:$0x1F310];
	v27, _, _ =	vpop (xrf2);
	(xrf2) =	vadd.scan.msk.f32 $0xffff, v42  }
0x2d5: {  	v55 =	vbroadcast v47, $0xF;
	v10 =	vsel vm1, v20, v51;
	v8 =	vsel vm11, v8, v18;
	v60 =	vld [tilespmem:$0x1F320];
	v20, _, _ =	vpop (xrf2);
	(xrf2) =	vadd.scan.msk.f32 $0xffff, v46  }
0x2d6: {  	v62 =	vld [tilespmem:$0x1F330];
	v10 =	vsel vm2, v10, v53;
	v57 =	vbroadcast v49, $0xF;
	v8 =	vsel vm12, v8, v11;
	v39, _, _ =	vpop (xrf2);
	(xrf2) =	vadd.scan.msk.f32 $0xffff, v52  }
0x2d7: {  	v59 =	vbroadcast v44, $0xF;
	v61 =	vbroadcast v41, $0xF;
	v41 =	vld [tilespmem:$0x1F340];
	v10 =	vsel vm3, v10, v55;
	v40, _, _ =	vpop (xrf2);
	(xrf2) =	vadd.scan.msk.f32 $0xffff, v54  }
0x2d8: {  	v15 =	vbroadcast v15, $0xF;
	v19 =	vbroadcast v19, $0xF;
	v43 =	vld [tilespmem:$0x1F350];
	v10 =	vsel vm4, v10, v57;
	v13, _, _ =	vpop (xrf2);
	(xrf2) =	vadd.scan.msk.f32 $0xffff, v56  }
0x2d9: {  	v45 =	vld [tilespmem:$0x1F360];
	v10 =	vsel vm5, v10, v59;
	v63 =	vbroadcast v50, $0xF;
	v12 =	vsel vm13, v8, v12;
	v8, _, _ =	vpop (xrf2);
	(xrf2) =	vadd.scan.msk.f32 $0xffff, v58  }
0x2da: {  	v47 =	vld [tilespmem:$0x1F370];
	v10 =	vsel vm6, v10, v61;
	v42 =	vbroadcast v30, $0xF;
	v46 =	vbroadcast v29, $0xF;
	v29, _, _ =	vpop (xrf2);
	(xrf2) =	vadd.scan.msk.f32 $0xffff, v60  }
0x2db: {  	v25 =	vbroadcast v25, $0xF;
	v44 =	vbroadcast v36, $0xF;
	v50 =	vld [tilespmem:$0x1F380];
	v10 =	vsel vm7, v10, v63;
	v49, _, _ =	vpop (xrf2);
	(xrf2) =	vadd.scan.msk.f32 $0xffff, v62  }
0x2dc: {  	v51 =	vbroadcast v35, $0xF;
	v53 =	vld [tilespmem:$0x1F390];
	v48 =	vbroadcast v26, $0xF;
	v10 =	vsel vm8, v10, v42;
	v52, _, _ =	vpop (xrf2);
	(xrf2) =	vadd.scan.msk.f32 $0xffff, v41  }
0x2dd: {  	v57 =	vbroadcast v24, $0xF;
	v16 =	vbroadcast v16, $0xF;
	v10 =	vsel vm9, v10, v44;
	v56 =	vld [tilespmem:$0x1F3A0];
	v55, _, _ =	vpop (xrf2);
	(xrf2) =	vadd.scan.msk.f32 $0xffff, v43  }
0x2de: {  	v59 =	vld [tilespmem:$0x1F3B0];
	v9 =	vsel vm14, v12, v9;
	v11 =	vsel vm0, v46, v25;
	v10 =	vsel vm10, v10, v22;
	v58, _, _ =	vpop (xrf2);
	(xrf2) =	vadd.scan.msk.f32 $0xffff, v45  }
0x2df: {  	v61 =	vld [tilespmem:$0x1F3C0];
	v54 =	vbroadcast v21, $0xF;
	v11 =	vsel vm1, v11, v48;
	v10 =	vsel vm11, v10, v23;
	v23, _, _ =	vpop (xrf2);
	(xrf2) =	vadd.scan.msk.f32 $0xffff, v47  }
0x2e0: {  	v37 =	vbroadcast v34, $0xF;
	v63 =	vbroadcast v33, $0xF;
	v11 =	vsel vm2, v11, v51;
	v62 =	vld [tilespmem:$0x1F3D0];
	v22, _, _ =	vpop (xrf2);
	(xrf2) =	vadd.scan.msk.f32 $0xffff, v50  }
0x2e1: {  	v36 =	vld [tilespmem:$0x1F3E0];
	v42 =	vbroadcast v27, $0xF;
	v11 =	vsel vm3, v11, v54;
	v60 =	vbroadcast v38, $0xF;
	v31, _, _ =	vpop (xrf2);
	(xrf2) =	vadd.scan.msk.f32 $0xffff, v53  }
0x2e2: {  	v51 =	vbroadcast v39, $0xF;
	v13 =	vbroadcast v13, $0xF;
	v11 =	vsel vm4, v11, v57;
	v41 =	vld [tilespmem:$0x1F3F0];
	v38, _, _ =	vpop (xrf2);
	(xrf2) =	vadd.scan.msk.f32 $0xffff, v56  }
0x2e3: {  	v44 =	vld [tilespmem:$0x1F400];
	v10 =	vsel vm12, v10, v15;
	v54 =	vbroadcast v40, $0xF;
	v11 =	vsel vm5, v11, v60;
	v43, _, _ =	vpop (xrf2);
	(xrf2) =	vadd.scan.msk.f32 $0xffff, v59  }
0x2e4: {  	v10 =	vsel vm13, v10, v19;
	v48 =	vbroadcast v29, $0xF;
	v11 =	vsel vm6, v11, v16;
	v47 =	vld [tilespmem:$0x1F410];
	v46, _, _ =	vpop (xrf2);
	(xrf2) =	vadd.scan.msk.f32 $0xffff, v61  }
0x2e5: {  	v10 =	vsel vm14, v10, v14;
	v18 =	vbroadcast v49, $0xF;
	v11 =	vsel vm7, v11, v63;
	v50 =	vld [tilespmem:$0x1F420];
	v49, _, _ =	vpop (xrf2);
	(xrf2) =	vadd.scan.msk.f32 $0xffff, v62  }
0x2e6: {  	v26 =	vbroadcast v52, $0xF;
	v45 =	vbroadcast v20, $0xF;
	v11 =	vsel vm8, v11, v37;
	v53 =	vld [tilespmem:$0x1F430];
	v52, _, _ =	vpop (xrf2);
	(xrf2) =	vadd.scan.msk.f32 $0xffff, v36  }
0x2e7: {  	v57 =	vld [tilespmem:$0x1F440];
	v12 =	vsel vm0, v48, v18;
	v55 =	vbroadcast v55, $0xF;
	v11 =	vsel vm9, v11, v42;
	v56, _, _ =	vpop (xrf2);
	(xrf2) =	vadd.scan.msk.f32 $0xffff, v41  }
0x2e8: {  	v60 =	vld [tilespmem:$0x1F450];
	v12 =	vsel vm1, v12, v26;
	v58 =	vbroadcast v58, $0xF;
	v11 =	vsel vm10, v11, v45;
	v59, _, _ =	vpop (xrf2);
	(xrf2) =	vadd.scan.msk.f32 $0xffff, v44  }
0x2e9: {  	v12 =	vsel vm2, v12, v55;
	v11 =	vsel vm11, v11, v51;
	v61 =	vbroadcast v23, $0xF;
	v62 =	vld [tilespmem:$0x1F460];
	v23, _, _ =	vpop (xrf2);
	(xrf2) =	vadd.scan.msk.f32 $0xffff, v47  }
0x2ea: {  	v12 =	vsel vm3, v12, v58;
	v26 =	vbroadcast v22, $0xF;
	v11 =	vsel vm12, v11, v54;
	v63, _, _ =	vpop (xrf2);
	(xrf2) =	vadd.scan.msk.f32 $0xffff, v50  }
0x2eb: {  	v33 =	vbroadcast v31, $0xF;
	v16 =	vbroadcast v38, $0xF;
	v11 =	vsel vm13, v11, v13;
	v32, _, _ =	vpop (xrf2);
	(xrf2) =	vadd.scan.msk.f32 $0xffff, v53  }
0x2ec: {  	v12 =	vsel vm4, v12, v61;
	v36 =	vld [tilespmem:$0x1F470];
	v14 =	vbroadcast v63, $0xF;
	v34 =	vbroadcast v32, $0xF;
	v35, _, _ =	vpop (xrf2);
	(xrf2) =	vadd.scan.msk.f32 $0xffff, v57  }
0x2ed: {  	v19 =	vbroadcast v43, $0xF;
	v12 =	vsel vm5, v12, v26;
	v37, _, _ =	vpop (xrf2);
	(xrf2) =	vadd.scan.msk.f32 $0xffff, v60;
	v18 =	vbroadcast v35, $0xF  }
0x2ee: {  	v12 =	vsel vm6, v12, v33;
	v14 =	vsel vm0, v14, v34;
	v13 =	vbroadcast v37, $0xF;
	v38, _, _ =	vpop (xrf2);
	(xrf2) =	vadd.scan.msk.f32 $0xffff, v62  }
0x2ef: {  	v12 =	vsel vm7, v12, v16;
	v39, _, _ =	vpop (xrf2);
	v14 =	vsel vm1, v14, v18;
	v16 =	vbroadcast v38, $0xF  }
0x2f0: {  	[tilespmem:$0x1F4D0] =	vst v2;
	v15 =	vbroadcast v46, $0xF;
	v40, _, _ =	vpop (xrf2);
	v13 =	vsel vm2, v14, v13;
	v41 =	vbroadcast v39, $0xF  }
0x2f1: {  	v2 =	vbroadcast v49, $0xF;
	v13 =	vsel vm3, v13, v16;
	v42 =	vbroadcast v40, $0xF;
	v43, _, _ =	vpop (xrf2);
	(xrf2) =	vadd.scan.msk.f32 $0xffff, v36  }
0x2f2: {  	[tilespmem:$0x1F4E0] =	vst v3;
	v3 =	vbroadcast v52, $0xF;
	v44, _, _ =	vpop (xrf2);
	v13 =	vsel vm4, v13, v41;
	v45 =	vbroadcast v43, $0xF  }
0x2f3: {  	v12 =	vsel vm8, v12, v19;
	v46, _, _ =	vpop (xrf2);
	v13 =	vsel vm5, v13, v42;
	v47 =	vbroadcast v44, $0xF  }
0x2f4: {  	v12 =	vsel vm9, v12, v15;
	v48, _, _ =	vpop (xrf2);
	v13 =	vsel vm6, v13, v45;
	v49 =	vbroadcast v46, $0xF  }
0x2f5: {  	[tilespmem:$0x1F4F0] =	vst v4;
	v2 =	vsel vm10, v12, v2;
	v50, _, _ =	vpop (xrf2);
	v51 =	vsel vm7, v13, v47;
	v52 =	vbroadcast v48, $0xF  }
0x2f6: {  	[tilespmem:$0x1F500] =	vst v5;
	v2 =	vsel vm11, v2, v3;
	v53, _, _ =	vpop (xrf2);
	v3 =	vsel vm8, v51, v49;
	v54 =	vbroadcast v50, $0xF  }
0x2f7: {  	[tilespmem:$0x1F510] =	vst v6;
	v56 =	vbroadcast v56, $0xF;
	v55, _, _ =	vpop (xrf2);
	v3 =	vsel vm9, v3, v52;
	v57 =	vbroadcast v53, $0xF  }
0x2f8: {  	[tilespmem:$0x1F520] =	vst v7;
	v59 =	vbroadcast v59, $0xF;
	v58, _, _ =	vpop (xrf2);
	v3 =	vsel vm10, v3, v54;
	v60 =	vbroadcast v55, $0xF  }
0x2f9: {  	[tilespmem:$0x1F530] =	vst v9;
	v2 =	vsel vm12, v2, v56;
	v3 =	vsel vm11, v3, v57;
	v61 =	vbroadcast v58, $0xF  }
0x2fa: {  	[tilespmem:$0x1F540] =	vst v10;
	v62 =	vsel vm14, v11, v8;
	v2 =	vsel vm13, v2, v59;
	v3 =	vsel vm12, v3, v60  }
0x2fb: {  	s30 =	sadd.s32 $0x1, s30;
	[tilespmem:$0x1F550] =	vst v62;
	v2 =	vsel vm14, v2, v23;
	v3 =	vsel vm13, v3, v61;
	v63, _, _ =	vpop (xrf2)  }
0x2fc: {  	p0 =	sne.s32 s30, s13;
	[tilespmem:$0x1F560] =	vst v2;
	v2 =	vsel vm14, v3, v63  }
.Ltmp5:
0x2fd: {  	s0 =	simm.s32 $0x80;
	[tilespmem:$0x1F570] =	vst v2;
	(pc) =	sbr.rel @p0 .LBB2_1-.Ltmp5, $4  }
0x2fe: {  	[hbm4b:s12+s0] =	stream.strided.scatter [tilespmem:s28], [sflag:$0x4], $0x100, s26, s0, $0x38;
	[tilespmem:$0x1F580] =	vst v63  }
0x2ff: {  	_ =	swait.ge [sflag:s29], $0x100  }
0x300: {  	[sflag:s29] =	ssyncset.done $0x0  }
0x301: {  	[sflag:s29] =	ssyncadd.s32 $0xFFFFFF00  }
0x302: {  	_ =	sfence.sel $0x180000  }
0x303: {  	[bflag:$0x0] =	sbarrier.arrive $0xFFFF  }
0x304: {  	_ =	strace $0x90000047  }
0x305: {  	s0 =	stileid.u32;
	[bflag:$0x2] =	sbarrier.arrive $0xFFFF  }
0x306: {  	p0 =	sne.s32 s0, $0x0;
	s0 =	rddreg [dreg:$0x3]  }
0x307: {  	s0 =	sadd.s32 @!p0 $0x100000, s0  }
0x308: {  	[sflag:s0] =	ssyncadd.tile.s32 @!p0 $0x1;
	_ =	shalt  }
.Lfunc_end2:
_tile_overlayer_lowered:
.L_overlay_start_2:
0x309: {  	(tag) =	ssettag $0x2  }
0x30a: {  	s0 =	rddreg [dreg:$0x0];
	s2 =	stileid.u32  }
0x30b: {  	s1 =	rddreg [dreg:$0x1];
	p0 =	sne.s32 s2, $0x0  }
0x30c: {  	s3 =	rddreg [dreg:$0x2];
	[bflag:$0x3] =	sbarrier.arrive $0xFFFF;
	s2 =	simm.s32 @!p0 $0x1C04  }
0x30d: {  	[timem:s3], [sflag:s2] =	dma.local @!p0 [hbm:s0], s1  }
0x30e: {  	s0 =	simm.s32 @!p0 $0x4  }
0x30f: {  	_ =	swait.ge @!p0 [sflag:s0], s1  }
0x310: {  	s1 =	ssub.s32 @!p0 $0x0, s1;
	[sflag:s0] =	ssyncset.done @!p0 $0x0  }
0x311: {  	[sflag:s0] =	ssyncadd.s32 @!p0 s1  }
0x312: {  	[bflag:$0x3] =	sbarrier.arrive $0xFFFF  }
0x313: {  	_ =	shalt  }

</sc_bundles>
